<compile_context>
chip_gen: v7x
topology: tpu7x:2x2x1
jax: 0.10.2.dev20260603
libtpu: 0.0.44.dev20260713+nightly
codegen_flags: <defaults>
</compile_context>

<pallas_src>
import functools

import jax
import jax.numpy as jnp
from jax import lax
from jax.experimental import pallas as pl
from jax.experimental.pallas import tpu as pltpu
from jax.experimental.pallas import tpu_sc as plsc

_NUM_FIELDS = 26
_FIELD_DIM = 38462
_OFFS = [f * _FIELD_DIM for f in range(_NUM_FIELDS)]

_BATCH = 16384
_NW = 32
_BPW = _BATCH // _NW
_CW = 128
_QROWS = _BPW // _CW
_NFH = 13
_NCH = _NFH * _QROWS

_mesh = plsc.VectorSubcoreMesh(core_axis_name="c", subcore_axis_name="s")


@functools.partial(
    pl.kernel,
    out_type=jax.ShapeDtypeStruct((_BATCH,), jnp.float32),
    mesh=_mesh,
    scratch_types=[
        pltpu.VMEM((_NCH, _CW), jnp.int32),
        pltpu.VMEM((_NCH, _CW), jnp.float32),
        pltpu.VMEM((_BPW,), jnp.float32),
        pltpu.SemaphoreType.DMA,
        pltpu.SemaphoreType.DMA,
        pltpu.SemaphoreType.DMA,
        pltpu.SemaphoreType.DMA,
    ],
)
def _sc_half(xt_hbm, zd_hbm,
             t0, t1, t2, t3, t4, t5, t6, t7, t8, t9, t10, t11, t12,
             out_hbm, idx_v, rows_v, ob_v, sem0, sem1, sem2, sem3):
    wid = lax.axis_index("s") * 2 + lax.axis_index("c")
    tabs = [t0, t1, t2, t3, t4, t5, t6, t7, t8, t9, t10, t11, t12]
    qsems = [sem0, sem1, sem2, sem3]

    pltpu.sync_copy(xt_hbm.at[wid], idx_v)

    for q in range(_QROWS):
        for f in range(_NFH):
            c = f * _QROWS + q
            pltpu.async_copy(tabs[f].at[idx_v.at[c]], rows_v.at[c], qsems[q])

    for q in range(_QROWS):
        for f in range(_NFH):
            pltpu.make_async_copy(zd_hbm, rows_v.at[f * _QROWS + q],
                                  qsems[q]).wait()

        def _reduce(j, carry, q=q):
            sl = pl.ds(j * 16, 16)
            acc = rows_v[q, sl]
            for f in range(1, _NFH):
                acc = acc + rows_v[f * _QROWS + q, sl]
            ob_v[pl.ds(q * _CW + j * 16, 16)] = acc
            return carry

        lax.fori_loop(0, _CW // 16, _reduce, 0)

    pltpu.sync_copy(ob_v, out_hbm.at[pl.ds(wid * _BPW, _BPW)])


def _combine_body(bias_ref, a_ref, b_ref, out_ref):
    z = a_ref[...] + b_ref[...] + bias_ref[0]
    out_ref[...] = 1.0 / (1.0 + jnp.exp(-z))


_tc_combine = pl.pallas_call(
    _combine_body,
    out_shape=jax.ShapeDtypeStruct((_BATCH,), jnp.float32),
    in_specs=[
        pl.BlockSpec(memory_space=pltpu.SMEM),
        pl.BlockSpec(memory_space=pltpu.VMEM),
        pl.BlockSpec(memory_space=pltpu.VMEM),
    ],
    out_specs=pl.BlockSpec(memory_space=pltpu.VMEM),
)


def _xt_half(x, f0):
    return (x[:, f0:f0 + _NFH]
            .astype(jnp.int32)
            .reshape(_NW, _BPW, _NFH)
            .transpose(0, 2, 1)
            .reshape(_NW, _NCH, _CW))


def kernel(x, W, bias):
    tabs = [W[_OFFS[f]:_OFFS[f] + _FIELD_DIM].reshape(-1)
            for f in range(_NUM_FIELDS)]
    zd = jnp.zeros((_CW,), jnp.float32)
    p0 = _sc_half(_xt_half(x, 0), zd, *tabs[:_NFH])
    p1 = _sc_half(_xt_half(x, _NFH), zd, *tabs[_NFH:])
    return _tc_combine(bias.astype(jnp.float32), p0, p1)

# --- scband reference (transcript-rebuilt; emitter-appended) ---
"""Pipeline reference for scband-logistic-regression-model-25391846654802 (READ-ONLY COPY).

The authoritative reference and input builder live on the scoring server;
editing this copy changes nothing except your own understanding.
"""

import jax, jax.numpy as jnp
import numpy as np

FIELD_DIMS = [38462] * 26
NUM_EMB = int(np.sum(FIELD_DIMS))
OFFSETS = np.array((0, *np.cumsum(FIELD_DIMS)[:-1]), dtype=np.int64)


def setup_inputs(seed: int = 0) -> dict:
    key = jax.random.key(seed)
    k1, k2, k3 = jax.random.split(key, 3)
    x = jax.random.randint(k1, (16384, 26), 0, 38462, dtype=jnp.int64)
    # FeaturesLinear: Embedding(sum(field_dims), 1) weight + scalar bias (shape (1,))
    W = jax.random.normal(k2, (NUM_EMB, 1), dtype=jnp.float32) * 0.01
    bias = jnp.zeros((1,), dtype=jnp.float32)
    return {"x": x, "W": W, "bias": bias}


def reference(x, W, bias):
    # x: int64 [B, F]; per-field offset so indices address a single concatenated table
    idx = x + jnp.asarray(OFFSETS)[None, :]
    emb = jnp.take(W, idx, axis=0)          # [B, F, 1]
    lin = jnp.sum(emb, axis=1) + bias        # [B, 1]
    return jax.nn.sigmoid(jnp.squeeze(lin, axis=1))  # [B]

if __name__ == "__main__":
    import jax
    _d = setup_inputs()
    print(jax.jit(kernel)(*tuple(_d.values())))

</pallas_src>

<mosaic_0001>
#map = affine_map<(d0, d1) -> (0, 0, 0)>
#map1 = affine_map<(d0, d1) -> (0)>
module attributes {stable_mosaic.version = 14 : i64} {
  func.func @_sc_half(%arg0: i32, %arg1: i32, %arg2: memref<32x52x128xi32, #tpu.memory_space<hbm>>, %arg3: memref<128xf32, #tpu.memory_space<hbm>>, %arg4: memref<38462xf32, #tpu.memory_space<hbm>>, %arg5: memref<38462xf32, #tpu.memory_space<hbm>>, %arg6: memref<38462xf32, #tpu.memory_space<hbm>>, %arg7: memref<38462xf32, #tpu.memory_space<hbm>>, %arg8: memref<38462xf32, #tpu.memory_space<hbm>>, %arg9: memref<38462xf32, #tpu.memory_space<hbm>>, %arg10: memref<38462xf32, #tpu.memory_space<hbm>>, %arg11: memref<38462xf32, #tpu.memory_space<hbm>>, %arg12: memref<38462xf32, #tpu.memory_space<hbm>>, %arg13: memref<38462xf32, #tpu.memory_space<hbm>>, %arg14: memref<38462xf32, #tpu.memory_space<hbm>>, %arg15: memref<38462xf32, #tpu.memory_space<hbm>>, %arg16: memref<38462xf32, #tpu.memory_space<hbm>>, %arg17: memref<16384xf32, #tpu.memory_space<hbm>>, %arg18: memref<52x128xi32, #tpu.memory_space<vmem>>, %arg19: memref<52x128xf32, #tpu.memory_space<vmem>>, %arg20: memref<512xf32, #tpu.memory_space<vmem>>, %arg21: memref<!tpu.dma_semaphore, #tpu.memory_space<semaphore_mem>>, %arg22: memref<!tpu.dma_semaphore, #tpu.memory_space<semaphore_mem>>, %arg23: memref<!tpu.dma_semaphore, #tpu.memory_space<semaphore_mem>>, %arg24: memref<!tpu.dma_semaphore, #tpu.memory_space<semaphore_mem>>) attributes {dimension_semantics = [#tpu.dimension_semantics<core_parallel>, #tpu.dimension_semantics<subcore_parallel>], iteration_bounds = array<i64: 2, 16>, scalar_prefetch = 0 : i64, scratch_operands = 7 : i64, tpu.core_type = #tpu.core_type<sc_vector_subcore>, window_params = [{transform_indices = #map}, {transform_indices = #map1}, {transform_indices = #map1}, {transform_indices = #map1}, {transform_indices = #map1}, {transform_indices = #map1}, {transform_indices = #map1}, {transform_indices = #map1}, {transform_indices = #map1}, {transform_indices = #map1}, {transform_indices = #map1}, {transform_indices = #map1}, {transform_indices = #map1}, {transform_indices = #map1}, {transform_indices = #map1}, {transform_indices = #map1}]} {
    %mul3A = arith.constant 2 : i32
    %mul3A_0 = arith.muli %arg1, %mul3A : i32
    %add3A = arith.addi %mul3A_0, %arg0 : i32
    "tpu.region"() ({
      %run_scoped3A = tpu.sem_alloc : memref<!tpu.dma_semaphore, #tpu.memory_space<semaphore_mem>>
      %dma_start3A_908 = arith.constant 0 : i32
      %dma_start3A_909 = arith.constant 0 : i32
      %dma_start3A_910 = tpu.memref_slice %arg2[%add3A, %dma_start3A_908, %dma_start3A_909] : memref<32x52x128xi32, #tpu.memory_space<hbm>> -> memref<1x52x128xi32, #tpu.memory_space<hbm>>
      %dma_start3A_911 = tpu.memref_squeeze %dma_start3A_910 : memref<1x52x128xi32, #tpu.memory_space<hbm>> -> memref<52x128xi32, #tpu.memory_space<hbm>>
      %dma_start3A_912 = arith.constant 0 : i32
      %dma_start3A_913 = arith.constant 0 : i32
      %dma_start3A_914 = tpu.memref_slice %arg2[%add3A, %dma_start3A_912, %dma_start3A_913] : memref<32x52x128xi32, #tpu.memory_space<hbm>> -> memref<1x52x128xi32, #tpu.memory_space<hbm>>
      %dma_start3A_915 = tpu.memref_squeeze %dma_start3A_914 : memref<1x52x128xi32, #tpu.memory_space<hbm>> -> memref<52x128xi32, #tpu.memory_space<hbm>>
      tpu.enqueue_dma source(%dma_start3A_915 : memref<52x128xi32, #tpu.memory_space<hbm>>) target(%arg18 : memref<52x128xi32, #tpu.memory_space<vmem>>) target_semaphore(%run_scoped3A : memref<!tpu.dma_semaphore, #tpu.memory_space<semaphore_mem>>)
      %dma_wait3A_916 = arith.constant 0 : i32
      %dma_wait3A_917 = arith.constant 0 : i32
      %dma_wait3A_918 = tpu.memref_slice %arg2[%add3A, %dma_wait3A_916, %dma_wait3A_917] : memref<32x52x128xi32, #tpu.memory_space<hbm>> -> memref<1x52x128xi32, #tpu.memory_space<hbm>>
      %dma_wait3A_919 = tpu.memref_squeeze %dma_wait3A_918 : memref<1x52x128xi32, #tpu.memory_space<hbm>> -> memref<52x128xi32, #tpu.memory_space<hbm>>
      %dma_wait3A_920 = arith.constant 0 : i32
      %dma_wait3A_921 = arith.constant 0 : i32
      %dma_wait3A_922 = tpu.memref_slice %arg2[%add3A, %dma_wait3A_920, %dma_wait3A_921] : memref<32x52x128xi32, #tpu.memory_space<hbm>> -> memref<1x52x128xi32, #tpu.memory_space<hbm>>
      %dma_wait3A_923 = tpu.memref_squeeze %dma_wait3A_922 : memref<1x52x128xi32, #tpu.memory_space<hbm>> -> memref<52x128xi32, #tpu.memory_space<hbm>>
      tpu.wait_dma2 semaphore(%run_scoped3A : memref<!tpu.dma_semaphore, #tpu.memory_space<semaphore_mem>>) src(%dma_wait3A_923 : memref<52x128xi32, #tpu.memory_space<hbm>>) dst(%arg18 : memref<52x128xi32, #tpu.memory_space<vmem>>)
      tpu.yield
    }) : () -> ()
    %dma_start3A = arith.constant 0 : i32
    %dma_start3A_1 = arith.constant 0 : i32
    %dma_start3A_2 = arith.constant 0 : i32
    %dma_start3A_3 = tpu.memref_slice %arg19[%dma_start3A_1, %dma_start3A_2] : memref<52x128xf32, #tpu.memory_space<vmem>> -> memref<1x128xf32, #tpu.memory_space<vmem>>
    %dma_start3A_4 = tpu.memref_squeeze %dma_start3A_3 : memref<1x128xf32, #tpu.memory_space<vmem>> -> memref<128xf32, #tpu.memory_space<vmem>>
    %dma_start3A_5 = arith.constant 0 : i32
    %dma_start3A_6 = tpu.memref_slice %arg18[%dma_start3A, %dma_start3A_5] : memref<52x128xi32, #tpu.memory_space<vmem>> -> memref<1x128xi32, #tpu.memory_space<vmem>>
    %dma_start3A_7 = tpu.memref_squeeze %dma_start3A_6 : memref<1x128xi32, #tpu.memory_space<vmem>> -> memref<128xi32, #tpu.memory_space<vmem>>
    %dma_start3A_8 = arith.constant 0 : i32
    %dma_start3A_9 = tpu.memref_slice %arg4[%dma_start3A_8] : memref<38462xf32, #tpu.memory_space<hbm>> -> memref<38462xf32, #tpu.memory_space<hbm>>
    tpu.enqueue_indirect_dma source(%dma_start3A_9 : memref<38462xf32, #tpu.memory_space<hbm>>) target(%dma_start3A_4 : memref<128xf32, #tpu.memory_space<vmem>>) offsets(%dma_start3A_7 : memref<128xi32, #tpu.memory_space<vmem>>) semaphore(%arg21 : memref<!tpu.dma_semaphore, #tpu.memory_space<semaphore_mem>>)
    %dma_start3A_10 = arith.constant 4 : i32
    %dma_start3A_11 = arith.constant 4 : i32
    %dma_start3A_12 = arith.constant 0 : i32
    %dma_start3A_13 = tpu.memref_slice %arg19[%dma_start3A_11, %dma_start3A_12] : memref<52x128xf32, #tpu.memory_space<vmem>> -> memref<1x128xf32, #tpu.memory_space<vmem>>
    %dma_start3A_14 = tpu.memref_squeeze %dma_start3A_13 : memref<1x128xf32, #tpu.memory_space<vmem>> -> memref<128xf32, #tpu.memory_space<vmem>>
    %dma_start3A_15 = arith.constant 0 : i32
    %dma_start3A_16 = tpu.memref_slice %arg18[%dma_start3A_10, %dma_start3A_15] : memref<52x128xi32, #tpu.memory_space<vmem>> -> memref<1x128xi32, #tpu.memory_space<vmem>>
    %dma_start3A_17 = tpu.memref_squeeze %dma_start3A_16 : memref<1x128xi32, #tpu.memory_space<vmem>> -> memref<128xi32, #tpu.memory_space<vmem>>
    %dma_start3A_18 = arith.constant 0 : i32
    %dma_start3A_19 = tpu.memref_slice %arg5[%dma_start3A_18] : memref<38462xf32, #tpu.memory_space<hbm>> -> memref<38462xf32, #tpu.memory_space<hbm>>
    tpu.enqueue_indirect_dma source(%dma_start3A_19 : memref<38462xf32, #tpu.memory_space<hbm>>) target(%dma_start3A_14 : memref<128xf32, #tpu.memory_space<vmem>>) offsets(%dma_start3A_17 : memref<128xi32, #tpu.memory_space<vmem>>) semaphore(%arg21 : memref<!tpu.dma_semaphore, #tpu.memory_space<semaphore_mem>>)
    %dma_start3A_20 = arith.constant 8 : i32
    %dma_start3A_21 = arith.constant 8 : i32
    %dma_start3A_22 = arith.constant 0 : i32
    %dma_start3A_23 = tpu.memref_slice %arg19[%dma_start3A_21, %dma_start3A_22] : memref<52x128xf32, #tpu.memory_space<vmem>> -> memref<1x128xf32, #tpu.memory_space<vmem>>
    %dma_start3A_24 = tpu.memref_squeeze %dma_start3A_23 : memref<1x128xf32, #tpu.memory_space<vmem>> -> memref<128xf32, #tpu.memory_space<vmem>>
    %dma_start3A_25 = arith.constant 0 : i32
    %dma_start3A_26 = tpu.memref_slice %arg18[%dma_start3A_20, %dma_start3A_25] : memref<52x128xi32, #tpu.memory_space<vmem>> -> memref<1x128xi32, #tpu.memory_space<vmem>>
    %dma_start3A_27 = tpu.memref_squeeze %dma_start3A_26 : memref<1x128xi32, #tpu.memory_space<vmem>> -> memref<128xi32, #tpu.memory_space<vmem>>
    %dma_start3A_28 = arith.constant 0 : i32
    %dma_start3A_29 = tpu.memref_slice %arg6[%dma_start3A_28] : memref<38462xf32, #tpu.memory_space<hbm>> -> memref<38462xf32, #tpu.memory_space<hbm>>
    tpu.enqueue_indirect_dma source(%dma_start3A_29 : memref<38462xf32, #tpu.memory_space<hbm>>) target(%dma_start3A_24 : memref<128xf32, #tpu.memory_space<vmem>>) offsets(%dma_start3A_27 : memref<128xi32, #tpu.memory_space<vmem>>) semaphore(%arg21 : memref<!tpu.dma_semaphore, #tpu.memory_space<semaphore_mem>>)
    %dma_start3A_30 = arith.constant 12 : i32
    %dma_start3A_31 = arith.constant 12 : i32
    %dma_start3A_32 = arith.constant 0 : i32
    %dma_start3A_33 = tpu.memref_slice %arg19[%dma_start3A_31, %dma_start3A_32] : memref<52x128xf32, #tpu.memory_space<vmem>> -> memref<1x128xf32, #tpu.memory_space<vmem>>
    %dma_start3A_34 = tpu.memref_squeeze %dma_start3A_33 : memref<1x128xf32, #tpu.memory_space<vmem>> -> memref<128xf32, #tpu.memory_space<vmem>>
    %dma_start3A_35 = arith.constant 0 : i32
    %dma_start3A_36 = tpu.memref_slice %arg18[%dma_start3A_30, %dma_start3A_35] : memref<52x128xi32, #tpu.memory_space<vmem>> -> memref<1x128xi32, #tpu.memory_space<vmem>>
    %dma_start3A_37 = tpu.memref_squeeze %dma_start3A_36 : memref<1x128xi32, #tpu.memory_space<vmem>> -> memref<128xi32, #tpu.memory_space<vmem>>
    %dma_start3A_38 = arith.constant 0 : i32
    %dma_start3A_39 = tpu.memref_slice %arg7[%dma_start3A_38] : memref<38462xf32, #tpu.memory_space<hbm>> -> memref<38462xf32, #tpu.memory_space<hbm>>
    tpu.enqueue_indirect_dma source(%dma_start3A_39 : memref<38462xf32, #tpu.memory_space<hbm>>) target(%dma_start3A_34 : memref<128xf32, #tpu.memory_space<vmem>>) offsets(%dma_start3A_37 : memref<128xi32, #tpu.memory_space<vmem>>) semaphore(%arg21 : memref<!tpu.dma_semaphore, #tpu.memory_space<semaphore_mem>>)
    %dma_start3A_40 = arith.constant 16 : i32
    %dma_start3A_41 = arith.constant 16 : i32
    %dma_start3A_42 = arith.constant 0 : i32
    %dma_start3A_43 = tpu.memref_slice %arg19[%dma_start3A_41, %dma_start3A_42] : memref<52x128xf32, #tpu.memory_space<vmem>> -> memref<1x128xf32, #tpu.memory_space<vmem>>
    %dma_start3A_44 = tpu.memref_squeeze %dma_start3A_43 : memref<1x128xf32, #tpu.memory_space<vmem>> -> memref<128xf32, #tpu.memory_space<vmem>>
    %dma_start3A_45 = arith.constant 0 : i32
    %dma_start3A_46 = tpu.memref_slice %arg18[%dma_start3A_40, %dma_start3A_45] : memref<52x128xi32, #tpu.memory_space<vmem>> -> memref<1x128xi32, #tpu.memory_space<vmem>>
    %dma_start3A_47 = tpu.memref_squeeze %dma_start3A_46 : memref<1x128xi32, #tpu.memory_space<vmem>> -> memref<128xi32, #tpu.memory_space<vmem>>
    %dma_start3A_48 = arith.constant 0 : i32
    %dma_start3A_49 = tpu.memref_slice %arg8[%dma_start3A_48] : memref<38462xf32, #tpu.memory_space<hbm>> -> memref<38462xf32, #tpu.memory_space<hbm>>
    tpu.enqueue_indirect_dma source(%dma_start3A_49 : memref<38462xf32, #tpu.memory_space<hbm>>) target(%dma_start3A_44 : memref<128xf32, #tpu.memory_space<vmem>>) offsets(%dma_start3A_47 : memref<128xi32, #tpu.memory_space<vmem>>) semaphore(%arg21 : memref<!tpu.dma_semaphore, #tpu.memory_space<semaphore_mem>>)
    %dma_start3A_50 = arith.constant 20 : i32
    %dma_start3A_51 = arith.constant 20 : i32
    %dma_start3A_52 = arith.constant 0 : i32
    %dma_start3A_53 = tpu.memref_slice %arg19[%dma_start3A_51, %dma_start3A_52] : memref<52x128xf32, #tpu.memory_space<vmem>> -> memref<1x128xf32, #tpu.memory_space<vmem>>
    %dma_start3A_54 = tpu.memref_squeeze %dma_start3A_53 : memref<1x128xf32, #tpu.memory_space<vmem>> -> memref<128xf32, #tpu.memory_space<vmem>>
    %dma_start3A_55 = arith.constant 0 : i32
    %dma_start3A_56 = tpu.memref_slice %arg18[%dma_start3A_50, %dma_start3A_55] : memref<52x128xi32, #tpu.memory_space<vmem>> -> memref<1x128xi32, #tpu.memory_space<vmem>>
    %dma_start3A_57 = tpu.memref_squeeze %dma_start3A_56 : memref<1x128xi32, #tpu.memory_space<vmem>> -> memref<128xi32, #tpu.memory_space<vmem>>
    %dma_start3A_58 = arith.constant 0 : i32
    %dma_start3A_59 = tpu.memref_slice %arg9[%dma_start3A_58] : memref<38462xf32, #tpu.memory_space<hbm>> -> memref<38462xf32, #tpu.memory_space<hbm>>
    tpu.enqueue_indirect_dma source(%dma_start3A_59 : memref<38462xf32, #tpu.memory_space<hbm>>) target(%dma_start3A_54 : memref<128xf32, #tpu.memory_space<vmem>>) offsets(%dma_start3A_57 : memref<128xi32, #tpu.memory_space<vmem>>) semaphore(%arg21 : memref<!tpu.dma_semaphore, #tpu.memory_space<semaphore_mem>>)
    %dma_start3A_60 = arith.constant 24 : i32
    %dma_start3A_61 = arith.constant 24 : i32
    %dma_start3A_62 = arith.constant 0 : i32
    %dma_start3A_63 = tpu.memref_slice %arg19[%dma_start3A_61, %dma_start3A_62] : memref<52x128xf32, #tpu.memory_space<vmem>> -> memref<1x128xf32, #tpu.memory_space<vmem>>
    %dma_start3A_64 = tpu.memref_squeeze %dma_start3A_63 : memref<1x128xf32, #tpu.memory_space<vmem>> -> memref<128xf32, #tpu.memory_space<vmem>>
    %dma_start3A_65 = arith.constant 0 : i32
    %dma_start3A_66 = tpu.memref_slice %arg18[%dma_start3A_60, %dma_start3A_65] : memref<52x128xi32, #tpu.memory_space<vmem>> -> memref<1x128xi32, #tpu.memory_space<vmem>>
    %dma_start3A_67 = tpu.memref_squeeze %dma_start3A_66 : memref<1x128xi32, #tpu.memory_space<vmem>> -> memref<128xi32, #tpu.memory_space<vmem>>
    %dma_start3A_68 = arith.constant 0 : i32
    %dma_start3A_69 = tpu.memref_slice %arg10[%dma_start3A_68] : memref<38462xf32, #tpu.memory_space<hbm>> -> memref<38462xf32, #tpu.memory_space<hbm>>
    tpu.enqueue_indirect_dma source(%dma_start3A_69 : memref<38462xf32, #tpu.memory_space<hbm>>) target(%dma_start3A_64 : memref<128xf32, #tpu.memory_space<vmem>>) offsets(%dma_start3A_67 : memref<128xi32, #tpu.memory_space<vmem>>) semaphore(%arg21 : memref<!tpu.dma_semaphore, #tpu.memory_space<semaphore_mem>>)
    %dma_start3A_70 = arith.constant 28 : i32
    %dma_start3A_71 = arith.constant 28 : i32
    %dma_start3A_72 = arith.constant 0 : i32
    %dma_start3A_73 = tpu.memref_slice %arg19[%dma_start3A_71, %dma_start3A_72] : memref<52x128xf32, #tpu.memory_space<vmem>> -> memref<1x128xf32, #tpu.memory_space<vmem>>
    %dma_start3A_74 = tpu.memref_squeeze %dma_start3A_73 : memref<1x128xf32, #tpu.memory_space<vmem>> -> memref<128xf32, #tpu.memory_space<vmem>>
    %dma_start3A_75 = arith.constant 0 : i32
    %dma_start3A_76 = tpu.memref_slice %arg18[%dma_start3A_70, %dma_start3A_75] : memref<52x128xi32, #tpu.memory_space<vmem>> -> memref<1x128xi32, #tpu.memory_space<vmem>>
    %dma_start3A_77 = tpu.memref_squeeze %dma_start3A_76 : memref<1x128xi32, #tpu.memory_space<vmem>> -> memref<128xi32, #tpu.memory_space<vmem>>
    %dma_start3A_78 = arith.constant 0 : i32
    %dma_start3A_79 = tpu.memref_slice %arg11[%dma_start3A_78] : memref<38462xf32, #tpu.memory_space<hbm>> -> memref<38462xf32, #tpu.memory_space<hbm>>
    tpu.enqueue_indirect_dma source(%dma_start3A_79 : memref<38462xf32, #tpu.memory_space<hbm>>) target(%dma_start3A_74 : memref<128xf32, #tpu.memory_space<vmem>>) offsets(%dma_start3A_77 : memref<128xi32, #tpu.memory_space<vmem>>) semaphore(%arg21 : memref<!tpu.dma_semaphore, #tpu.memory_space<semaphore_mem>>)
    %dma_start3A_80 = arith.constant 32 : i32
    %dma_start3A_81 = arith.constant 32 : i32
    %dma_start3A_82 = arith.constant 0 : i32
    %dma_start3A_83 = tpu.memref_slice %arg19[%dma_start3A_81, %dma_start3A_82] : memref<52x128xf32, #tpu.memory_space<vmem>> -> memref<1x128xf32, #tpu.memory_space<vmem>>
    %dma_start3A_84 = tpu.memref_squeeze %dma_start3A_83 : memref<1x128xf32, #tpu.memory_space<vmem>> -> memref<128xf32, #tpu.memory_space<vmem>>
    %dma_start3A_85 = arith.constant 0 : i32
    %dma_start3A_86 = tpu.memref_slice %arg18[%dma_start3A_80, %dma_start3A_85] : memref<52x128xi32, #tpu.memory_space<vmem>> -> memref<1x128xi32, #tpu.memory_space<vmem>>
    %dma_start3A_87 = tpu.memref_squeeze %dma_start3A_86 : memref<1x128xi32, #tpu.memory_space<vmem>> -> memref<128xi32, #tpu.memory_space<vmem>>
    %dma_start3A_88 = arith.constant 0 : i32
    %dma_start3A_89 = tpu.memref_slice %arg12[%dma_start3A_88] : memref<38462xf32, #tpu.memory_space<hbm>> -> memref<38462xf32, #tpu.memory_space<hbm>>
    tpu.enqueue_indirect_dma source(%dma_start3A_89 : memref<38462xf32, #tpu.memory_space<hbm>>) target(%dma_start3A_84 : memref<128xf32, #tpu.memory_space<vmem>>) offsets(%dma_start3A_87 : memref<128xi32, #tpu.memory_space<vmem>>) semaphore(%arg21 : memref<!tpu.dma_semaphore, #tpu.memory_space<semaphore_mem>>)
    %dma_start3A_90 = arith.constant 36 : i32
    %dma_start3A_91 = arith.constant 36 : i32
    %dma_start3A_92 = arith.constant 0 : i32
    %dma_start3A_93 = tpu.memref_slice %arg19[%dma_start3A_91, %dma_start3A_92] : memref<52x128xf32, #tpu.memory_space<vmem>> -> memref<1x128xf32, #tpu.memory_space<vmem>>
    %dma_start3A_94 = tpu.memref_squeeze %dma_start3A_93 : memref<1x128xf32, #tpu.memory_space<vmem>> -> memref<128xf32, #tpu.memory_space<vmem>>
    %dma_start3A_95 = arith.constant 0 : i32
    %dma_start3A_96 = tpu.memref_slice %arg18[%dma_start3A_90, %dma_start3A_95] : memref<52x128xi32, #tpu.memory_space<vmem>> -> memref<1x128xi32, #tpu.memory_space<vmem>>
    %dma_start3A_97 = tpu.memref_squeeze %dma_start3A_96 : memref<1x128xi32, #tpu.memory_space<vmem>> -> memref<128xi32, #tpu.memory_space<vmem>>
    %dma_start3A_98 = arith.constant 0 : i32
    %dma_start3A_99 = tpu.memref_slice %arg13[%dma_start3A_98] : memref<38462xf32, #tpu.memory_space<hbm>> -> memref<38462xf32, #tpu.memory_space<hbm>>
    tpu.enqueue_indirect_dma source(%dma_start3A_99 : memref<38462xf32, #tpu.memory_space<hbm>>) target(%dma_start3A_94 : memref<128xf32, #tpu.memory_space<vmem>>) offsets(%dma_start3A_97 : memref<128xi32, #tpu.memory_space<vmem>>) semaphore(%arg21 : memref<!tpu.dma_semaphore, #tpu.memory_space<semaphore_mem>>)
    %dma_start3A_100 = arith.constant 40 : i32
    %dma_start3A_101 = arith.constant 40 : i32
    %dma_start3A_102 = arith.constant 0 : i32
    %dma_start3A_103 = tpu.memref_slice %arg19[%dma_start3A_101, %dma_start3A_102] : memref<52x128xf32, #tpu.memory_space<vmem>> -> memref<1x128xf32, #tpu.memory_space<vmem>>
    %dma_start3A_104 = tpu.memref_squeeze %dma_start3A_103 : memref<1x128xf32, #tpu.memory_space<vmem>> -> memref<128xf32, #tpu.memory_space<vmem>>
    %dma_start3A_105 = arith.constant 0 : i32
    %dma_start3A_106 = tpu.memref_slice %arg18[%dma_start3A_100, %dma_start3A_105] : memref<52x128xi32, #tpu.memory_space<vmem>> -> memref<1x128xi32, #tpu.memory_space<vmem>>
    %dma_start3A_107 = tpu.memref_squeeze %dma_start3A_106 : memref<1x128xi32, #tpu.memory_space<vmem>> -> memref<128xi32, #tpu.memory_space<vmem>>
    %dma_start3A_108 = arith.constant 0 : i32
    %dma_start3A_109 = tpu.memref_slice %arg14[%dma_start3A_108] : memref<38462xf32, #tpu.memory_space<hbm>> -> memref<38462xf32, #tpu.memory_space<hbm>>
    tpu.enqueue_indirect_dma source(%dma_start3A_109 : memref<38462xf32, #tpu.memory_space<hbm>>) target(%dma_start3A_104 : memref<128xf32, #tpu.memory_space<vmem>>) offsets(%dma_start3A_107 : memref<128xi32, #tpu.memory_space<vmem>>) semaphore(%arg21 : memref<!tpu.dma_semaphore, #tpu.memory_space<semaphore_mem>>)
    %dma_start3A_110 = arith.constant 44 : i32
    %dma_start3A_111 = arith.constant 44 : i32
    %dma_start3A_112 = arith.constant 0 : i32
    %dma_start3A_113 = tpu.memref_slice %arg19[%dma_start3A_111, %dma_start3A_112] : memref<52x128xf32, #tpu.memory_space<vmem>> -> memref<1x128xf32, #tpu.memory_space<vmem>>
    %dma_start3A_114 = tpu.memref_squeeze %dma_start3A_113 : memref<1x128xf32, #tpu.memory_space<vmem>> -> memref<128xf32, #tpu.memory_space<vmem>>
    %dma_start3A_115 = arith.constant 0 : i32
    %dma_start3A_116 = tpu.memref_slice %arg18[%dma_start3A_110, %dma_start3A_115] : memref<52x128xi32, #tpu.memory_space<vmem>> -> memref<1x128xi32, #tpu.memory_space<vmem>>
    %dma_start3A_117 = tpu.memref_squeeze %dma_start3A_116 : memref<1x128xi32, #tpu.memory_space<vmem>> -> memref<128xi32, #tpu.memory_space<vmem>>
    %dma_start3A_118 = arith.constant 0 : i32
    %dma_start3A_119 = tpu.memref_slice %arg15[%dma_start3A_118] : memref<38462xf32, #tpu.memory_space<hbm>> -> memref<38462xf32, #tpu.memory_space<hbm>>
    tpu.enqueue_indirect_dma source(%dma_start3A_119 : memref<38462xf32, #tpu.memory_space<hbm>>) target(%dma_start3A_114 : memref<128xf32, #tpu.memory_space<vmem>>) offsets(%dma_start3A_117 : memref<128xi32, #tpu.memory_space<vmem>>) semaphore(%arg21 : memref<!tpu.dma_semaphore, #tpu.memory_space<semaphore_mem>>)
    %dma_start3A_120 = arith.constant 48 : i32
    %dma_start3A_121 = arith.constant 48 : i32
    %dma_start3A_122 = arith.constant 0 : i32
    %dma_start3A_123 = tpu.memref_slice %arg19[%dma_start3A_121, %dma_start3A_122] : memref<52x128xf32, #tpu.memory_space<vmem>> -> memref<1x128xf32, #tpu.memory_space<vmem>>
    %dma_start3A_124 = tpu.memref_squeeze %dma_start3A_123 : memref<1x128xf32, #tpu.memory_space<vmem>> -> memref<128xf32, #tpu.memory_space<vmem>>
    %dma_start3A_125 = arith.constant 0 : i32
    %dma_start3A_126 = tpu.memref_slice %arg18[%dma_start3A_120, %dma_start3A_125] : memref<52x128xi32, #tpu.memory_space<vmem>> -> memref<1x128xi32, #tpu.memory_space<vmem>>
    %dma_start3A_127 = tpu.memref_squeeze %dma_start3A_126 : memref<1x128xi32, #tpu.memory_space<vmem>> -> memref<128xi32, #tpu.memory_space<vmem>>
    %dma_start3A_128 = arith.constant 0 : i32
    %dma_start3A_129 = tpu.memref_slice %arg16[%dma_start3A_128] : memref<38462xf32, #tpu.memory_space<hbm>> -> memref<38462xf32, #tpu.memory_space<hbm>>
    tpu.enqueue_indirect_dma source(%dma_start3A_129 : memref<38462xf32, #tpu.memory_space<hbm>>) target(%dma_start3A_124 : memref<128xf32, #tpu.memory_space<vmem>>) offsets(%dma_start3A_127 : memref<128xi32, #tpu.memory_space<vmem>>) semaphore(%arg21 : memref<!tpu.dma_semaphore, #tpu.memory_space<semaphore_mem>>)
    %dma_start3A_130 = arith.constant 1 : i32
    %dma_start3A_131 = arith.constant 1 : i32
    %dma_start3A_132 = arith.constant 0 : i32
    %dma_start3A_133 = tpu.memref_slice %arg19[%dma_start3A_131, %dma_start3A_132] : memref<52x128xf32, #tpu.memory_space<vmem>> -> memref<1x128xf32, #tpu.memory_space<vmem>>
    %dma_start3A_134 = tpu.memref_squeeze %dma_start3A_133 : memref<1x128xf32, #tpu.memory_space<vmem>> -> memref<128xf32, #tpu.memory_space<vmem>>
    %dma_start3A_135 = arith.constant 0 : i32
    %dma_start3A_136 = tpu.memref_slice %arg18[%dma_start3A_130, %dma_start3A_135] : memref<52x128xi32, #tpu.memory_space<vmem>> -> memref<1x128xi32, #tpu.memory_space<vmem>>
    %dma_start3A_137 = tpu.memref_squeeze %dma_start3A_136 : memref<1x128xi32, #tpu.memory_space<vmem>> -> memref<128xi32, #tpu.memory_space<vmem>>
    %dma_start3A_138 = arith.constant 0 : i32
    %dma_start3A_139 = tpu.memref_slice %arg4[%dma_start3A_138] : memref<38462xf32, #tpu.memory_space<hbm>> -> memref<38462xf32, #tpu.memory_space<hbm>>
    tpu.enqueue_indirect_dma source(%dma_start3A_139 : memref<38462xf32, #tpu.memory_space<hbm>>) target(%dma_start3A_134 : memref<128xf32, #tpu.memory_space<vmem>>) offsets(%dma_start3A_137 : memref<128xi32, #tpu.memory_space<vmem>>) semaphore(%arg22 : memref<!tpu.dma_semaphore, #tpu.memory_space<semaphore_mem>>)
    %dma_start3A_140 = arith.constant 5 : i32
    %dma_start3A_141 = arith.constant 5 : i32
    %dma_start3A_142 = arith.constant 0 : i32
    %dma_start3A_143 = tpu.memref_slice %arg19[%dma_start3A_141, %dma_start3A_142] : memref<52x128xf32, #tpu.memory_space<vmem>> -> memref<1x128xf32, #tpu.memory_space<vmem>>
    %dma_start3A_144 = tpu.memref_squeeze %dma_start3A_143 : memref<1x128xf32, #tpu.memory_space<vmem>> -> memref<128xf32, #tpu.memory_space<vmem>>
    %dma_start3A_145 = arith.constant 0 : i32
    %dma_start3A_146 = tpu.memref_slice %arg18[%dma_start3A_140, %dma_start3A_145] : memref<52x128xi32, #tpu.memory_space<vmem>> -> memref<1x128xi32, #tpu.memory_space<vmem>>
    %dma_start3A_147 = tpu.memref_squeeze %dma_start3A_146 : memref<1x128xi32, #tpu.memory_space<vmem>> -> memref<128xi32, #tpu.memory_space<vmem>>
    %dma_start3A_148 = arith.constant 0 : i32
    %dma_start3A_149 = tpu.memref_slice %arg5[%dma_start3A_148] : memref<38462xf32, #tpu.memory_space<hbm>> -> memref<38462xf32, #tpu.memory_space<hbm>>
    tpu.enqueue_indirect_dma source(%dma_start3A_149 : memref<38462xf32, #tpu.memory_space<hbm>>) target(%dma_start3A_144 : memref<128xf32, #tpu.memory_space<vmem>>) offsets(%dma_start3A_147 : memref<128xi32, #tpu.memory_space<vmem>>) semaphore(%arg22 : memref<!tpu.dma_semaphore, #tpu.memory_space<semaphore_mem>>)
    %dma_start3A_150 = arith.constant 9 : i32
    %dma_start3A_151 = arith.constant 9 : i32
    %dma_start3A_152 = arith.constant 0 : i32
    %dma_start3A_153 = tpu.memref_slice %arg19[%dma_start3A_151, %dma_start3A_152] : memref<52x128xf32, #tpu.memory_space<vmem>> -> memref<1x128xf32, #tpu.memory_space<vmem>>
    %dma_start3A_154 = tpu.memref_squeeze %dma_start3A_153 : memref<1x128xf32, #tpu.memory_space<vmem>> -> memref<128xf32, #tpu.memory_space<vmem>>
    %dma_start3A_155 = arith.constant 0 : i32
    %dma_start3A_156 = tpu.memref_slice %arg18[%dma_start3A_150, %dma_start3A_155] : memref<52x128xi32, #tpu.memory_space<vmem>> -> memref<1x128xi32, #tpu.memory_space<vmem>>
    %dma_start3A_157 = tpu.memref_squeeze %dma_start3A_156 : memref<1x128xi32, #tpu.memory_space<vmem>> -> memref<128xi32, #tpu.memory_space<vmem>>
    %dma_start3A_158 = arith.constant 0 : i32
    %dma_start3A_159 = tpu.memref_slice %arg6[%dma_start3A_158] : memref<38462xf32, #tpu.memory_space<hbm>> -> memref<38462xf32, #tpu.memory_space<hbm>>
    tpu.enqueue_indirect_dma source(%dma_start3A_159 : memref<38462xf32, #tpu.memory_space<hbm>>) target(%dma_start3A_154 : memref<128xf32, #tpu.memory_space<vmem>>) offsets(%dma_start3A_157 : memref<128xi32, #tpu.memory_space<vmem>>) semaphore(%arg22 : memref<!tpu.dma_semaphore, #tpu.memory_space<semaphore_mem>>)
    %dma_start3A_160 = arith.constant 13 : i32
    %dma_start3A_161 = arith.constant 13 : i32
    %dma_start3A_162 = arith.constant 0 : i32
    %dma_start3A_163 = tpu.memref_slice %arg19[%dma_start3A_161, %dma_start3A_162] : memref<52x128xf32, #tpu.memory_space<vmem>> -> memref<1x128xf32, #tpu.memory_space<vmem>>
    %dma_start3A_164 = tpu.memref_squeeze %dma_start3A_163 : memref<1x128xf32, #tpu.memory_space<vmem>> -> memref<128xf32, #tpu.memory_space<vmem>>
    %dma_start3A_165 = arith.constant 0 : i32
    %dma_start3A_166 = tpu.memref_slice %arg18[%dma_start3A_160, %dma_start3A_165] : memref<52x128xi32, #tpu.memory_space<vmem>> -> memref<1x128xi32, #tpu.memory_space<vmem>>
    %dma_start3A_167 = tpu.memref_squeeze %dma_start3A_166 : memref<1x128xi32, #tpu.memory_space<vmem>> -> memref<128xi32, #tpu.memory_space<vmem>>
    %dma_start3A_168 = arith.constant 0 : i32
    %dma_start3A_169 = tpu.memref_slice %arg7[%dma_start3A_168] : memref<38462xf32, #tpu.memory_space<hbm>> -> memref<38462xf32, #tpu.memory_space<hbm>>
    tpu.enqueue_indirect_dma source(%dma_start3A_169 : memref<38462xf32, #tpu.memory_space<hbm>>) target(%dma_start3A_164 : memref<128xf32, #tpu.memory_space<vmem>>) offsets(%dma_start3A_167 : memref<128xi32, #tpu.memory_space<vmem>>) semaphore(%arg22 : memref<!tpu.dma_semaphore, #tpu.memory_space<semaphore_mem>>)
    %dma_start3A_170 = arith.constant 17 : i32
    %dma_start3A_171 = arith.constant 17 : i32
    %dma_start3A_172 = arith.constant 0 : i32
    %dma_start3A_173 = tpu.memref_slice %arg19[%dma_start3A_171, %dma_start3A_172] : memref<52x128xf32, #tpu.memory_space<vmem>> -> memref<1x128xf32, #tpu.memory_space<vmem>>
    %dma_start3A_174 = tpu.memref_squeeze %dma_start3A_173 : memref<1x128xf32, #tpu.memory_space<vmem>> -> memref<128xf32, #tpu.memory_space<vmem>>
    %dma_start3A_175 = arith.constant 0 : i32
    %dma_start3A_176 = tpu.memref_slice %arg18[%dma_start3A_170, %dma_start3A_175] : memref<52x128xi32, #tpu.memory_space<vmem>> -> memref<1x128xi32, #tpu.memory_space<vmem>>
    %dma_start3A_177 = tpu.memref_squeeze %dma_start3A_176 : memref<1x128xi32, #tpu.memory_space<vmem>> -> memref<128xi32, #tpu.memory_space<vmem>>
    %dma_start3A_178 = arith.constant 0 : i32
    %dma_start3A_179 = tpu.memref_slice %arg8[%dma_start3A_178] : memref<38462xf32, #tpu.memory_space<hbm>> -> memref<38462xf32, #tpu.memory_space<hbm>>
    tpu.enqueue_indirect_dma source(%dma_start3A_179 : memref<38462xf32, #tpu.memory_space<hbm>>) target(%dma_start3A_174 : memref<128xf32, #tpu.memory_space<vmem>>) offsets(%dma_start3A_177 : memref<128xi32, #tpu.memory_space<vmem>>) semaphore(%arg22 : memref<!tpu.dma_semaphore, #tpu.memory_space<semaphore_mem>>)
    %dma_start3A_180 = arith.constant 21 : i32
    %dma_start3A_181 = arith.constant 21 : i32
    %dma_start3A_182 = arith.constant 0 : i32
    %dma_start3A_183 = tpu.memref_slice %arg19[%dma_start3A_181, %dma_start3A_182] : memref<52x128xf32, #tpu.memory_space<vmem>> -> memref<1x128xf32, #tpu.memory_space<vmem>>
    %dma_start3A_184 = tpu.memref_squeeze %dma_start3A_183 : memref<1x128xf32, #tpu.memory_space<vmem>> -> memref<128xf32, #tpu.memory_space<vmem>>
    %dma_start3A_185 = arith.constant 0 : i32
    %dma_start3A_186 = tpu.memref_slice %arg18[%dma_start3A_180, %dma_start3A_185] : memref<52x128xi32, #tpu.memory_space<vmem>> -> memref<1x128xi32, #tpu.memory_space<vmem>>
    %dma_start3A_187 = tpu.memref_squeeze %dma_start3A_186 : memref<1x128xi32, #tpu.memory_space<vmem>> -> memref<128xi32, #tpu.memory_space<vmem>>
    %dma_start3A_188 = arith.constant 0 : i32
    %dma_start3A_189 = tpu.memref_slice %arg9[%dma_start3A_188] : memref<38462xf32, #tpu.memory_space<hbm>> -> memref<38462xf32, #tpu.memory_space<hbm>>
    tpu.enqueue_indirect_dma source(%dma_start3A_189 : memref<38462xf32, #tpu.memory_space<hbm>>) target(%dma_start3A_184 : memref<128xf32, #tpu.memory_space<vmem>>) offsets(%dma_start3A_187 : memref<128xi32, #tpu.memory_space<vmem>>) semaphore(%arg22 : memref<!tpu.dma_semaphore, #tpu.memory_space<semaphore_mem>>)
    %dma_start3A_190 = arith.constant 25 : i32
    %dma_start3A_191 = arith.constant 25 : i32
    %dma_start3A_192 = arith.constant 0 : i32
    %dma_start3A_193 = tpu.memref_slice %arg19[%dma_start3A_191, %dma_start3A_192] : memref<52x128xf32, #tpu.memory_space<vmem>> -> memref<1x128xf32, #tpu.memory_space<vmem>>
    %dma_start3A_194 = tpu.memref_squeeze %dma_start3A_193 : memref<1x128xf32, #tpu.memory_space<vmem>> -> memref<128xf32, #tpu.memory_space<vmem>>
    %dma_start3A_195 = arith.constant 0 : i32
    %dma_start3A_196 = tpu.memref_slice %arg18[%dma_start3A_190, %dma_start3A_195] : memref<52x128xi32, #tpu.memory_space<vmem>> -> memref<1x128xi32, #tpu.memory_space<vmem>>
    %dma_start3A_197 = tpu.memref_squeeze %dma_start3A_196 : memref<1x128xi32, #tpu.memory_space<vmem>> -> memref<128xi32, #tpu.memory_space<vmem>>
    %dma_start3A_198 = arith.constant 0 : i32
    %dma_start3A_199 = tpu.memref_slice %arg10[%dma_start3A_198] : memref<38462xf32, #tpu.memory_space<hbm>> -> memref<38462xf32, #tpu.memory_space<hbm>>
    tpu.enqueue_indirect_dma source(%dma_start3A_199 : memref<38462xf32, #tpu.memory_space<hbm>>) target(%dma_start3A_194 : memref<128xf32, #tpu.memory_space<vmem>>) offsets(%dma_start3A_197 : memref<128xi32, #tpu.memory_space<vmem>>) semaphore(%arg22 : memref<!tpu.dma_semaphore, #tpu.memory_space<semaphore_mem>>)
    %dma_start3A_200 = arith.constant 29 : i32
    %dma_start3A_201 = arith.constant 29 : i32
    %dma_start3A_202 = arith.constant 0 : i32
    %dma_start3A_203 = tpu.memref_slice %arg19[%dma_start3A_201, %dma_start3A_202] : memref<52x128xf32, #tpu.memory_space<vmem>> -> memref<1x128xf32, #tpu.memory_space<vmem>>
    %dma_start3A_204 = tpu.memref_squeeze %dma_start3A_203 : memref<1x128xf32, #tpu.memory_space<vmem>> -> memref<128xf32, #tpu.memory_space<vmem>>
    %dma_start3A_205 = arith.constant 0 : i32
    %dma_start3A_206 = tpu.memref_slice %arg18[%dma_start3A_200, %dma_start3A_205] : memref<52x128xi32, #tpu.memory_space<vmem>> -> memref<1x128xi32, #tpu.memory_space<vmem>>
    %dma_start3A_207 = tpu.memref_squeeze %dma_start3A_206 : memref<1x128xi32, #tpu.memory_space<vmem>> -> memref<128xi32, #tpu.memory_space<vmem>>
    %dma_start3A_208 = arith.constant 0 : i32
    %dma_start3A_209 = tpu.memref_slice %arg11[%dma_start3A_208] : memref<38462xf32, #tpu.memory_space<hbm>> -> memref<38462xf32, #tpu.memory_space<hbm>>
    tpu.enqueue_indirect_dma source(%dma_start3A_209 : memref<38462xf32, #tpu.memory_space<hbm>>) target(%dma_start3A_204 : memref<128xf32, #tpu.memory_space<vmem>>) offsets(%dma_start3A_207 : memref<128xi32, #tpu.memory_space<vmem>>) semaphore(%arg22 : memref<!tpu.dma_semaphore, #tpu.memory_space<semaphore_mem>>)
    %dma_start3A_210 = arith.constant 33 : i32
    %dma_start3A_211 = arith.constant 33 : i32
    %dma_start3A_212 = arith.constant 0 : i32
    %dma_start3A_213 = tpu.memref_slice %arg19[%dma_start3A_211, %dma_start3A_212] : memref<52x128xf32, #tpu.memory_space<vmem>> -> memref<1x128xf32, #tpu.memory_space<vmem>>
    %dma_start3A_214 = tpu.memref_squeeze %dma_start3A_213 : memref<1x128xf32, #tpu.memory_space<vmem>> -> memref<128xf32, #tpu.memory_space<vmem>>
    %dma_start3A_215 = arith.constant 0 : i32
    %dma_start3A_216 = tpu.memref_slice %arg18[%dma_start3A_210, %dma_start3A_215] : memref<52x128xi32, #tpu.memory_space<vmem>> -> memref<1x128xi32, #tpu.memory_space<vmem>>
    %dma_start3A_217 = tpu.memref_squeeze %dma_start3A_216 : memref<1x128xi32, #tpu.memory_space<vmem>> -> memref<128xi32, #tpu.memory_space<vmem>>
    %dma_start3A_218 = arith.constant 0 : i32
    %dma_start3A_219 = tpu.memref_slice %arg12[%dma_start3A_218] : memref<38462xf32, #tpu.memory_space<hbm>> -> memref<38462xf32, #tpu.memory_space<hbm>>
    tpu.enqueue_indirect_dma source(%dma_start3A_219 : memref<38462xf32, #tpu.memory_space<hbm>>) target(%dma_start3A_214 : memref<128xf32, #tpu.memory_space<vmem>>) offsets(%dma_start3A_217 : memref<128xi32, #tpu.memory_space<vmem>>) semaphore(%arg22 : memref<!tpu.dma_semaphore, #tpu.memory_space<semaphore_mem>>)
    %dma_start3A_220 = arith.constant 37 : i32
    %dma_start3A_221 = arith.constant 37 : i32
    %dma_start3A_222 = arith.constant 0 : i32
    %dma_start3A_223 = tpu.memref_slice %arg19[%dma_start3A_221, %dma_start3A_222] : memref<52x128xf32, #tpu.memory_space<vmem>> -> memref<1x128xf32, #tpu.memory_space<vmem>>
    %dma_start3A_224 = tpu.memref_squeeze %dma_start3A_223 : memref<1x128xf32, #tpu.memory_space<vmem>> -> memref<128xf32, #tpu.memory_space<vmem>>
    %dma_start3A_225 = arith.constant 0 : i32
    %dma_start3A_226 = tpu.memref_slice %arg18[%dma_start3A_220, %dma_start3A_225] : memref<52x128xi32, #tpu.memory_space<vmem>> -> memref<1x128xi32, #tpu.memory_space<vmem>>
    %dma_start3A_227 = tpu.memref_squeeze %dma_start3A_226 : memref<1x128xi32, #tpu.memory_space<vmem>> -> memref<128xi32, #tpu.memory_space<vmem>>
    %dma_start3A_228 = arith.constant 0 : i32
    %dma_start3A_229 = tpu.memref_slice %arg13[%dma_start3A_228] : memref<38462xf32, #tpu.memory_space<hbm>> -> memref<38462xf32, #tpu.memory_space<hbm>>
    tpu.enqueue_indirect_dma source(%dma_start3A_229 : memref<38462xf32, #tpu.memory_space<hbm>>) target(%dma_start3A_224 : memref<128xf32, #tpu.memory_space<vmem>>) offsets(%dma_start3A_227 : memref<128xi32, #tpu.memory_space<vmem>>) semaphore(%arg22 : memref<!tpu.dma_semaphore, #tpu.memory_space<semaphore_mem>>)
    %dma_start3A_230 = arith.constant 41 : i32
    %dma_start3A_231 = arith.constant 41 : i32
    %dma_start3A_232 = arith.constant 0 : i32
    %dma_start3A_233 = tpu.memref_slice %arg19[%dma_start3A_231, %dma_start3A_232] : memref<52x128xf32, #tpu.memory_space<vmem>> -> memref<1x128xf32, #tpu.memory_space<vmem>>
    %dma_start3A_234 = tpu.memref_squeeze %dma_start3A_233 : memref<1x128xf32, #tpu.memory_space<vmem>> -> memref<128xf32, #tpu.memory_space<vmem>>
    %dma_start3A_235 = arith.constant 0 : i32
    %dma_start3A_236 = tpu.memref_slice %arg18[%dma_start3A_230, %dma_start3A_235] : memref<52x128xi32, #tpu.memory_space<vmem>> -> memref<1x128xi32, #tpu.memory_space<vmem>>
    %dma_start3A_237 = tpu.memref_squeeze %dma_start3A_236 : memref<1x128xi32, #tpu.memory_space<vmem>> -> memref<128xi32, #tpu.memory_space<vmem>>
    %dma_start3A_238 = arith.constant 0 : i32
    %dma_start3A_239 = tpu.memref_slice %arg14[%dma_start3A_238] : memref<38462xf32, #tpu.memory_space<hbm>> -> memref<38462xf32, #tpu.memory_space<hbm>>
    tpu.enqueue_indirect_dma source(%dma_start3A_239 : memref<38462xf32, #tpu.memory_space<hbm>>) target(%dma_start3A_234 : memref<128xf32, #tpu.memory_space<vmem>>) offsets(%dma_start3A_237 : memref<128xi32, #tpu.memory_space<vmem>>) semaphore(%arg22 : memref<!tpu.dma_semaphore, #tpu.memory_space<semaphore_mem>>)
    %dma_start3A_240 = arith.constant 45 : i32
    %dma_start3A_241 = arith.constant 45 : i32
    %dma_start3A_242 = arith.constant 0 : i32
    %dma_start3A_243 = tpu.memref_slice %arg19[%dma_start3A_241, %dma_start3A_242] : memref<52x128xf32, #tpu.memory_space<vmem>> -> memref<1x128xf32, #tpu.memory_space<vmem>>
    %dma_start3A_244 = tpu.memref_squeeze %dma_start3A_243 : memref<1x128xf32, #tpu.memory_space<vmem>> -> memref<128xf32, #tpu.memory_space<vmem>>
    %dma_start3A_245 = arith.constant 0 : i32
    %dma_start3A_246 = tpu.memref_slice %arg18[%dma_start3A_240, %dma_start3A_245] : memref<52x128xi32, #tpu.memory_space<vmem>> -> memref<1x128xi32, #tpu.memory_space<vmem>>
    %dma_start3A_247 = tpu.memref_squeeze %dma_start3A_246 : memref<1x128xi32, #tpu.memory_space<vmem>> -> memref<128xi32, #tpu.memory_space<vmem>>
    %dma_start3A_248 = arith.constant 0 : i32
    %dma_start3A_249 = tpu.memref_slice %arg15[%dma_start3A_248] : memref<38462xf32, #tpu.memory_space<hbm>> -> memref<38462xf32, #tpu.memory_space<hbm>>
    tpu.enqueue_indirect_dma source(%dma_start3A_249 : memref<38462xf32, #tpu.memory_space<hbm>>) target(%dma_start3A_244 : memref<128xf32, #tpu.memory_space<vmem>>) offsets(%dma_start3A_247 : memref<128xi32, #tpu.memory_space<vmem>>) semaphore(%arg22 : memref<!tpu.dma_semaphore, #tpu.memory_space<semaphore_mem>>)
    %dma_start3A_250 = arith.constant 49 : i32
    %dma_start3A_251 = arith.constant 49 : i32
    %dma_start3A_252 = arith.constant 0 : i32
    %dma_start3A_253 = tpu.memref_slice %arg19[%dma_start3A_251, %dma_start3A_252] : memref<52x128xf32, #tpu.memory_space<vmem>> -> memref<1x128xf32, #tpu.memory_space<vmem>>
    %dma_start3A_254 = tpu.memref_squeeze %dma_start3A_253 : memref<1x128xf32, #tpu.memory_space<vmem>> -> memref<128xf32, #tpu.memory_space<vmem>>
    %dma_start3A_255 = arith.constant 0 : i32
    %dma_start3A_256 = tpu.memref_slice %arg18[%dma_start3A_250, %dma_start3A_255] : memref<52x128xi32, #tpu.memory_space<vmem>> -> memref<1x128xi32, #tpu.memory_space<vmem>>
    %dma_start3A_257 = tpu.memref_squeeze %dma_start3A_256 : memref<1x128xi32, #tpu.memory_space<vmem>> -> memref<128xi32, #tpu.memory_space<vmem>>
    %dma_start3A_258 = arith.constant 0 : i32
    %dma_start3A_259 = tpu.memref_slice %arg16[%dma_start3A_258] : memref<38462xf32, #tpu.memory_space<hbm>> -> memref<38462xf32, #tpu.memory_space<hbm>>
    tpu.enqueue_indirect_dma source(%dma_start3A_259 : memref<38462xf32, #tpu.memory_space<hbm>>) target(%dma_start3A_254 : memref<128xf32, #tpu.memory_space<vmem>>) offsets(%dma_start3A_257 : memref<128xi32, #tpu.memory_space<vmem>>) semaphore(%arg22 : memref<!tpu.dma_semaphore, #tpu.memory_space<semaphore_mem>>)
    %dma_start3A_260 = arith.constant 2 : i32
    %dma_start3A_261 = arith.constant 2 : i32
    %dma_start3A_262 = arith.constant 0 : i32
    %dma_start3A_263 = tpu.memref_slice %arg19[%dma_start3A_261, %dma_start3A_262] : memref<52x128xf32, #tpu.memory_space<vmem>> -> memref<1x128xf32, #tpu.memory_space<vmem>>
    %dma_start3A_264 = tpu.memref_squeeze %dma_start3A_263 : memref<1x128xf32, #tpu.memory_space<vmem>> -> memref<128xf32, #tpu.memory_space<vmem>>
    %dma_start3A_265 = arith.constant 0 : i32
    %dma_start3A_266 = tpu.memref_slice %arg18[%dma_start3A_260, %dma_start3A_265] : memref<52x128xi32, #tpu.memory_space<vmem>> -> memref<1x128xi32, #tpu.memory_space<vmem>>
    %dma_start3A_267 = tpu.memref_squeeze %dma_start3A_266 : memref<1x128xi32, #tpu.memory_space<vmem>> -> memref<128xi32, #tpu.memory_space<vmem>>
    %dma_start3A_268 = arith.constant 0 : i32
    %dma_start3A_269 = tpu.memref_slice %arg4[%dma_start3A_268] : memref<38462xf32, #tpu.memory_space<hbm>> -> memref<38462xf32, #tpu.memory_space<hbm>>
    tpu.enqueue_indirect_dma source(%dma_start3A_269 : memref<38462xf32, #tpu.memory_space<hbm>>) target(%dma_start3A_264 : memref<128xf32, #tpu.memory_space<vmem>>) offsets(%dma_start3A_267 : memref<128xi32, #tpu.memory_space<vmem>>) semaphore(%arg23 : memref<!tpu.dma_semaphore, #tpu.memory_space<semaphore_mem>>)
    %dma_start3A_270 = arith.constant 6 : i32
    %dma_start3A_271 = arith.constant 6 : i32
    %dma_start3A_272 = arith.constant 0 : i32
    %dma_start3A_273 = tpu.memref_slice %arg19[%dma_start3A_271, %dma_start3A_272] : memref<52x128xf32, #tpu.memory_space<vmem>> -> memref<1x128xf32, #tpu.memory_space<vmem>>
    %dma_start3A_274 = tpu.memref_squeeze %dma_start3A_273 : memref<1x128xf32, #tpu.memory_space<vmem>> -> memref<128xf32, #tpu.memory_space<vmem>>
    %dma_start3A_275 = arith.constant 0 : i32
    %dma_start3A_276 = tpu.memref_slice %arg18[%dma_start3A_270, %dma_start3A_275] : memref<52x128xi32, #tpu.memory_space<vmem>> -> memref<1x128xi32, #tpu.memory_space<vmem>>
    %dma_start3A_277 = tpu.memref_squeeze %dma_start3A_276 : memref<1x128xi32, #tpu.memory_space<vmem>> -> memref<128xi32, #tpu.memory_space<vmem>>
    %dma_start3A_278 = arith.constant 0 : i32
    %dma_start3A_279 = tpu.memref_slice %arg5[%dma_start3A_278] : memref<38462xf32, #tpu.memory_space<hbm>> -> memref<38462xf32, #tpu.memory_space<hbm>>
    tpu.enqueue_indirect_dma source(%dma_start3A_279 : memref<38462xf32, #tpu.memory_space<hbm>>) target(%dma_start3A_274 : memref<128xf32, #tpu.memory_space<vmem>>) offsets(%dma_start3A_277 : memref<128xi32, #tpu.memory_space<vmem>>) semaphore(%arg23 : memref<!tpu.dma_semaphore, #tpu.memory_space<semaphore_mem>>)
    %dma_start3A_280 = arith.constant 10 : i32
    %dma_start3A_281 = arith.constant 10 : i32
    %dma_start3A_282 = arith.constant 0 : i32
    %dma_start3A_283 = tpu.memref_slice %arg19[%dma_start3A_281, %dma_start3A_282] : memref<52x128xf32, #tpu.memory_space<vmem>> -> memref<1x128xf32, #tpu.memory_space<vmem>>
    %dma_start3A_284 = tpu.memref_squeeze %dma_start3A_283 : memref<1x128xf32, #tpu.memory_space<vmem>> -> memref<128xf32, #tpu.memory_space<vmem>>
    %dma_start3A_285 = arith.constant 0 : i32
    %dma_start3A_286 = tpu.memref_slice %arg18[%dma_start3A_280, %dma_start3A_285] : memref<52x128xi32, #tpu.memory_space<vmem>> -> memref<1x128xi32, #tpu.memory_space<vmem>>
    %dma_start3A_287 = tpu.memref_squeeze %dma_start3A_286 : memref<1x128xi32, #tpu.memory_space<vmem>> -> memref<128xi32, #tpu.memory_space<vmem>>
    %dma_start3A_288 = arith.constant 0 : i32
    %dma_start3A_289 = tpu.memref_slice %arg6[%dma_start3A_288] : memref<38462xf32, #tpu.memory_space<hbm>> -> memref<38462xf32, #tpu.memory_space<hbm>>
    tpu.enqueue_indirect_dma source(%dma_start3A_289 : memref<38462xf32, #tpu.memory_space<hbm>>) target(%dma_start3A_284 : memref<128xf32, #tpu.memory_space<vmem>>) offsets(%dma_start3A_287 : memref<128xi32, #tpu.memory_space<vmem>>) semaphore(%arg23 : memref<!tpu.dma_semaphore, #tpu.memory_space<semaphore_mem>>)
    %dma_start3A_290 = arith.constant 14 : i32
    %dma_start3A_291 = arith.constant 14 : i32
    %dma_start3A_292 = arith.constant 0 : i32
    %dma_start3A_293 = tpu.memref_slice %arg19[%dma_start3A_291, %dma_start3A_292] : memref<52x128xf32, #tpu.memory_space<vmem>> -> memref<1x128xf32, #tpu.memory_space<vmem>>
    %dma_start3A_294 = tpu.memref_squeeze %dma_start3A_293 : memref<1x128xf32, #tpu.memory_space<vmem>> -> memref<128xf32, #tpu.memory_space<vmem>>
    %dma_start3A_295 = arith.constant 0 : i32
    %dma_start3A_296 = tpu.memref_slice %arg18[%dma_start3A_290, %dma_start3A_295] : memref<52x128xi32, #tpu.memory_space<vmem>> -> memref<1x128xi32, #tpu.memory_space<vmem>>
    %dma_start3A_297 = tpu.memref_squeeze %dma_start3A_296 : memref<1x128xi32, #tpu.memory_space<vmem>> -> memref<128xi32, #tpu.memory_space<vmem>>
    %dma_start3A_298 = arith.constant 0 : i32
    %dma_start3A_299 = tpu.memref_slice %arg7[%dma_start3A_298] : memref<38462xf32, #tpu.memory_space<hbm>> -> memref<38462xf32, #tpu.memory_space<hbm>>
    tpu.enqueue_indirect_dma source(%dma_start3A_299 : memref<38462xf32, #tpu.memory_space<hbm>>) target(%dma_start3A_294 : memref<128xf32, #tpu.memory_space<vmem>>) offsets(%dma_start3A_297 : memref<128xi32, #tpu.memory_space<vmem>>) semaphore(%arg23 : memref<!tpu.dma_semaphore, #tpu.memory_space<semaphore_mem>>)
    %dma_start3A_300 = arith.constant 18 : i32
    %dma_start3A_301 = arith.constant 18 : i32
    %dma_start3A_302 = arith.constant 0 : i32
    %dma_start3A_303 = tpu.memref_slice %arg19[%dma_start3A_301, %dma_start3A_302] : memref<52x128xf32, #tpu.memory_space<vmem>> -> memref<1x128xf32, #tpu.memory_space<vmem>>
    %dma_start3A_304 = tpu.memref_squeeze %dma_start3A_303 : memref<1x128xf32, #tpu.memory_space<vmem>> -> memref<128xf32, #tpu.memory_space<vmem>>
    %dma_start3A_305 = arith.constant 0 : i32
    %dma_start3A_306 = tpu.memref_slice %arg18[%dma_start3A_300, %dma_start3A_305] : memref<52x128xi32, #tpu.memory_space<vmem>> -> memref<1x128xi32, #tpu.memory_space<vmem>>
    %dma_start3A_307 = tpu.memref_squeeze %dma_start3A_306 : memref<1x128xi32, #tpu.memory_space<vmem>> -> memref<128xi32, #tpu.memory_space<vmem>>
    %dma_start3A_308 = arith.constant 0 : i32
    %dma_start3A_309 = tpu.memref_slice %arg8[%dma_start3A_308] : memref<38462xf32, #tpu.memory_space<hbm>> -> memref<38462xf32, #tpu.memory_space<hbm>>
    tpu.enqueue_indirect_dma source(%dma_start3A_309 : memref<38462xf32, #tpu.memory_space<hbm>>) target(%dma_start3A_304 : memref<128xf32, #tpu.memory_space<vmem>>) offsets(%dma_start3A_307 : memref<128xi32, #tpu.memory_space<vmem>>) semaphore(%arg23 : memref<!tpu.dma_semaphore, #tpu.memory_space<semaphore_mem>>)
    %dma_start3A_310 = arith.constant 22 : i32
    %dma_start3A_311 = arith.constant 22 : i32
    %dma_start3A_312 = arith.constant 0 : i32
    %dma_start3A_313 = tpu.memref_slice %arg19[%dma_start3A_311, %dma_start3A_312] : memref<52x128xf32, #tpu.memory_space<vmem>> -> memref<1x128xf32, #tpu.memory_space<vmem>>
    %dma_start3A_314 = tpu.memref_squeeze %dma_start3A_313 : memref<1x128xf32, #tpu.memory_space<vmem>> -> memref<128xf32, #tpu.memory_space<vmem>>
    %dma_start3A_315 = arith.constant 0 : i32
    %dma_start3A_316 = tpu.memref_slice %arg18[%dma_start3A_310, %dma_start3A_315] : memref<52x128xi32, #tpu.memory_space<vmem>> -> memref<1x128xi32, #tpu.memory_space<vmem>>
    %dma_start3A_317 = tpu.memref_squeeze %dma_start3A_316 : memref<1x128xi32, #tpu.memory_space<vmem>> -> memref<128xi32, #tpu.memory_space<vmem>>
    %dma_start3A_318 = arith.constant 0 : i32
    %dma_start3A_319 = tpu.memref_slice %arg9[%dma_start3A_318] : memref<38462xf32, #tpu.memory_space<hbm>> -> memref<38462xf32, #tpu.memory_space<hbm>>
    tpu.enqueue_indirect_dma source(%dma_start3A_319 : memref<38462xf32, #tpu.memory_space<hbm>>) target(%dma_start3A_314 : memref<128xf32, #tpu.memory_space<vmem>>) offsets(%dma_start3A_317 : memref<128xi32, #tpu.memory_space<vmem>>) semaphore(%arg23 : memref<!tpu.dma_semaphore, #tpu.memory_space<semaphore_mem>>)
    %dma_start3A_320 = arith.constant 26 : i32
    %dma_start3A_321 = arith.constant 26 : i32
    %dma_start3A_322 = arith.constant 0 : i32
    %dma_start3A_323 = tpu.memref_slice %arg19[%dma_start3A_321, %dma_start3A_322] : memref<52x128xf32, #tpu.memory_space<vmem>> -> memref<1x128xf32, #tpu.memory_space<vmem>>
    %dma_start3A_324 = tpu.memref_squeeze %dma_start3A_323 : memref<1x128xf32, #tpu.memory_space<vmem>> -> memref<128xf32, #tpu.memory_space<vmem>>
    %dma_start3A_325 = arith.constant 0 : i32
    %dma_start3A_326 = tpu.memref_slice %arg18[%dma_start3A_320, %dma_start3A_325] : memref<52x128xi32, #tpu.memory_space<vmem>> -> memref<1x128xi32, #tpu.memory_space<vmem>>
    %dma_start3A_327 = tpu.memref_squeeze %dma_start3A_326 : memref<1x128xi32, #tpu.memory_space<vmem>> -> memref<128xi32, #tpu.memory_space<vmem>>
    %dma_start3A_328 = arith.constant 0 : i32
    %dma_start3A_329 = tpu.memref_slice %arg10[%dma_start3A_328] : memref<38462xf32, #tpu.memory_space<hbm>> -> memref<38462xf32, #tpu.memory_space<hbm>>
    tpu.enqueue_indirect_dma source(%dma_start3A_329 : memref<38462xf32, #tpu.memory_space<hbm>>) target(%dma_start3A_324 : memref<128xf32, #tpu.memory_space<vmem>>) offsets(%dma_start3A_327 : memref<128xi32, #tpu.memory_space<vmem>>) semaphore(%arg23 : memref<!tpu.dma_semaphore, #tpu.memory_space<semaphore_mem>>)
    %dma_start3A_330 = arith.constant 30 : i32
    %dma_start3A_331 = arith.constant 30 : i32
    %dma_start3A_332 = arith.constant 0 : i32
    %dma_start3A_333 = tpu.memref_slice %arg19[%dma_start3A_331, %dma_start3A_332] : memref<52x128xf32, #tpu.memory_space<vmem>> -> memref<1x128xf32, #tpu.memory_space<vmem>>
    %dma_start3A_334 = tpu.memref_squeeze %dma_start3A_333 : memref<1x128xf32, #tpu.memory_space<vmem>> -> memref<128xf32, #tpu.memory_space<vmem>>
    %dma_start3A_335 = arith.constant 0 : i32
    %dma_start3A_336 = tpu.memref_slice %arg18[%dma_start3A_330, %dma_start3A_335] : memref<52x128xi32, #tpu.memory_space<vmem>> -> memref<1x128xi32, #tpu.memory_space<vmem>>
    %dma_start3A_337 = tpu.memref_squeeze %dma_start3A_336 : memref<1x128xi32, #tpu.memory_space<vmem>> -> memref<128xi32, #tpu.memory_space<vmem>>
    %dma_start3A_338 = arith.constant 0 : i32
    %dma_start3A_339 = tpu.memref_slice %arg11[%dma_start3A_338] : memref<38462xf32, #tpu.memory_space<hbm>> -> memref<38462xf32, #tpu.memory_space<hbm>>
    tpu.enqueue_indirect_dma source(%dma_start3A_339 : memref<38462xf32, #tpu.memory_space<hbm>>) target(%dma_start3A_334 : memref<128xf32, #tpu.memory_space<vmem>>) offsets(%dma_start3A_337 : memref<128xi32, #tpu.memory_space<vmem>>) semaphore(%arg23 : memref<!tpu.dma_semaphore, #tpu.memory_space<semaphore_mem>>)
    %dma_start3A_340 = arith.constant 34 : i32
    %dma_start3A_341 = arith.constant 34 : i32
    %dma_start3A_342 = arith.constant 0 : i32
    %dma_start3A_343 = tpu.memref_slice %arg19[%dma_start3A_341, %dma_start3A_342] : memref<52x128xf32, #tpu.memory_space<vmem>> -> memref<1x128xf32, #tpu.memory_space<vmem>>
    %dma_start3A_344 = tpu.memref_squeeze %dma_start3A_343 : memref<1x128xf32, #tpu.memory_space<vmem>> -> memref<128xf32, #tpu.memory_space<vmem>>
    %dma_start3A_345 = arith.constant 0 : i32
    %dma_start3A_346 = tpu.memref_slice %arg18[%dma_start3A_340, %dma_start3A_345] : memref<52x128xi32, #tpu.memory_space<vmem>> -> memref<1x128xi32, #tpu.memory_space<vmem>>
    %dma_start3A_347 = tpu.memref_squeeze %dma_start3A_346 : memref<1x128xi32, #tpu.memory_space<vmem>> -> memref<128xi32, #tpu.memory_space<vmem>>
    %dma_start3A_348 = arith.constant 0 : i32
    %dma_start3A_349 = tpu.memref_slice %arg12[%dma_start3A_348] : memref<38462xf32, #tpu.memory_space<hbm>> -> memref<38462xf32, #tpu.memory_space<hbm>>
    tpu.enqueue_indirect_dma source(%dma_start3A_349 : memref<38462xf32, #tpu.memory_space<hbm>>) target(%dma_start3A_344 : memref<128xf32, #tpu.memory_space<vmem>>) offsets(%dma_start3A_347 : memref<128xi32, #tpu.memory_space<vmem>>) semaphore(%arg23 : memref<!tpu.dma_semaphore, #tpu.memory_space<semaphore_mem>>)
    %dma_start3A_350 = arith.constant 38 : i32
    %dma_start3A_351 = arith.constant 38 : i32
    %dma_start3A_352 = arith.constant 0 : i32
    %dma_start3A_353 = tpu.memref_slice %arg19[%dma_start3A_351, %dma_start3A_352] : memref<52x128xf32, #tpu.memory_space<vmem>> -> memref<1x128xf32, #tpu.memory_space<vmem>>
    %dma_start3A_354 = tpu.memref_squeeze %dma_start3A_353 : memref<1x128xf32, #tpu.memory_space<vmem>> -> memref<128xf32, #tpu.memory_space<vmem>>
    %dma_start3A_355 = arith.constant 0 : i32
    %dma_start3A_356 = tpu.memref_slice %arg18[%dma_start3A_350, %dma_start3A_355] : memref<52x128xi32, #tpu.memory_space<vmem>> -> memref<1x128xi32, #tpu.memory_space<vmem>>
    %dma_start3A_357 = tpu.memref_squeeze %dma_start3A_356 : memref<1x128xi32, #tpu.memory_space<vmem>> -> memref<128xi32, #tpu.memory_space<vmem>>
    %dma_start3A_358 = arith.constant 0 : i32
    %dma_start3A_359 = tpu.memref_slice %arg13[%dma_start3A_358] : memref<38462xf32, #tpu.memory_space<hbm>> -> memref<38462xf32, #tpu.memory_space<hbm>>
    tpu.enqueue_indirect_dma source(%dma_start3A_359 : memref<38462xf32, #tpu.memory_space<hbm>>) target(%dma_start3A_354 : memref<128xf32, #tpu.memory_space<vmem>>) offsets(%dma_start3A_357 : memref<128xi32, #tpu.memory_space<vmem>>) semaphore(%arg23 : memref<!tpu.dma_semaphore, #tpu.memory_space<semaphore_mem>>)
    %dma_start3A_360 = arith.constant 42 : i32
    %dma_start3A_361 = arith.constant 42 : i32
    %dma_start3A_362 = arith.constant 0 : i32
    %dma_start3A_363 = tpu.memref_slice %arg19[%dma_start3A_361, %dma_start3A_362] : memref<52x128xf32, #tpu.memory_space<vmem>> -> memref<1x128xf32, #tpu.memory_space<vmem>>
    %dma_start3A_364 = tpu.memref_squeeze %dma_start3A_363 : memref<1x128xf32, #tpu.memory_space<vmem>> -> memref<128xf32, #tpu.memory_space<vmem>>
    %dma_start3A_365 = arith.constant 0 : i32
    %dma_start3A_366 = tpu.memref_slice %arg18[%dma_start3A_360, %dma_start3A_365] : memref<52x128xi32, #tpu.memory_space<vmem>> -> memref<1x128xi32, #tpu.memory_space<vmem>>
    %dma_start3A_367 = tpu.memref_squeeze %dma_start3A_366 : memref<1x128xi32, #tpu.memory_space<vmem>> -> memref<128xi32, #tpu.memory_space<vmem>>
    %dma_start3A_368 = arith.constant 0 : i32
    %dma_start3A_369 = tpu.memref_slice %arg14[%dma_start3A_368] : memref<38462xf32, #tpu.memory_space<hbm>> -> memref<38462xf32, #tpu.memory_space<hbm>>
    tpu.enqueue_indirect_dma source(%dma_start3A_369 : memref<38462xf32, #tpu.memory_space<hbm>>) target(%dma_start3A_364 : memref<128xf32, #tpu.memory_space<vmem>>) offsets(%dma_start3A_367 : memref<128xi32, #tpu.memory_space<vmem>>) semaphore(%arg23 : memref<!tpu.dma_semaphore, #tpu.memory_space<semaphore_mem>>)
    %dma_start3A_370 = arith.constant 46 : i32
    %dma_start3A_371 = arith.constant 46 : i32
    %dma_start3A_372 = arith.constant 0 : i32
    %dma_start3A_373 = tpu.memref_slice %arg19[%dma_start3A_371, %dma_start3A_372] : memref<52x128xf32, #tpu.memory_space<vmem>> -> memref<1x128xf32, #tpu.memory_space<vmem>>
    %dma_start3A_374 = tpu.memref_squeeze %dma_start3A_373 : memref<1x128xf32, #tpu.memory_space<vmem>> -> memref<128xf32, #tpu.memory_space<vmem>>
    %dma_start3A_375 = arith.constant 0 : i32
    %dma_start3A_376 = tpu.memref_slice %arg18[%dma_start3A_370, %dma_start3A_375] : memref<52x128xi32, #tpu.memory_space<vmem>> -> memref<1x128xi32, #tpu.memory_space<vmem>>
    %dma_start3A_377 = tpu.memref_squeeze %dma_start3A_376 : memref<1x128xi32, #tpu.memory_space<vmem>> -> memref<128xi32, #tpu.memory_space<vmem>>
    %dma_start3A_378 = arith.constant 0 : i32
    %dma_start3A_379 = tpu.memref_slice %arg15[%dma_start3A_378] : memref<38462xf32, #tpu.memory_space<hbm>> -> memref<38462xf32, #tpu.memory_space<hbm>>
    tpu.enqueue_indirect_dma source(%dma_start3A_379 : memref<38462xf32, #tpu.memory_space<hbm>>) target(%dma_start3A_374 : memref<128xf32, #tpu.memory_space<vmem>>) offsets(%dma_start3A_377 : memref<128xi32, #tpu.memory_space<vmem>>) semaphore(%arg23 : memref<!tpu.dma_semaphore, #tpu.memory_space<semaphore_mem>>)
    %dma_start3A_380 = arith.constant 50 : i32
    %dma_start3A_381 = arith.constant 50 : i32
    %dma_start3A_382 = arith.constant 0 : i32
    %dma_start3A_383 = tpu.memref_slice %arg19[%dma_start3A_381, %dma_start3A_382] : memref<52x128xf32, #tpu.memory_space<vmem>> -> memref<1x128xf32, #tpu.memory_space<vmem>>
    %dma_start3A_384 = tpu.memref_squeeze %dma_start3A_383 : memref<1x128xf32, #tpu.memory_space<vmem>> -> memref<128xf32, #tpu.memory_space<vmem>>
    %dma_start3A_385 = arith.constant 0 : i32
    %dma_start3A_386 = tpu.memref_slice %arg18[%dma_start3A_380, %dma_start3A_385] : memref<52x128xi32, #tpu.memory_space<vmem>> -> memref<1x128xi32, #tpu.memory_space<vmem>>
    %dma_start3A_387 = tpu.memref_squeeze %dma_start3A_386 : memref<1x128xi32, #tpu.memory_space<vmem>> -> memref<128xi32, #tpu.memory_space<vmem>>
    %dma_start3A_388 = arith.constant 0 : i32
    %dma_start3A_389 = tpu.memref_slice %arg16[%dma_start3A_388] : memref<38462xf32, #tpu.memory_space<hbm>> -> memref<38462xf32, #tpu.memory_space<hbm>>
    tpu.enqueue_indirect_dma source(%dma_start3A_389 : memref<38462xf32, #tpu.memory_space<hbm>>) target(%dma_start3A_384 : memref<128xf32, #tpu.memory_space<vmem>>) offsets(%dma_start3A_387 : memref<128xi32, #tpu.memory_space<vmem>>) semaphore(%arg23 : memref<!tpu.dma_semaphore, #tpu.memory_space<semaphore_mem>>)
    %dma_start3A_390 = arith.constant 3 : i32
    %dma_start3A_391 = arith.constant 3 : i32
    %dma_start3A_392 = arith.constant 0 : i32
    %dma_start3A_393 = tpu.memref_slice %arg19[%dma_start3A_391, %dma_start3A_392] : memref<52x128xf32, #tpu.memory_space<vmem>> -> memref<1x128xf32, #tpu.memory_space<vmem>>
    %dma_start3A_394 = tpu.memref_squeeze %dma_start3A_393 : memref<1x128xf32, #tpu.memory_space<vmem>> -> memref<128xf32, #tpu.memory_space<vmem>>
    %dma_start3A_395 = arith.constant 0 : i32
    %dma_start3A_396 = tpu.memref_slice %arg18[%dma_start3A_390, %dma_start3A_395] : memref<52x128xi32, #tpu.memory_space<vmem>> -> memref<1x128xi32, #tpu.memory_space<vmem>>
    %dma_start3A_397 = tpu.memref_squeeze %dma_start3A_396 : memref<1x128xi32, #tpu.memory_space<vmem>> -> memref<128xi32, #tpu.memory_space<vmem>>
    %dma_start3A_398 = arith.constant 0 : i32
    %dma_start3A_399 = tpu.memref_slice %arg4[%dma_start3A_398] : memref<38462xf32, #tpu.memory_space<hbm>> -> memref<38462xf32, #tpu.memory_space<hbm>>
    tpu.enqueue_indirect_dma source(%dma_start3A_399 : memref<38462xf32, #tpu.memory_space<hbm>>) target(%dma_start3A_394 : memref<128xf32, #tpu.memory_space<vmem>>) offsets(%dma_start3A_397 : memref<128xi32, #tpu.memory_space<vmem>>) semaphore(%arg24 : memref<!tpu.dma_semaphore, #tpu.memory_space<semaphore_mem>>)
    %dma_start3A_400 = arith.constant 7 : i32
    %dma_start3A_401 = arith.constant 7 : i32
    %dma_start3A_402 = arith.constant 0 : i32
    %dma_start3A_403 = tpu.memref_slice %arg19[%dma_start3A_401, %dma_start3A_402] : memref<52x128xf32, #tpu.memory_space<vmem>> -> memref<1x128xf32, #tpu.memory_space<vmem>>
    %dma_start3A_404 = tpu.memref_squeeze %dma_start3A_403 : memref<1x128xf32, #tpu.memory_space<vmem>> -> memref<128xf32, #tpu.memory_space<vmem>>
    %dma_start3A_405 = arith.constant 0 : i32
    %dma_start3A_406 = tpu.memref_slice %arg18[%dma_start3A_400, %dma_start3A_405] : memref<52x128xi32, #tpu.memory_space<vmem>> -> memref<1x128xi32, #tpu.memory_space<vmem>>
    %dma_start3A_407 = tpu.memref_squeeze %dma_start3A_406 : memref<1x128xi32, #tpu.memory_space<vmem>> -> memref<128xi32, #tpu.memory_space<vmem>>
    %dma_start3A_408 = arith.constant 0 : i32
    %dma_start3A_409 = tpu.memref_slice %arg5[%dma_start3A_408] : memref<38462xf32, #tpu.memory_space<hbm>> -> memref<38462xf32, #tpu.memory_space<hbm>>
    tpu.enqueue_indirect_dma source(%dma_start3A_409 : memref<38462xf32, #tpu.memory_space<hbm>>) target(%dma_start3A_404 : memref<128xf32, #tpu.memory_space<vmem>>) offsets(%dma_start3A_407 : memref<128xi32, #tpu.memory_space<vmem>>) semaphore(%arg24 : memref<!tpu.dma_semaphore, #tpu.memory_space<semaphore_mem>>)
    %dma_start3A_410 = arith.constant 11 : i32
    %dma_start3A_411 = arith.constant 11 : i32
    %dma_start3A_412 = arith.constant 0 : i32
    %dma_start3A_413 = tpu.memref_slice %arg19[%dma_start3A_411, %dma_start3A_412] : memref<52x128xf32, #tpu.memory_space<vmem>> -> memref<1x128xf32, #tpu.memory_space<vmem>>
    %dma_start3A_414 = tpu.memref_squeeze %dma_start3A_413 : memref<1x128xf32, #tpu.memory_space<vmem>> -> memref<128xf32, #tpu.memory_space<vmem>>
    %dma_start3A_415 = arith.constant 0 : i32
    %dma_start3A_416 = tpu.memref_slice %arg18[%dma_start3A_410, %dma_start3A_415] : memref<52x128xi32, #tpu.memory_space<vmem>> -> memref<1x128xi32, #tpu.memory_space<vmem>>
    %dma_start3A_417 = tpu.memref_squeeze %dma_start3A_416 : memref<1x128xi32, #tpu.memory_space<vmem>> -> memref<128xi32, #tpu.memory_space<vmem>>
    %dma_start3A_418 = arith.constant 0 : i32
    %dma_start3A_419 = tpu.memref_slice %arg6[%dma_start3A_418] : memref<38462xf32, #tpu.memory_space<hbm>> -> memref<38462xf32, #tpu.memory_space<hbm>>
    tpu.enqueue_indirect_dma source(%dma_start3A_419 : memref<38462xf32, #tpu.memory_space<hbm>>) target(%dma_start3A_414 : memref<128xf32, #tpu.memory_space<vmem>>) offsets(%dma_start3A_417 : memref<128xi32, #tpu.memory_space<vmem>>) semaphore(%arg24 : memref<!tpu.dma_semaphore, #tpu.memory_space<semaphore_mem>>)
    %dma_start3A_420 = arith.constant 15 : i32
    %dma_start3A_421 = arith.constant 15 : i32
    %dma_start3A_422 = arith.constant 0 : i32
    %dma_start3A_423 = tpu.memref_slice %arg19[%dma_start3A_421, %dma_start3A_422] : memref<52x128xf32, #tpu.memory_space<vmem>> -> memref<1x128xf32, #tpu.memory_space<vmem>>
    %dma_start3A_424 = tpu.memref_squeeze %dma_start3A_423 : memref<1x128xf32, #tpu.memory_space<vmem>> -> memref<128xf32, #tpu.memory_space<vmem>>
    %dma_start3A_425 = arith.constant 0 : i32
    %dma_start3A_426 = tpu.memref_slice %arg18[%dma_start3A_420, %dma_start3A_425] : memref<52x128xi32, #tpu.memory_space<vmem>> -> memref<1x128xi32, #tpu.memory_space<vmem>>
    %dma_start3A_427 = tpu.memref_squeeze %dma_start3A_426 : memref<1x128xi32, #tpu.memory_space<vmem>> -> memref<128xi32, #tpu.memory_space<vmem>>
    %dma_start3A_428 = arith.constant 0 : i32
    %dma_start3A_429 = tpu.memref_slice %arg7[%dma_start3A_428] : memref<38462xf32, #tpu.memory_space<hbm>> -> memref<38462xf32, #tpu.memory_space<hbm>>
    tpu.enqueue_indirect_dma source(%dma_start3A_429 : memref<38462xf32, #tpu.memory_space<hbm>>) target(%dma_start3A_424 : memref<128xf32, #tpu.memory_space<vmem>>) offsets(%dma_start3A_427 : memref<128xi32, #tpu.memory_space<vmem>>) semaphore(%arg24 : memref<!tpu.dma_semaphore, #tpu.memory_space<semaphore_mem>>)
    %dma_start3A_430 = arith.constant 19 : i32
    %dma_start3A_431 = arith.constant 19 : i32
    %dma_start3A_432 = arith.constant 0 : i32
    %dma_start3A_433 = tpu.memref_slice %arg19[%dma_start3A_431, %dma_start3A_432] : memref<52x128xf32, #tpu.memory_space<vmem>> -> memref<1x128xf32, #tpu.memory_space<vmem>>
    %dma_start3A_434 = tpu.memref_squeeze %dma_start3A_433 : memref<1x128xf32, #tpu.memory_space<vmem>> -> memref<128xf32, #tpu.memory_space<vmem>>
    %dma_start3A_435 = arith.constant 0 : i32
    %dma_start3A_436 = tpu.memref_slice %arg18[%dma_start3A_430, %dma_start3A_435] : memref<52x128xi32, #tpu.memory_space<vmem>> -> memref<1x128xi32, #tpu.memory_space<vmem>>
    %dma_start3A_437 = tpu.memref_squeeze %dma_start3A_436 : memref<1x128xi32, #tpu.memory_space<vmem>> -> memref<128xi32, #tpu.memory_space<vmem>>
    %dma_start3A_438 = arith.constant 0 : i32
    %dma_start3A_439 = tpu.memref_slice %arg8[%dma_start3A_438] : memref<38462xf32, #tpu.memory_space<hbm>> -> memref<38462xf32, #tpu.memory_space<hbm>>
    tpu.enqueue_indirect_dma source(%dma_start3A_439 : memref<38462xf32, #tpu.memory_space<hbm>>) target(%dma_start3A_434 : memref<128xf32, #tpu.memory_space<vmem>>) offsets(%dma_start3A_437 : memref<128xi32, #tpu.memory_space<vmem>>) semaphore(%arg24 : memref<!tpu.dma_semaphore, #tpu.memory_space<semaphore_mem>>)
    %dma_start3A_440 = arith.constant 23 : i32
    %dma_start3A_441 = arith.constant 23 : i32
    %dma_start3A_442 = arith.constant 0 : i32
    %dma_start3A_443 = tpu.memref_slice %arg19[%dma_start3A_441, %dma_start3A_442] : memref<52x128xf32, #tpu.memory_space<vmem>> -> memref<1x128xf32, #tpu.memory_space<vmem>>
    %dma_start3A_444 = tpu.memref_squeeze %dma_start3A_443 : memref<1x128xf32, #tpu.memory_space<vmem>> -> memref<128xf32, #tpu.memory_space<vmem>>
    %dma_start3A_445 = arith.constant 0 : i32
    %dma_start3A_446 = tpu.memref_slice %arg18[%dma_start3A_440, %dma_start3A_445] : memref<52x128xi32, #tpu.memory_space<vmem>> -> memref<1x128xi32, #tpu.memory_space<vmem>>
    %dma_start3A_447 = tpu.memref_squeeze %dma_start3A_446 : memref<1x128xi32, #tpu.memory_space<vmem>> -> memref<128xi32, #tpu.memory_space<vmem>>
    %dma_start3A_448 = arith.constant 0 : i32
    %dma_start3A_449 = tpu.memref_slice %arg9[%dma_start3A_448] : memref<38462xf32, #tpu.memory_space<hbm>> -> memref<38462xf32, #tpu.memory_space<hbm>>
    tpu.enqueue_indirect_dma source(%dma_start3A_449 : memref<38462xf32, #tpu.memory_space<hbm>>) target(%dma_start3A_444 : memref<128xf32, #tpu.memory_space<vmem>>) offsets(%dma_start3A_447 : memref<128xi32, #tpu.memory_space<vmem>>) semaphore(%arg24 : memref<!tpu.dma_semaphore, #tpu.memory_space<semaphore_mem>>)
    %dma_start3A_450 = arith.constant 27 : i32
    %dma_start3A_451 = arith.constant 27 : i32
    %dma_start3A_452 = arith.constant 0 : i32
    %dma_start3A_453 = tpu.memref_slice %arg19[%dma_start3A_451, %dma_start3A_452] : memref<52x128xf32, #tpu.memory_space<vmem>> -> memref<1x128xf32, #tpu.memory_space<vmem>>
    %dma_start3A_454 = tpu.memref_squeeze %dma_start3A_453 : memref<1x128xf32, #tpu.memory_space<vmem>> -> memref<128xf32, #tpu.memory_space<vmem>>
    %dma_start3A_455 = arith.constant 0 : i32
    %dma_start3A_456 = tpu.memref_slice %arg18[%dma_start3A_450, %dma_start3A_455] : memref<52x128xi32, #tpu.memory_space<vmem>> -> memref<1x128xi32, #tpu.memory_space<vmem>>
    %dma_start3A_457 = tpu.memref_squeeze %dma_start3A_456 : memref<1x128xi32, #tpu.memory_space<vmem>> -> memref<128xi32, #tpu.memory_space<vmem>>
    %dma_start3A_458 = arith.constant 0 : i32
    %dma_start3A_459 = tpu.memref_slice %arg10[%dma_start3A_458] : memref<38462xf32, #tpu.memory_space<hbm>> -> memref<38462xf32, #tpu.memory_space<hbm>>
    tpu.enqueue_indirect_dma source(%dma_start3A_459 : memref<38462xf32, #tpu.memory_space<hbm>>) target(%dma_start3A_454 : memref<128xf32, #tpu.memory_space<vmem>>) offsets(%dma_start3A_457 : memref<128xi32, #tpu.memory_space<vmem>>) semaphore(%arg24 : memref<!tpu.dma_semaphore, #tpu.memory_space<semaphore_mem>>)
    %dma_start3A_460 = arith.constant 31 : i32
    %dma_start3A_461 = arith.constant 31 : i32
    %dma_start3A_462 = arith.constant 0 : i32
    %dma_start3A_463 = tpu.memref_slice %arg19[%dma_start3A_461, %dma_start3A_462] : memref<52x128xf32, #tpu.memory_space<vmem>> -> memref<1x128xf32, #tpu.memory_space<vmem>>
    %dma_start3A_464 = tpu.memref_squeeze %dma_start3A_463 : memref<1x128xf32, #tpu.memory_space<vmem>> -> memref<128xf32, #tpu.memory_space<vmem>>
    %dma_start3A_465 = arith.constant 0 : i32
    %dma_start3A_466 = tpu.memref_slice %arg18[%dma_start3A_460, %dma_start3A_465] : memref<52x128xi32, #tpu.memory_space<vmem>> -> memref<1x128xi32, #tpu.memory_space<vmem>>
    %dma_start3A_467 = tpu.memref_squeeze %dma_start3A_466 : memref<1x128xi32, #tpu.memory_space<vmem>> -> memref<128xi32, #tpu.memory_space<vmem>>
    %dma_start3A_468 = arith.constant 0 : i32
    %dma_start3A_469 = tpu.memref_slice %arg11[%dma_start3A_468] : memref<38462xf32, #tpu.memory_space<hbm>> -> memref<38462xf32, #tpu.memory_space<hbm>>
    tpu.enqueue_indirect_dma source(%dma_start3A_469 : memref<38462xf32, #tpu.memory_space<hbm>>) target(%dma_start3A_464 : memref<128xf32, #tpu.memory_space<vmem>>) offsets(%dma_start3A_467 : memref<128xi32, #tpu.memory_space<vmem>>) semaphore(%arg24 : memref<!tpu.dma_semaphore, #tpu.memory_space<semaphore_mem>>)
    %dma_start3A_470 = arith.constant 35 : i32
    %dma_start3A_471 = arith.constant 35 : i32
    %dma_start3A_472 = arith.constant 0 : i32
    %dma_start3A_473 = tpu.memref_slice %arg19[%dma_start3A_471, %dma_start3A_472] : memref<52x128xf32, #tpu.memory_space<vmem>> -> memref<1x128xf32, #tpu.memory_space<vmem>>
    %dma_start3A_474 = tpu.memref_squeeze %dma_start3A_473 : memref<1x128xf32, #tpu.memory_space<vmem>> -> memref<128xf32, #tpu.memory_space<vmem>>
    %dma_start3A_475 = arith.constant 0 : i32
    %dma_start3A_476 = tpu.memref_slice %arg18[%dma_start3A_470, %dma_start3A_475] : memref<52x128xi32, #tpu.memory_space<vmem>> -> memref<1x128xi32, #tpu.memory_space<vmem>>
    %dma_start3A_477 = tpu.memref_squeeze %dma_start3A_476 : memref<1x128xi32, #tpu.memory_space<vmem>> -> memref<128xi32, #tpu.memory_space<vmem>>
    %dma_start3A_478 = arith.constant 0 : i32
    %dma_start3A_479 = tpu.memref_slice %arg12[%dma_start3A_478] : memref<38462xf32, #tpu.memory_space<hbm>> -> memref<38462xf32, #tpu.memory_space<hbm>>
    tpu.enqueue_indirect_dma source(%dma_start3A_479 : memref<38462xf32, #tpu.memory_space<hbm>>) target(%dma_start3A_474 : memref<128xf32, #tpu.memory_space<vmem>>) offsets(%dma_start3A_477 : memref<128xi32, #tpu.memory_space<vmem>>) semaphore(%arg24 : memref<!tpu.dma_semaphore, #tpu.memory_space<semaphore_mem>>)
    %dma_start3A_480 = arith.constant 39 : i32
    %dma_start3A_481 = arith.constant 39 : i32
    %dma_start3A_482 = arith.constant 0 : i32
    %dma_start3A_483 = tpu.memref_slice %arg19[%dma_start3A_481, %dma_start3A_482] : memref<52x128xf32, #tpu.memory_space<vmem>> -> memref<1x128xf32, #tpu.memory_space<vmem>>
    %dma_start3A_484 = tpu.memref_squeeze %dma_start3A_483 : memref<1x128xf32, #tpu.memory_space<vmem>> -> memref<128xf32, #tpu.memory_space<vmem>>
    %dma_start3A_485 = arith.constant 0 : i32
    %dma_start3A_486 = tpu.memref_slice %arg18[%dma_start3A_480, %dma_start3A_485] : memref<52x128xi32, #tpu.memory_space<vmem>> -> memref<1x128xi32, #tpu.memory_space<vmem>>
    %dma_start3A_487 = tpu.memref_squeeze %dma_start3A_486 : memref<1x128xi32, #tpu.memory_space<vmem>> -> memref<128xi32, #tpu.memory_space<vmem>>
    %dma_start3A_488 = arith.constant 0 : i32
    %dma_start3A_489 = tpu.memref_slice %arg13[%dma_start3A_488] : memref<38462xf32, #tpu.memory_space<hbm>> -> memref<38462xf32, #tpu.memory_space<hbm>>
    tpu.enqueue_indirect_dma source(%dma_start3A_489 : memref<38462xf32, #tpu.memory_space<hbm>>) target(%dma_start3A_484 : memref<128xf32, #tpu.memory_space<vmem>>) offsets(%dma_start3A_487 : memref<128xi32, #tpu.memory_space<vmem>>) semaphore(%arg24 : memref<!tpu.dma_semaphore, #tpu.memory_space<semaphore_mem>>)
    %dma_start3A_490 = arith.constant 43 : i32
    %dma_start3A_491 = arith.constant 43 : i32
    %dma_start3A_492 = arith.constant 0 : i32
    %dma_start3A_493 = tpu.memref_slice %arg19[%dma_start3A_491, %dma_start3A_492] : memref<52x128xf32, #tpu.memory_space<vmem>> -> memref<1x128xf32, #tpu.memory_space<vmem>>
    %dma_start3A_494 = tpu.memref_squeeze %dma_start3A_493 : memref<1x128xf32, #tpu.memory_space<vmem>> -> memref<128xf32, #tpu.memory_space<vmem>>
    %dma_start3A_495 = arith.constant 0 : i32
    %dma_start3A_496 = tpu.memref_slice %arg18[%dma_start3A_490, %dma_start3A_495] : memref<52x128xi32, #tpu.memory_space<vmem>> -> memref<1x128xi32, #tpu.memory_space<vmem>>
    %dma_start3A_497 = tpu.memref_squeeze %dma_start3A_496 : memref<1x128xi32, #tpu.memory_space<vmem>> -> memref<128xi32, #tpu.memory_space<vmem>>
    %dma_start3A_498 = arith.constant 0 : i32
    %dma_start3A_499 = tpu.memref_slice %arg14[%dma_start3A_498] : memref<38462xf32, #tpu.memory_space<hbm>> -> memref<38462xf32, #tpu.memory_space<hbm>>
    tpu.enqueue_indirect_dma source(%dma_start3A_499 : memref<38462xf32, #tpu.memory_space<hbm>>) target(%dma_start3A_494 : memref<128xf32, #tpu.memory_space<vmem>>) offsets(%dma_start3A_497 : memref<128xi32, #tpu.memory_space<vmem>>) semaphore(%arg24 : memref<!tpu.dma_semaphore, #tpu.memory_space<semaphore_mem>>)
    %dma_start3A_500 = arith.constant 47 : i32
    %dma_start3A_501 = arith.constant 47 : i32
    %dma_start3A_502 = arith.constant 0 : i32
    %dma_start3A_503 = tpu.memref_slice %arg19[%dma_start3A_501, %dma_start3A_502] : memref<52x128xf32, #tpu.memory_space<vmem>> -> memref<1x128xf32, #tpu.memory_space<vmem>>
    %dma_start3A_504 = tpu.memref_squeeze %dma_start3A_503 : memref<1x128xf32, #tpu.memory_space<vmem>> -> memref<128xf32, #tpu.memory_space<vmem>>
    %dma_start3A_505 = arith.constant 0 : i32
    %dma_start3A_506 = tpu.memref_slice %arg18[%dma_start3A_500, %dma_start3A_505] : memref<52x128xi32, #tpu.memory_space<vmem>> -> memref<1x128xi32, #tpu.memory_space<vmem>>
    %dma_start3A_507 = tpu.memref_squeeze %dma_start3A_506 : memref<1x128xi32, #tpu.memory_space<vmem>> -> memref<128xi32, #tpu.memory_space<vmem>>
    %dma_start3A_508 = arith.constant 0 : i32
    %dma_start3A_509 = tpu.memref_slice %arg15[%dma_start3A_508] : memref<38462xf32, #tpu.memory_space<hbm>> -> memref<38462xf32, #tpu.memory_space<hbm>>
    tpu.enqueue_indirect_dma source(%dma_start3A_509 : memref<38462xf32, #tpu.memory_space<hbm>>) target(%dma_start3A_504 : memref<128xf32, #tpu.memory_space<vmem>>) offsets(%dma_start3A_507 : memref<128xi32, #tpu.memory_space<vmem>>) semaphore(%arg24 : memref<!tpu.dma_semaphore, #tpu.memory_space<semaphore_mem>>)
    %dma_start3A_510 = arith.constant 51 : i32
    %dma_start3A_511 = arith.constant 51 : i32
    %dma_start3A_512 = arith.constant 0 : i32
    %dma_start3A_513 = tpu.memref_slice %arg19[%dma_start3A_511, %dma_start3A_512] : memref<52x128xf32, #tpu.memory_space<vmem>> -> memref<1x128xf32, #tpu.memory_space<vmem>>
    %dma_start3A_514 = tpu.memref_squeeze %dma_start3A_513 : memref<1x128xf32, #tpu.memory_space<vmem>> -> memref<128xf32, #tpu.memory_space<vmem>>
    %dma_start3A_515 = arith.constant 0 : i32
    %dma_start3A_516 = tpu.memref_slice %arg18[%dma_start3A_510, %dma_start3A_515] : memref<52x128xi32, #tpu.memory_space<vmem>> -> memref<1x128xi32, #tpu.memory_space<vmem>>
    %dma_start3A_517 = tpu.memref_squeeze %dma_start3A_516 : memref<1x128xi32, #tpu.memory_space<vmem>> -> memref<128xi32, #tpu.memory_space<vmem>>
    %dma_start3A_518 = arith.constant 0 : i32
    %dma_start3A_519 = tpu.memref_slice %arg16[%dma_start3A_518] : memref<38462xf32, #tpu.memory_space<hbm>> -> memref<38462xf32, #tpu.memory_space<hbm>>
    tpu.enqueue_indirect_dma source(%dma_start3A_519 : memref<38462xf32, #tpu.memory_space<hbm>>) target(%dma_start3A_514 : memref<128xf32, #tpu.memory_space<vmem>>) offsets(%dma_start3A_517 : memref<128xi32, #tpu.memory_space<vmem>>) semaphore(%arg24 : memref<!tpu.dma_semaphore, #tpu.memory_space<semaphore_mem>>)
    %dma_wait3A = arith.constant 0 : i32
    %dma_wait3A_520 = arith.constant 0 : i32
    %dma_wait3A_521 = tpu.memref_slice %arg19[%dma_wait3A, %dma_wait3A_520] : memref<52x128xf32, #tpu.memory_space<vmem>> -> memref<1x128xf32, #tpu.memory_space<vmem>>
    %dma_wait3A_522 = tpu.memref_squeeze %dma_wait3A_521 : memref<1x128xf32, #tpu.memory_space<vmem>> -> memref<128xf32, #tpu.memory_space<vmem>>
    %dma_wait3A_523 = arith.constant 0 : i32
    %dma_wait3A_524 = tpu.memref_slice %arg19[%dma_wait3A, %dma_wait3A_523] : memref<52x128xf32, #tpu.memory_space<vmem>> -> memref<1x128xf32, #tpu.memory_space<vmem>>
    %dma_wait3A_525 = tpu.memref_squeeze %dma_wait3A_524 : memref<1x128xf32, #tpu.memory_space<vmem>> -> memref<128xf32, #tpu.memory_space<vmem>>
    tpu.wait_dma2 semaphore(%arg21 : memref<!tpu.dma_semaphore, #tpu.memory_space<semaphore_mem>>) src(%arg3 : memref<128xf32, #tpu.memory_space<hbm>>) dst(%dma_wait3A_525 : memref<128xf32, #tpu.memory_space<vmem>>)
    %dma_wait3A_526 = arith.constant 4 : i32
    %dma_wait3A_527 = arith.constant 0 : i32
    %dma_wait3A_528 = tpu.memref_slice %arg19[%dma_wait3A_526, %dma_wait3A_527] : memref<52x128xf32, #tpu.memory_space<vmem>> -> memref<1x128xf32, #tpu.memory_space<vmem>>
    %dma_wait3A_529 = tpu.memref_squeeze %dma_wait3A_528 : memref<1x128xf32, #tpu.memory_space<vmem>> -> memref<128xf32, #tpu.memory_space<vmem>>
    %dma_wait3A_530 = arith.constant 0 : i32
    %dma_wait3A_531 = tpu.memref_slice %arg19[%dma_wait3A_526, %dma_wait3A_530] : memref<52x128xf32, #tpu.memory_space<vmem>> -> memref<1x128xf32, #tpu.memory_space<vmem>>
    %dma_wait3A_532 = tpu.memref_squeeze %dma_wait3A_531 : memref<1x128xf32, #tpu.memory_space<vmem>> -> memref<128xf32, #tpu.memory_space<vmem>>
    tpu.wait_dma2 semaphore(%arg21 : memref<!tpu.dma_semaphore, #tpu.memory_space<semaphore_mem>>) src(%arg3 : memref<128xf32, #tpu.memory_space<hbm>>) dst(%dma_wait3A_532 : memref<128xf32, #tpu.memory_space<vmem>>)
    %dma_wait3A_533 = arith.constant 8 : i32
    %dma_wait3A_534 = arith.constant 0 : i32
    %dma_wait3A_535 = tpu.memref_slice %arg19[%dma_wait3A_533, %dma_wait3A_534] : memref<52x128xf32, #tpu.memory_space<vmem>> -> memref<1x128xf32, #tpu.memory_space<vmem>>
    %dma_wait3A_536 = tpu.memref_squeeze %dma_wait3A_535 : memref<1x128xf32, #tpu.memory_space<vmem>> -> memref<128xf32, #tpu.memory_space<vmem>>
    %dma_wait3A_537 = arith.constant 0 : i32
    %dma_wait3A_538 = tpu.memref_slice %arg19[%dma_wait3A_533, %dma_wait3A_537] : memref<52x128xf32, #tpu.memory_space<vmem>> -> memref<1x128xf32, #tpu.memory_space<vmem>>
    %dma_wait3A_539 = tpu.memref_squeeze %dma_wait3A_538 : memref<1x128xf32, #tpu.memory_space<vmem>> -> memref<128xf32, #tpu.memory_space<vmem>>
    tpu.wait_dma2 semaphore(%arg21 : memref<!tpu.dma_semaphore, #tpu.memory_space<semaphore_mem>>) src(%arg3 : memref<128xf32, #tpu.memory_space<hbm>>) dst(%dma_wait3A_539 : memref<128xf32, #tpu.memory_space<vmem>>)
    %dma_wait3A_540 = arith.constant 12 : i32
    %dma_wait3A_541 = arith.constant 0 : i32
    %dma_wait3A_542 = tpu.memref_slice %arg19[%dma_wait3A_540, %dma_wait3A_541] : memref<52x128xf32, #tpu.memory_space<vmem>> -> memref<1x128xf32, #tpu.memory_space<vmem>>
    %dma_wait3A_543 = tpu.memref_squeeze %dma_wait3A_542 : memref<1x128xf32, #tpu.memory_space<vmem>> -> memref<128xf32, #tpu.memory_space<vmem>>
    %dma_wait3A_544 = arith.constant 0 : i32
    %dma_wait3A_545 = tpu.memref_slice %arg19[%dma_wait3A_540, %dma_wait3A_544] : memref<52x128xf32, #tpu.memory_space<vmem>> -> memref<1x128xf32, #tpu.memory_space<vmem>>
    %dma_wait3A_546 = tpu.memref_squeeze %dma_wait3A_545 : memref<1x128xf32, #tpu.memory_space<vmem>> -> memref<128xf32, #tpu.memory_space<vmem>>
    tpu.wait_dma2 semaphore(%arg21 : memref<!tpu.dma_semaphore, #tpu.memory_space<semaphore_mem>>) src(%arg3 : memref<128xf32, #tpu.memory_space<hbm>>) dst(%dma_wait3A_546 : memref<128xf32, #tpu.memory_space<vmem>>)
    %dma_wait3A_547 = arith.constant 16 : i32
    %dma_wait3A_548 = arith.constant 0 : i32
    %dma_wait3A_549 = tpu.memref_slice %arg19[%dma_wait3A_547, %dma_wait3A_548] : memref<52x128xf32, #tpu.memory_space<vmem>> -> memref<1x128xf32, #tpu.memory_space<vmem>>
    %dma_wait3A_550 = tpu.memref_squeeze %dma_wait3A_549 : memref<1x128xf32, #tpu.memory_space<vmem>> -> memref<128xf32, #tpu.memory_space<vmem>>
    %dma_wait3A_551 = arith.constant 0 : i32
    %dma_wait3A_552 = tpu.memref_slice %arg19[%dma_wait3A_547, %dma_wait3A_551] : memref<52x128xf32, #tpu.memory_space<vmem>> -> memref<1x128xf32, #tpu.memory_space<vmem>>
    %dma_wait3A_553 = tpu.memref_squeeze %dma_wait3A_552 : memref<1x128xf32, #tpu.memory_space<vmem>> -> memref<128xf32, #tpu.memory_space<vmem>>
    tpu.wait_dma2 semaphore(%arg21 : memref<!tpu.dma_semaphore, #tpu.memory_space<semaphore_mem>>) src(%arg3 : memref<128xf32, #tpu.memory_space<hbm>>) dst(%dma_wait3A_553 : memref<128xf32, #tpu.memory_space<vmem>>)
    %dma_wait3A_554 = arith.constant 20 : i32
    %dma_wait3A_555 = arith.constant 0 : i32
    %dma_wait3A_556 = tpu.memref_slice %arg19[%dma_wait3A_554, %dma_wait3A_555] : memref<52x128xf32, #tpu.memory_space<vmem>> -> memref<1x128xf32, #tpu.memory_space<vmem>>
    %dma_wait3A_557 = tpu.memref_squeeze %dma_wait3A_556 : memref<1x128xf32, #tpu.memory_space<vmem>> -> memref<128xf32, #tpu.memory_space<vmem>>
    %dma_wait3A_558 = arith.constant 0 : i32
    %dma_wait3A_559 = tpu.memref_slice %arg19[%dma_wait3A_554, %dma_wait3A_558] : memref<52x128xf32, #tpu.memory_space<vmem>> -> memref<1x128xf32, #tpu.memory_space<vmem>>
    %dma_wait3A_560 = tpu.memref_squeeze %dma_wait3A_559 : memref<1x128xf32, #tpu.memory_space<vmem>> -> memref<128xf32, #tpu.memory_space<vmem>>
    tpu.wait_dma2 semaphore(%arg21 : memref<!tpu.dma_semaphore, #tpu.memory_space<semaphore_mem>>) src(%arg3 : memref<128xf32, #tpu.memory_space<hbm>>) dst(%dma_wait3A_560 : memref<128xf32, #tpu.memory_space<vmem>>)
    %dma_wait3A_561 = arith.constant 24 : i32
    %dma_wait3A_562 = arith.constant 0 : i32
    %dma_wait3A_563 = tpu.memref_slice %arg19[%dma_wait3A_561, %dma_wait3A_562] : memref<52x128xf32, #tpu.memory_space<vmem>> -> memref<1x128xf32, #tpu.memory_space<vmem>>
    %dma_wait3A_564 = tpu.memref_squeeze %dma_wait3A_563 : memref<1x128xf32, #tpu.memory_space<vmem>> -> memref<128xf32, #tpu.memory_space<vmem>>
    %dma_wait3A_565 = arith.constant 0 : i32
    %dma_wait3A_566 = tpu.memref_slice %arg19[%dma_wait3A_561, %dma_wait3A_565] : memref<52x128xf32, #tpu.memory_space<vmem>> -> memref<1x128xf32, #tpu.memory_space<vmem>>
    %dma_wait3A_567 = tpu.memref_squeeze %dma_wait3A_566 : memref<1x128xf32, #tpu.memory_space<vmem>> -> memref<128xf32, #tpu.memory_space<vmem>>
    tpu.wait_dma2 semaphore(%arg21 : memref<!tpu.dma_semaphore, #tpu.memory_space<semaphore_mem>>) src(%arg3 : memref<128xf32, #tpu.memory_space<hbm>>) dst(%dma_wait3A_567 : memref<128xf32, #tpu.memory_space<vmem>>)
    %dma_wait3A_568 = arith.constant 28 : i32
    %dma_wait3A_569 = arith.constant 0 : i32
    %dma_wait3A_570 = tpu.memref_slice %arg19[%dma_wait3A_568, %dma_wait3A_569] : memref<52x128xf32, #tpu.memory_space<vmem>> -> memref<1x128xf32, #tpu.memory_space<vmem>>
    %dma_wait3A_571 = tpu.memref_squeeze %dma_wait3A_570 : memref<1x128xf32, #tpu.memory_space<vmem>> -> memref<128xf32, #tpu.memory_space<vmem>>
    %dma_wait3A_572 = arith.constant 0 : i32
    %dma_wait3A_573 = tpu.memref_slice %arg19[%dma_wait3A_568, %dma_wait3A_572] : memref<52x128xf32, #tpu.memory_space<vmem>> -> memref<1x128xf32, #tpu.memory_space<vmem>>
    %dma_wait3A_574 = tpu.memref_squeeze %dma_wait3A_573 : memref<1x128xf32, #tpu.memory_space<vmem>> -> memref<128xf32, #tpu.memory_space<vmem>>
    tpu.wait_dma2 semaphore(%arg21 : memref<!tpu.dma_semaphore, #tpu.memory_space<semaphore_mem>>) src(%arg3 : memref<128xf32, #tpu.memory_space<hbm>>) dst(%dma_wait3A_574 : memref<128xf32, #tpu.memory_space<vmem>>)
    %dma_wait3A_575 = arith.constant 32 : i32
    %dma_wait3A_576 = arith.constant 0 : i32
    %dma_wait3A_577 = tpu.memref_slice %arg19[%dma_wait3A_575, %dma_wait3A_576] : memref<52x128xf32, #tpu.memory_space<vmem>> -> memref<1x128xf32, #tpu.memory_space<vmem>>
    %dma_wait3A_578 = tpu.memref_squeeze %dma_wait3A_577 : memref<1x128xf32, #tpu.memory_space<vmem>> -> memref<128xf32, #tpu.memory_space<vmem>>
    %dma_wait3A_579 = arith.constant 0 : i32
    %dma_wait3A_580 = tpu.memref_slice %arg19[%dma_wait3A_575, %dma_wait3A_579] : memref<52x128xf32, #tpu.memory_space<vmem>> -> memref<1x128xf32, #tpu.memory_space<vmem>>
    %dma_wait3A_581 = tpu.memref_squeeze %dma_wait3A_580 : memref<1x128xf32, #tpu.memory_space<vmem>> -> memref<128xf32, #tpu.memory_space<vmem>>
    tpu.wait_dma2 semaphore(%arg21 : memref<!tpu.dma_semaphore, #tpu.memory_space<semaphore_mem>>) src(%arg3 : memref<128xf32, #tpu.memory_space<hbm>>) dst(%dma_wait3A_581 : memref<128xf32, #tpu.memory_space<vmem>>)
    %dma_wait3A_582 = arith.constant 36 : i32
    %dma_wait3A_583 = arith.constant 0 : i32
    %dma_wait3A_584 = tpu.memref_slice %arg19[%dma_wait3A_582, %dma_wait3A_583] : memref<52x128xf32, #tpu.memory_space<vmem>> -> memref<1x128xf32, #tpu.memory_space<vmem>>
    %dma_wait3A_585 = tpu.memref_squeeze %dma_wait3A_584 : memref<1x128xf32, #tpu.memory_space<vmem>> -> memref<128xf32, #tpu.memory_space<vmem>>
    %dma_wait3A_586 = arith.constant 0 : i32
    %dma_wait3A_587 = tpu.memref_slice %arg19[%dma_wait3A_582, %dma_wait3A_586] : memref<52x128xf32, #tpu.memory_space<vmem>> -> memref<1x128xf32, #tpu.memory_space<vmem>>
    %dma_wait3A_588 = tpu.memref_squeeze %dma_wait3A_587 : memref<1x128xf32, #tpu.memory_space<vmem>> -> memref<128xf32, #tpu.memory_space<vmem>>
    tpu.wait_dma2 semaphore(%arg21 : memref<!tpu.dma_semaphore, #tpu.memory_space<semaphore_mem>>) src(%arg3 : memref<128xf32, #tpu.memory_space<hbm>>) dst(%dma_wait3A_588 : memref<128xf32, #tpu.memory_space<vmem>>)
    %dma_wait3A_589 = arith.constant 40 : i32
    %dma_wait3A_590 = arith.constant 0 : i32
    %dma_wait3A_591 = tpu.memref_slice %arg19[%dma_wait3A_589, %dma_wait3A_590] : memref<52x128xf32, #tpu.memory_space<vmem>> -> memref<1x128xf32, #tpu.memory_space<vmem>>
    %dma_wait3A_592 = tpu.memref_squeeze %dma_wait3A_591 : memref<1x128xf32, #tpu.memory_space<vmem>> -> memref<128xf32, #tpu.memory_space<vmem>>
    %dma_wait3A_593 = arith.constant 0 : i32
    %dma_wait3A_594 = tpu.memref_slice %arg19[%dma_wait3A_589, %dma_wait3A_593] : memref<52x128xf32, #tpu.memory_space<vmem>> -> memref<1x128xf32, #tpu.memory_space<vmem>>
    %dma_wait3A_595 = tpu.memref_squeeze %dma_wait3A_594 : memref<1x128xf32, #tpu.memory_space<vmem>> -> memref<128xf32, #tpu.memory_space<vmem>>
    tpu.wait_dma2 semaphore(%arg21 : memref<!tpu.dma_semaphore, #tpu.memory_space<semaphore_mem>>) src(%arg3 : memref<128xf32, #tpu.memory_space<hbm>>) dst(%dma_wait3A_595 : memref<128xf32, #tpu.memory_space<vmem>>)
    %dma_wait3A_596 = arith.constant 44 : i32
    %dma_wait3A_597 = arith.constant 0 : i32
    %dma_wait3A_598 = tpu.memref_slice %arg19[%dma_wait3A_596, %dma_wait3A_597] : memref<52x128xf32, #tpu.memory_space<vmem>> -> memref<1x128xf32, #tpu.memory_space<vmem>>
    %dma_wait3A_599 = tpu.memref_squeeze %dma_wait3A_598 : memref<1x128xf32, #tpu.memory_space<vmem>> -> memref<128xf32, #tpu.memory_space<vmem>>
    %dma_wait3A_600 = arith.constant 0 : i32
    %dma_wait3A_601 = tpu.memref_slice %arg19[%dma_wait3A_596, %dma_wait3A_600] : memref<52x128xf32, #tpu.memory_space<vmem>> -> memref<1x128xf32, #tpu.memory_space<vmem>>
    %dma_wait3A_602 = tpu.memref_squeeze %dma_wait3A_601 : memref<1x128xf32, #tpu.memory_space<vmem>> -> memref<128xf32, #tpu.memory_space<vmem>>
    tpu.wait_dma2 semaphore(%arg21 : memref<!tpu.dma_semaphore, #tpu.memory_space<semaphore_mem>>) src(%arg3 : memref<128xf32, #tpu.memory_space<hbm>>) dst(%dma_wait3A_602 : memref<128xf32, #tpu.memory_space<vmem>>)
    %dma_wait3A_603 = arith.constant 48 : i32
    %dma_wait3A_604 = arith.constant 0 : i32
    %dma_wait3A_605 = tpu.memref_slice %arg19[%dma_wait3A_603, %dma_wait3A_604] : memref<52x128xf32, #tpu.memory_space<vmem>> -> memref<1x128xf32, #tpu.memory_space<vmem>>
    %dma_wait3A_606 = tpu.memref_squeeze %dma_wait3A_605 : memref<1x128xf32, #tpu.memory_space<vmem>> -> memref<128xf32, #tpu.memory_space<vmem>>
    %dma_wait3A_607 = arith.constant 0 : i32
    %dma_wait3A_608 = tpu.memref_slice %arg19[%dma_wait3A_603, %dma_wait3A_607] : memref<52x128xf32, #tpu.memory_space<vmem>> -> memref<1x128xf32, #tpu.memory_space<vmem>>
    %dma_wait3A_609 = tpu.memref_squeeze %dma_wait3A_608 : memref<1x128xf32, #tpu.memory_space<vmem>> -> memref<128xf32, #tpu.memory_space<vmem>>
    tpu.wait_dma2 semaphore(%arg21 : memref<!tpu.dma_semaphore, #tpu.memory_space<semaphore_mem>>) src(%arg3 : memref<128xf32, #tpu.memory_space<hbm>>) dst(%dma_wait3A_609 : memref<128xf32, #tpu.memory_space<vmem>>)
    %scan3A = arith.constant 0 : i32
    %scan3A_610 = arith.constant 0 : i32
    %scan3A_611 = arith.constant 8 : i32
    %scan3A_612 = arith.addi %scan3A_610, %scan3A_611 : i32
    %scan3A_613 = arith.constant 1 : i32
    scf.for %scan3A_908 = %scan3A_610 to %scan3A_612 step %scan3A_613  : i32 {
      %mul3A_909 = arith.constant 16 : i32
      %mul3A_910 = arith.muli %scan3A_908, %mul3A_909 : i32
      %get3A = arith.constant 0 : i32
      %get3A_911 = arith.index_cast %get3A : i32 to index
      %get3A_912 = arith.index_cast %mul3A_910 : i32 to index
      %get3A_913 = tpu.vector_load %arg19[%get3A_911, %get3A_912] {strides = array<i32>} : memref<52x128xf32, #tpu.memory_space<vmem>>, vector<1x16xf32>,
      %get3A_914 = vector.shape_cast %get3A_913 : vector<1x16xf32> to vector<16xf32>
      %get3A_915 = arith.constant 4 : i32
      %get3A_916 = arith.index_cast %get3A_915 : i32 to index
      %get3A_917 = arith.index_cast %mul3A_910 : i32 to index
      %get3A_918 = tpu.vector_load %arg19[%get3A_916, %get3A_917] {strides = array<i32>} : memref<52x128xf32, #tpu.memory_space<vmem>>, vector<1x16xf32>,
      %get3A_919 = vector.shape_cast %get3A_918 : vector<1x16xf32> to vector<16xf32>
      %add3A_920 = arith.addf %get3A_914, %get3A_919 : vector<16xf32>
      %get3A_921 = arith.constant 8 : i32
      %get3A_922 = arith.index_cast %get3A_921 : i32 to index
      %get3A_923 = arith.index_cast %mul3A_910 : i32 to index
      %get3A_924 = tpu.vector_load %arg19[%get3A_922, %get3A_923] {strides = array<i32>} : memref<52x128xf32, #tpu.memory_space<vmem>>, vector<1x16xf32>,
      %get3A_925 = vector.shape_cast %get3A_924 : vector<1x16xf32> to vector<16xf32>
      %add3A_926 = arith.addf %add3A_920, %get3A_925 : vector<16xf32>
      %get3A_927 = arith.constant 12 : i32
      %get3A_928 = arith.index_cast %get3A_927 : i32 to index
      %get3A_929 = arith.index_cast %mul3A_910 : i32 to index
      %get3A_930 = tpu.vector_load %arg19[%get3A_928, %get3A_929] {strides = array<i32>} : memref<52x128xf32, #tpu.memory_space<vmem>>, vector<1x16xf32>,
      %get3A_931 = vector.shape_cast %get3A_930 : vector<1x16xf32> to vector<16xf32>
      %add3A_932 = arith.addf %add3A_926, %get3A_931 : vector<16xf32>
      %get3A_933 = arith.constant 16 : i32
      %get3A_934 = arith.index_cast %get3A_933 : i32 to index
      %get3A_935 = arith.index_cast %mul3A_910 : i32 to index
      %get3A_936 = tpu.vector_load %arg19[%get3A_934, %get3A_935] {strides = array<i32>} : memref<52x128xf32, #tpu.memory_space<vmem>>, vector<1x16xf32>,
      %get3A_937 = vector.shape_cast %get3A_936 : vector<1x16xf32> to vector<16xf32>
      %add3A_938 = arith.addf %add3A_932, %get3A_937 : vector<16xf32>
      %get3A_939 = arith.constant 20 : i32
      %get3A_940 = arith.index_cast %get3A_939 : i32 to index
      %get3A_941 = arith.index_cast %mul3A_910 : i32 to index
      %get3A_942 = tpu.vector_load %arg19[%get3A_940, %get3A_941] {strides = array<i32>} : memref<52x128xf32, #tpu.memory_space<vmem>>, vector<1x16xf32>,
      %get3A_943 = vector.shape_cast %get3A_942 : vector<1x16xf32> to vector<16xf32>
      %add3A_944 = arith.addf %add3A_938, %get3A_943 : vector<16xf32>
      %get3A_945 = arith.constant 24 : i32
      %get3A_946 = arith.index_cast %get3A_945 : i32 to index
      %get3A_947 = arith.index_cast %mul3A_910 : i32 to index
      %get3A_948 = tpu.vector_load %arg19[%get3A_946, %get3A_947] {strides = array<i32>} : memref<52x128xf32, #tpu.memory_space<vmem>>, vector<1x16xf32>,
      %get3A_949 = vector.shape_cast %get3A_948 : vector<1x16xf32> to vector<16xf32>
      %add3A_950 = arith.addf %add3A_944, %get3A_949 : vector<16xf32>
      %get3A_951 = arith.constant 28 : i32
      %get3A_952 = arith.index_cast %get3A_951 : i32 to index
      %get3A_953 = arith.index_cast %mul3A_910 : i32 to index
      %get3A_954 = tpu.vector_load %arg19[%get3A_952, %get3A_953] {strides = array<i32>} : memref<52x128xf32, #tpu.memory_space<vmem>>, vector<1x16xf32>,
      %get3A_955 = vector.shape_cast %get3A_954 : vector<1x16xf32> to vector<16xf32>
      %add3A_956 = arith.addf %add3A_950, %get3A_955 : vector<16xf32>
      %get3A_957 = arith.constant 32 : i32
      %get3A_958 = arith.index_cast %get3A_957 : i32 to index
      %get3A_959 = arith.index_cast %mul3A_910 : i32 to index
      %get3A_960 = tpu.vector_load %arg19[%get3A_958, %get3A_959] {strides = array<i32>} : memref<52x128xf32, #tpu.memory_space<vmem>>, vector<1x16xf32>,
      %get3A_961 = vector.shape_cast %get3A_960 : vector<1x16xf32> to vector<16xf32>
      %add3A_962 = arith.addf %add3A_956, %get3A_961 : vector<16xf32>
      %get3A_963 = arith.constant 36 : i32
      %get3A_964 = arith.index_cast %get3A_963 : i32 to index
      %get3A_965 = arith.index_cast %mul3A_910 : i32 to index
      %get3A_966 = tpu.vector_load %arg19[%get3A_964, %get3A_965] {strides = array<i32>} : memref<52x128xf32, #tpu.memory_space<vmem>>, vector<1x16xf32>,
      %get3A_967 = vector.shape_cast %get3A_966 : vector<1x16xf32> to vector<16xf32>
      %add3A_968 = arith.addf %add3A_962, %get3A_967 : vector<16xf32>
      %get3A_969 = arith.constant 40 : i32
      %get3A_970 = arith.index_cast %get3A_969 : i32 to index
      %get3A_971 = arith.index_cast %mul3A_910 : i32 to index
      %get3A_972 = tpu.vector_load %arg19[%get3A_970, %get3A_971] {strides = array<i32>} : memref<52x128xf32, #tpu.memory_space<vmem>>, vector<1x16xf32>,
      %get3A_973 = vector.shape_cast %get3A_972 : vector<1x16xf32> to vector<16xf32>
      %add3A_974 = arith.addf %add3A_968, %get3A_973 : vector<16xf32>
      %get3A_975 = arith.constant 44 : i32
      %get3A_976 = arith.index_cast %get3A_975 : i32 to index
      %get3A_977 = arith.index_cast %mul3A_910 : i32 to index
      %get3A_978 = tpu.vector_load %arg19[%get3A_976, %get3A_977] {strides = array<i32>} : memref<52x128xf32, #tpu.memory_space<vmem>>, vector<1x16xf32>,
      %get3A_979 = vector.shape_cast %get3A_978 : vector<1x16xf32> to vector<16xf32>
      %add3A_980 = arith.addf %add3A_974, %get3A_979 : vector<16xf32>
      %get3A_981 = arith.constant 48 : i32
      %get3A_982 = arith.index_cast %get3A_981 : i32 to index
      %get3A_983 = arith.index_cast %mul3A_910 : i32 to index
      %get3A_984 = tpu.vector_load %arg19[%get3A_982, %get3A_983] {strides = array<i32>} : memref<52x128xf32, #tpu.memory_space<vmem>>, vector<1x16xf32>,
      %get3A_985 = vector.shape_cast %get3A_984 : vector<1x16xf32> to vector<16xf32>
      %add3A_986 = arith.addf %add3A_980, %get3A_985 : vector<16xf32>
      %mul3A_987 = arith.constant 16 : i32
      %mul3A_988 = arith.muli %scan3A_908, %mul3A_987 : i32
      %add3A_989 = arith.constant 0 : i32
      %add3A_990 = arith.addi %add3A_989, %mul3A_988 : i32
      %swap3A = arith.index_cast %add3A_990 : i32 to index
      %swap3A_991 = tpu.vector_load %arg20[%swap3A] {strides = array<i32>} : memref<512xf32, #tpu.memory_space<vmem>>, vector<16xf32>,
      %swap3A_992 = vector.shape_cast %swap3A_991 : vector<16xf32> to vector<16xf32>
      %swap3A_993 = vector.shape_cast %add3A_986 : vector<16xf32> to vector<16xf32>
      tpu.vector_store %arg20[%swap3A], %swap3A_993 {strides = array<i32>} : memref<512xf32, #tpu.memory_space<vmem>>, vector<16xf32>,
    }
    %scan3A_614 = arith.constant 8 : i32
    %dma_wait3A_615 = arith.constant 1 : i32
    %dma_wait3A_616 = arith.constant 0 : i32
    %dma_wait3A_617 = tpu.memref_slice %arg19[%dma_wait3A_615, %dma_wait3A_616] : memref<52x128xf32, #tpu.memory_space<vmem>> -> memref<1x128xf32, #tpu.memory_space<vmem>>
    %dma_wait3A_618 = tpu.memref_squeeze %dma_wait3A_617 : memref<1x128xf32, #tpu.memory_space<vmem>> -> memref<128xf32, #tpu.memory_space<vmem>>
    %dma_wait3A_619 = arith.constant 0 : i32
    %dma_wait3A_620 = tpu.memref_slice %arg19[%dma_wait3A_615, %dma_wait3A_619] : memref<52x128xf32, #tpu.memory_space<vmem>> -> memref<1x128xf32, #tpu.memory_space<vmem>>
    %dma_wait3A_621 = tpu.memref_squeeze %dma_wait3A_620 : memref<1x128xf32, #tpu.memory_space<vmem>> -> memref<128xf32, #tpu.memory_space<vmem>>
    tpu.wait_dma2 semaphore(%arg22 : memref<!tpu.dma_semaphore, #tpu.memory_space<semaphore_mem>>) src(%arg3 : memref<128xf32, #tpu.memory_space<hbm>>) dst(%dma_wait3A_621 : memref<128xf32, #tpu.memory_space<vmem>>)
    %dma_wait3A_622 = arith.constant 5 : i32
    %dma_wait3A_623 = arith.constant 0 : i32
    %dma_wait3A_624 = tpu.memref_slice %arg19[%dma_wait3A_622, %dma_wait3A_623] : memref<52x128xf32, #tpu.memory_space<vmem>> -> memref<1x128xf32, #tpu.memory_space<vmem>>
    %dma_wait3A_625 = tpu.memref_squeeze %dma_wait3A_624 : memref<1x128xf32, #tpu.memory_space<vmem>> -> memref<128xf32, #tpu.memory_space<vmem>>
    %dma_wait3A_626 = arith.constant 0 : i32
    %dma_wait3A_627 = tpu.memref_slice %arg19[%dma_wait3A_622, %dma_wait3A_626] : memref<52x128xf32, #tpu.memory_space<vmem>> -> memref<1x128xf32, #tpu.memory_space<vmem>>
    %dma_wait3A_628 = tpu.memref_squeeze %dma_wait3A_627 : memref<1x128xf32, #tpu.memory_space<vmem>> -> memref<128xf32, #tpu.memory_space<vmem>>
    tpu.wait_dma2 semaphore(%arg22 : memref<!tpu.dma_semaphore, #tpu.memory_space<semaphore_mem>>) src(%arg3 : memref<128xf32, #tpu.memory_space<hbm>>) dst(%dma_wait3A_628 : memref<128xf32, #tpu.memory_space<vmem>>)
    %dma_wait3A_629 = arith.constant 9 : i32
    %dma_wait3A_630 = arith.constant 0 : i32
    %dma_wait3A_631 = tpu.memref_slice %arg19[%dma_wait3A_629, %dma_wait3A_630] : memref<52x128xf32, #tpu.memory_space<vmem>> -> memref<1x128xf32, #tpu.memory_space<vmem>>
    %dma_wait3A_632 = tpu.memref_squeeze %dma_wait3A_631 : memref<1x128xf32, #tpu.memory_space<vmem>> -> memref<128xf32, #tpu.memory_space<vmem>>
    %dma_wait3A_633 = arith.constant 0 : i32
    %dma_wait3A_634 = tpu.memref_slice %arg19[%dma_wait3A_629, %dma_wait3A_633] : memref<52x128xf32, #tpu.memory_space<vmem>> -> memref<1x128xf32, #tpu.memory_space<vmem>>
    %dma_wait3A_635 = tpu.memref_squeeze %dma_wait3A_634 : memref<1x128xf32, #tpu.memory_space<vmem>> -> memref<128xf32, #tpu.memory_space<vmem>>
    tpu.wait_dma2 semaphore(%arg22 : memref<!tpu.dma_semaphore, #tpu.memory_space<semaphore_mem>>) src(%arg3 : memref<128xf32, #tpu.memory_space<hbm>>) dst(%dma_wait3A_635 : memref<128xf32, #tpu.memory_space<vmem>>)
    %dma_wait3A_636 = arith.constant 13 : i32
    %dma_wait3A_637 = arith.constant 0 : i32
    %dma_wait3A_638 = tpu.memref_slice %arg19[%dma_wait3A_636, %dma_wait3A_637] : memref<52x128xf32, #tpu.memory_space<vmem>> -> memref<1x128xf32, #tpu.memory_space<vmem>>
    %dma_wait3A_639 = tpu.memref_squeeze %dma_wait3A_638 : memref<1x128xf32, #tpu.memory_space<vmem>> -> memref<128xf32, #tpu.memory_space<vmem>>
    %dma_wait3A_640 = arith.constant 0 : i32
    %dma_wait3A_641 = tpu.memref_slice %arg19[%dma_wait3A_636, %dma_wait3A_640] : memref<52x128xf32, #tpu.memory_space<vmem>> -> memref<1x128xf32, #tpu.memory_space<vmem>>
    %dma_wait3A_642 = tpu.memref_squeeze %dma_wait3A_641 : memref<1x128xf32, #tpu.memory_space<vmem>> -> memref<128xf32, #tpu.memory_space<vmem>>
    tpu.wait_dma2 semaphore(%arg22 : memref<!tpu.dma_semaphore, #tpu.memory_space<semaphore_mem>>) src(%arg3 : memref<128xf32, #tpu.memory_space<hbm>>) dst(%dma_wait3A_642 : memref<128xf32, #tpu.memory_space<vmem>>)
    %dma_wait3A_643 = arith.constant 17 : i32
    %dma_wait3A_644 = arith.constant 0 : i32
    %dma_wait3A_645 = tpu.memref_slice %arg19[%dma_wait3A_643, %dma_wait3A_644] : memref<52x128xf32, #tpu.memory_space<vmem>> -> memref<1x128xf32, #tpu.memory_space<vmem>>
    %dma_wait3A_646 = tpu.memref_squeeze %dma_wait3A_645 : memref<1x128xf32, #tpu.memory_space<vmem>> -> memref<128xf32, #tpu.memory_space<vmem>>
    %dma_wait3A_647 = arith.constant 0 : i32
    %dma_wait3A_648 = tpu.memref_slice %arg19[%dma_wait3A_643, %dma_wait3A_647] : memref<52x128xf32, #tpu.memory_space<vmem>> -> memref<1x128xf32, #tpu.memory_space<vmem>>
    %dma_wait3A_649 = tpu.memref_squeeze %dma_wait3A_648 : memref<1x128xf32, #tpu.memory_space<vmem>> -> memref<128xf32, #tpu.memory_space<vmem>>
    tpu.wait_dma2 semaphore(%arg22 : memref<!tpu.dma_semaphore, #tpu.memory_space<semaphore_mem>>) src(%arg3 : memref<128xf32, #tpu.memory_space<hbm>>) dst(%dma_wait3A_649 : memref<128xf32, #tpu.memory_space<vmem>>)
    %dma_wait3A_650 = arith.constant 21 : i32
    %dma_wait3A_651 = arith.constant 0 : i32
    %dma_wait3A_652 = tpu.memref_slice %arg19[%dma_wait3A_650, %dma_wait3A_651] : memref<52x128xf32, #tpu.memory_space<vmem>> -> memref<1x128xf32, #tpu.memory_space<vmem>>
    %dma_wait3A_653 = tpu.memref_squeeze %dma_wait3A_652 : memref<1x128xf32, #tpu.memory_space<vmem>> -> memref<128xf32, #tpu.memory_space<vmem>>
    %dma_wait3A_654 = arith.constant 0 : i32
    %dma_wait3A_655 = tpu.memref_slice %arg19[%dma_wait3A_650, %dma_wait3A_654] : memref<52x128xf32, #tpu.memory_space<vmem>> -> memref<1x128xf32, #tpu.memory_space<vmem>>
    %dma_wait3A_656 = tpu.memref_squeeze %dma_wait3A_655 : memref<1x128xf32, #tpu.memory_space<vmem>> -> memref<128xf32, #tpu.memory_space<vmem>>
    tpu.wait_dma2 semaphore(%arg22 : memref<!tpu.dma_semaphore, #tpu.memory_space<semaphore_mem>>) src(%arg3 : memref<128xf32, #tpu.memory_space<hbm>>) dst(%dma_wait3A_656 : memref<128xf32, #tpu.memory_space<vmem>>)
    %dma_wait3A_657 = arith.constant 25 : i32
    %dma_wait3A_658 = arith.constant 0 : i32
    %dma_wait3A_659 = tpu.memref_slice %arg19[%dma_wait3A_657, %dma_wait3A_658] : memref<52x128xf32, #tpu.memory_space<vmem>> -> memref<1x128xf32, #tpu.memory_space<vmem>>
    %dma_wait3A_660 = tpu.memref_squeeze %dma_wait3A_659 : memref<1x128xf32, #tpu.memory_space<vmem>> -> memref<128xf32, #tpu.memory_space<vmem>>
    %dma_wait3A_661 = arith.constant 0 : i32
    %dma_wait3A_662 = tpu.memref_slice %arg19[%dma_wait3A_657, %dma_wait3A_661] : memref<52x128xf32, #tpu.memory_space<vmem>> -> memref<1x128xf32, #tpu.memory_space<vmem>>
    %dma_wait3A_663 = tpu.memref_squeeze %dma_wait3A_662 : memref<1x128xf32, #tpu.memory_space<vmem>> -> memref<128xf32, #tpu.memory_space<vmem>>
    tpu.wait_dma2 semaphore(%arg22 : memref<!tpu.dma_semaphore, #tpu.memory_space<semaphore_mem>>) src(%arg3 : memref<128xf32, #tpu.memory_space<hbm>>) dst(%dma_wait3A_663 : memref<128xf32, #tpu.memory_space<vmem>>)
    %dma_wait3A_664 = arith.constant 29 : i32
    %dma_wait3A_665 = arith.constant 0 : i32
    %dma_wait3A_666 = tpu.memref_slice %arg19[%dma_wait3A_664, %dma_wait3A_665] : memref<52x128xf32, #tpu.memory_space<vmem>> -> memref<1x128xf32, #tpu.memory_space<vmem>>
    %dma_wait3A_667 = tpu.memref_squeeze %dma_wait3A_666 : memref<1x128xf32, #tpu.memory_space<vmem>> -> memref<128xf32, #tpu.memory_space<vmem>>
    %dma_wait3A_668 = arith.constant 0 : i32
    %dma_wait3A_669 = tpu.memref_slice %arg19[%dma_wait3A_664, %dma_wait3A_668] : memref<52x128xf32, #tpu.memory_space<vmem>> -> memref<1x128xf32, #tpu.memory_space<vmem>>
    %dma_wait3A_670 = tpu.memref_squeeze %dma_wait3A_669 : memref<1x128xf32, #tpu.memory_space<vmem>> -> memref<128xf32, #tpu.memory_space<vmem>>
    tpu.wait_dma2 semaphore(%arg22 : memref<!tpu.dma_semaphore, #tpu.memory_space<semaphore_mem>>) src(%arg3 : memref<128xf32, #tpu.memory_space<hbm>>) dst(%dma_wait3A_670 : memref<128xf32, #tpu.memory_space<vmem>>)
    %dma_wait3A_671 = arith.constant 33 : i32
    %dma_wait3A_672 = arith.constant 0 : i32
    %dma_wait3A_673 = tpu.memref_slice %arg19[%dma_wait3A_671, %dma_wait3A_672] : memref<52x128xf32, #tpu.memory_space<vmem>> -> memref<1x128xf32, #tpu.memory_space<vmem>>
    %dma_wait3A_674 = tpu.memref_squeeze %dma_wait3A_673 : memref<1x128xf32, #tpu.memory_space<vmem>> -> memref<128xf32, #tpu.memory_space<vmem>>
    %dma_wait3A_675 = arith.constant 0 : i32
    %dma_wait3A_676 = tpu.memref_slice %arg19[%dma_wait3A_671, %dma_wait3A_675] : memref<52x128xf32, #tpu.memory_space<vmem>> -> memref<1x128xf32, #tpu.memory_space<vmem>>
    %dma_wait3A_677 = tpu.memref_squeeze %dma_wait3A_676 : memref<1x128xf32, #tpu.memory_space<vmem>> -> memref<128xf32, #tpu.memory_space<vmem>>
    tpu.wait_dma2 semaphore(%arg22 : memref<!tpu.dma_semaphore, #tpu.memory_space<semaphore_mem>>) src(%arg3 : memref<128xf32, #tpu.memory_space<hbm>>) dst(%dma_wait3A_677 : memref<128xf32, #tpu.memory_space<vmem>>)
    %dma_wait3A_678 = arith.constant 37 : i32
    %dma_wait3A_679 = arith.constant 0 : i32
    %dma_wait3A_680 = tpu.memref_slice %arg19[%dma_wait3A_678, %dma_wait3A_679] : memref<52x128xf32, #tpu.memory_space<vmem>> -> memref<1x128xf32, #tpu.memory_space<vmem>>
    %dma_wait3A_681 = tpu.memref_squeeze %dma_wait3A_680 : memref<1x128xf32, #tpu.memory_space<vmem>> -> memref<128xf32, #tpu.memory_space<vmem>>
    %dma_wait3A_682 = arith.constant 0 : i32
    %dma_wait3A_683 = tpu.memref_slice %arg19[%dma_wait3A_678, %dma_wait3A_682] : memref<52x128xf32, #tpu.memory_space<vmem>> -> memref<1x128xf32, #tpu.memory_space<vmem>>
    %dma_wait3A_684 = tpu.memref_squeeze %dma_wait3A_683 : memref<1x128xf32, #tpu.memory_space<vmem>> -> memref<128xf32, #tpu.memory_space<vmem>>
    tpu.wait_dma2 semaphore(%arg22 : memref<!tpu.dma_semaphore, #tpu.memory_space<semaphore_mem>>) src(%arg3 : memref<128xf32, #tpu.memory_space<hbm>>) dst(%dma_wait3A_684 : memref<128xf32, #tpu.memory_space<vmem>>)
    %dma_wait3A_685 = arith.constant 41 : i32
    %dma_wait3A_686 = arith.constant 0 : i32
    %dma_wait3A_687 = tpu.memref_slice %arg19[%dma_wait3A_685, %dma_wait3A_686] : memref<52x128xf32, #tpu.memory_space<vmem>> -> memref<1x128xf32, #tpu.memory_space<vmem>>
    %dma_wait3A_688 = tpu.memref_squeeze %dma_wait3A_687 : memref<1x128xf32, #tpu.memory_space<vmem>> -> memref<128xf32, #tpu.memory_space<vmem>>
    %dma_wait3A_689 = arith.constant 0 : i32
    %dma_wait3A_690 = tpu.memref_slice %arg19[%dma_wait3A_685, %dma_wait3A_689] : memref<52x128xf32, #tpu.memory_space<vmem>> -> memref<1x128xf32, #tpu.memory_space<vmem>>
    %dma_wait3A_691 = tpu.memref_squeeze %dma_wait3A_690 : memref<1x128xf32, #tpu.memory_space<vmem>> -> memref<128xf32, #tpu.memory_space<vmem>>
    tpu.wait_dma2 semaphore(%arg22 : memref<!tpu.dma_semaphore, #tpu.memory_space<semaphore_mem>>) src(%arg3 : memref<128xf32, #tpu.memory_space<hbm>>) dst(%dma_wait3A_691 : memref<128xf32, #tpu.memory_space<vmem>>)
    %dma_wait3A_692 = arith.constant 45 : i32
    %dma_wait3A_693 = arith.constant 0 : i32
    %dma_wait3A_694 = tpu.memref_slice %arg19[%dma_wait3A_692, %dma_wait3A_693] : memref<52x128xf32, #tpu.memory_space<vmem>> -> memref<1x128xf32, #tpu.memory_space<vmem>>
    %dma_wait3A_695 = tpu.memref_squeeze %dma_wait3A_694 : memref<1x128xf32, #tpu.memory_space<vmem>> -> memref<128xf32, #tpu.memory_space<vmem>>
    %dma_wait3A_696 = arith.constant 0 : i32
    %dma_wait3A_697 = tpu.memref_slice %arg19[%dma_wait3A_692, %dma_wait3A_696] : memref<52x128xf32, #tpu.memory_space<vmem>> -> memref<1x128xf32, #tpu.memory_space<vmem>>
    %dma_wait3A_698 = tpu.memref_squeeze %dma_wait3A_697 : memref<1x128xf32, #tpu.memory_space<vmem>> -> memref<128xf32, #tpu.memory_space<vmem>>
    tpu.wait_dma2 semaphore(%arg22 : memref<!tpu.dma_semaphore, #tpu.memory_space<semaphore_mem>>) src(%arg3 : memref<128xf32, #tpu.memory_space<hbm>>) dst(%dma_wait3A_698 : memref<128xf32, #tpu.memory_space<vmem>>)
    %dma_wait3A_699 = arith.constant 49 : i32
    %dma_wait3A_700 = arith.constant 0 : i32
    %dma_wait3A_701 = tpu.memref_slice %arg19[%dma_wait3A_699, %dma_wait3A_700] : memref<52x128xf32, #tpu.memory_space<vmem>> -> memref<1x128xf32, #tpu.memory_space<vmem>>
    %dma_wait3A_702 = tpu.memref_squeeze %dma_wait3A_701 : memref<1x128xf32, #tpu.memory_space<vmem>> -> memref<128xf32, #tpu.memory_space<vmem>>
    %dma_wait3A_703 = arith.constant 0 : i32
    %dma_wait3A_704 = tpu.memref_slice %arg19[%dma_wait3A_699, %dma_wait3A_703] : memref<52x128xf32, #tpu.memory_space<vmem>> -> memref<1x128xf32, #tpu.memory_space<vmem>>
    %dma_wait3A_705 = tpu.memref_squeeze %dma_wait3A_704 : memref<1x128xf32, #tpu.memory_space<vmem>> -> memref<128xf32, #tpu.memory_space<vmem>>
    tpu.wait_dma2 semaphore(%arg22 : memref<!tpu.dma_semaphore, #tpu.memory_space<semaphore_mem>>) src(%arg3 : memref<128xf32, #tpu.memory_space<hbm>>) dst(%dma_wait3A_705 : memref<128xf32, #tpu.memory_space<vmem>>)
    %scan3A_706 = arith.constant 0 : i32
    %scan3A_707 = arith.constant 0 : i32
    %scan3A_708 = arith.constant 8 : i32
    %scan3A_709 = arith.addi %scan3A_707, %scan3A_708 : i32
    %scan3A_710 = arith.constant 1 : i32
    scf.for %scan3A_908 = %scan3A_707 to %scan3A_709 step %scan3A_710  : i32 {
      %mul3A_909 = arith.constant 16 : i32
      %mul3A_910 = arith.muli %scan3A_908, %mul3A_909 : i32
      %get3A = arith.constant 1 : i32
      %get3A_911 = arith.index_cast %get3A : i32 to index
      %get3A_912 = arith.index_cast %mul3A_910 : i32 to index
      %get3A_913 = tpu.vector_load %arg19[%get3A_911, %get3A_912] {strides = array<i32>} : memref<52x128xf32, #tpu.memory_space<vmem>>, vector<1x16xf32>,
      %get3A_914 = vector.shape_cast %get3A_913 : vector<1x16xf32> to vector<16xf32>
      %get3A_915 = arith.constant 5 : i32
      %get3A_916 = arith.index_cast %get3A_915 : i32 to index
      %get3A_917 = arith.index_cast %mul3A_910 : i32 to index
      %get3A_918 = tpu.vector_load %arg19[%get3A_916, %get3A_917] {strides = array<i32>} : memref<52x128xf32, #tpu.memory_space<vmem>>, vector<1x16xf32>,
      %get3A_919 = vector.shape_cast %get3A_918 : vector<1x16xf32> to vector<16xf32>
      %add3A_920 = arith.addf %get3A_914, %get3A_919 : vector<16xf32>
      %get3A_921 = arith.constant 9 : i32
      %get3A_922 = arith.index_cast %get3A_921 : i32 to index
      %get3A_923 = arith.index_cast %mul3A_910 : i32 to index
      %get3A_924 = tpu.vector_load %arg19[%get3A_922, %get3A_923] {strides = array<i32>} : memref<52x128xf32, #tpu.memory_space<vmem>>, vector<1x16xf32>,
      %get3A_925 = vector.shape_cast %get3A_924 : vector<1x16xf32> to vector<16xf32>
      %add3A_926 = arith.addf %add3A_920, %get3A_925 : vector<16xf32>
      %get3A_927 = arith.constant 13 : i32
      %get3A_928 = arith.index_cast %get3A_927 : i32 to index
      %get3A_929 = arith.index_cast %mul3A_910 : i32 to index
      %get3A_930 = tpu.vector_load %arg19[%get3A_928, %get3A_929] {strides = array<i32>} : memref<52x128xf32, #tpu.memory_space<vmem>>, vector<1x16xf32>,
      %get3A_931 = vector.shape_cast %get3A_930 : vector<1x16xf32> to vector<16xf32>
      %add3A_932 = arith.addf %add3A_926, %get3A_931 : vector<16xf32>
      %get3A_933 = arith.constant 17 : i32
      %get3A_934 = arith.index_cast %get3A_933 : i32 to index
      %get3A_935 = arith.index_cast %mul3A_910 : i32 to index
      %get3A_936 = tpu.vector_load %arg19[%get3A_934, %get3A_935] {strides = array<i32>} : memref<52x128xf32, #tpu.memory_space<vmem>>, vector<1x16xf32>,
      %get3A_937 = vector.shape_cast %get3A_936 : vector<1x16xf32> to vector<16xf32>
      %add3A_938 = arith.addf %add3A_932, %get3A_937 : vector<16xf32>
      %get3A_939 = arith.constant 21 : i32
      %get3A_940 = arith.index_cast %get3A_939 : i32 to index
      %get3A_941 = arith.index_cast %mul3A_910 : i32 to index
      %get3A_942 = tpu.vector_load %arg19[%get3A_940, %get3A_941] {strides = array<i32>} : memref<52x128xf32, #tpu.memory_space<vmem>>, vector<1x16xf32>,
      %get3A_943 = vector.shape_cast %get3A_942 : vector<1x16xf32> to vector<16xf32>
      %add3A_944 = arith.addf %add3A_938, %get3A_943 : vector<16xf32>
      %get3A_945 = arith.constant 25 : i32
      %get3A_946 = arith.index_cast %get3A_945 : i32 to index
      %get3A_947 = arith.index_cast %mul3A_910 : i32 to index
      %get3A_948 = tpu.vector_load %arg19[%get3A_946, %get3A_947] {strides = array<i32>} : memref<52x128xf32, #tpu.memory_space<vmem>>, vector<1x16xf32>,
      %get3A_949 = vector.shape_cast %get3A_948 : vector<1x16xf32> to vector<16xf32>
      %add3A_950 = arith.addf %add3A_944, %get3A_949 : vector<16xf32>
      %get3A_951 = arith.constant 29 : i32
      %get3A_952 = arith.index_cast %get3A_951 : i32 to index
      %get3A_953 = arith.index_cast %mul3A_910 : i32 to index
      %get3A_954 = tpu.vector_load %arg19[%get3A_952, %get3A_953] {strides = array<i32>} : memref<52x128xf32, #tpu.memory_space<vmem>>, vector<1x16xf32>,
      %get3A_955 = vector.shape_cast %get3A_954 : vector<1x16xf32> to vector<16xf32>
      %add3A_956 = arith.addf %add3A_950, %get3A_955 : vector<16xf32>
      %get3A_957 = arith.constant 33 : i32
      %get3A_958 = arith.index_cast %get3A_957 : i32 to index
      %get3A_959 = arith.index_cast %mul3A_910 : i32 to index
      %get3A_960 = tpu.vector_load %arg19[%get3A_958, %get3A_959] {strides = array<i32>} : memref<52x128xf32, #tpu.memory_space<vmem>>, vector<1x16xf32>,
      %get3A_961 = vector.shape_cast %get3A_960 : vector<1x16xf32> to vector<16xf32>
      %add3A_962 = arith.addf %add3A_956, %get3A_961 : vector<16xf32>
      %get3A_963 = arith.constant 37 : i32
      %get3A_964 = arith.index_cast %get3A_963 : i32 to index
      %get3A_965 = arith.index_cast %mul3A_910 : i32 to index
      %get3A_966 = tpu.vector_load %arg19[%get3A_964, %get3A_965] {strides = array<i32>} : memref<52x128xf32, #tpu.memory_space<vmem>>, vector<1x16xf32>,
      %get3A_967 = vector.shape_cast %get3A_966 : vector<1x16xf32> to vector<16xf32>
      %add3A_968 = arith.addf %add3A_962, %get3A_967 : vector<16xf32>
      %get3A_969 = arith.constant 41 : i32
      %get3A_970 = arith.index_cast %get3A_969 : i32 to index
      %get3A_971 = arith.index_cast %mul3A_910 : i32 to index
      %get3A_972 = tpu.vector_load %arg19[%get3A_970, %get3A_971] {strides = array<i32>} : memref<52x128xf32, #tpu.memory_space<vmem>>, vector<1x16xf32>,
      %get3A_973 = vector.shape_cast %get3A_972 : vector<1x16xf32> to vector<16xf32>
      %add3A_974 = arith.addf %add3A_968, %get3A_973 : vector<16xf32>
      %get3A_975 = arith.constant 45 : i32
      %get3A_976 = arith.index_cast %get3A_975 : i32 to index
      %get3A_977 = arith.index_cast %mul3A_910 : i32 to index
      %get3A_978 = tpu.vector_load %arg19[%get3A_976, %get3A_977] {strides = array<i32>} : memref<52x128xf32, #tpu.memory_space<vmem>>, vector<1x16xf32>,
      %get3A_979 = vector.shape_cast %get3A_978 : vector<1x16xf32> to vector<16xf32>
      %add3A_980 = arith.addf %add3A_974, %get3A_979 : vector<16xf32>
      %get3A_981 = arith.constant 49 : i32
      %get3A_982 = arith.index_cast %get3A_981 : i32 to index
      %get3A_983 = arith.index_cast %mul3A_910 : i32 to index
      %get3A_984 = tpu.vector_load %arg19[%get3A_982, %get3A_983] {strides = array<i32>} : memref<52x128xf32, #tpu.memory_space<vmem>>, vector<1x16xf32>,
      %get3A_985 = vector.shape_cast %get3A_984 : vector<1x16xf32> to vector<16xf32>
      %add3A_986 = arith.addf %add3A_980, %get3A_985 : vector<16xf32>
      %mul3A_987 = arith.constant 16 : i32
      %mul3A_988 = arith.muli %scan3A_908, %mul3A_987 : i32
      %add3A_989 = arith.constant 128 : i32
      %add3A_990 = arith.addi %add3A_989, %mul3A_988 : i32
      %swap3A = arith.index_cast %add3A_990 : i32 to index
      %swap3A_991 = tpu.vector_load %arg20[%swap3A] {strides = array<i32>} : memref<512xf32, #tpu.memory_space<vmem>>, vector<16xf32>,
      %swap3A_992 = vector.shape_cast %swap3A_991 : vector<16xf32> to vector<16xf32>
      %swap3A_993 = vector.shape_cast %add3A_986 : vector<16xf32> to vector<16xf32>
      tpu.vector_store %arg20[%swap3A], %swap3A_993 {strides = array<i32>} : memref<512xf32, #tpu.memory_space<vmem>>, vector<16xf32>,
    }
    %scan3A_711 = arith.constant 8 : i32
    %dma_wait3A_712 = arith.constant 2 : i32
    %dma_wait3A_713 = arith.constant 0 : i32
    %dma_wait3A_714 = tpu.memref_slice %arg19[%dma_wait3A_712, %dma_wait3A_713] : memref<52x128xf32, #tpu.memory_space<vmem>> -> memref<1x128xf32, #tpu.memory_space<vmem>>
    %dma_wait3A_715 = tpu.memref_squeeze %dma_wait3A_714 : memref<1x128xf32, #tpu.memory_space<vmem>> -> memref<128xf32, #tpu.memory_space<vmem>>
    %dma_wait3A_716 = arith.constant 0 : i32
    %dma_wait3A_717 = tpu.memref_slice %arg19[%dma_wait3A_712, %dma_wait3A_716] : memref<52x128xf32, #tpu.memory_space<vmem>> -> memref<1x128xf32, #tpu.memory_space<vmem>>
    %dma_wait3A_718 = tpu.memref_squeeze %dma_wait3A_717 : memref<1x128xf32, #tpu.memory_space<vmem>> -> memref<128xf32, #tpu.memory_space<vmem>>
    tpu.wait_dma2 semaphore(%arg23 : memref<!tpu.dma_semaphore, #tpu.memory_space<semaphore_mem>>) src(%arg3 : memref<128xf32, #tpu.memory_space<hbm>>) dst(%dma_wait3A_718 : memref<128xf32, #tpu.memory_space<vmem>>)
    %dma_wait3A_719 = arith.constant 6 : i32
    %dma_wait3A_720 = arith.constant 0 : i32
    %dma_wait3A_721 = tpu.memref_slice %arg19[%dma_wait3A_719, %dma_wait3A_720] : memref<52x128xf32, #tpu.memory_space<vmem>> -> memref<1x128xf32, #tpu.memory_space<vmem>>
    %dma_wait3A_722 = tpu.memref_squeeze %dma_wait3A_721 : memref<1x128xf32, #tpu.memory_space<vmem>> -> memref<128xf32, #tpu.memory_space<vmem>>
    %dma_wait3A_723 = arith.constant 0 : i32
    %dma_wait3A_724 = tpu.memref_slice %arg19[%dma_wait3A_719, %dma_wait3A_723] : memref<52x128xf32, #tpu.memory_space<vmem>> -> memref<1x128xf32, #tpu.memory_space<vmem>>
    %dma_wait3A_725 = tpu.memref_squeeze %dma_wait3A_724 : memref<1x128xf32, #tpu.memory_space<vmem>> -> memref<128xf32, #tpu.memory_space<vmem>>
    tpu.wait_dma2 semaphore(%arg23 : memref<!tpu.dma_semaphore, #tpu.memory_space<semaphore_mem>>) src(%arg3 : memref<128xf32, #tpu.memory_space<hbm>>) dst(%dma_wait3A_725 : memref<128xf32, #tpu.memory_space<vmem>>)
    %dma_wait3A_726 = arith.constant 10 : i32
    %dma_wait3A_727 = arith.constant 0 : i32
    %dma_wait3A_728 = tpu.memref_slice %arg19[%dma_wait3A_726, %dma_wait3A_727] : memref<52x128xf32, #tpu.memory_space<vmem>> -> memref<1x128xf32, #tpu.memory_space<vmem>>
    %dma_wait3A_729 = tpu.memref_squeeze %dma_wait3A_728 : memref<1x128xf32, #tpu.memory_space<vmem>> -> memref<128xf32, #tpu.memory_space<vmem>>
    %dma_wait3A_730 = arith.constant 0 : i32
    %dma_wait3A_731 = tpu.memref_slice %arg19[%dma_wait3A_726, %dma_wait3A_730] : memref<52x128xf32, #tpu.memory_space<vmem>> -> memref<1x128xf32, #tpu.memory_space<vmem>>
    %dma_wait3A_732 = tpu.memref_squeeze %dma_wait3A_731 : memref<1x128xf32, #tpu.memory_space<vmem>> -> memref<128xf32, #tpu.memory_space<vmem>>
    tpu.wait_dma2 semaphore(%arg23 : memref<!tpu.dma_semaphore, #tpu.memory_space<semaphore_mem>>) src(%arg3 : memref<128xf32, #tpu.memory_space<hbm>>) dst(%dma_wait3A_732 : memref<128xf32, #tpu.memory_space<vmem>>)
    %dma_wait3A_733 = arith.constant 14 : i32
    %dma_wait3A_734 = arith.constant 0 : i32
    %dma_wait3A_735 = tpu.memref_slice %arg19[%dma_wait3A_733, %dma_wait3A_734] : memref<52x128xf32, #tpu.memory_space<vmem>> -> memref<1x128xf32, #tpu.memory_space<vmem>>
    %dma_wait3A_736 = tpu.memref_squeeze %dma_wait3A_735 : memref<1x128xf32, #tpu.memory_space<vmem>> -> memref<128xf32, #tpu.memory_space<vmem>>
    %dma_wait3A_737 = arith.constant 0 : i32
    %dma_wait3A_738 = tpu.memref_slice %arg19[%dma_wait3A_733, %dma_wait3A_737] : memref<52x128xf32, #tpu.memory_space<vmem>> -> memref<1x128xf32, #tpu.memory_space<vmem>>
    %dma_wait3A_739 = tpu.memref_squeeze %dma_wait3A_738 : memref<1x128xf32, #tpu.memory_space<vmem>> -> memref<128xf32, #tpu.memory_space<vmem>>
    tpu.wait_dma2 semaphore(%arg23 : memref<!tpu.dma_semaphore, #tpu.memory_space<semaphore_mem>>) src(%arg3 : memref<128xf32, #tpu.memory_space<hbm>>) dst(%dma_wait3A_739 : memref<128xf32, #tpu.memory_space<vmem>>)
    %dma_wait3A_740 = arith.constant 18 : i32
    %dma_wait3A_741 = arith.constant 0 : i32
    %dma_wait3A_742 = tpu.memref_slice %arg19[%dma_wait3A_740, %dma_wait3A_741] : memref<52x128xf32, #tpu.memory_space<vmem>> -> memref<1x128xf32, #tpu.memory_space<vmem>>
    %dma_wait3A_743 = tpu.memref_squeeze %dma_wait3A_742 : memref<1x128xf32, #tpu.memory_space<vmem>> -> memref<128xf32, #tpu.memory_space<vmem>>
    %dma_wait3A_744 = arith.constant 0 : i32
    %dma_wait3A_745 = tpu.memref_slice %arg19[%dma_wait3A_740, %dma_wait3A_744] : memref<52x128xf32, #tpu.memory_space<vmem>> -> memref<1x128xf32, #tpu.memory_space<vmem>>
    %dma_wait3A_746 = tpu.memref_squeeze %dma_wait3A_745 : memref<1x128xf32, #tpu.memory_space<vmem>> -> memref<128xf32, #tpu.memory_space<vmem>>
    tpu.wait_dma2 semaphore(%arg23 : memref<!tpu.dma_semaphore, #tpu.memory_space<semaphore_mem>>) src(%arg3 : memref<128xf32, #tpu.memory_space<hbm>>) dst(%dma_wait3A_746 : memref<128xf32, #tpu.memory_space<vmem>>)
    %dma_wait3A_747 = arith.constant 22 : i32
    %dma_wait3A_748 = arith.constant 0 : i32
    %dma_wait3A_749 = tpu.memref_slice %arg19[%dma_wait3A_747, %dma_wait3A_748] : memref<52x128xf32, #tpu.memory_space<vmem>> -> memref<1x128xf32, #tpu.memory_space<vmem>>
    %dma_wait3A_750 = tpu.memref_squeeze %dma_wait3A_749 : memref<1x128xf32, #tpu.memory_space<vmem>> -> memref<128xf32, #tpu.memory_space<vmem>>
    %dma_wait3A_751 = arith.constant 0 : i32
    %dma_wait3A_752 = tpu.memref_slice %arg19[%dma_wait3A_747, %dma_wait3A_751] : memref<52x128xf32, #tpu.memory_space<vmem>> -> memref<1x128xf32, #tpu.memory_space<vmem>>
    %dma_wait3A_753 = tpu.memref_squeeze %dma_wait3A_752 : memref<1x128xf32, #tpu.memory_space<vmem>> -> memref<128xf32, #tpu.memory_space<vmem>>
    tpu.wait_dma2 semaphore(%arg23 : memref<!tpu.dma_semaphore, #tpu.memory_space<semaphore_mem>>) src(%arg3 : memref<128xf32, #tpu.memory_space<hbm>>) dst(%dma_wait3A_753 : memref<128xf32, #tpu.memory_space<vmem>>)
    %dma_wait3A_754 = arith.constant 26 : i32
    %dma_wait3A_755 = arith.constant 0 : i32
    %dma_wait3A_756 = tpu.memref_slice %arg19[%dma_wait3A_754, %dma_wait3A_755] : memref<52x128xf32, #tpu.memory_space<vmem>> -> memref<1x128xf32, #tpu.memory_space<vmem>>
    %dma_wait3A_757 = tpu.memref_squeeze %dma_wait3A_756 : memref<1x128xf32, #tpu.memory_space<vmem>> -> memref<128xf32, #tpu.memory_space<vmem>>
    %dma_wait3A_758 = arith.constant 0 : i32
    %dma_wait3A_759 = tpu.memref_slice %arg19[%dma_wait3A_754, %dma_wait3A_758] : memref<52x128xf32, #tpu.memory_space<vmem>> -> memref<1x128xf32, #tpu.memory_space<vmem>>
    %dma_wait3A_760 = tpu.memref_squeeze %dma_wait3A_759 : memref<1x128xf32, #tpu.memory_space<vmem>> -> memref<128xf32, #tpu.memory_space<vmem>>
    tpu.wait_dma2 semaphore(%arg23 : memref<!tpu.dma_semaphore, #tpu.memory_space<semaphore_mem>>) src(%arg3 : memref<128xf32, #tpu.memory_space<hbm>>) dst(%dma_wait3A_760 : memref<128xf32, #tpu.memory_space<vmem>>)
    %dma_wait3A_761 = arith.constant 30 : i32
    %dma_wait3A_762 = arith.constant 0 : i32
    %dma_wait3A_763 = tpu.memref_slice %arg19[%dma_wait3A_761, %dma_wait3A_762] : memref<52x128xf32, #tpu.memory_space<vmem>> -> memref<1x128xf32, #tpu.memory_space<vmem>>
    %dma_wait3A_764 = tpu.memref_squeeze %dma_wait3A_763 : memref<1x128xf32, #tpu.memory_space<vmem>> -> memref<128xf32, #tpu.memory_space<vmem>>
    %dma_wait3A_765 = arith.constant 0 : i32
    %dma_wait3A_766 = tpu.memref_slice %arg19[%dma_wait3A_761, %dma_wait3A_765] : memref<52x128xf32, #tpu.memory_space<vmem>> -> memref<1x128xf32, #tpu.memory_space<vmem>>
    %dma_wait3A_767 = tpu.memref_squeeze %dma_wait3A_766 : memref<1x128xf32, #tpu.memory_space<vmem>> -> memref<128xf32, #tpu.memory_space<vmem>>
    tpu.wait_dma2 semaphore(%arg23 : memref<!tpu.dma_semaphore, #tpu.memory_space<semaphore_mem>>) src(%arg3 : memref<128xf32, #tpu.memory_space<hbm>>) dst(%dma_wait3A_767 : memref<128xf32, #tpu.memory_space<vmem>>)
    %dma_wait3A_768 = arith.constant 34 : i32
    %dma_wait3A_769 = arith.constant 0 : i32
    %dma_wait3A_770 = tpu.memref_slice %arg19[%dma_wait3A_768, %dma_wait3A_769] : memref<52x128xf32, #tpu.memory_space<vmem>> -> memref<1x128xf32, #tpu.memory_space<vmem>>
    %dma_wait3A_771 = tpu.memref_squeeze %dma_wait3A_770 : memref<1x128xf32, #tpu.memory_space<vmem>> -> memref<128xf32, #tpu.memory_space<vmem>>
    %dma_wait3A_772 = arith.constant 0 : i32
    %dma_wait3A_773 = tpu.memref_slice %arg19[%dma_wait3A_768, %dma_wait3A_772] : memref<52x128xf32, #tpu.memory_space<vmem>> -> memref<1x128xf32, #tpu.memory_space<vmem>>
    %dma_wait3A_774 = tpu.memref_squeeze %dma_wait3A_773 : memref<1x128xf32, #tpu.memory_space<vmem>> -> memref<128xf32, #tpu.memory_space<vmem>>
    tpu.wait_dma2 semaphore(%arg23 : memref<!tpu.dma_semaphore, #tpu.memory_space<semaphore_mem>>) src(%arg3 : memref<128xf32, #tpu.memory_space<hbm>>) dst(%dma_wait3A_774 : memref<128xf32, #tpu.memory_space<vmem>>)
    %dma_wait3A_775 = arith.constant 38 : i32
    %dma_wait3A_776 = arith.constant 0 : i32
    %dma_wait3A_777 = tpu.memref_slice %arg19[%dma_wait3A_775, %dma_wait3A_776] : memref<52x128xf32, #tpu.memory_space<vmem>> -> memref<1x128xf32, #tpu.memory_space<vmem>>
    %dma_wait3A_778 = tpu.memref_squeeze %dma_wait3A_777 : memref<1x128xf32, #tpu.memory_space<vmem>> -> memref<128xf32, #tpu.memory_space<vmem>>
    %dma_wait3A_779 = arith.constant 0 : i32
    %dma_wait3A_780 = tpu.memref_slice %arg19[%dma_wait3A_775, %dma_wait3A_779] : memref<52x128xf32, #tpu.memory_space<vmem>> -> memref<1x128xf32, #tpu.memory_space<vmem>>
    %dma_wait3A_781 = tpu.memref_squeeze %dma_wait3A_780 : memref<1x128xf32, #tpu.memory_space<vmem>> -> memref<128xf32, #tpu.memory_space<vmem>>
    tpu.wait_dma2 semaphore(%arg23 : memref<!tpu.dma_semaphore, #tpu.memory_space<semaphore_mem>>) src(%arg3 : memref<128xf32, #tpu.memory_space<hbm>>) dst(%dma_wait3A_781 : memref<128xf32, #tpu.memory_space<vmem>>)
    %dma_wait3A_782 = arith.constant 42 : i32
    %dma_wait3A_783 = arith.constant 0 : i32
    %dma_wait3A_784 = tpu.memref_slice %arg19[%dma_wait3A_782, %dma_wait3A_783] : memref<52x128xf32, #tpu.memory_space<vmem>> -> memref<1x128xf32, #tpu.memory_space<vmem>>
    %dma_wait3A_785 = tpu.memref_squeeze %dma_wait3A_784 : memref<1x128xf32, #tpu.memory_space<vmem>> -> memref<128xf32, #tpu.memory_space<vmem>>
    %dma_wait3A_786 = arith.constant 0 : i32
    %dma_wait3A_787 = tpu.memref_slice %arg19[%dma_wait3A_782, %dma_wait3A_786] : memref<52x128xf32, #tpu.memory_space<vmem>> -> memref<1x128xf32, #tpu.memory_space<vmem>>
    %dma_wait3A_788 = tpu.memref_squeeze %dma_wait3A_787 : memref<1x128xf32, #tpu.memory_space<vmem>> -> memref<128xf32, #tpu.memory_space<vmem>>
    tpu.wait_dma2 semaphore(%arg23 : memref<!tpu.dma_semaphore, #tpu.memory_space<semaphore_mem>>) src(%arg3 : memref<128xf32, #tpu.memory_space<hbm>>) dst(%dma_wait3A_788 : memref<128xf32, #tpu.memory_space<vmem>>)
    %dma_wait3A_789 = arith.constant 46 : i32
    %dma_wait3A_790 = arith.constant 0 : i32
    %dma_wait3A_791 = tpu.memref_slice %arg19[%dma_wait3A_789, %dma_wait3A_790] : memref<52x128xf32, #tpu.memory_space<vmem>> -> memref<1x128xf32, #tpu.memory_space<vmem>>
    %dma_wait3A_792 = tpu.memref_squeeze %dma_wait3A_791 : memref<1x128xf32, #tpu.memory_space<vmem>> -> memref<128xf32, #tpu.memory_space<vmem>>
    %dma_wait3A_793 = arith.constant 0 : i32
    %dma_wait3A_794 = tpu.memref_slice %arg19[%dma_wait3A_789, %dma_wait3A_793] : memref<52x128xf32, #tpu.memory_space<vmem>> -> memref<1x128xf32, #tpu.memory_space<vmem>>
    %dma_wait3A_795 = tpu.memref_squeeze %dma_wait3A_794 : memref<1x128xf32, #tpu.memory_space<vmem>> -> memref<128xf32, #tpu.memory_space<vmem>>
    tpu.wait_dma2 semaphore(%arg23 : memref<!tpu.dma_semaphore, #tpu.memory_space<semaphore_mem>>) src(%arg3 : memref<128xf32, #tpu.memory_space<hbm>>) dst(%dma_wait3A_795 : memref<128xf32, #tpu.memory_space<vmem>>)
    %dma_wait3A_796 = arith.constant 50 : i32
    %dma_wait3A_797 = arith.constant 0 : i32
    %dma_wait3A_798 = tpu.memref_slice %arg19[%dma_wait3A_796, %dma_wait3A_797] : memref<52x128xf32, #tpu.memory_space<vmem>> -> memref<1x128xf32, #tpu.memory_space<vmem>>
    %dma_wait3A_799 = tpu.memref_squeeze %dma_wait3A_798 : memref<1x128xf32, #tpu.memory_space<vmem>> -> memref<128xf32, #tpu.memory_space<vmem>>
    %dma_wait3A_800 = arith.constant 0 : i32
    %dma_wait3A_801 = tpu.memref_slice %arg19[%dma_wait3A_796, %dma_wait3A_800] : memref<52x128xf32, #tpu.memory_space<vmem>> -> memref<1x128xf32, #tpu.memory_space<vmem>>
    %dma_wait3A_802 = tpu.memref_squeeze %dma_wait3A_801 : memref<1x128xf32, #tpu.memory_space<vmem>> -> memref<128xf32, #tpu.memory_space<vmem>>
    tpu.wait_dma2 semaphore(%arg23 : memref<!tpu.dma_semaphore, #tpu.memory_space<semaphore_mem>>) src(%arg3 : memref<128xf32, #tpu.memory_space<hbm>>) dst(%dma_wait3A_802 : memref<128xf32, #tpu.memory_space<vmem>>)
    %scan3A_803 = arith.constant 0 : i32
    %scan3A_804 = arith.constant 0 : i32
    %scan3A_805 = arith.constant 8 : i32
    %scan3A_806 = arith.addi %scan3A_804, %scan3A_805 : i32
    %scan3A_807 = arith.constant 1 : i32
    scf.for %scan3A_908 = %scan3A_804 to %scan3A_806 step %scan3A_807  : i32 {
      %mul3A_909 = arith.constant 16 : i32
      %mul3A_910 = arith.muli %scan3A_908, %mul3A_909 : i32
      %get3A = arith.constant 2 : i32
      %get3A_911 = arith.index_cast %get3A : i32 to index
      %get3A_912 = arith.index_cast %mul3A_910 : i32 to index
      %get3A_913 = tpu.vector_load %arg19[%get3A_911, %get3A_912] {strides = array<i32>} : memref<52x128xf32, #tpu.memory_space<vmem>>, vector<1x16xf32>,
      %get3A_914 = vector.shape_cast %get3A_913 : vector<1x16xf32> to vector<16xf32>
      %get3A_915 = arith.constant 6 : i32
      %get3A_916 = arith.index_cast %get3A_915 : i32 to index
      %get3A_917 = arith.index_cast %mul3A_910 : i32 to index
      %get3A_918 = tpu.vector_load %arg19[%get3A_916, %get3A_917] {strides = array<i32>} : memref<52x128xf32, #tpu.memory_space<vmem>>, vector<1x16xf32>,
      %get3A_919 = vector.shape_cast %get3A_918 : vector<1x16xf32> to vector<16xf32>
      %add3A_920 = arith.addf %get3A_914, %get3A_919 : vector<16xf32>
      %get3A_921 = arith.constant 10 : i32
      %get3A_922 = arith.index_cast %get3A_921 : i32 to index
      %get3A_923 = arith.index_cast %mul3A_910 : i32 to index
      %get3A_924 = tpu.vector_load %arg19[%get3A_922, %get3A_923] {strides = array<i32>} : memref<52x128xf32, #tpu.memory_space<vmem>>, vector<1x16xf32>,
      %get3A_925 = vector.shape_cast %get3A_924 : vector<1x16xf32> to vector<16xf32>
      %add3A_926 = arith.addf %add3A_920, %get3A_925 : vector<16xf32>
      %get3A_927 = arith.constant 14 : i32
      %get3A_928 = arith.index_cast %get3A_927 : i32 to index
      %get3A_929 = arith.index_cast %mul3A_910 : i32 to index
      %get3A_930 = tpu.vector_load %arg19[%get3A_928, %get3A_929] {strides = array<i32>} : memref<52x128xf32, #tpu.memory_space<vmem>>, vector<1x16xf32>,
      %get3A_931 = vector.shape_cast %get3A_930 : vector<1x16xf32> to vector<16xf32>
      %add3A_932 = arith.addf %add3A_926, %get3A_931 : vector<16xf32>
      %get3A_933 = arith.constant 18 : i32
      %get3A_934 = arith.index_cast %get3A_933 : i32 to index
      %get3A_935 = arith.index_cast %mul3A_910 : i32 to index
      %get3A_936 = tpu.vector_load %arg19[%get3A_934, %get3A_935] {strides = array<i32>} : memref<52x128xf32, #tpu.memory_space<vmem>>, vector<1x16xf32>,
      %get3A_937 = vector.shape_cast %get3A_936 : vector<1x16xf32> to vector<16xf32>
      %add3A_938 = arith.addf %add3A_932, %get3A_937 : vector<16xf32>
      %get3A_939 = arith.constant 22 : i32
      %get3A_940 = arith.index_cast %get3A_939 : i32 to index
      %get3A_941 = arith.index_cast %mul3A_910 : i32 to index
      %get3A_942 = tpu.vector_load %arg19[%get3A_940, %get3A_941] {strides = array<i32>} : memref<52x128xf32, #tpu.memory_space<vmem>>, vector<1x16xf32>,
      %get3A_943 = vector.shape_cast %get3A_942 : vector<1x16xf32> to vector<16xf32>
      %add3A_944 = arith.addf %add3A_938, %get3A_943 : vector<16xf32>
      %get3A_945 = arith.constant 26 : i32
      %get3A_946 = arith.index_cast %get3A_945 : i32 to index
      %get3A_947 = arith.index_cast %mul3A_910 : i32 to index
      %get3A_948 = tpu.vector_load %arg19[%get3A_946, %get3A_947] {strides = array<i32>} : memref<52x128xf32, #tpu.memory_space<vmem>>, vector<1x16xf32>,
      %get3A_949 = vector.shape_cast %get3A_948 : vector<1x16xf32> to vector<16xf32>
      %add3A_950 = arith.addf %add3A_944, %get3A_949 : vector<16xf32>
      %get3A_951 = arith.constant 30 : i32
      %get3A_952 = arith.index_cast %get3A_951 : i32 to index
      %get3A_953 = arith.index_cast %mul3A_910 : i32 to index
      %get3A_954 = tpu.vector_load %arg19[%get3A_952, %get3A_953] {strides = array<i32>} : memref<52x128xf32, #tpu.memory_space<vmem>>, vector<1x16xf32>,
      %get3A_955 = vector.shape_cast %get3A_954 : vector<1x16xf32> to vector<16xf32>
      %add3A_956 = arith.addf %add3A_950, %get3A_955 : vector<16xf32>
      %get3A_957 = arith.constant 34 : i32
      %get3A_958 = arith.index_cast %get3A_957 : i32 to index
      %get3A_959 = arith.index_cast %mul3A_910 : i32 to index
      %get3A_960 = tpu.vector_load %arg19[%get3A_958, %get3A_959] {strides = array<i32>} : memref<52x128xf32, #tpu.memory_space<vmem>>, vector<1x16xf32>,
      %get3A_961 = vector.shape_cast %get3A_960 : vector<1x16xf32> to vector<16xf32>
      %add3A_962 = arith.addf %add3A_956, %get3A_961 : vector<16xf32>
      %get3A_963 = arith.constant 38 : i32
      %get3A_964 = arith.index_cast %get3A_963 : i32 to index
      %get3A_965 = arith.index_cast %mul3A_910 : i32 to index
      %get3A_966 = tpu.vector_load %arg19[%get3A_964, %get3A_965] {strides = array<i32>} : memref<52x128xf32, #tpu.memory_space<vmem>>, vector<1x16xf32>,
      %get3A_967 = vector.shape_cast %get3A_966 : vector<1x16xf32> to vector<16xf32>
      %add3A_968 = arith.addf %add3A_962, %get3A_967 : vector<16xf32>
      %get3A_969 = arith.constant 42 : i32
      %get3A_970 = arith.index_cast %get3A_969 : i32 to index
      %get3A_971 = arith.index_cast %mul3A_910 : i32 to index
      %get3A_972 = tpu.vector_load %arg19[%get3A_970, %get3A_971] {strides = array<i32>} : memref<52x128xf32, #tpu.memory_space<vmem>>, vector<1x16xf32>,
      %get3A_973 = vector.shape_cast %get3A_972 : vector<1x16xf32> to vector<16xf32>
      %add3A_974 = arith.addf %add3A_968, %get3A_973 : vector<16xf32>
      %get3A_975 = arith.constant 46 : i32
      %get3A_976 = arith.index_cast %get3A_975 : i32 to index
      %get3A_977 = arith.index_cast %mul3A_910 : i32 to index
      %get3A_978 = tpu.vector_load %arg19[%get3A_976, %get3A_977] {strides = array<i32>} : memref<52x128xf32, #tpu.memory_space<vmem>>, vector<1x16xf32>,
      %get3A_979 = vector.shape_cast %get3A_978 : vector<1x16xf32> to vector<16xf32>
      %add3A_980 = arith.addf %add3A_974, %get3A_979 : vector<16xf32>
      %get3A_981 = arith.constant 50 : i32
      %get3A_982 = arith.index_cast %get3A_981 : i32 to index
      %get3A_983 = arith.index_cast %mul3A_910 : i32 to index
      %get3A_984 = tpu.vector_load %arg19[%get3A_982, %get3A_983] {strides = array<i32>} : memref<52x128xf32, #tpu.memory_space<vmem>>, vector<1x16xf32>,
      %get3A_985 = vector.shape_cast %get3A_984 : vector<1x16xf32> to vector<16xf32>
      %add3A_986 = arith.addf %add3A_980, %get3A_985 : vector<16xf32>
      %mul3A_987 = arith.constant 16 : i32
      %mul3A_988 = arith.muli %scan3A_908, %mul3A_987 : i32
      %add3A_989 = arith.constant 256 : i32
      %add3A_990 = arith.addi %add3A_989, %mul3A_988 : i32
      %swap3A = arith.index_cast %add3A_990 : i32 to index
      %swap3A_991 = tpu.vector_load %arg20[%swap3A] {strides = array<i32>} : memref<512xf32, #tpu.memory_space<vmem>>, vector<16xf32>,
      %swap3A_992 = vector.shape_cast %swap3A_991 : vector<16xf32> to vector<16xf32>
      %swap3A_993 = vector.shape_cast %add3A_986 : vector<16xf32> to vector<16xf32>
      tpu.vector_store %arg20[%swap3A], %swap3A_993 {strides = array<i32>} : memref<512xf32, #tpu.memory_space<vmem>>, vector<16xf32>,
    }
    %scan3A_808 = arith.constant 8 : i32
    %dma_wait3A_809 = arith.constant 3 : i32
    %dma_wait3A_810 = arith.constant 0 : i32
    %dma_wait3A_811 = tpu.memref_slice %arg19[%dma_wait3A_809, %dma_wait3A_810] : memref<52x128xf32, #tpu.memory_space<vmem>> -> memref<1x128xf32, #tpu.memory_space<vmem>>
    %dma_wait3A_812 = tpu.memref_squeeze %dma_wait3A_811 : memref<1x128xf32, #tpu.memory_space<vmem>> -> memref<128xf32, #tpu.memory_space<vmem>>
    %dma_wait3A_813 = arith.constant 0 : i32
    %dma_wait3A_814 = tpu.memref_slice %arg19[%dma_wait3A_809, %dma_wait3A_813] : memref<52x128xf32, #tpu.memory_space<vmem>> -> memref<1x128xf32, #tpu.memory_space<vmem>>
    %dma_wait3A_815 = tpu.memref_squeeze %dma_wait3A_814 : memref<1x128xf32, #tpu.memory_space<vmem>> -> memref<128xf32, #tpu.memory_space<vmem>>
    tpu.wait_dma2 semaphore(%arg24 : memref<!tpu.dma_semaphore, #tpu.memory_space<semaphore_mem>>) src(%arg3 : memref<128xf32, #tpu.memory_space<hbm>>) dst(%dma_wait3A_815 : memref<128xf32, #tpu.memory_space<vmem>>)
    %dma_wait3A_816 = arith.constant 7 : i32
    %dma_wait3A_817 = arith.constant 0 : i32
    %dma_wait3A_818 = tpu.memref_slice %arg19[%dma_wait3A_816, %dma_wait3A_817] : memref<52x128xf32, #tpu.memory_space<vmem>> -> memref<1x128xf32, #tpu.memory_space<vmem>>
    %dma_wait3A_819 = tpu.memref_squeeze %dma_wait3A_818 : memref<1x128xf32, #tpu.memory_space<vmem>> -> memref<128xf32, #tpu.memory_space<vmem>>
    %dma_wait3A_820 = arith.constant 0 : i32
    %dma_wait3A_821 = tpu.memref_slice %arg19[%dma_wait3A_816, %dma_wait3A_820] : memref<52x128xf32, #tpu.memory_space<vmem>> -> memref<1x128xf32, #tpu.memory_space<vmem>>
    %dma_wait3A_822 = tpu.memref_squeeze %dma_wait3A_821 : memref<1x128xf32, #tpu.memory_space<vmem>> -> memref<128xf32, #tpu.memory_space<vmem>>
    tpu.wait_dma2 semaphore(%arg24 : memref<!tpu.dma_semaphore, #tpu.memory_space<semaphore_mem>>) src(%arg3 : memref<128xf32, #tpu.memory_space<hbm>>) dst(%dma_wait3A_822 : memref<128xf32, #tpu.memory_space<vmem>>)
    %dma_wait3A_823 = arith.constant 11 : i32
    %dma_wait3A_824 = arith.constant 0 : i32
    %dma_wait3A_825 = tpu.memref_slice %arg19[%dma_wait3A_823, %dma_wait3A_824] : memref<52x128xf32, #tpu.memory_space<vmem>> -> memref<1x128xf32, #tpu.memory_space<vmem>>
    %dma_wait3A_826 = tpu.memref_squeeze %dma_wait3A_825 : memref<1x128xf32, #tpu.memory_space<vmem>> -> memref<128xf32, #tpu.memory_space<vmem>>
    %dma_wait3A_827 = arith.constant 0 : i32
    %dma_wait3A_828 = tpu.memref_slice %arg19[%dma_wait3A_823, %dma_wait3A_827] : memref<52x128xf32, #tpu.memory_space<vmem>> -> memref<1x128xf32, #tpu.memory_space<vmem>>
    %dma_wait3A_829 = tpu.memref_squeeze %dma_wait3A_828 : memref<1x128xf32, #tpu.memory_space<vmem>> -> memref<128xf32, #tpu.memory_space<vmem>>
    tpu.wait_dma2 semaphore(%arg24 : memref<!tpu.dma_semaphore, #tpu.memory_space<semaphore_mem>>) src(%arg3 : memref<128xf32, #tpu.memory_space<hbm>>) dst(%dma_wait3A_829 : memref<128xf32, #tpu.memory_space<vmem>>)
    %dma_wait3A_830 = arith.constant 15 : i32
    %dma_wait3A_831 = arith.constant 0 : i32
    %dma_wait3A_832 = tpu.memref_slice %arg19[%dma_wait3A_830, %dma_wait3A_831] : memref<52x128xf32, #tpu.memory_space<vmem>> -> memref<1x128xf32, #tpu.memory_space<vmem>>
    %dma_wait3A_833 = tpu.memref_squeeze %dma_wait3A_832 : memref<1x128xf32, #tpu.memory_space<vmem>> -> memref<128xf32, #tpu.memory_space<vmem>>
    %dma_wait3A_834 = arith.constant 0 : i32
    %dma_wait3A_835 = tpu.memref_slice %arg19[%dma_wait3A_830, %dma_wait3A_834] : memref<52x128xf32, #tpu.memory_space<vmem>> -> memref<1x128xf32, #tpu.memory_space<vmem>>
    %dma_wait3A_836 = tpu.memref_squeeze %dma_wait3A_835 : memref<1x128xf32, #tpu.memory_space<vmem>> -> memref<128xf32, #tpu.memory_space<vmem>>
    tpu.wait_dma2 semaphore(%arg24 : memref<!tpu.dma_semaphore, #tpu.memory_space<semaphore_mem>>) src(%arg3 : memref<128xf32, #tpu.memory_space<hbm>>) dst(%dma_wait3A_836 : memref<128xf32, #tpu.memory_space<vmem>>)
    %dma_wait3A_837 = arith.constant 19 : i32
    %dma_wait3A_838 = arith.constant 0 : i32
    %dma_wait3A_839 = tpu.memref_slice %arg19[%dma_wait3A_837, %dma_wait3A_838] : memref<52x128xf32, #tpu.memory_space<vmem>> -> memref<1x128xf32, #tpu.memory_space<vmem>>
    %dma_wait3A_840 = tpu.memref_squeeze %dma_wait3A_839 : memref<1x128xf32, #tpu.memory_space<vmem>> -> memref<128xf32, #tpu.memory_space<vmem>>
    %dma_wait3A_841 = arith.constant 0 : i32
    %dma_wait3A_842 = tpu.memref_slice %arg19[%dma_wait3A_837, %dma_wait3A_841] : memref<52x128xf32, #tpu.memory_space<vmem>> -> memref<1x128xf32, #tpu.memory_space<vmem>>
    %dma_wait3A_843 = tpu.memref_squeeze %dma_wait3A_842 : memref<1x128xf32, #tpu.memory_space<vmem>> -> memref<128xf32, #tpu.memory_space<vmem>>
    tpu.wait_dma2 semaphore(%arg24 : memref<!tpu.dma_semaphore, #tpu.memory_space<semaphore_mem>>) src(%arg3 : memref<128xf32, #tpu.memory_space<hbm>>) dst(%dma_wait3A_843 : memref<128xf32, #tpu.memory_space<vmem>>)
    %dma_wait3A_844 = arith.constant 23 : i32
    %dma_wait3A_845 = arith.constant 0 : i32
    %dma_wait3A_846 = tpu.memref_slice %arg19[%dma_wait3A_844, %dma_wait3A_845] : memref<52x128xf32, #tpu.memory_space<vmem>> -> memref<1x128xf32, #tpu.memory_space<vmem>>
    %dma_wait3A_847 = tpu.memref_squeeze %dma_wait3A_846 : memref<1x128xf32, #tpu.memory_space<vmem>> -> memref<128xf32, #tpu.memory_space<vmem>>
    %dma_wait3A_848 = arith.constant 0 : i32
    %dma_wait3A_849 = tpu.memref_slice %arg19[%dma_wait3A_844, %dma_wait3A_848] : memref<52x128xf32, #tpu.memory_space<vmem>> -> memref<1x128xf32, #tpu.memory_space<vmem>>
    %dma_wait3A_850 = tpu.memref_squeeze %dma_wait3A_849 : memref<1x128xf32, #tpu.memory_space<vmem>> -> memref<128xf32, #tpu.memory_space<vmem>>
    tpu.wait_dma2 semaphore(%arg24 : memref<!tpu.dma_semaphore, #tpu.memory_space<semaphore_mem>>) src(%arg3 : memref<128xf32, #tpu.memory_space<hbm>>) dst(%dma_wait3A_850 : memref<128xf32, #tpu.memory_space<vmem>>)
    %dma_wait3A_851 = arith.constant 27 : i32
    %dma_wait3A_852 = arith.constant 0 : i32
    %dma_wait3A_853 = tpu.memref_slice %arg19[%dma_wait3A_851, %dma_wait3A_852] : memref<52x128xf32, #tpu.memory_space<vmem>> -> memref<1x128xf32, #tpu.memory_space<vmem>>
    %dma_wait3A_854 = tpu.memref_squeeze %dma_wait3A_853 : memref<1x128xf32, #tpu.memory_space<vmem>> -> memref<128xf32, #tpu.memory_space<vmem>>
    %dma_wait3A_855 = arith.constant 0 : i32
    %dma_wait3A_856 = tpu.memref_slice %arg19[%dma_wait3A_851, %dma_wait3A_855] : memref<52x128xf32, #tpu.memory_space<vmem>> -> memref<1x128xf32, #tpu.memory_space<vmem>>
    %dma_wait3A_857 = tpu.memref_squeeze %dma_wait3A_856 : memref<1x128xf32, #tpu.memory_space<vmem>> -> memref<128xf32, #tpu.memory_space<vmem>>
    tpu.wait_dma2 semaphore(%arg24 : memref<!tpu.dma_semaphore, #tpu.memory_space<semaphore_mem>>) src(%arg3 : memref<128xf32, #tpu.memory_space<hbm>>) dst(%dma_wait3A_857 : memref<128xf32, #tpu.memory_space<vmem>>)
    %dma_wait3A_858 = arith.constant 31 : i32
    %dma_wait3A_859 = arith.constant 0 : i32
    %dma_wait3A_860 = tpu.memref_slice %arg19[%dma_wait3A_858, %dma_wait3A_859] : memref<52x128xf32, #tpu.memory_space<vmem>> -> memref<1x128xf32, #tpu.memory_space<vmem>>
    %dma_wait3A_861 = tpu.memref_squeeze %dma_wait3A_860 : memref<1x128xf32, #tpu.memory_space<vmem>> -> memref<128xf32, #tpu.memory_space<vmem>>
    %dma_wait3A_862 = arith.constant 0 : i32
    %dma_wait3A_863 = tpu.memref_slice %arg19[%dma_wait3A_858, %dma_wait3A_862] : memref<52x128xf32, #tpu.memory_space<vmem>> -> memref<1x128xf32, #tpu.memory_space<vmem>>
    %dma_wait3A_864 = tpu.memref_squeeze %dma_wait3A_863 : memref<1x128xf32, #tpu.memory_space<vmem>> -> memref<128xf32, #tpu.memory_space<vmem>>
    tpu.wait_dma2 semaphore(%arg24 : memref<!tpu.dma_semaphore, #tpu.memory_space<semaphore_mem>>) src(%arg3 : memref<128xf32, #tpu.memory_space<hbm>>) dst(%dma_wait3A_864 : memref<128xf32, #tpu.memory_space<vmem>>)
    %dma_wait3A_865 = arith.constant 35 : i32
    %dma_wait3A_866 = arith.constant 0 : i32
    %dma_wait3A_867 = tpu.memref_slice %arg19[%dma_wait3A_865, %dma_wait3A_866] : memref<52x128xf32, #tpu.memory_space<vmem>> -> memref<1x128xf32, #tpu.memory_space<vmem>>
    %dma_wait3A_868 = tpu.memref_squeeze %dma_wait3A_867 : memref<1x128xf32, #tpu.memory_space<vmem>> -> memref<128xf32, #tpu.memory_space<vmem>>
    %dma_wait3A_869 = arith.constant 0 : i32
    %dma_wait3A_870 = tpu.memref_slice %arg19[%dma_wait3A_865, %dma_wait3A_869] : memref<52x128xf32, #tpu.memory_space<vmem>> -> memref<1x128xf32, #tpu.memory_space<vmem>>
    %dma_wait3A_871 = tpu.memref_squeeze %dma_wait3A_870 : memref<1x128xf32, #tpu.memory_space<vmem>> -> memref<128xf32, #tpu.memory_space<vmem>>
    tpu.wait_dma2 semaphore(%arg24 : memref<!tpu.dma_semaphore, #tpu.memory_space<semaphore_mem>>) src(%arg3 : memref<128xf32, #tpu.memory_space<hbm>>) dst(%dma_wait3A_871 : memref<128xf32, #tpu.memory_space<vmem>>)
    %dma_wait3A_872 = arith.constant 39 : i32
    %dma_wait3A_873 = arith.constant 0 : i32
    %dma_wait3A_874 = tpu.memref_slice %arg19[%dma_wait3A_872, %dma_wait3A_873] : memref<52x128xf32, #tpu.memory_space<vmem>> -> memref<1x128xf32, #tpu.memory_space<vmem>>
    %dma_wait3A_875 = tpu.memref_squeeze %dma_wait3A_874 : memref<1x128xf32, #tpu.memory_space<vmem>> -> memref<128xf32, #tpu.memory_space<vmem>>
    %dma_wait3A_876 = arith.constant 0 : i32
    %dma_wait3A_877 = tpu.memref_slice %arg19[%dma_wait3A_872, %dma_wait3A_876] : memref<52x128xf32, #tpu.memory_space<vmem>> -> memref<1x128xf32, #tpu.memory_space<vmem>>
    %dma_wait3A_878 = tpu.memref_squeeze %dma_wait3A_877 : memref<1x128xf32, #tpu.memory_space<vmem>> -> memref<128xf32, #tpu.memory_space<vmem>>
    tpu.wait_dma2 semaphore(%arg24 : memref<!tpu.dma_semaphore, #tpu.memory_space<semaphore_mem>>) src(%arg3 : memref<128xf32, #tpu.memory_space<hbm>>) dst(%dma_wait3A_878 : memref<128xf32, #tpu.memory_space<vmem>>)
    %dma_wait3A_879 = arith.constant 43 : i32
    %dma_wait3A_880 = arith.constant 0 : i32
    %dma_wait3A_881 = tpu.memref_slice %arg19[%dma_wait3A_879, %dma_wait3A_880] : memref<52x128xf32, #tpu.memory_space<vmem>> -> memref<1x128xf32, #tpu.memory_space<vmem>>
    %dma_wait3A_882 = tpu.memref_squeeze %dma_wait3A_881 : memref<1x128xf32, #tpu.memory_space<vmem>> -> memref<128xf32, #tpu.memory_space<vmem>>
    %dma_wait3A_883 = arith.constant 0 : i32
    %dma_wait3A_884 = tpu.memref_slice %arg19[%dma_wait3A_879, %dma_wait3A_883] : memref<52x128xf32, #tpu.memory_space<vmem>> -> memref<1x128xf32, #tpu.memory_space<vmem>>
    %dma_wait3A_885 = tpu.memref_squeeze %dma_wait3A_884 : memref<1x128xf32, #tpu.memory_space<vmem>> -> memref<128xf32, #tpu.memory_space<vmem>>
    tpu.wait_dma2 semaphore(%arg24 : memref<!tpu.dma_semaphore, #tpu.memory_space<semaphore_mem>>) src(%arg3 : memref<128xf32, #tpu.memory_space<hbm>>) dst(%dma_wait3A_885 : memref<128xf32, #tpu.memory_space<vmem>>)
    %dma_wait3A_886 = arith.constant 47 : i32
    %dma_wait3A_887 = arith.constant 0 : i32
    %dma_wait3A_888 = tpu.memref_slice %arg19[%dma_wait3A_886, %dma_wait3A_887] : memref<52x128xf32, #tpu.memory_space<vmem>> -> memref<1x128xf32, #tpu.memory_space<vmem>>
    %dma_wait3A_889 = tpu.memref_squeeze %dma_wait3A_888 : memref<1x128xf32, #tpu.memory_space<vmem>> -> memref<128xf32, #tpu.memory_space<vmem>>
    %dma_wait3A_890 = arith.constant 0 : i32
    %dma_wait3A_891 = tpu.memref_slice %arg19[%dma_wait3A_886, %dma_wait3A_890] : memref<52x128xf32, #tpu.memory_space<vmem>> -> memref<1x128xf32, #tpu.memory_space<vmem>>
    %dma_wait3A_892 = tpu.memref_squeeze %dma_wait3A_891 : memref<1x128xf32, #tpu.memory_space<vmem>> -> memref<128xf32, #tpu.memory_space<vmem>>
    tpu.wait_dma2 semaphore(%arg24 : memref<!tpu.dma_semaphore, #tpu.memory_space<semaphore_mem>>) src(%arg3 : memref<128xf32, #tpu.memory_space<hbm>>) dst(%dma_wait3A_892 : memref<128xf32, #tpu.memory_space<vmem>>)
    %dma_wait3A_893 = arith.constant 51 : i32
    %dma_wait3A_894 = arith.constant 0 : i32
    %dma_wait3A_895 = tpu.memref_slice %arg19[%dma_wait3A_893, %dma_wait3A_894] : memref<52x128xf32, #tpu.memory_space<vmem>> -> memref<1x128xf32, #tpu.memory_space<vmem>>
    %dma_wait3A_896 = tpu.memref_squeeze %dma_wait3A_895 : memref<1x128xf32, #tpu.memory_space<vmem>> -> memref<128xf32, #tpu.memory_space<vmem>>
    %dma_wait3A_897 = arith.constant 0 : i32
    %dma_wait3A_898 = tpu.memref_slice %arg19[%dma_wait3A_893, %dma_wait3A_897] : memref<52x128xf32, #tpu.memory_space<vmem>> -> memref<1x128xf32, #tpu.memory_space<vmem>>
    %dma_wait3A_899 = tpu.memref_squeeze %dma_wait3A_898 : memref<1x128xf32, #tpu.memory_space<vmem>> -> memref<128xf32, #tpu.memory_space<vmem>>
    tpu.wait_dma2 semaphore(%arg24 : memref<!tpu.dma_semaphore, #tpu.memory_space<semaphore_mem>>) src(%arg3 : memref<128xf32, #tpu.memory_space<hbm>>) dst(%dma_wait3A_899 : memref<128xf32, #tpu.memory_space<vmem>>)
    %scan3A_900 = arith.constant 0 : i32
    %scan3A_901 = arith.constant 0 : i32
    %scan3A_902 = arith.constant 8 : i32
    %scan3A_903 = arith.addi %scan3A_901, %scan3A_902 : i32
    %scan3A_904 = arith.constant 1 : i32
    scf.for %scan3A_908 = %scan3A_901 to %scan3A_903 step %scan3A_904  : i32 {
      %mul3A_909 = arith.constant 16 : i32
      %mul3A_910 = arith.muli %scan3A_908, %mul3A_909 : i32
      %get3A = arith.constant 3 : i32
      %get3A_911 = arith.index_cast %get3A : i32 to index
      %get3A_912 = arith.index_cast %mul3A_910 : i32 to index
      %get3A_913 = tpu.vector_load %arg19[%get3A_911, %get3A_912] {strides = array<i32>} : memref<52x128xf32, #tpu.memory_space<vmem>>, vector<1x16xf32>,
      %get3A_914 = vector.shape_cast %get3A_913 : vector<1x16xf32> to vector<16xf32>
      %get3A_915 = arith.constant 7 : i32
      %get3A_916 = arith.index_cast %get3A_915 : i32 to index
      %get3A_917 = arith.index_cast %mul3A_910 : i32 to index
      %get3A_918 = tpu.vector_load %arg19[%get3A_916, %get3A_917] {strides = array<i32>} : memref<52x128xf32, #tpu.memory_space<vmem>>, vector<1x16xf32>,
      %get3A_919 = vector.shape_cast %get3A_918 : vector<1x16xf32> to vector<16xf32>
      %add3A_920 = arith.addf %get3A_914, %get3A_919 : vector<16xf32>
      %get3A_921 = arith.constant 11 : i32
      %get3A_922 = arith.index_cast %get3A_921 : i32 to index
      %get3A_923 = arith.index_cast %mul3A_910 : i32 to index
      %get3A_924 = tpu.vector_load %arg19[%get3A_922, %get3A_923] {strides = array<i32>} : memref<52x128xf32, #tpu.memory_space<vmem>>, vector<1x16xf32>,
      %get3A_925 = vector.shape_cast %get3A_924 : vector<1x16xf32> to vector<16xf32>
      %add3A_926 = arith.addf %add3A_920, %get3A_925 : vector<16xf32>
      %get3A_927 = arith.constant 15 : i32
      %get3A_928 = arith.index_cast %get3A_927 : i32 to index
      %get3A_929 = arith.index_cast %mul3A_910 : i32 to index
      %get3A_930 = tpu.vector_load %arg19[%get3A_928, %get3A_929] {strides = array<i32>} : memref<52x128xf32, #tpu.memory_space<vmem>>, vector<1x16xf32>,
      %get3A_931 = vector.shape_cast %get3A_930 : vector<1x16xf32> to vector<16xf32>
      %add3A_932 = arith.addf %add3A_926, %get3A_931 : vector<16xf32>
      %get3A_933 = arith.constant 19 : i32
      %get3A_934 = arith.index_cast %get3A_933 : i32 to index
      %get3A_935 = arith.index_cast %mul3A_910 : i32 to index
      %get3A_936 = tpu.vector_load %arg19[%get3A_934, %get3A_935] {strides = array<i32>} : memref<52x128xf32, #tpu.memory_space<vmem>>, vector<1x16xf32>,
      %get3A_937 = vector.shape_cast %get3A_936 : vector<1x16xf32> to vector<16xf32>
      %add3A_938 = arith.addf %add3A_932, %get3A_937 : vector<16xf32>
      %get3A_939 = arith.constant 23 : i32
      %get3A_940 = arith.index_cast %get3A_939 : i32 to index
      %get3A_941 = arith.index_cast %mul3A_910 : i32 to index
      %get3A_942 = tpu.vector_load %arg19[%get3A_940, %get3A_941] {strides = array<i32>} : memref<52x128xf32, #tpu.memory_space<vmem>>, vector<1x16xf32>,
      %get3A_943 = vector.shape_cast %get3A_942 : vector<1x16xf32> to vector<16xf32>
      %add3A_944 = arith.addf %add3A_938, %get3A_943 : vector<16xf32>
      %get3A_945 = arith.constant 27 : i32
      %get3A_946 = arith.index_cast %get3A_945 : i32 to index
      %get3A_947 = arith.index_cast %mul3A_910 : i32 to index
      %get3A_948 = tpu.vector_load %arg19[%get3A_946, %get3A_947] {strides = array<i32>} : memref<52x128xf32, #tpu.memory_space<vmem>>, vector<1x16xf32>,
      %get3A_949 = vector.shape_cast %get3A_948 : vector<1x16xf32> to vector<16xf32>
      %add3A_950 = arith.addf %add3A_944, %get3A_949 : vector<16xf32>
      %get3A_951 = arith.constant 31 : i32
      %get3A_952 = arith.index_cast %get3A_951 : i32 to index
      %get3A_953 = arith.index_cast %mul3A_910 : i32 to index
      %get3A_954 = tpu.vector_load %arg19[%get3A_952, %get3A_953] {strides = array<i32>} : memref<52x128xf32, #tpu.memory_space<vmem>>, vector<1x16xf32>,
      %get3A_955 = vector.shape_cast %get3A_954 : vector<1x16xf32> to vector<16xf32>
      %add3A_956 = arith.addf %add3A_950, %get3A_955 : vector<16xf32>
      %get3A_957 = arith.constant 35 : i32
      %get3A_958 = arith.index_cast %get3A_957 : i32 to index
      %get3A_959 = arith.index_cast %mul3A_910 : i32 to index
      %get3A_960 = tpu.vector_load %arg19[%get3A_958, %get3A_959] {strides = array<i32>} : memref<52x128xf32, #tpu.memory_space<vmem>>, vector<1x16xf32>,
      %get3A_961 = vector.shape_cast %get3A_960 : vector<1x16xf32> to vector<16xf32>
      %add3A_962 = arith.addf %add3A_956, %get3A_961 : vector<16xf32>
      %get3A_963 = arith.constant 39 : i32
      %get3A_964 = arith.index_cast %get3A_963 : i32 to index
      %get3A_965 = arith.index_cast %mul3A_910 : i32 to index
      %get3A_966 = tpu.vector_load %arg19[%get3A_964, %get3A_965] {strides = array<i32>} : memref<52x128xf32, #tpu.memory_space<vmem>>, vector<1x16xf32>,
      %get3A_967 = vector.shape_cast %get3A_966 : vector<1x16xf32> to vector<16xf32>
      %add3A_968 = arith.addf %add3A_962, %get3A_967 : vector<16xf32>
      %get3A_969 = arith.constant 43 : i32
      %get3A_970 = arith.index_cast %get3A_969 : i32 to index
      %get3A_971 = arith.index_cast %mul3A_910 : i32 to index
      %get3A_972 = tpu.vector_load %arg19[%get3A_970, %get3A_971] {strides = array<i32>} : memref<52x128xf32, #tpu.memory_space<vmem>>, vector<1x16xf32>,
      %get3A_973 = vector.shape_cast %get3A_972 : vector<1x16xf32> to vector<16xf32>
      %add3A_974 = arith.addf %add3A_968, %get3A_973 : vector<16xf32>
      %get3A_975 = arith.constant 47 : i32
      %get3A_976 = arith.index_cast %get3A_975 : i32 to index
      %get3A_977 = arith.index_cast %mul3A_910 : i32 to index
      %get3A_978 = tpu.vector_load %arg19[%get3A_976, %get3A_977] {strides = array<i32>} : memref<52x128xf32, #tpu.memory_space<vmem>>, vector<1x16xf32>,
      %get3A_979 = vector.shape_cast %get3A_978 : vector<1x16xf32> to vector<16xf32>
      %add3A_980 = arith.addf %add3A_974, %get3A_979 : vector<16xf32>
      %get3A_981 = arith.constant 51 : i32
      %get3A_982 = arith.index_cast %get3A_981 : i32 to index
      %get3A_983 = arith.index_cast %mul3A_910 : i32 to index
      %get3A_984 = tpu.vector_load %arg19[%get3A_982, %get3A_983] {strides = array<i32>} : memref<52x128xf32, #tpu.memory_space<vmem>>, vector<1x16xf32>,
      %get3A_985 = vector.shape_cast %get3A_984 : vector<1x16xf32> to vector<16xf32>
      %add3A_986 = arith.addf %add3A_980, %get3A_985 : vector<16xf32>
      %mul3A_987 = arith.constant 16 : i32
      %mul3A_988 = arith.muli %scan3A_908, %mul3A_987 : i32
      %add3A_989 = arith.constant 384 : i32
      %add3A_990 = arith.addi %add3A_989, %mul3A_988 : i32
      %swap3A = arith.index_cast %add3A_990 : i32 to index
      %swap3A_991 = tpu.vector_load %arg20[%swap3A] {strides = array<i32>} : memref<512xf32, #tpu.memory_space<vmem>>, vector<16xf32>,
      %swap3A_992 = vector.shape_cast %swap3A_991 : vector<16xf32> to vector<16xf32>
      %swap3A_993 = vector.shape_cast %add3A_986 : vector<16xf32> to vector<16xf32>
      tpu.vector_store %arg20[%swap3A], %swap3A_993 {strides = array<i32>} : memref<512xf32, #tpu.memory_space<vmem>>, vector<16xf32>,
    }
    %scan3A_905 = arith.constant 8 : i32
    %mul3A_906 = arith.constant 512 : i32
    %mul3A_907 = arith.muli %add3A, %mul3A_906 : i32
    "tpu.region"() ({
      %run_scoped3A = tpu.sem_alloc : memref<!tpu.dma_semaphore, #tpu.memory_space<semaphore_mem>>
      %dma_start3A_908 = tpu.memref_slice %arg17[%mul3A_907] : memref<16384xf32, #tpu.memory_space<hbm>> -> memref<512xf32, #tpu.memory_space<hbm>>
      %dma_start3A_909 = tpu.memref_slice %arg17[%mul3A_907] : memref<16384xf32, #tpu.memory_space<hbm>> -> memref<512xf32, #tpu.memory_space<hbm>>
      tpu.enqueue_dma source(%arg20 : memref<512xf32, #tpu.memory_space<vmem>>) target(%dma_start3A_909 : memref<512xf32, #tpu.memory_space<hbm>>) target_semaphore(%run_scoped3A : memref<!tpu.dma_semaphore, #tpu.memory_space<semaphore_mem>>)
      %dma_wait3A_910 = tpu.memref_slice %arg17[%mul3A_907] : memref<16384xf32, #tpu.memory_space<hbm>> -> memref<512xf32, #tpu.memory_space<hbm>>
      %dma_wait3A_911 = tpu.memref_slice %arg17[%mul3A_907] : memref<16384xf32, #tpu.memory_space<hbm>> -> memref<512xf32, #tpu.memory_space<hbm>>
      tpu.wait_dma2 semaphore(%run_scoped3A : memref<!tpu.dma_semaphore, #tpu.memory_space<semaphore_mem>>) src(%arg20 : memref<512xf32, #tpu.memory_space<vmem>>) dst(%dma_wait3A_911 : memref<512xf32, #tpu.memory_space<hbm>>)
      tpu.yield
    }) : () -> ()
    return
  }
}

#map = affine_map<(d0, d1) -> (0, 0, 0)>
#map1 = affine_map<(d0, d1) -> (0)>
module attributes {stable_mosaic.version = 14 : i64} {
  func.func @_sc_half(%arg0: i32, %arg1: i32, %arg2: memref<32x52x128xi32, #tpu.memory_space<hbm>>, %arg3: memref<128xf32, #tpu.memory_space<hbm>>, %arg4: memref<38462xf32, #tpu.memory_space<hbm>>, %arg5: memref<38462xf32, #tpu.memory_space<hbm>>, %arg6: memref<38462xf32, #tpu.memory_space<hbm>>, %arg7: memref<38462xf32, #tpu.memory_space<hbm>>, %arg8: memref<38462xf32, #tpu.memory_space<hbm>>, %arg9: memref<38462xf32, #tpu.memory_space<hbm>>, %arg10: memref<38462xf32, #tpu.memory_space<hbm>>, %arg11: memref<38462xf32, #tpu.memory_space<hbm>>, %arg12: memref<38462xf32, #tpu.memory_space<hbm>>, %arg13: memref<38462xf32, #tpu.memory_space<hbm>>, %arg14: memref<38462xf32, #tpu.memory_space<hbm>>, %arg15: memref<38462xf32, #tpu.memory_space<hbm>>, %arg16: memref<38462xf32, #tpu.memory_space<hbm>>, %arg17: memref<16384xf32, #tpu.memory_space<hbm>>, %arg18: memref<52x128xi32, #tpu.memory_space<vmem>>, %arg19: memref<52x128xf32, #tpu.memory_space<vmem>>, %arg20: memref<512xf32, #tpu.memory_space<vmem>>, %arg21: memref<!tpu.dma_semaphore, #tpu.memory_space<semaphore_mem>>, %arg22: memref<!tpu.dma_semaphore, #tpu.memory_space<semaphore_mem>>, %arg23: memref<!tpu.dma_semaphore, #tpu.memory_space<semaphore_mem>>, %arg24: memref<!tpu.dma_semaphore, #tpu.memory_space<semaphore_mem>>) attributes {dimension_semantics = [#tpu.dimension_semantics<core_parallel>, #tpu.dimension_semantics<subcore_parallel>], iteration_bounds = array<i64: 2, 16>, scalar_prefetch = 0 : i64, scratch_operands = 7 : i64, tpu.core_type = #tpu.core_type<sc_vector_subcore>, window_params = [{transform_indices = #map}, {transform_indices = #map1}, {transform_indices = #map1}, {transform_indices = #map1}, {transform_indices = #map1}, {transform_indices = #map1}, {transform_indices = #map1}, {transform_indices = #map1}, {transform_indices = #map1}, {transform_indices = #map1}, {transform_indices = #map1}, {transform_indices = #map1}, {transform_indices = #map1}, {transform_indices = #map1}, {transform_indices = #map1}, {transform_indices = #map1}]} {
    %mul3A = arith.constant 2 : i32
    %mul3A_0 = arith.muli %arg1, %mul3A : i32
    %add3A = arith.addi %mul3A_0, %arg0 : i32
    "tpu.region"() ({
      %run_scoped3A = tpu.sem_alloc : memref<!tpu.dma_semaphore, #tpu.memory_space<semaphore_mem>>
      %dma_start3A_908 = arith.constant 0 : i32
      %dma_start3A_909 = arith.constant 0 : i32
      %dma_start3A_910 = tpu.memref_slice %arg2[%add3A, %dma_start3A_908, %dma_start3A_909] : memref<32x52x128xi32, #tpu.memory_space<hbm>> -> memref<1x52x128xi32, #tpu.memory_space<hbm>>
      %dma_start3A_911 = tpu.memref_squeeze %dma_start3A_910 : memref<1x52x128xi32, #tpu.memory_space<hbm>> -> memref<52x128xi32, #tpu.memory_space<hbm>>
      %dma_start3A_912 = arith.constant 0 : i32
      %dma_start3A_913 = arith.constant 0 : i32
      %dma_start3A_914 = tpu.memref_slice %arg2[%add3A, %dma_start3A_912, %dma_start3A_913] : memref<32x52x128xi32, #tpu.memory_space<hbm>> -> memref<1x52x128xi32, #tpu.memory_space<hbm>>
      %dma_start3A_915 = tpu.memref_squeeze %dma_start3A_914 : memref<1x52x128xi32, #tpu.memory_space<hbm>> -> memref<52x128xi32, #tpu.memory_space<hbm>>
      tpu.enqueue_dma source(%dma_start3A_915 : memref<52x128xi32, #tpu.memory_space<hbm>>) target(%arg18 : memref<52x128xi32, #tpu.memory_space<vmem>>) target_semaphore(%run_scoped3A : memref<!tpu.dma_semaphore, #tpu.memory_space<semaphore_mem>>)
      %dma_wait3A_916 = arith.constant 0 : i32
      %dma_wait3A_917 = arith.constant 0 : i32
      %dma_wait3A_918 = tpu.memref_slice %arg2[%add3A, %dma_wait3A_916, %dma_wait3A_917] : memref<32x52x128xi32, #tpu.memory_space<hbm>> -> memref<1x52x128xi32, #tpu.memory_space<hbm>>
      %dma_wait3A_919 = tpu.memref_squeeze %dma_wait3A_918 : memref<1x52x128xi32, #tpu.memory_space<hbm>> -> memref<52x128xi32, #tpu.memory_space<hbm>>
      %dma_wait3A_920 = arith.constant 0 : i32
      %dma_wait3A_921 = arith.constant 0 : i32
      %dma_wait3A_922 = tpu.memref_slice %arg2[%add3A, %dma_wait3A_920, %dma_wait3A_921] : memref<32x52x128xi32, #tpu.memory_space<hbm>> -> memref<1x52x128xi32, #tpu.memory_space<hbm>>
      %dma_wait3A_923 = tpu.memref_squeeze %dma_wait3A_922 : memref<1x52x128xi32, #tpu.memory_space<hbm>> -> memref<52x128xi32, #tpu.memory_space<hbm>>
      tpu.wait_dma2 semaphore(%run_scoped3A : memref<!tpu.dma_semaphore, #tpu.memory_space<semaphore_mem>>) src(%dma_wait3A_923 : memref<52x128xi32, #tpu.memory_space<hbm>>) dst(%arg18 : memref<52x128xi32, #tpu.memory_space<vmem>>)
      tpu.yield
    }) : () -> ()
    %dma_start3A = arith.constant 0 : i32
    %dma_start3A_1 = arith.constant 0 : i32
    %dma_start3A_2 = arith.constant 0 : i32
    %dma_start3A_3 = tpu.memref_slice %arg19[%dma_start3A_1, %dma_start3A_2] : memref<52x128xf32, #tpu.memory_space<vmem>> -> memref<1x128xf32, #tpu.memory_space<vmem>>
    %dma_start3A_4 = tpu.memref_squeeze %dma_start3A_3 : memref<1x128xf32, #tpu.memory_space<vmem>> -> memref<128xf32, #tpu.memory_space<vmem>>
    %dma_start3A_5 = arith.constant 0 : i32
    %dma_start3A_6 = tpu.memref_slice %arg18[%dma_start3A, %dma_start3A_5] : memref<52x128xi32, #tpu.memory_space<vmem>> -> memref<1x128xi32, #tpu.memory_space<vmem>>
    %dma_start3A_7 = tpu.memref_squeeze %dma_start3A_6 : memref<1x128xi32, #tpu.memory_space<vmem>> -> memref<128xi32, #tpu.memory_space<vmem>>
    %dma_start3A_8 = arith.constant 0 : i32
    %dma_start3A_9 = tpu.memref_slice %arg4[%dma_start3A_8] : memref<38462xf32, #tpu.memory_space<hbm>> -> memref<38462xf32, #tpu.memory_space<hbm>>
    tpu.enqueue_indirect_dma source(%dma_start3A_9 : memref<38462xf32, #tpu.memory_space<hbm>>) target(%dma_start3A_4 : memref<128xf32, #tpu.memory_space<vmem>>) offsets(%dma_start3A_7 : memref<128xi32, #tpu.memory_space<vmem>>) semaphore(%arg21 : memref<!tpu.dma_semaphore, #tpu.memory_space<semaphore_mem>>)
    %dma_start3A_10 = arith.constant 4 : i32
    %dma_start3A_11 = arith.constant 4 : i32
    %dma_start3A_12 = arith.constant 0 : i32
    %dma_start3A_13 = tpu.memref_slice %arg19[%dma_start3A_11, %dma_start3A_12] : memref<52x128xf32, #tpu.memory_space<vmem>> -> memref<1x128xf32, #tpu.memory_space<vmem>>
    %dma_start3A_14 = tpu.memref_squeeze %dma_start3A_13 : memref<1x128xf32, #tpu.memory_space<vmem>> -> memref<128xf32, #tpu.memory_space<vmem>>
    %dma_start3A_15 = arith.constant 0 : i32
    %dma_start3A_16 = tpu.memref_slice %arg18[%dma_start3A_10, %dma_start3A_15] : memref<52x128xi32, #tpu.memory_space<vmem>> -> memref<1x128xi32, #tpu.memory_space<vmem>>
    %dma_start3A_17 = tpu.memref_squeeze %dma_start3A_16 : memref<1x128xi32, #tpu.memory_space<vmem>> -> memref<128xi32, #tpu.memory_space<vmem>>
    %dma_start3A_18 = arith.constant 0 : i32
    %dma_start3A_19 = tpu.memref_slice %arg5[%dma_start3A_18] : memref<38462xf32, #tpu.memory_space<hbm>> -> memref<38462xf32, #tpu.memory_space<hbm>>
    tpu.enqueue_indirect_dma source(%dma_start3A_19 : memref<38462xf32, #tpu.memory_space<hbm>>) target(%dma_start3A_14 : memref<128xf32, #tpu.memory_space<vmem>>) offsets(%dma_start3A_17 : memref<128xi32, #tpu.memory_space<vmem>>) semaphore(%arg21 : memref<!tpu.dma_semaphore, #tpu.memory_space<semaphore_mem>>)
    %dma_start3A_20 = arith.constant 8 : i32
    %dma_start3A_21 = arith.constant 8 : i32
    %dma_start3A_22 = arith.constant 0 : i32
    %dma_start3A_23 = tpu.memref_slice %arg19[%dma_start3A_21, %dma_start3A_22] : memref<52x128xf32, #tpu.memory_space<vmem>> -> memref<1x128xf32, #tpu.memory_space<vmem>>
    %dma_start3A_24 = tpu.memref_squeeze %dma_start3A_23 : memref<1x128xf32, #tpu.memory_space<vmem>> -> memref<128xf32, #tpu.memory_space<vmem>>
    %dma_start3A_25 = arith.constant 0 : i32
    %dma_start3A_26 = tpu.memref_slice %arg18[%dma_start3A_20, %dma_start3A_25] : memref<52x128xi32, #tpu.memory_space<vmem>> -> memref<1x128xi32, #tpu.memory_space<vmem>>
    %dma_start3A_27 = tpu.memref_squeeze %dma_start3A_26 : memref<1x128xi32, #tpu.memory_space<vmem>> -> memref<128xi32, #tpu.memory_space<vmem>>
    %dma_start3A_28 = arith.constant 0 : i32
    %dma_start3A_29 = tpu.memref_slice %arg6[%dma_start3A_28] : memref<38462xf32, #tpu.memory_space<hbm>> -> memref<38462xf32, #tpu.memory_space<hbm>>
    tpu.enqueue_indirect_dma source(%dma_start3A_29 : memref<38462xf32, #tpu.memory_space<hbm>>) target(%dma_start3A_24 : memref<128xf32, #tpu.memory_space<vmem>>) offsets(%dma_start3A_27 : memref<128xi32, #tpu.memory_space<vmem>>) semaphore(%arg21 : memref<!tpu.dma_semaphore, #tpu.memory_space<semaphore_mem>>)
    %dma_start3A_30 = arith.constant 12 : i32
    %dma_start3A_31 = arith.constant 12 : i32
    %dma_start3A_32 = arith.constant 0 : i32
    %dma_start3A_33 = tpu.memref_slice %arg19[%dma_start3A_31, %dma_start3A_32] : memref<52x128xf32, #tpu.memory_space<vmem>> -> memref<1x128xf32, #tpu.memory_space<vmem>>
    %dma_start3A_34 = tpu.memref_squeeze %dma_start3A_33 : memref<1x128xf32, #tpu.memory_space<vmem>> -> memref<128xf32, #tpu.memory_space<vmem>>
    %dma_start3A_35 = arith.constant 0 : i32
    %dma_start3A_36 = tpu.memref_slice %arg18[%dma_start3A_30, %dma_start3A_35] : memref<52x128xi32, #tpu.memory_space<vmem>> -> memref<1x128xi32, #tpu.memory_space<vmem>>
    %dma_start3A_37 = tpu.memref_squeeze %dma_start3A_36 : memref<1x128xi32, #tpu.memory_space<vmem>> -> memref<128xi32, #tpu.memory_space<vmem>>
    %dma_start3A_38 = arith.constant 0 : i32
    %dma_start3A_39 = tpu.memref_slice %arg7[%dma_start3A_38] : memref<38462xf32, #tpu.memory_space<hbm>> -> memref<38462xf32, #tpu.memory_space<hbm>>
    tpu.enqueue_indirect_dma source(%dma_start3A_39 : memref<38462xf32, #tpu.memory_space<hbm>>) target(%dma_start3A_34 : memref<128xf32, #tpu.memory_space<vmem>>) offsets(%dma_start3A_37 : memref<128xi32, #tpu.memory_space<vmem>>) semaphore(%arg21 : memref<!tpu.dma_semaphore, #tpu.memory_space<semaphore_mem>>)
    %dma_start3A_40 = arith.constant 16 : i32
    %dma_start3A_41 = arith.constant 16 : i32
    %dma_start3A_42 = arith.constant 0 : i32
    %dma_start3A_43 = tpu.memref_slice %arg19[%dma_start3A_41, %dma_start3A_42] : memref<52x128xf32, #tpu.memory_space<vmem>> -> memref<1x128xf32, #tpu.memory_space<vmem>>
    %dma_start3A_44 = tpu.memref_squeeze %dma_start3A_43 : memref<1x128xf32, #tpu.memory_space<vmem>> -> memref<128xf32, #tpu.memory_space<vmem>>
    %dma_start3A_45 = arith.constant 0 : i32
    %dma_start3A_46 = tpu.memref_slice %arg18[%dma_start3A_40, %dma_start3A_45] : memref<52x128xi32, #tpu.memory_space<vmem>> -> memref<1x128xi32, #tpu.memory_space<vmem>>
    %dma_start3A_47 = tpu.memref_squeeze %dma_start3A_46 : memref<1x128xi32, #tpu.memory_space<vmem>> -> memref<128xi32, #tpu.memory_space<vmem>>
    %dma_start3A_48 = arith.constant 0 : i32
    %dma_start3A_49 = tpu.memref_slice %arg8[%dma_start3A_48] : memref<38462xf32, #tpu.memory_space<hbm>> -> memref<38462xf32, #tpu.memory_space<hbm>>
    tpu.enqueue_indirect_dma source(%dma_start3A_49 : memref<38462xf32, #tpu.memory_space<hbm>>) target(%dma_start3A_44 : memref<128xf32, #tpu.memory_space<vmem>>) offsets(%dma_start3A_47 : memref<128xi32, #tpu.memory_space<vmem>>) semaphore(%arg21 : memref<!tpu.dma_semaphore, #tpu.memory_space<semaphore_mem>>)
    %dma_start3A_50 = arith.constant 20 : i32
    %dma_start3A_51 = arith.constant 20 : i32
    %dma_start3A_52 = arith.constant 0 : i32
    %dma_start3A_53 = tpu.memref_slice %arg19[%dma_start3A_51, %dma_start3A_52] : memref<52x128xf32, #tpu.memory_space<vmem>> -> memref<1x128xf32, #tpu.memory_space<vmem>>
    %dma_start3A_54 = tpu.memref_squeeze %dma_start3A_53 : memref<1x128xf32, #tpu.memory_space<vmem>> -> memref<128xf32, #tpu.memory_space<vmem>>
    %dma_start3A_55 = arith.constant 0 : i32
    %dma_start3A_56 = tpu.memref_slice %arg18[%dma_start3A_50, %dma_start3A_55] : memref<52x128xi32, #tpu.memory_space<vmem>> -> memref<1x128xi32, #tpu.memory_space<vmem>>
    %dma_start3A_57 = tpu.memref_squeeze %dma_start3A_56 : memref<1x128xi32, #tpu.memory_space<vmem>> -> memref<128xi32, #tpu.memory_space<vmem>>
    %dma_start3A_58 = arith.constant 0 : i32
    %dma_start3A_59 = tpu.memref_slice %arg9[%dma_start3A_58] : memref<38462xf32, #tpu.memory_space<hbm>> -> memref<38462xf32, #tpu.memory_space<hbm>>
    tpu.enqueue_indirect_dma source(%dma_start3A_59 : memref<38462xf32, #tpu.memory_space<hbm>>) target(%dma_start3A_54 : memref<128xf32, #tpu.memory_space<vmem>>) offsets(%dma_start3A_57 : memref<128xi32, #tpu.memory_space<vmem>>) semaphore(%arg21 : memref<!tpu.dma_semaphore, #tpu.memory_space<semaphore_mem>>)
    %dma_start3A_60 = arith.constant 24 : i32
    %dma_start3A_61 = arith.constant 24 : i32
    %dma_start3A_62 = arith.constant 0 : i32
    %dma_start3A_63 = tpu.memref_slice %arg19[%dma_start3A_61, %dma_start3A_62] : memref<52x128xf32, #tpu.memory_space<vmem>> -> memref<1x128xf32, #tpu.memory_space<vmem>>
    %dma_start3A_64 = tpu.memref_squeeze %dma_start3A_63 : memref<1x128xf32, #tpu.memory_space<vmem>> -> memref<128xf32, #tpu.memory_space<vmem>>
    %dma_start3A_65 = arith.constant 0 : i32
    %dma_start3A_66 = tpu.memref_slice %arg18[%dma_start3A_60, %dma_start3A_65] : memref<52x128xi32, #tpu.memory_space<vmem>> -> memref<1x128xi32, #tpu.memory_space<vmem>>
    %dma_start3A_67 = tpu.memref_squeeze %dma_start3A_66 : memref<1x128xi32, #tpu.memory_space<vmem>> -> memref<128xi32, #tpu.memory_space<vmem>>
    %dma_start3A_68 = arith.constant 0 : i32
    %dma_start3A_69 = tpu.memref_slice %arg10[%dma_start3A_68] : memref<38462xf32, #tpu.memory_space<hbm>> -> memref<38462xf32, #tpu.memory_space<hbm>>
    tpu.enqueue_indirect_dma source(%dma_start3A_69 : memref<38462xf32, #tpu.memory_space<hbm>>) target(%dma_start3A_64 : memref<128xf32, #tpu.memory_space<vmem>>) offsets(%dma_start3A_67 : memref<128xi32, #tpu.memory_space<vmem>>) semaphore(%arg21 : memref<!tpu.dma_semaphore, #tpu.memory_space<semaphore_mem>>)
    %dma_start3A_70 = arith.constant 28 : i32
    %dma_start3A_71 = arith.constant 28 : i32
    %dma_start3A_72 = arith.constant 0 : i32
    %dma_start3A_73 = tpu.memref_slice %arg19[%dma_start3A_71, %dma_start3A_72] : memref<52x128xf32, #tpu.memory_space<vmem>> -> memref<1x128xf32, #tpu.memory_space<vmem>>
    %dma_start3A_74 = tpu.memref_squeeze %dma_start3A_73 : memref<1x128xf32, #tpu.memory_space<vmem>> -> memref<128xf32, #tpu.memory_space<vmem>>
    %dma_start3A_75 = arith.constant 0 : i32
    %dma_start3A_76 = tpu.memref_slice %arg18[%dma_start3A_70, %dma_start3A_75] : memref<52x128xi32, #tpu.memory_space<vmem>> -> memref<1x128xi32, #tpu.memory_space<vmem>>
    %dma_start3A_77 = tpu.memref_squeeze %dma_start3A_76 : memref<1x128xi32, #tpu.memory_space<vmem>> -> memref<128xi32, #tpu.memory_space<vmem>>
    %dma_start3A_78 = arith.constant 0 : i32
    %dma_start3A_79 = tpu.memref_slice %arg11[%dma_start3A_78] : memref<38462xf32, #tpu.memory_space<hbm>> -> memref<38462xf32, #tpu.memory_space<hbm>>
    tpu.enqueue_indirect_dma source(%dma_start3A_79 : memref<38462xf32, #tpu.memory_space<hbm>>) target(%dma_start3A_74 : memref<128xf32, #tpu.memory_space<vmem>>) offsets(%dma_start3A_77 : memref<128xi32, #tpu.memory_space<vmem>>) semaphore(%arg21 : memref<!tpu.dma_semaphore, #tpu.memory_space<semaphore_mem>>)
    %dma_start3A_80 = arith.constant 32 : i32
    %dma_start3A_81 = arith.constant 32 : i32
    %dma_start3A_82 = arith.constant 0 : i32
    %dma_start3A_83 = tpu.memref_slice %arg19[%dma_start3A_81, %dma_start3A_82] : memref<52x128xf32, #tpu.memory_space<vmem>> -> memref<1x128xf32, #tpu.memory_space<vmem>>
    %dma_start3A_84 = tpu.memref_squeeze %dma_start3A_83 : memref<1x128xf32, #tpu.memory_space<vmem>> -> memref<128xf32, #tpu.memory_space<vmem>>
    %dma_start3A_85 = arith.constant 0 : i32
    %dma_start3A_86 = tpu.memref_slice %arg18[%dma_start3A_80, %dma_start3A_85] : memref<52x128xi32, #tpu.memory_space<vmem>> -> memref<1x128xi32, #tpu.memory_space<vmem>>
    %dma_start3A_87 = tpu.memref_squeeze %dma_start3A_86 : memref<1x128xi32, #tpu.memory_space<vmem>> -> memref<128xi32, #tpu.memory_space<vmem>>
    %dma_start3A_88 = arith.constant 0 : i32
    %dma_start3A_89 = tpu.memref_slice %arg12[%dma_start3A_88] : memref<38462xf32, #tpu.memory_space<hbm>> -> memref<38462xf32, #tpu.memory_space<hbm>>
    tpu.enqueue_indirect_dma source(%dma_start3A_89 : memref<38462xf32, #tpu.memory_space<hbm>>) target(%dma_start3A_84 : memref<128xf32, #tpu.memory_space<vmem>>) offsets(%dma_start3A_87 : memref<128xi32, #tpu.memory_space<vmem>>) semaphore(%arg21 : memref<!tpu.dma_semaphore, #tpu.memory_space<semaphore_mem>>)
    %dma_start3A_90 = arith.constant 36 : i32
    %dma_start3A_91 = arith.constant 36 : i32
    %dma_start3A_92 = arith.constant 0 : i32
    %dma_start3A_93 = tpu.memref_slice %arg19[%dma_start3A_91, %dma_start3A_92] : memref<52x128xf32, #tpu.memory_space<vmem>> -> memref<1x128xf32, #tpu.memory_space<vmem>>
    %dma_start3A_94 = tpu.memref_squeeze %dma_start3A_93 : memref<1x128xf32, #tpu.memory_space<vmem>> -> memref<128xf32, #tpu.memory_space<vmem>>
    %dma_start3A_95 = arith.constant 0 : i32
    %dma_start3A_96 = tpu.memref_slice %arg18[%dma_start3A_90, %dma_start3A_95] : memref<52x128xi32, #tpu.memory_space<vmem>> -> memref<1x128xi32, #tpu.memory_space<vmem>>
    %dma_start3A_97 = tpu.memref_squeeze %dma_start3A_96 : memref<1x128xi32, #tpu.memory_space<vmem>> -> memref<128xi32, #tpu.memory_space<vmem>>
    %dma_start3A_98 = arith.constant 0 : i32
    %dma_start3A_99 = tpu.memref_slice %arg13[%dma_start3A_98] : memref<38462xf32, #tpu.memory_space<hbm>> -> memref<38462xf32, #tpu.memory_space<hbm>>
    tpu.enqueue_indirect_dma source(%dma_start3A_99 : memref<38462xf32, #tpu.memory_space<hbm>>) target(%dma_start3A_94 : memref<128xf32, #tpu.memory_space<vmem>>) offsets(%dma_start3A_97 : memref<128xi32, #tpu.memory_space<vmem>>) semaphore(%arg21 : memref<!tpu.dma_semaphore, #tpu.memory_space<semaphore_mem>>)
    %dma_start3A_100 = arith.constant 40 : i32
    %dma_start3A_101 = arith.constant 40 : i32
    %dma_start3A_102 = arith.constant 0 : i32
    %dma_start3A_103 = tpu.memref_slice %arg19[%dma_start3A_101, %dma_start3A_102] : memref<52x128xf32, #tpu.memory_space<vmem>> -> memref<1x128xf32, #tpu.memory_space<vmem>>
    %dma_start3A_104 = tpu.memref_squeeze %dma_start3A_103 : memref<1x128xf32, #tpu.memory_space<vmem>> -> memref<128xf32, #tpu.memory_space<vmem>>
    %dma_start3A_105 = arith.constant 0 : i32
    %dma_start3A_106 = tpu.memref_slice %arg18[%dma_start3A_100, %dma_start3A_105] : memref<52x128xi32, #tpu.memory_space<vmem>> -> memref<1x128xi32, #tpu.memory_space<vmem>>
    %dma_start3A_107 = tpu.memref_squeeze %dma_start3A_106 : memref<1x128xi32, #tpu.memory_space<vmem>> -> memref<128xi32, #tpu.memory_space<vmem>>
    %dma_start3A_108 = arith.constant 0 : i32
    %dma_start3A_109 = tpu.memref_slice %arg14[%dma_start3A_108] : memref<38462xf32, #tpu.memory_space<hbm>> -> memref<38462xf32, #tpu.memory_space<hbm>>
    tpu.enqueue_indirect_dma source(%dma_start3A_109 : memref<38462xf32, #tpu.memory_space<hbm>>) target(%dma_start3A_104 : memref<128xf32, #tpu.memory_space<vmem>>) offsets(%dma_start3A_107 : memref<128xi32, #tpu.memory_space<vmem>>) semaphore(%arg21 : memref<!tpu.dma_semaphore, #tpu.memory_space<semaphore_mem>>)
    %dma_start3A_110 = arith.constant 44 : i32
    %dma_start3A_111 = arith.constant 44 : i32
    %dma_start3A_112 = arith.constant 0 : i32
    %dma_start3A_113 = tpu.memref_slice %arg19[%dma_start3A_111, %dma_start3A_112] : memref<52x128xf32, #tpu.memory_space<vmem>> -> memref<1x128xf32, #tpu.memory_space<vmem>>
    %dma_start3A_114 = tpu.memref_squeeze %dma_start3A_113 : memref<1x128xf32, #tpu.memory_space<vmem>> -> memref<128xf32, #tpu.memory_space<vmem>>
    %dma_start3A_115 = arith.constant 0 : i32
    %dma_start3A_116 = tpu.memref_slice %arg18[%dma_start3A_110, %dma_start3A_115] : memref<52x128xi32, #tpu.memory_space<vmem>> -> memref<1x128xi32, #tpu.memory_space<vmem>>
    %dma_start3A_117 = tpu.memref_squeeze %dma_start3A_116 : memref<1x128xi32, #tpu.memory_space<vmem>> -> memref<128xi32, #tpu.memory_space<vmem>>
    %dma_start3A_118 = arith.constant 0 : i32
    %dma_start3A_119 = tpu.memref_slice %arg15[%dma_start3A_118] : memref<38462xf32, #tpu.memory_space<hbm>> -> memref<38462xf32, #tpu.memory_space<hbm>>
    tpu.enqueue_indirect_dma source(%dma_start3A_119 : memref<38462xf32, #tpu.memory_space<hbm>>) target(%dma_start3A_114 : memref<128xf32, #tpu.memory_space<vmem>>) offsets(%dma_start3A_117 : memref<128xi32, #tpu.memory_space<vmem>>) semaphore(%arg21 : memref<!tpu.dma_semaphore, #tpu.memory_space<semaphore_mem>>)
    %dma_start3A_120 = arith.constant 48 : i32
    %dma_start3A_121 = arith.constant 48 : i32
    %dma_start3A_122 = arith.constant 0 : i32
    %dma_start3A_123 = tpu.memref_slice %arg19[%dma_start3A_121, %dma_start3A_122] : memref<52x128xf32, #tpu.memory_space<vmem>> -> memref<1x128xf32, #tpu.memory_space<vmem>>
    %dma_start3A_124 = tpu.memref_squeeze %dma_start3A_123 : memref<1x128xf32, #tpu.memory_space<vmem>> -> memref<128xf32, #tpu.memory_space<vmem>>
    %dma_start3A_125 = arith.constant 0 : i32
    %dma_start3A_126 = tpu.memref_slice %arg18[%dma_start3A_120, %dma_start3A_125] : memref<52x128xi32, #tpu.memory_space<vmem>> -> memref<1x128xi32, #tpu.memory_space<vmem>>
    %dma_start3A_127 = tpu.memref_squeeze %dma_start3A_126 : memref<1x128xi32, #tpu.memory_space<vmem>> -> memref<128xi32, #tpu.memory_space<vmem>>
    %dma_start3A_128 = arith.constant 0 : i32
    %dma_start3A_129 = tpu.memref_slice %arg16[%dma_start3A_128] : memref<38462xf32, #tpu.memory_space<hbm>> -> memref<38462xf32, #tpu.memory_space<hbm>>
    tpu.enqueue_indirect_dma source(%dma_start3A_129 : memref<38462xf32, #tpu.memory_space<hbm>>) target(%dma_start3A_124 : memref<128xf32, #tpu.memory_space<vmem>>) offsets(%dma_start3A_127 : memref<128xi32, #tpu.memory_space<vmem>>) semaphore(%arg21 : memref<!tpu.dma_semaphore, #tpu.memory_space<semaphore_mem>>)
    %dma_start3A_130 = arith.constant 1 : i32
    %dma_start3A_131 = arith.constant 1 : i32
    %dma_start3A_132 = arith.constant 0 : i32
    %dma_start3A_133 = tpu.memref_slice %arg19[%dma_start3A_131, %dma_start3A_132] : memref<52x128xf32, #tpu.memory_space<vmem>> -> memref<1x128xf32, #tpu.memory_space<vmem>>
    %dma_start3A_134 = tpu.memref_squeeze %dma_start3A_133 : memref<1x128xf32, #tpu.memory_space<vmem>> -> memref<128xf32, #tpu.memory_space<vmem>>
    %dma_start3A_135 = arith.constant 0 : i32
    %dma_start3A_136 = tpu.memref_slice %arg18[%dma_start3A_130, %dma_start3A_135] : memref<52x128xi32, #tpu.memory_space<vmem>> -> memref<1x128xi32, #tpu.memory_space<vmem>>
    %dma_start3A_137 = tpu.memref_squeeze %dma_start3A_136 : memref<1x128xi32, #tpu.memory_space<vmem>> -> memref<128xi32, #tpu.memory_space<vmem>>
    %dma_start3A_138 = arith.constant 0 : i32
    %dma_start3A_139 = tpu.memref_slice %arg4[%dma_start3A_138] : memref<38462xf32, #tpu.memory_space<hbm>> -> memref<38462xf32, #tpu.memory_space<hbm>>
    tpu.enqueue_indirect_dma source(%dma_start3A_139 : memref<38462xf32, #tpu.memory_space<hbm>>) target(%dma_start3A_134 : memref<128xf32, #tpu.memory_space<vmem>>) offsets(%dma_start3A_137 : memref<128xi32, #tpu.memory_space<vmem>>) semaphore(%arg22 : memref<!tpu.dma_semaphore, #tpu.memory_space<semaphore_mem>>)
    %dma_start3A_140 = arith.constant 5 : i32
    %dma_start3A_141 = arith.constant 5 : i32
    %dma_start3A_142 = arith.constant 0 : i32
    %dma_start3A_143 = tpu.memref_slice %arg19[%dma_start3A_141, %dma_start3A_142] : memref<52x128xf32, #tpu.memory_space<vmem>> -> memref<1x128xf32, #tpu.memory_space<vmem>>
    %dma_start3A_144 = tpu.memref_squeeze %dma_start3A_143 : memref<1x128xf32, #tpu.memory_space<vmem>> -> memref<128xf32, #tpu.memory_space<vmem>>
    %dma_start3A_145 = arith.constant 0 : i32
    %dma_start3A_146 = tpu.memref_slice %arg18[%dma_start3A_140, %dma_start3A_145] : memref<52x128xi32, #tpu.memory_space<vmem>> -> memref<1x128xi32, #tpu.memory_space<vmem>>
    %dma_start3A_147 = tpu.memref_squeeze %dma_start3A_146 : memref<1x128xi32, #tpu.memory_space<vmem>> -> memref<128xi32, #tpu.memory_space<vmem>>
    %dma_start3A_148 = arith.constant 0 : i32
    %dma_start3A_149 = tpu.memref_slice %arg5[%dma_start3A_148] : memref<38462xf32, #tpu.memory_space<hbm>> -> memref<38462xf32, #tpu.memory_space<hbm>>
    tpu.enqueue_indirect_dma source(%dma_start3A_149 : memref<38462xf32, #tpu.memory_space<hbm>>) target(%dma_start3A_144 : memref<128xf32, #tpu.memory_space<vmem>>) offsets(%dma_start3A_147 : memref<128xi32, #tpu.memory_space<vmem>>) semaphore(%arg22 : memref<!tpu.dma_semaphore, #tpu.memory_space<semaphore_mem>>)
    %dma_start3A_150 = arith.constant 9 : i32
    %dma_start3A_151 = arith.constant 9 : i32
    %dma_start3A_152 = arith.constant 0 : i32
    %dma_start3A_153 = tpu.memref_slice %arg19[%dma_start3A_151, %dma_start3A_152] : memref<52x128xf32, #tpu.memory_space<vmem>> -> memref<1x128xf32, #tpu.memory_space<vmem>>
    %dma_start3A_154 = tpu.memref_squeeze %dma_start3A_153 : memref<1x128xf32, #tpu.memory_space<vmem>> -> memref<128xf32, #tpu.memory_space<vmem>>
    %dma_start3A_155 = arith.constant 0 : i32
    %dma_start3A_156 = tpu.memref_slice %arg18[%dma_start3A_150, %dma_start3A_155] : memref<52x128xi32, #tpu.memory_space<vmem>> -> memref<1x128xi32, #tpu.memory_space<vmem>>
    %dma_start3A_157 = tpu.memref_squeeze %dma_start3A_156 : memref<1x128xi32, #tpu.memory_space<vmem>> -> memref<128xi32, #tpu.memory_space<vmem>>
    %dma_start3A_158 = arith.constant 0 : i32
    %dma_start3A_159 = tpu.memref_slice %arg6[%dma_start3A_158] : memref<38462xf32, #tpu.memory_space<hbm>> -> memref<38462xf32, #tpu.memory_space<hbm>>
    tpu.enqueue_indirect_dma source(%dma_start3A_159 : memref<38462xf32, #tpu.memory_space<hbm>>) target(%dma_start3A_154 : memref<128xf32, #tpu.memory_space<vmem>>) offsets(%dma_start3A_157 : memref<128xi32, #tpu.memory_space<vmem>>) semaphore(%arg22 : memref<!tpu.dma_semaphore, #tpu.memory_space<semaphore_mem>>)
    %dma_start3A_160 = arith.constant 13 : i32
    %dma_start3A_161 = arith.constant 13 : i32
    %dma_start3A_162 = arith.constant 0 : i32
    %dma_start3A_163 = tpu.memref_slice %arg19[%dma_start3A_161, %dma_start3A_162] : memref<52x128xf32, #tpu.memory_space<vmem>> -> memref<1x128xf32, #tpu.memory_space<vmem>>
    %dma_start3A_164 = tpu.memref_squeeze %dma_start3A_163 : memref<1x128xf32, #tpu.memory_space<vmem>> -> memref<128xf32, #tpu.memory_space<vmem>>
    %dma_start3A_165 = arith.constant 0 : i32
    %dma_start3A_166 = tpu.memref_slice %arg18[%dma_start3A_160, %dma_start3A_165] : memref<52x128xi32, #tpu.memory_space<vmem>> -> memref<1x128xi32, #tpu.memory_space<vmem>>
    %dma_start3A_167 = tpu.memref_squeeze %dma_start3A_166 : memref<1x128xi32, #tpu.memory_space<vmem>> -> memref<128xi32, #tpu.memory_space<vmem>>
    %dma_start3A_168 = arith.constant 0 : i32
    %dma_start3A_169 = tpu.memref_slice %arg7[%dma_start3A_168] : memref<38462xf32, #tpu.memory_space<hbm>> -> memref<38462xf32, #tpu.memory_space<hbm>>
    tpu.enqueue_indirect_dma source(%dma_start3A_169 : memref<38462xf32, #tpu.memory_space<hbm>>) target(%dma_start3A_164 : memref<128xf32, #tpu.memory_space<vmem>>) offsets(%dma_start3A_167 : memref<128xi32, #tpu.memory_space<vmem>>) semaphore(%arg22 : memref<!tpu.dma_semaphore, #tpu.memory_space<semaphore_mem>>)
    %dma_start3A_170 = arith.constant 17 : i32
    %dma_start3A_171 = arith.constant 17 : i32
    %dma_start3A_172 = arith.constant 0 : i32
    %dma_start3A_173 = tpu.memref_slice %arg19[%dma_start3A_171, %dma_start3A_172] : memref<52x128xf32, #tpu.memory_space<vmem>> -> memref<1x128xf32, #tpu.memory_space<vmem>>
    %dma_start3A_174 = tpu.memref_squeeze %dma_start3A_173 : memref<1x128xf32, #tpu.memory_space<vmem>> -> memref<128xf32, #tpu.memory_space<vmem>>
    %dma_start3A_175 = arith.constant 0 : i32
    %dma_start3A_176 = tpu.memref_slice %arg18[%dma_start3A_170, %dma_start3A_175] : memref<52x128xi32, #tpu.memory_space<vmem>> -> memref<1x128xi32, #tpu.memory_space<vmem>>
    %dma_start3A_177 = tpu.memref_squeeze %dma_start3A_176 : memref<1x128xi32, #tpu.memory_space<vmem>> -> memref<128xi32, #tpu.memory_space<vmem>>
    %dma_start3A_178 = arith.constant 0 : i32
    %dma_start3A_179 = tpu.memref_slice %arg8[%dma_start3A_178] : memref<38462xf32, #tpu.memory_space<hbm>> -> memref<38462xf32, #tpu.memory_space<hbm>>
    tpu.enqueue_indirect_dma source(%dma_start3A_179 : memref<38462xf32, #tpu.memory_space<hbm>>) target(%dma_start3A_174 : memref<128xf32, #tpu.memory_space<vmem>>) offsets(%dma_start3A_177 : memref<128xi32, #tpu.memory_space<vmem>>) semaphore(%arg22 : memref<!tpu.dma_semaphore, #tpu.memory_space<semaphore_mem>>)
    %dma_start3A_180 = arith.constant 21 : i32
    %dma_start3A_181 = arith.constant 21 : i32
    %dma_start3A_182 = arith.constant 0 : i32
    %dma_start3A_183 = tpu.memref_slice %arg19[%dma_start3A_181, %dma_start3A_182] : memref<52x128xf32, #tpu.memory_space<vmem>> -> memref<1x128xf32, #tpu.memory_space<vmem>>
    %dma_start3A_184 = tpu.memref_squeeze %dma_start3A_183 : memref<1x128xf32, #tpu.memory_space<vmem>> -> memref<128xf32, #tpu.memory_space<vmem>>
    %dma_start3A_185 = arith.constant 0 : i32
    %dma_start3A_186 = tpu.memref_slice %arg18[%dma_start3A_180, %dma_start3A_185] : memref<52x128xi32, #tpu.memory_space<vmem>> -> memref<1x128xi32, #tpu.memory_space<vmem>>
    %dma_start3A_187 = tpu.memref_squeeze %dma_start3A_186 : memref<1x128xi32, #tpu.memory_space<vmem>> -> memref<128xi32, #tpu.memory_space<vmem>>
    %dma_start3A_188 = arith.constant 0 : i32
    %dma_start3A_189 = tpu.memref_slice %arg9[%dma_start3A_188] : memref<38462xf32, #tpu.memory_space<hbm>> -> memref<38462xf32, #tpu.memory_space<hbm>>
    tpu.enqueue_indirect_dma source(%dma_start3A_189 : memref<38462xf32, #tpu.memory_space<hbm>>) target(%dma_start3A_184 : memref<128xf32, #tpu.memory_space<vmem>>) offsets(%dma_start3A_187 : memref<128xi32, #tpu.memory_space<vmem>>) semaphore(%arg22 : memref<!tpu.dma_semaphore, #tpu.memory_space<semaphore_mem>>)
    %dma_start3A_190 = arith.constant 25 : i32
    %dma_start3A_191 = arith.constant 25 : i32
    %dma_start3A_192 = arith.constant 0 : i32
    %dma_start3A_193 = tpu.memref_slice %arg19[%dma_start3A_191, %dma_start3A_192] : memref<52x128xf32, #tpu.memory_space<vmem>> -> memref<1x128xf32, #tpu.memory_space<vmem>>
    %dma_start3A_194 = tpu.memref_squeeze %dma_start3A_193 : memref<1x128xf32, #tpu.memory_space<vmem>> -> memref<128xf32, #tpu.memory_space<vmem>>
    %dma_start3A_195 = arith.constant 0 : i32
    %dma_start3A_196 = tpu.memref_slice %arg18[%dma_start3A_190, %dma_start3A_195] : memref<52x128xi32, #tpu.memory_space<vmem>> -> memref<1x128xi32, #tpu.memory_space<vmem>>
    %dma_start3A_197 = tpu.memref_squeeze %dma_start3A_196 : memref<1x128xi32, #tpu.memory_space<vmem>> -> memref<128xi32, #tpu.memory_space<vmem>>
    %dma_start3A_198 = arith.constant 0 : i32
    %dma_start3A_199 = tpu.memref_slice %arg10[%dma_start3A_198] : memref<38462xf32, #tpu.memory_space<hbm>> -> memref<38462xf32, #tpu.memory_space<hbm>>
    tpu.enqueue_indirect_dma source(%dma_start3A_199 : memref<38462xf32, #tpu.memory_space<hbm>>) target(%dma_start3A_194 : memref<128xf32, #tpu.memory_space<vmem>>) offsets(%dma_start3A_197 : memref<128xi32, #tpu.memory_space<vmem>>) semaphore(%arg22 : memref<!tpu.dma_semaphore, #tpu.memory_space<semaphore_mem>>)
    %dma_start3A_200 = arith.constant 29 : i32
    %dma_start3A_201 = arith.constant 29 : i32
    %dma_start3A_202 = arith.constant 0 : i32
    %dma_start3A_203 = tpu.memref_slice %arg19[%dma_start3A_201, %dma_start3A_202] : memref<52x128xf32, #tpu.memory_space<vmem>> -> memref<1x128xf32, #tpu.memory_space<vmem>>
    %dma_start3A_204 = tpu.memref_squeeze %dma_start3A_203 : memref<1x128xf32, #tpu.memory_space<vmem>> -> memref<128xf32, #tpu.memory_space<vmem>>
    %dma_start3A_205 = arith.constant 0 : i32
    %dma_start3A_206 = tpu.memref_slice %arg18[%dma_start3A_200, %dma_start3A_205] : memref<52x128xi32, #tpu.memory_space<vmem>> -> memref<1x128xi32, #tpu.memory_space<vmem>>
    %dma_start3A_207 = tpu.memref_squeeze %dma_start3A_206 : memref<1x128xi32, #tpu.memory_space<vmem>> -> memref<128xi32, #tpu.memory_space<vmem>>
    %dma_start3A_208 = arith.constant 0 : i32
    %dma_start3A_209 = tpu.memref_slice %arg11[%dma_start3A_208] : memref<38462xf32, #tpu.memory_space<hbm>> -> memref<38462xf32, #tpu.memory_space<hbm>>
    tpu.enqueue_indirect_dma source(%dma_start3A_209 : memref<38462xf32, #tpu.memory_space<hbm>>) target(%dma_start3A_204 : memref<128xf32, #tpu.memory_space<vmem>>) offsets(%dma_start3A_207 : memref<128xi32, #tpu.memory_space<vmem>>) semaphore(%arg22 : memref<!tpu.dma_semaphore, #tpu.memory_space<semaphore_mem>>)
    %dma_start3A_210 = arith.constant 33 : i32
    %dma_start3A_211 = arith.constant 33 : i32
    %dma_start3A_212 = arith.constant 0 : i32
    %dma_start3A_213 = tpu.memref_slice %arg19[%dma_start3A_211, %dma_start3A_212] : memref<52x128xf32, #tpu.memory_space<vmem>> -> memref<1x128xf32, #tpu.memory_space<vmem>>
    %dma_start3A_214 = tpu.memref_squeeze %dma_start3A_213 : memref<1x128xf32, #tpu.memory_space<vmem>> -> memref<128xf32, #tpu.memory_space<vmem>>
    %dma_start3A_215 = arith.constant 0 : i32
    %dma_start3A_216 = tpu.memref_slice %arg18[%dma_start3A_210, %dma_start3A_215] : memref<52x128xi32, #tpu.memory_space<vmem>> -> memref<1x128xi32, #tpu.memory_space<vmem>>
    %dma_start3A_217 = tpu.memref_squeeze %dma_start3A_216 : memref<1x128xi32, #tpu.memory_space<vmem>> -> memref<128xi32, #tpu.memory_space<vmem>>
    %dma_start3A_218 = arith.constant 0 : i32
    %dma_start3A_219 = tpu.memref_slice %arg12[%dma_start3A_218] : memref<38462xf32, #tpu.memory_space<hbm>> -> memref<38462xf32, #tpu.memory_space<hbm>>
    tpu.enqueue_indirect_dma source(%dma_start3A_219 : memref<38462xf32, #tpu.memory_space<hbm>>) target(%dma_start3A_214 : memref<128xf32, #tpu.memory_space<vmem>>) offsets(%dma_start3A_217 : memref<128xi32, #tpu.memory_space<vmem>>) semaphore(%arg22 : memref<!tpu.dma_semaphore, #tpu.memory_space<semaphore_mem>>)
    %dma_start3A_220 = arith.constant 37 : i32
    %dma_start3A_221 = arith.constant 37 : i32
    %dma_start3A_222 = arith.constant 0 : i32
    %dma_start3A_223 = tpu.memref_slice %arg19[%dma_start3A_221, %dma_start3A_222] : memref<52x128xf32, #tpu.memory_space<vmem>> -> memref<1x128xf32, #tpu.memory_space<vmem>>
    %dma_start3A_224 = tpu.memref_squeeze %dma_start3A_223 : memref<1x128xf32, #tpu.memory_space<vmem>> -> memref<128xf32, #tpu.memory_space<vmem>>
    %dma_start3A_225 = arith.constant 0 : i32
    %dma_start3A_226 = tpu.memref_slice %arg18[%dma_start3A_220, %dma_start3A_225] : memref<52x128xi32, #tpu.memory_space<vmem>> -> memref<1x128xi32, #tpu.memory_space<vmem>>
    %dma_start3A_227 = tpu.memref_squeeze %dma_start3A_226 : memref<1x128xi32, #tpu.memory_space<vmem>> -> memref<128xi32, #tpu.memory_space<vmem>>
    %dma_start3A_228 = arith.constant 0 : i32
    %dma_start3A_229 = tpu.memref_slice %arg13[%dma_start3A_228] : memref<38462xf32, #tpu.memory_space<hbm>> -> memref<38462xf32, #tpu.memory_space<hbm>>
    tpu.enqueue_indirect_dma source(%dma_start3A_229 : memref<38462xf32, #tpu.memory_space<hbm>>) target(%dma_start3A_224 : memref<128xf32, #tpu.memory_space<vmem>>) offsets(%dma_start3A_227 : memref<128xi32, #tpu.memory_space<vmem>>) semaphore(%arg22 : memref<!tpu.dma_semaphore, #tpu.memory_space<semaphore_mem>>)
    %dma_start3A_230 = arith.constant 41 : i32
    %dma_start3A_231 = arith.constant 41 : i32
    %dma_start3A_232 = arith.constant 0 : i32
    %dma_start3A_233 = tpu.memref_slice %arg19[%dma_start3A_231, %dma_start3A_232] : memref<52x128xf32, #tpu.memory_space<vmem>> -> memref<1x128xf32, #tpu.memory_space<vmem>>
    %dma_start3A_234 = tpu.memref_squeeze %dma_start3A_233 : memref<1x128xf32, #tpu.memory_space<vmem>> -> memref<128xf32, #tpu.memory_space<vmem>>
    %dma_start3A_235 = arith.constant 0 : i32
    %dma_start3A_236 = tpu.memref_slice %arg18[%dma_start3A_230, %dma_start3A_235] : memref<52x128xi32, #tpu.memory_space<vmem>> -> memref<1x128xi32, #tpu.memory_space<vmem>>
    %dma_start3A_237 = tpu.memref_squeeze %dma_start3A_236 : memref<1x128xi32, #tpu.memory_space<vmem>> -> memref<128xi32, #tpu.memory_space<vmem>>
    %dma_start3A_238 = arith.constant 0 : i32
    %dma_start3A_239 = tpu.memref_slice %arg14[%dma_start3A_238] : memref<38462xf32, #tpu.memory_space<hbm>> -> memref<38462xf32, #tpu.memory_space<hbm>>
    tpu.enqueue_indirect_dma source(%dma_start3A_239 : memref<38462xf32, #tpu.memory_space<hbm>>) target(%dma_start3A_234 : memref<128xf32, #tpu.memory_space<vmem>>) offsets(%dma_start3A_237 : memref<128xi32, #tpu.memory_space<vmem>>) semaphore(%arg22 : memref<!tpu.dma_semaphore, #tpu.memory_space<semaphore_mem>>)
    %dma_start3A_240 = arith.constant 45 : i32
    %dma_start3A_241 = arith.constant 45 : i32
    %dma_start3A_242 = arith.constant 0 : i32
    %dma_start3A_243 = tpu.memref_slice %arg19[%dma_start3A_241, %dma_start3A_242] : memref<52x128xf32, #tpu.memory_space<vmem>> -> memref<1x128xf32, #tpu.memory_space<vmem>>
    %dma_start3A_244 = tpu.memref_squeeze %dma_start3A_243 : memref<1x128xf32, #tpu.memory_space<vmem>> -> memref<128xf32, #tpu.memory_space<vmem>>
    %dma_start3A_245 = arith.constant 0 : i32
    %dma_start3A_246 = tpu.memref_slice %arg18[%dma_start3A_240, %dma_start3A_245] : memref<52x128xi32, #tpu.memory_space<vmem>> -> memref<1x128xi32, #tpu.memory_space<vmem>>
    %dma_start3A_247 = tpu.memref_squeeze %dma_start3A_246 : memref<1x128xi32, #tpu.memory_space<vmem>> -> memref<128xi32, #tpu.memory_space<vmem>>
    %dma_start3A_248 = arith.constant 0 : i32
    %dma_start3A_249 = tpu.memref_slice %arg15[%dma_start3A_248] : memref<38462xf32, #tpu.memory_space<hbm>> -> memref<38462xf32, #tpu.memory_space<hbm>>
    tpu.enqueue_indirect_dma source(%dma_start3A_249 : memref<38462xf32, #tpu.memory_space<hbm>>) target(%dma_start3A_244 : memref<128xf32, #tpu.memory_space<vmem>>) offsets(%dma_start3A_247 : memref<128xi32, #tpu.memory_space<vmem>>) semaphore(%arg22 : memref<!tpu.dma_semaphore, #tpu.memory_space<semaphore_mem>>)
    %dma_start3A_250 = arith.constant 49 : i32
    %dma_start3A_251 = arith.constant 49 : i32
    %dma_start3A_252 = arith.constant 0 : i32
    %dma_start3A_253 = tpu.memref_slice %arg19[%dma_start3A_251, %dma_start3A_252] : memref<52x128xf32, #tpu.memory_space<vmem>> -> memref<1x128xf32, #tpu.memory_space<vmem>>
    %dma_start3A_254 = tpu.memref_squeeze %dma_start3A_253 : memref<1x128xf32, #tpu.memory_space<vmem>> -> memref<128xf32, #tpu.memory_space<vmem>>
    %dma_start3A_255 = arith.constant 0 : i32
    %dma_start3A_256 = tpu.memref_slice %arg18[%dma_start3A_250, %dma_start3A_255] : memref<52x128xi32, #tpu.memory_space<vmem>> -> memref<1x128xi32, #tpu.memory_space<vmem>>
    %dma_start3A_257 = tpu.memref_squeeze %dma_start3A_256 : memref<1x128xi32, #tpu.memory_space<vmem>> -> memref<128xi32, #tpu.memory_space<vmem>>
    %dma_start3A_258 = arith.constant 0 : i32
    %dma_start3A_259 = tpu.memref_slice %arg16[%dma_start3A_258] : memref<38462xf32, #tpu.memory_space<hbm>> -> memref<38462xf32, #tpu.memory_space<hbm>>
    tpu.enqueue_indirect_dma source(%dma_start3A_259 : memref<38462xf32, #tpu.memory_space<hbm>>) target(%dma_start3A_254 : memref<128xf32, #tpu.memory_space<vmem>>) offsets(%dma_start3A_257 : memref<128xi32, #tpu.memory_space<vmem>>) semaphore(%arg22 : memref<!tpu.dma_semaphore, #tpu.memory_space<semaphore_mem>>)
    %dma_start3A_260 = arith.constant 2 : i32
    %dma_start3A_261 = arith.constant 2 : i32
    %dma_start3A_262 = arith.constant 0 : i32
    %dma_start3A_263 = tpu.memref_slice %arg19[%dma_start3A_261, %dma_start3A_262] : memref<52x128xf32, #tpu.memory_space<vmem>> -> memref<1x128xf32, #tpu.memory_space<vmem>>
    %dma_start3A_264 = tpu.memref_squeeze %dma_start3A_263 : memref<1x128xf32, #tpu.memory_space<vmem>> -> memref<128xf32, #tpu.memory_space<vmem>>
    %dma_start3A_265 = arith.constant 0 : i32
    %dma_start3A_266 = tpu.memref_slice %arg18[%dma_start3A_260, %dma_start3A_265] : memref<52x128xi32, #tpu.memory_space<vmem>> -> memref<1x128xi32, #tpu.memory_space<vmem>>
    %dma_start3A_267 = tpu.memref_squeeze %dma_start3A_266 : memref<1x128xi32, #tpu.memory_space<vmem>> -> memref<128xi32, #tpu.memory_space<vmem>>
    %dma_start3A_268 = arith.constant 0 : i32
    %dma_start3A_269 = tpu.memref_slice %arg4[%dma_start3A_268] : memref<38462xf32, #tpu.memory_space<hbm>> -> memref<38462xf32, #tpu.memory_space<hbm>>
    tpu.enqueue_indirect_dma source(%dma_start3A_269 : memref<38462xf32, #tpu.memory_space<hbm>>) target(%dma_start3A_264 : memref<128xf32, #tpu.memory_space<vmem>>) offsets(%dma_start3A_267 : memref<128xi32, #tpu.memory_space<vmem>>) semaphore(%arg23 : memref<!tpu.dma_semaphore, #tpu.memory_space<semaphore_mem>>)
    %dma_start3A_270 = arith.constant 6 : i32
    %dma_start3A_271 = arith.constant 6 : i32
    %dma_start3A_272 = arith.constant 0 : i32
    %dma_start3A_273 = tpu.memref_slice %arg19[%dma_start3A_271, %dma_start3A_272] : memref<52x128xf32, #tpu.memory_space<vmem>> -> memref<1x128xf32, #tpu.memory_space<vmem>>
    %dma_start3A_274 = tpu.memref_squeeze %dma_start3A_273 : memref<1x128xf32, #tpu.memory_space<vmem>> -> memref<128xf32, #tpu.memory_space<vmem>>
    %dma_start3A_275 = arith.constant 0 : i32
    %dma_start3A_276 = tpu.memref_slice %arg18[%dma_start3A_270, %dma_start3A_275] : memref<52x128xi32, #tpu.memory_space<vmem>> -> memref<1x128xi32, #tpu.memory_space<vmem>>
    %dma_start3A_277 = tpu.memref_squeeze %dma_start3A_276 : memref<1x128xi32, #tpu.memory_space<vmem>> -> memref<128xi32, #tpu.memory_space<vmem>>
    %dma_start3A_278 = arith.constant 0 : i32
    %dma_start3A_279 = tpu.memref_slice %arg5[%dma_start3A_278] : memref<38462xf32, #tpu.memory_space<hbm>> -> memref<38462xf32, #tpu.memory_space<hbm>>
    tpu.enqueue_indirect_dma source(%dma_start3A_279 : memref<38462xf32, #tpu.memory_space<hbm>>) target(%dma_start3A_274 : memref<128xf32, #tpu.memory_space<vmem>>) offsets(%dma_start3A_277 : memref<128xi32, #tpu.memory_space<vmem>>) semaphore(%arg23 : memref<!tpu.dma_semaphore, #tpu.memory_space<semaphore_mem>>)
    %dma_start3A_280 = arith.constant 10 : i32
    %dma_start3A_281 = arith.constant 10 : i32
    %dma_start3A_282 = arith.constant 0 : i32
    %dma_start3A_283 = tpu.memref_slice %arg19[%dma_start3A_281, %dma_start3A_282] : memref<52x128xf32, #tpu.memory_space<vmem>> -> memref<1x128xf32, #tpu.memory_space<vmem>>
    %dma_start3A_284 = tpu.memref_squeeze %dma_start3A_283 : memref<1x128xf32, #tpu.memory_space<vmem>> -> memref<128xf32, #tpu.memory_space<vmem>>
    %dma_start3A_285 = arith.constant 0 : i32
    %dma_start3A_286 = tpu.memref_slice %arg18[%dma_start3A_280, %dma_start3A_285] : memref<52x128xi32, #tpu.memory_space<vmem>> -> memref<1x128xi32, #tpu.memory_space<vmem>>
    %dma_start3A_287 = tpu.memref_squeeze %dma_start3A_286 : memref<1x128xi32, #tpu.memory_space<vmem>> -> memref<128xi32, #tpu.memory_space<vmem>>
    %dma_start3A_288 = arith.constant 0 : i32
    %dma_start3A_289 = tpu.memref_slice %arg6[%dma_start3A_288] : memref<38462xf32, #tpu.memory_space<hbm>> -> memref<38462xf32, #tpu.memory_space<hbm>>
    tpu.enqueue_indirect_dma source(%dma_start3A_289 : memref<38462xf32, #tpu.memory_space<hbm>>) target(%dma_start3A_284 : memref<128xf32, #tpu.memory_space<vmem>>) offsets(%dma_start3A_287 : memref<128xi32, #tpu.memory_space<vmem>>) semaphore(%arg23 : memref<!tpu.dma_semaphore, #tpu.memory_space<semaphore_mem>>)
    %dma_start3A_290 = arith.constant 14 : i32
    %dma_start3A_291 = arith.constant 14 : i32
    %dma_start3A_292 = arith.constant 0 : i32
    %dma_start3A_293 = tpu.memref_slice %arg19[%dma_start3A_291, %dma_start3A_292] : memref<52x128xf32, #tpu.memory_space<vmem>> -> memref<1x128xf32, #tpu.memory_space<vmem>>
    %dma_start3A_294 = tpu.memref_squeeze %dma_start3A_293 : memref<1x128xf32, #tpu.memory_space<vmem>> -> memref<128xf32, #tpu.memory_space<vmem>>
    %dma_start3A_295 = arith.constant 0 : i32
    %dma_start3A_296 = tpu.memref_slice %arg18[%dma_start3A_290, %dma_start3A_295] : memref<52x128xi32, #tpu.memory_space<vmem>> -> memref<1x128xi32, #tpu.memory_space<vmem>>
    %dma_start3A_297 = tpu.memref_squeeze %dma_start3A_296 : memref<1x128xi32, #tpu.memory_space<vmem>> -> memref<128xi32, #tpu.memory_space<vmem>>
    %dma_start3A_298 = arith.constant 0 : i32
    %dma_start3A_299 = tpu.memref_slice %arg7[%dma_start3A_298] : memref<38462xf32, #tpu.memory_space<hbm>> -> memref<38462xf32, #tpu.memory_space<hbm>>
    tpu.enqueue_indirect_dma source(%dma_start3A_299 : memref<38462xf32, #tpu.memory_space<hbm>>) target(%dma_start3A_294 : memref<128xf32, #tpu.memory_space<vmem>>) offsets(%dma_start3A_297 : memref<128xi32, #tpu.memory_space<vmem>>) semaphore(%arg23 : memref<!tpu.dma_semaphore, #tpu.memory_space<semaphore_mem>>)
    %dma_start3A_300 = arith.constant 18 : i32
    %dma_start3A_301 = arith.constant 18 : i32
    %dma_start3A_302 = arith.constant 0 : i32
    %dma_start3A_303 = tpu.memref_slice %arg19[%dma_start3A_301, %dma_start3A_302] : memref<52x128xf32, #tpu.memory_space<vmem>> -> memref<1x128xf32, #tpu.memory_space<vmem>>
    %dma_start3A_304 = tpu.memref_squeeze %dma_start3A_303 : memref<1x128xf32, #tpu.memory_space<vmem>> -> memref<128xf32, #tpu.memory_space<vmem>>
    %dma_start3A_305 = arith.constant 0 : i32
    %dma_start3A_306 = tpu.memref_slice %arg18[%dma_start3A_300, %dma_start3A_305] : memref<52x128xi32, #tpu.memory_space<vmem>> -> memref<1x128xi32, #tpu.memory_space<vmem>>
    %dma_start3A_307 = tpu.memref_squeeze %dma_start3A_306 : memref<1x128xi32, #tpu.memory_space<vmem>> -> memref<128xi32, #tpu.memory_space<vmem>>
    %dma_start3A_308 = arith.constant 0 : i32
    %dma_start3A_309 = tpu.memref_slice %arg8[%dma_start3A_308] : memref<38462xf32, #tpu.memory_space<hbm>> -> memref<38462xf32, #tpu.memory_space<hbm>>
    tpu.enqueue_indirect_dma source(%dma_start3A_309 : memref<38462xf32, #tpu.memory_space<hbm>>) target(%dma_start3A_304 : memref<128xf32, #tpu.memory_space<vmem>>) offsets(%dma_start3A_307 : memref<128xi32, #tpu.memory_space<vmem>>) semaphore(%arg23 : memref<!tpu.dma_semaphore, #tpu.memory_space<semaphore_mem>>)
    %dma_start3A_310 = arith.constant 22 : i32
    %dma_start3A_311 = arith.constant 22 : i32
    %dma_start3A_312 = arith.constant 0 : i32
    %dma_start3A_313 = tpu.memref_slice %arg19[%dma_start3A_311, %dma_start3A_312] : memref<52x128xf32, #tpu.memory_space<vmem>> -> memref<1x128xf32, #tpu.memory_space<vmem>>
    %dma_start3A_314 = tpu.memref_squeeze %dma_start3A_313 : memref<1x128xf32, #tpu.memory_space<vmem>> -> memref<128xf32, #tpu.memory_space<vmem>>
    %dma_start3A_315 = arith.constant 0 : i32
    %dma_start3A_316 = tpu.memref_slice %arg18[%dma_start3A_310, %dma_start3A_315] : memref<52x128xi32, #tpu.memory_space<vmem>> -> memref<1x128xi32, #tpu.memory_space<vmem>>
    %dma_start3A_317 = tpu.memref_squeeze %dma_start3A_316 : memref<1x128xi32, #tpu.memory_space<vmem>> -> memref<128xi32, #tpu.memory_space<vmem>>
    %dma_start3A_318 = arith.constant 0 : i32
    %dma_start3A_319 = tpu.memref_slice %arg9[%dma_start3A_318] : memref<38462xf32, #tpu.memory_space<hbm>> -> memref<38462xf32, #tpu.memory_space<hbm>>
    tpu.enqueue_indirect_dma source(%dma_start3A_319 : memref<38462xf32, #tpu.memory_space<hbm>>) target(%dma_start3A_314 : memref<128xf32, #tpu.memory_space<vmem>>) offsets(%dma_start3A_317 : memref<128xi32, #tpu.memory_space<vmem>>) semaphore(%arg23 : memref<!tpu.dma_semaphore, #tpu.memory_space<semaphore_mem>>)
    %dma_start3A_320 = arith.constant 26 : i32
    %dma_start3A_321 = arith.constant 26 : i32
    %dma_start3A_322 = arith.constant 0 : i32
    %dma_start3A_323 = tpu.memref_slice %arg19[%dma_start3A_321, %dma_start3A_322] : memref<52x128xf32, #tpu.memory_space<vmem>> -> memref<1x128xf32, #tpu.memory_space<vmem>>
    %dma_start3A_324 = tpu.memref_squeeze %dma_start3A_323 : memref<1x128xf32, #tpu.memory_space<vmem>> -> memref<128xf32, #tpu.memory_space<vmem>>
    %dma_start3A_325 = arith.constant 0 : i32
    %dma_start3A_326 = tpu.memref_slice %arg18[%dma_start3A_320, %dma_start3A_325] : memref<52x128xi32, #tpu.memory_space<vmem>> -> memref<1x128xi32, #tpu.memory_space<vmem>>
    %dma_start3A_327 = tpu.memref_squeeze %dma_start3A_326 : memref<1x128xi32, #tpu.memory_space<vmem>> -> memref<128xi32, #tpu.memory_space<vmem>>
    %dma_start3A_328 = arith.constant 0 : i32
    %dma_start3A_329 = tpu.memref_slice %arg10[%dma_start3A_328] : memref<38462xf32, #tpu.memory_space<hbm>> -> memref<38462xf32, #tpu.memory_space<hbm>>
    tpu.enqueue_indirect_dma source(%dma_start3A_329 : memref<38462xf32, #tpu.memory_space<hbm>>) target(%dma_start3A_324 : memref<128xf32, #tpu.memory_space<vmem>>) offsets(%dma_start3A_327 : memref<128xi32, #tpu.memory_space<vmem>>) semaphore(%arg23 : memref<!tpu.dma_semaphore, #tpu.memory_space<semaphore_mem>>)
    %dma_start3A_330 = arith.constant 30 : i32
    %dma_start3A_331 = arith.constant 30 : i32
    %dma_start3A_332 = arith.constant 0 : i32
    %dma_start3A_333 = tpu.memref_slice %arg19[%dma_start3A_331, %dma_start3A_332] : memref<52x128xf32, #tpu.memory_space<vmem>> -> memref<1x128xf32, #tpu.memory_space<vmem>>
    %dma_start3A_334 = tpu.memref_squeeze %dma_start3A_333 : memref<1x128xf32, #tpu.memory_space<vmem>> -> memref<128xf32, #tpu.memory_space<vmem>>
    %dma_start3A_335 = arith.constant 0 : i32
    %dma_start3A_336 = tpu.memref_slice %arg18[%dma_start3A_330, %dma_start3A_335] : memref<52x128xi32, #tpu.memory_space<vmem>> -> memref<1x128xi32, #tpu.memory_space<vmem>>
    %dma_start3A_337 = tpu.memref_squeeze %dma_start3A_336 : memref<1x128xi32, #tpu.memory_space<vmem>> -> memref<128xi32, #tpu.memory_space<vmem>>
    %dma_start3A_338 = arith.constant 0 : i32
    %dma_start3A_339 = tpu.memref_slice %arg11[%dma_start3A_338] : memref<38462xf32, #tpu.memory_space<hbm>> -> memref<38462xf32, #tpu.memory_space<hbm>>
    tpu.enqueue_indirect_dma source(%dma_start3A_339 : memref<38462xf32, #tpu.memory_space<hbm>>) target(%dma_start3A_334 : memref<128xf32, #tpu.memory_space<vmem>>) offsets(%dma_start3A_337 : memref<128xi32, #tpu.memory_space<vmem>>) semaphore(%arg23 : memref<!tpu.dma_semaphore, #tpu.memory_space<semaphore_mem>>)
    %dma_start3A_340 = arith.constant 34 : i32
    %dma_start3A_341 = arith.constant 34 : i32
    %dma_start3A_342 = arith.constant 0 : i32
    %dma_start3A_343 = tpu.memref_slice %arg19[%dma_start3A_341, %dma_start3A_342] : memref<52x128xf32, #tpu.memory_space<vmem>> -> memref<1x128xf32, #tpu.memory_space<vmem>>
    %dma_start3A_344 = tpu.memref_squeeze %dma_start3A_343 : memref<1x128xf32, #tpu.memory_space<vmem>> -> memref<128xf32, #tpu.memory_space<vmem>>
    %dma_start3A_345 = arith.constant 0 : i32
    %dma_start3A_346 = tpu.memref_slice %arg18[%dma_start3A_340, %dma_start3A_345] : memref<52x128xi32, #tpu.memory_space<vmem>> -> memref<1x128xi32, #tpu.memory_space<vmem>>
    %dma_start3A_347 = tpu.memref_squeeze %dma_start3A_346 : memref<1x128xi32, #tpu.memory_space<vmem>> -> memref<128xi32, #tpu.memory_space<vmem>>
    %dma_start3A_348 = arith.constant 0 : i32
    %dma_start3A_349 = tpu.memref_slice %arg12[%dma_start3A_348] : memref<38462xf32, #tpu.memory_space<hbm>> -> memref<38462xf32, #tpu.memory_space<hbm>>
    tpu.enqueue_indirect_dma source(%dma_start3A_349 : memref<38462xf32, #tpu.memory_space<hbm>>) target(%dma_start3A_344 : memref<128xf32, #tpu.memory_space<vmem>>) offsets(%dma_start3A_347 : memref<128xi32, #tpu.memory_space<vmem>>) semaphore(%arg23 : memref<!tpu.dma_semaphore, #tpu.memory_space<semaphore_mem>>)
    %dma_start3A_350 = arith.constant 38 : i32
    %dma_start3A_351 = arith.constant 38 : i32
    %dma_start3A_352 = arith.constant 0 : i32
    %dma_start3A_353 = tpu.memref_slice %arg19[%dma_start3A_351, %dma_start3A_352] : memref<52x128xf32, #tpu.memory_space<vmem>> -> memref<1x128xf32, #tpu.memory_space<vmem>>
    %dma_start3A_354 = tpu.memref_squeeze %dma_start3A_353 : memref<1x128xf32, #tpu.memory_space<vmem>> -> memref<128xf32, #tpu.memory_space<vmem>>
    %dma_start3A_355 = arith.constant 0 : i32
    %dma_start3A_356 = tpu.memref_slice %arg18[%dma_start3A_350, %dma_start3A_355] : memref<52x128xi32, #tpu.memory_space<vmem>> -> memref<1x128xi32, #tpu.memory_space<vmem>>
    %dma_start3A_357 = tpu.memref_squeeze %dma_start3A_356 : memref<1x128xi32, #tpu.memory_space<vmem>> -> memref<128xi32, #tpu.memory_space<vmem>>
    %dma_start3A_358 = arith.constant 0 : i32
    %dma_start3A_359 = tpu.memref_slice %arg13[%dma_start3A_358] : memref<38462xf32, #tpu.memory_space<hbm>> -> memref<38462xf32, #tpu.memory_space<hbm>>
    tpu.enqueue_indirect_dma source(%dma_start3A_359 : memref<38462xf32, #tpu.memory_space<hbm>>) target(%dma_start3A_354 : memref<128xf32, #tpu.memory_space<vmem>>) offsets(%dma_start3A_357 : memref<128xi32, #tpu.memory_space<vmem>>) semaphore(%arg23 : memref<!tpu.dma_semaphore, #tpu.memory_space<semaphore_mem>>)
    %dma_start3A_360 = arith.constant 42 : i32
    %dma_start3A_361 = arith.constant 42 : i32
    %dma_start3A_362 = arith.constant 0 : i32
    %dma_start3A_363 = tpu.memref_slice %arg19[%dma_start3A_361, %dma_start3A_362] : memref<52x128xf32, #tpu.memory_space<vmem>> -> memref<1x128xf32, #tpu.memory_space<vmem>>
    %dma_start3A_364 = tpu.memref_squeeze %dma_start3A_363 : memref<1x128xf32, #tpu.memory_space<vmem>> -> memref<128xf32, #tpu.memory_space<vmem>>
    %dma_start3A_365 = arith.constant 0 : i32
    %dma_start3A_366 = tpu.memref_slice %arg18[%dma_start3A_360, %dma_start3A_365] : memref<52x128xi32, #tpu.memory_space<vmem>> -> memref<1x128xi32, #tpu.memory_space<vmem>>
    %dma_start3A_367 = tpu.memref_squeeze %dma_start3A_366 : memref<1x128xi32, #tpu.memory_space<vmem>> -> memref<128xi32, #tpu.memory_space<vmem>>
    %dma_start3A_368 = arith.constant 0 : i32
    %dma_start3A_369 = tpu.memref_slice %arg14[%dma_start3A_368] : memref<38462xf32, #tpu.memory_space<hbm>> -> memref<38462xf32, #tpu.memory_space<hbm>>
    tpu.enqueue_indirect_dma source(%dma_start3A_369 : memref<38462xf32, #tpu.memory_space<hbm>>) target(%dma_start3A_364 : memref<128xf32, #tpu.memory_space<vmem>>) offsets(%dma_start3A_367 : memref<128xi32, #tpu.memory_space<vmem>>) semaphore(%arg23 : memref<!tpu.dma_semaphore, #tpu.memory_space<semaphore_mem>>)
    %dma_start3A_370 = arith.constant 46 : i32
    %dma_start3A_371 = arith.constant 46 : i32
    %dma_start3A_372 = arith.constant 0 : i32
    %dma_start3A_373 = tpu.memref_slice %arg19[%dma_start3A_371, %dma_start3A_372] : memref<52x128xf32, #tpu.memory_space<vmem>> -> memref<1x128xf32, #tpu.memory_space<vmem>>
    %dma_start3A_374 = tpu.memref_squeeze %dma_start3A_373 : memref<1x128xf32, #tpu.memory_space<vmem>> -> memref<128xf32, #tpu.memory_space<vmem>>
    %dma_start3A_375 = arith.constant 0 : i32
    %dma_start3A_376 = tpu.memref_slice %arg18[%dma_start3A_370, %dma_start3A_375] : memref<52x128xi32, #tpu.memory_space<vmem>> -> memref<1x128xi32, #tpu.memory_space<vmem>>
    %dma_start3A_377 = tpu.memref_squeeze %dma_start3A_376 : memref<1x128xi32, #tpu.memory_space<vmem>> -> memref<128xi32, #tpu.memory_space<vmem>>
    %dma_start3A_378 = arith.constant 0 : i32
    %dma_start3A_379 = tpu.memref_slice %arg15[%dma_start3A_378] : memref<38462xf32, #tpu.memory_space<hbm>> -> memref<38462xf32, #tpu.memory_space<hbm>>
    tpu.enqueue_indirect_dma source(%dma_start3A_379 : memref<38462xf32, #tpu.memory_space<hbm>>) target(%dma_start3A_374 : memref<128xf32, #tpu.memory_space<vmem>>) offsets(%dma_start3A_377 : memref<128xi32, #tpu.memory_space<vmem>>) semaphore(%arg23 : memref<!tpu.dma_semaphore, #tpu.memory_space<semaphore_mem>>)
    %dma_start3A_380 = arith.constant 50 : i32
    %dma_start3A_381 = arith.constant 50 : i32
    %dma_start3A_382 = arith.constant 0 : i32
    %dma_start3A_383 = tpu.memref_slice %arg19[%dma_start3A_381, %dma_start3A_382] : memref<52x128xf32, #tpu.memory_space<vmem>> -> memref<1x128xf32, #tpu.memory_space<vmem>>
    %dma_start3A_384 = tpu.memref_squeeze %dma_start3A_383 : memref<1x128xf32, #tpu.memory_space<vmem>> -> memref<128xf32, #tpu.memory_space<vmem>>
    %dma_start3A_385 = arith.constant 0 : i32
    %dma_start3A_386 = tpu.memref_slice %arg18[%dma_start3A_380, %dma_start3A_385] : memref<52x128xi32, #tpu.memory_space<vmem>> -> memref<1x128xi32, #tpu.memory_space<vmem>>
    %dma_start3A_387 = tpu.memref_squeeze %dma_start3A_386 : memref<1x128xi32, #tpu.memory_space<vmem>> -> memref<128xi32, #tpu.memory_space<vmem>>
    %dma_start3A_388 = arith.constant 0 : i32
    %dma_start3A_389 = tpu.memref_slice %arg16[%dma_start3A_388] : memref<38462xf32, #tpu.memory_space<hbm>> -> memref<38462xf32, #tpu.memory_space<hbm>>
    tpu.enqueue_indirect_dma source(%dma_start3A_389 : memref<38462xf32, #tpu.memory_space<hbm>>) target(%dma_start3A_384 : memref<128xf32, #tpu.memory_space<vmem>>) offsets(%dma_start3A_387 : memref<128xi32, #tpu.memory_space<vmem>>) semaphore(%arg23 : memref<!tpu.dma_semaphore, #tpu.memory_space<semaphore_mem>>)
    %dma_start3A_390 = arith.constant 3 : i32
    %dma_start3A_391 = arith.constant 3 : i32
    %dma_start3A_392 = arith.constant 0 : i32
    %dma_start3A_393 = tpu.memref_slice %arg19[%dma_start3A_391, %dma_start3A_392] : memref<52x128xf32, #tpu.memory_space<vmem>> -> memref<1x128xf32, #tpu.memory_space<vmem>>
    %dma_start3A_394 = tpu.memref_squeeze %dma_start3A_393 : memref<1x128xf32, #tpu.memory_space<vmem>> -> memref<128xf32, #tpu.memory_space<vmem>>
    %dma_start3A_395 = arith.constant 0 : i32
    %dma_start3A_396 = tpu.memref_slice %arg18[%dma_start3A_390, %dma_start3A_395] : memref<52x128xi32, #tpu.memory_space<vmem>> -> memref<1x128xi32, #tpu.memory_space<vmem>>
    %dma_start3A_397 = tpu.memref_squeeze %dma_start3A_396 : memref<1x128xi32, #tpu.memory_space<vmem>> -> memref<128xi32, #tpu.memory_space<vmem>>
    %dma_start3A_398 = arith.constant 0 : i32
    %dma_start3A_399 = tpu.memref_slice %arg4[%dma_start3A_398] : memref<38462xf32, #tpu.memory_space<hbm>> -> memref<38462xf32, #tpu.memory_space<hbm>>
    tpu.enqueue_indirect_dma source(%dma_start3A_399 : memref<38462xf32, #tpu.memory_space<hbm>>) target(%dma_start3A_394 : memref<128xf32, #tpu.memory_space<vmem>>) offsets(%dma_start3A_397 : memref<128xi32, #tpu.memory_space<vmem>>) semaphore(%arg24 : memref<!tpu.dma_semaphore, #tpu.memory_space<semaphore_mem>>)
    %dma_start3A_400 = arith.constant 7 : i32
    %dma_start3A_401 = arith.constant 7 : i32
    %dma_start3A_402 = arith.constant 0 : i32
    %dma_start3A_403 = tpu.memref_slice %arg19[%dma_start3A_401, %dma_start3A_402] : memref<52x128xf32, #tpu.memory_space<vmem>> -> memref<1x128xf32, #tpu.memory_space<vmem>>
    %dma_start3A_404 = tpu.memref_squeeze %dma_start3A_403 : memref<1x128xf32, #tpu.memory_space<vmem>> -> memref<128xf32, #tpu.memory_space<vmem>>
    %dma_start3A_405 = arith.constant 0 : i32
    %dma_start3A_406 = tpu.memref_slice %arg18[%dma_start3A_400, %dma_start3A_405] : memref<52x128xi32, #tpu.memory_space<vmem>> -> memref<1x128xi32, #tpu.memory_space<vmem>>
    %dma_start3A_407 = tpu.memref_squeeze %dma_start3A_406 : memref<1x128xi32, #tpu.memory_space<vmem>> -> memref<128xi32, #tpu.memory_space<vmem>>
    %dma_start3A_408 = arith.constant 0 : i32
    %dma_start3A_409 = tpu.memref_slice %arg5[%dma_start3A_408] : memref<38462xf32, #tpu.memory_space<hbm>> -> memref<38462xf32, #tpu.memory_space<hbm>>
    tpu.enqueue_indirect_dma source(%dma_start3A_409 : memref<38462xf32, #tpu.memory_space<hbm>>) target(%dma_start3A_404 : memref<128xf32, #tpu.memory_space<vmem>>) offsets(%dma_start3A_407 : memref<128xi32, #tpu.memory_space<vmem>>) semaphore(%arg24 : memref<!tpu.dma_semaphore, #tpu.memory_space<semaphore_mem>>)
    %dma_start3A_410 = arith.constant 11 : i32
    %dma_start3A_411 = arith.constant 11 : i32
    %dma_start3A_412 = arith.constant 0 : i32
    %dma_start3A_413 = tpu.memref_slice %arg19[%dma_start3A_411, %dma_start3A_412] : memref<52x128xf32, #tpu.memory_space<vmem>> -> memref<1x128xf32, #tpu.memory_space<vmem>>
    %dma_start3A_414 = tpu.memref_squeeze %dma_start3A_413 : memref<1x128xf32, #tpu.memory_space<vmem>> -> memref<128xf32, #tpu.memory_space<vmem>>
    %dma_start3A_415 = arith.constant 0 : i32
    %dma_start3A_416 = tpu.memref_slice %arg18[%dma_start3A_410, %dma_start3A_415] : memref<52x128xi32, #tpu.memory_space<vmem>> -> memref<1x128xi32, #tpu.memory_space<vmem>>
    %dma_start3A_417 = tpu.memref_squeeze %dma_start3A_416 : memref<1x128xi32, #tpu.memory_space<vmem>> -> memref<128xi32, #tpu.memory_space<vmem>>
    %dma_start3A_418 = arith.constant 0 : i32
    %dma_start3A_419 = tpu.memref_slice %arg6[%dma_start3A_418] : memref<38462xf32, #tpu.memory_space<hbm>> -> memref<38462xf32, #tpu.memory_space<hbm>>
    tpu.enqueue_indirect_dma source(%dma_start3A_419 : memref<38462xf32, #tpu.memory_space<hbm>>) target(%dma_start3A_414 : memref<128xf32, #tpu.memory_space<vmem>>) offsets(%dma_start3A_417 : memref<128xi32, #tpu.memory_space<vmem>>) semaphore(%arg24 : memref<!tpu.dma_semaphore, #tpu.memory_space<semaphore_mem>>)
    %dma_start3A_420 = arith.constant 15 : i32
    %dma_start3A_421 = arith.constant 15 : i32
    %dma_start3A_422 = arith.constant 0 : i32
    %dma_start3A_423 = tpu.memref_slice %arg19[%dma_start3A_421, %dma_start3A_422] : memref<52x128xf32, #tpu.memory_space<vmem>> -> memref<1x128xf32, #tpu.memory_space<vmem>>
    %dma_start3A_424 = tpu.memref_squeeze %dma_start3A_423 : memref<1x128xf32, #tpu.memory_space<vmem>> -> memref<128xf32, #tpu.memory_space<vmem>>
    %dma_start3A_425 = arith.constant 0 : i32
    %dma_start3A_426 = tpu.memref_slice %arg18[%dma_start3A_420, %dma_start3A_425] : memref<52x128xi32, #tpu.memory_space<vmem>> -> memref<1x128xi32, #tpu.memory_space<vmem>>
    %dma_start3A_427 = tpu.memref_squeeze %dma_start3A_426 : memref<1x128xi32, #tpu.memory_space<vmem>> -> memref<128xi32, #tpu.memory_space<vmem>>
    %dma_start3A_428 = arith.constant 0 : i32
    %dma_start3A_429 = tpu.memref_slice %arg7[%dma_start3A_428] : memref<38462xf32, #tpu.memory_space<hbm>> -> memref<38462xf32, #tpu.memory_space<hbm>>
    tpu.enqueue_indirect_dma source(%dma_start3A_429 : memref<38462xf32, #tpu.memory_space<hbm>>) target(%dma_start3A_424 : memref<128xf32, #tpu.memory_space<vmem>>) offsets(%dma_start3A_427 : memref<128xi32, #tpu.memory_space<vmem>>) semaphore(%arg24 : memref<!tpu.dma_semaphore, #tpu.memory_space<semaphore_mem>>)
    %dma_start3A_430 = arith.constant 19 : i32
    %dma_start3A_431 = arith.constant 19 : i32
    %dma_start3A_432 = arith.constant 0 : i32
    %dma_start3A_433 = tpu.memref_slice %arg19[%dma_start3A_431, %dma_start3A_432] : memref<52x128xf32, #tpu.memory_space<vmem>> -> memref<1x128xf32, #tpu.memory_space<vmem>>
    %dma_start3A_434 = tpu.memref_squeeze %dma_start3A_433 : memref<1x128xf32, #tpu.memory_space<vmem>> -> memref<128xf32, #tpu.memory_space<vmem>>
    %dma_start3A_435 = arith.constant 0 : i32
    %dma_start3A_436 = tpu.memref_slice %arg18[%dma_start3A_430, %dma_start3A_435] : memref<52x128xi32, #tpu.memory_space<vmem>> -> memref<1x128xi32, #tpu.memory_space<vmem>>
    %dma_start3A_437 = tpu.memref_squeeze %dma_start3A_436 : memref<1x128xi32, #tpu.memory_space<vmem>> -> memref<128xi32, #tpu.memory_space<vmem>>
    %dma_start3A_438 = arith.constant 0 : i32
    %dma_start3A_439 = tpu.memref_slice %arg8[%dma_start3A_438] : memref<38462xf32, #tpu.memory_space<hbm>> -> memref<38462xf32, #tpu.memory_space<hbm>>
    tpu.enqueue_indirect_dma source(%dma_start3A_439 : memref<38462xf32, #tpu.memory_space<hbm>>) target(%dma_start3A_434 : memref<128xf32, #tpu.memory_space<vmem>>) offsets(%dma_start3A_437 : memref<128xi32, #tpu.memory_space<vmem>>) semaphore(%arg24 : memref<!tpu.dma_semaphore, #tpu.memory_space<semaphore_mem>>)
    %dma_start3A_440 = arith.constant 23 : i32
    %dma_start3A_441 = arith.constant 23 : i32
    %dma_start3A_442 = arith.constant 0 : i32
    %dma_start3A_443 = tpu.memref_slice %arg19[%dma_start3A_441, %dma_start3A_442] : memref<52x128xf32, #tpu.memory_space<vmem>> -> memref<1x128xf32, #tpu.memory_space<vmem>>
    %dma_start3A_444 = tpu.memref_squeeze %dma_start3A_443 : memref<1x128xf32, #tpu.memory_space<vmem>> -> memref<128xf32, #tpu.memory_space<vmem>>
    %dma_start3A_445 = arith.constant 0 : i32
    %dma_start3A_446 = tpu.memref_slice %arg18[%dma_start3A_440, %dma_start3A_445] : memref<52x128xi32, #tpu.memory_space<vmem>> -> memref<1x128xi32, #tpu.memory_space<vmem>>
    %dma_start3A_447 = tpu.memref_squeeze %dma_start3A_446 : memref<1x128xi32, #tpu.memory_space<vmem>> -> memref<128xi32, #tpu.memory_space<vmem>>
    %dma_start3A_448 = arith.constant 0 : i32
    %dma_start3A_449 = tpu.memref_slice %arg9[%dma_start3A_448] : memref<38462xf32, #tpu.memory_space<hbm>> -> memref<38462xf32, #tpu.memory_space<hbm>>
    tpu.enqueue_indirect_dma source(%dma_start3A_449 : memref<38462xf32, #tpu.memory_space<hbm>>) target(%dma_start3A_444 : memref<128xf32, #tpu.memory_space<vmem>>) offsets(%dma_start3A_447 : memref<128xi32, #tpu.memory_space<vmem>>) semaphore(%arg24 : memref<!tpu.dma_semaphore, #tpu.memory_space<semaphore_mem>>)
    %dma_start3A_450 = arith.constant 27 : i32
    %dma_start3A_451 = arith.constant 27 : i32
    %dma_start3A_452 = arith.constant 0 : i32
    %dma_start3A_453 = tpu.memref_slice %arg19[%dma_start3A_451, %dma_start3A_452] : memref<52x128xf32, #tpu.memory_space<vmem>> -> memref<1x128xf32, #tpu.memory_space<vmem>>
    %dma_start3A_454 = tpu.memref_squeeze %dma_start3A_453 : memref<1x128xf32, #tpu.memory_space<vmem>> -> memref<128xf32, #tpu.memory_space<vmem>>
    %dma_start3A_455 = arith.constant 0 : i32
    %dma_start3A_456 = tpu.memref_slice %arg18[%dma_start3A_450, %dma_start3A_455] : memref<52x128xi32, #tpu.memory_space<vmem>> -> memref<1x128xi32, #tpu.memory_space<vmem>>
    %dma_start3A_457 = tpu.memref_squeeze %dma_start3A_456 : memref<1x128xi32, #tpu.memory_space<vmem>> -> memref<128xi32, #tpu.memory_space<vmem>>
    %dma_start3A_458 = arith.constant 0 : i32
    %dma_start3A_459 = tpu.memref_slice %arg10[%dma_start3A_458] : memref<38462xf32, #tpu.memory_space<hbm>> -> memref<38462xf32, #tpu.memory_space<hbm>>
    tpu.enqueue_indirect_dma source(%dma_start3A_459 : memref<38462xf32, #tpu.memory_space<hbm>>) target(%dma_start3A_454 : memref<128xf32, #tpu.memory_space<vmem>>) offsets(%dma_start3A_457 : memref<128xi32, #tpu.memory_space<vmem>>) semaphore(%arg24 : memref<!tpu.dma_semaphore, #tpu.memory_space<semaphore_mem>>)
    %dma_start3A_460 = arith.constant 31 : i32
    %dma_start3A_461 = arith.constant 31 : i32
    %dma_start3A_462 = arith.constant 0 : i32
    %dma_start3A_463 = tpu.memref_slice %arg19[%dma_start3A_461, %dma_start3A_462] : memref<52x128xf32, #tpu.memory_space<vmem>> -> memref<1x128xf32, #tpu.memory_space<vmem>>
    %dma_start3A_464 = tpu.memref_squeeze %dma_start3A_463 : memref<1x128xf32, #tpu.memory_space<vmem>> -> memref<128xf32, #tpu.memory_space<vmem>>
    %dma_start3A_465 = arith.constant 0 : i32
    %dma_start3A_466 = tpu.memref_slice %arg18[%dma_start3A_460, %dma_start3A_465] : memref<52x128xi32, #tpu.memory_space<vmem>> -> memref<1x128xi32, #tpu.memory_space<vmem>>
    %dma_start3A_467 = tpu.memref_squeeze %dma_start3A_466 : memref<1x128xi32, #tpu.memory_space<vmem>> -> memref<128xi32, #tpu.memory_space<vmem>>
    %dma_start3A_468 = arith.constant 0 : i32
    %dma_start3A_469 = tpu.memref_slice %arg11[%dma_start3A_468] : memref<38462xf32, #tpu.memory_space<hbm>> -> memref<38462xf32, #tpu.memory_space<hbm>>
    tpu.enqueue_indirect_dma source(%dma_start3A_469 : memref<38462xf32, #tpu.memory_space<hbm>>) target(%dma_start3A_464 : memref<128xf32, #tpu.memory_space<vmem>>) offsets(%dma_start3A_467 : memref<128xi32, #tpu.memory_space<vmem>>) semaphore(%arg24 : memref<!tpu.dma_semaphore, #tpu.memory_space<semaphore_mem>>)
    %dma_start3A_470 = arith.constant 35 : i32
    %dma_start3A_471 = arith.constant 35 : i32
    %dma_start3A_472 = arith.constant 0 : i32
    %dma_start3A_473 = tpu.memref_slice %arg19[%dma_start3A_471, %dma_start3A_472] : memref<52x128xf32, #tpu.memory_space<vmem>> -> memref<1x128xf32, #tpu.memory_space<vmem>>
    %dma_start3A_474 = tpu.memref_squeeze %dma_start3A_473 : memref<1x128xf32, #tpu.memory_space<vmem>> -> memref<128xf32, #tpu.memory_space<vmem>>
    %dma_start3A_475 = arith.constant 0 : i32
    %dma_start3A_476 = tpu.memref_slice %arg18[%dma_start3A_470, %dma_start3A_475] : memref<52x128xi32, #tpu.memory_space<vmem>> -> memref<1x128xi32, #tpu.memory_space<vmem>>
    %dma_start3A_477 = tpu.memref_squeeze %dma_start3A_476 : memref<1x128xi32, #tpu.memory_space<vmem>> -> memref<128xi32, #tpu.memory_space<vmem>>
    %dma_start3A_478 = arith.constant 0 : i32
    %dma_start3A_479 = tpu.memref_slice %arg12[%dma_start3A_478] : memref<38462xf32, #tpu.memory_space<hbm>> -> memref<38462xf32, #tpu.memory_space<hbm>>
    tpu.enqueue_indirect_dma source(%dma_start3A_479 : memref<38462xf32, #tpu.memory_space<hbm>>) target(%dma_start3A_474 : memref<128xf32, #tpu.memory_space<vmem>>) offsets(%dma_start3A_477 : memref<128xi32, #tpu.memory_space<vmem>>) semaphore(%arg24 : memref<!tpu.dma_semaphore, #tpu.memory_space<semaphore_mem>>)
    %dma_start3A_480 = arith.constant 39 : i32
    %dma_start3A_481 = arith.constant 39 : i32
    %dma_start3A_482 = arith.constant 0 : i32
    %dma_start3A_483 = tpu.memref_slice %arg19[%dma_start3A_481, %dma_start3A_482] : memref<52x128xf32, #tpu.memory_space<vmem>> -> memref<1x128xf32, #tpu.memory_space<vmem>>
    %dma_start3A_484 = tpu.memref_squeeze %dma_start3A_483 : memref<1x128xf32, #tpu.memory_space<vmem>> -> memref<128xf32, #tpu.memory_space<vmem>>
    %dma_start3A_485 = arith.constant 0 : i32
    %dma_start3A_486 = tpu.memref_slice %arg18[%dma_start3A_480, %dma_start3A_485] : memref<52x128xi32, #tpu.memory_space<vmem>> -> memref<1x128xi32, #tpu.memory_space<vmem>>
    %dma_start3A_487 = tpu.memref_squeeze %dma_start3A_486 : memref<1x128xi32, #tpu.memory_space<vmem>> -> memref<128xi32, #tpu.memory_space<vmem>>
    %dma_start3A_488 = arith.constant 0 : i32
    %dma_start3A_489 = tpu.memref_slice %arg13[%dma_start3A_488] : memref<38462xf32, #tpu.memory_space<hbm>> -> memref<38462xf32, #tpu.memory_space<hbm>>
    tpu.enqueue_indirect_dma source(%dma_start3A_489 : memref<38462xf32, #tpu.memory_space<hbm>>) target(%dma_start3A_484 : memref<128xf32, #tpu.memory_space<vmem>>) offsets(%dma_start3A_487 : memref<128xi32, #tpu.memory_space<vmem>>) semaphore(%arg24 : memref<!tpu.dma_semaphore, #tpu.memory_space<semaphore_mem>>)
    %dma_start3A_490 = arith.constant 43 : i32
    %dma_start3A_491 = arith.constant 43 : i32
    %dma_start3A_492 = arith.constant 0 : i32
    %dma_start3A_493 = tpu.memref_slice %arg19[%dma_start3A_491, %dma_start3A_492] : memref<52x128xf32, #tpu.memory_space<vmem>> -> memref<1x128xf32, #tpu.memory_space<vmem>>
    %dma_start3A_494 = tpu.memref_squeeze %dma_start3A_493 : memref<1x128xf32, #tpu.memory_space<vmem>> -> memref<128xf32, #tpu.memory_space<vmem>>
    %dma_start3A_495 = arith.constant 0 : i32
    %dma_start3A_496 = tpu.memref_slice %arg18[%dma_start3A_490, %dma_start3A_495] : memref<52x128xi32, #tpu.memory_space<vmem>> -> memref<1x128xi32, #tpu.memory_space<vmem>>
    %dma_start3A_497 = tpu.memref_squeeze %dma_start3A_496 : memref<1x128xi32, #tpu.memory_space<vmem>> -> memref<128xi32, #tpu.memory_space<vmem>>
    %dma_start3A_498 = arith.constant 0 : i32
    %dma_start3A_499 = tpu.memref_slice %arg14[%dma_start3A_498] : memref<38462xf32, #tpu.memory_space<hbm>> -> memref<38462xf32, #tpu.memory_space<hbm>>
    tpu.enqueue_indirect_dma source(%dma_start3A_499 : memref<38462xf32, #tpu.memory_space<hbm>>) target(%dma_start3A_494 : memref<128xf32, #tpu.memory_space<vmem>>) offsets(%dma_start3A_497 : memref<128xi32, #tpu.memory_space<vmem>>) semaphore(%arg24 : memref<!tpu.dma_semaphore, #tpu.memory_space<semaphore_mem>>)
    %dma_start3A_500 = arith.constant 47 : i32
    %dma_start3A_501 = arith.constant 47 : i32
    %dma_start3A_502 = arith.constant 0 : i32
    %dma_start3A_503 = tpu.memref_slice %arg19[%dma_start3A_501, %dma_start3A_502] : memref<52x128xf32, #tpu.memory_space<vmem>> -> memref<1x128xf32, #tpu.memory_space<vmem>>
    %dma_start3A_504 = tpu.memref_squeeze %dma_start3A_503 : memref<1x128xf32, #tpu.memory_space<vmem>> -> memref<128xf32, #tpu.memory_space<vmem>>
    %dma_start3A_505 = arith.constant 0 : i32
    %dma_start3A_506 = tpu.memref_slice %arg18[%dma_start3A_500, %dma_start3A_505] : memref<52x128xi32, #tpu.memory_space<vmem>> -> memref<1x128xi32, #tpu.memory_space<vmem>>
    %dma_start3A_507 = tpu.memref_squeeze %dma_start3A_506 : memref<1x128xi32, #tpu.memory_space<vmem>> -> memref<128xi32, #tpu.memory_space<vmem>>
    %dma_start3A_508 = arith.constant 0 : i32
    %dma_start3A_509 = tpu.memref_slice %arg15[%dma_start3A_508] : memref<38462xf32, #tpu.memory_space<hbm>> -> memref<38462xf32, #tpu.memory_space<hbm>>
    tpu.enqueue_indirect_dma source(%dma_start3A_509 : memref<38462xf32, #tpu.memory_space<hbm>>) target(%dma_start3A_504 : memref<128xf32, #tpu.memory_space<vmem>>) offsets(%dma_start3A_507 : memref<128xi32, #tpu.memory_space<vmem>>) semaphore(%arg24 : memref<!tpu.dma_semaphore, #tpu.memory_space<semaphore_mem>>)
    %dma_start3A_510 = arith.constant 51 : i32
    %dma_start3A_511 = arith.constant 51 : i32
    %dma_start3A_512 = arith.constant 0 : i32
    %dma_start3A_513 = tpu.memref_slice %arg19[%dma_start3A_511, %dma_start3A_512] : memref<52x128xf32, #tpu.memory_space<vmem>> -> memref<1x128xf32, #tpu.memory_space<vmem>>
    %dma_start3A_514 = tpu.memref_squeeze %dma_start3A_513 : memref<1x128xf32, #tpu.memory_space<vmem>> -> memref<128xf32, #tpu.memory_space<vmem>>
    %dma_start3A_515 = arith.constant 0 : i32
    %dma_start3A_516 = tpu.memref_slice %arg18[%dma_start3A_510, %dma_start3A_515] : memref<52x128xi32, #tpu.memory_space<vmem>> -> memref<1x128xi32, #tpu.memory_space<vmem>>
    %dma_start3A_517 = tpu.memref_squeeze %dma_start3A_516 : memref<1x128xi32, #tpu.memory_space<vmem>> -> memref<128xi32, #tpu.memory_space<vmem>>
    %dma_start3A_518 = arith.constant 0 : i32
    %dma_start3A_519 = tpu.memref_slice %arg16[%dma_start3A_518] : memref<38462xf32, #tpu.memory_space<hbm>> -> memref<38462xf32, #tpu.memory_space<hbm>>
    tpu.enqueue_indirect_dma source(%dma_start3A_519 : memref<38462xf32, #tpu.memory_space<hbm>>) target(%dma_start3A_514 : memref<128xf32, #tpu.memory_space<vmem>>) offsets(%dma_start3A_517 : memref<128xi32, #tpu.memory_space<vmem>>) semaphore(%arg24 : memref<!tpu.dma_semaphore, #tpu.memory_space<semaphore_mem>>)
    %dma_wait3A = arith.constant 0 : i32
    %dma_wait3A_520 = arith.constant 0 : i32
    %dma_wait3A_521 = tpu.memref_slice %arg19[%dma_wait3A, %dma_wait3A_520] : memref<52x128xf32, #tpu.memory_space<vmem>> -> memref<1x128xf32, #tpu.memory_space<vmem>>
    %dma_wait3A_522 = tpu.memref_squeeze %dma_wait3A_521 : memref<1x128xf32, #tpu.memory_space<vmem>> -> memref<128xf32, #tpu.memory_space<vmem>>
    %dma_wait3A_523 = arith.constant 0 : i32
    %dma_wait3A_524 = tpu.memref_slice %arg19[%dma_wait3A, %dma_wait3A_523] : memref<52x128xf32, #tpu.memory_space<vmem>> -> memref<1x128xf32, #tpu.memory_space<vmem>>
    %dma_wait3A_525 = tpu.memref_squeeze %dma_wait3A_524 : memref<1x128xf32, #tpu.memory_space<vmem>> -> memref<128xf32, #tpu.memory_space<vmem>>
    tpu.wait_dma2 semaphore(%arg21 : memref<!tpu.dma_semaphore, #tpu.memory_space<semaphore_mem>>) src(%arg3 : memref<128xf32, #tpu.memory_space<hbm>>) dst(%dma_wait3A_525 : memref<128xf32, #tpu.memory_space<vmem>>)
    %dma_wait3A_526 = arith.constant 4 : i32
    %dma_wait3A_527 = arith.constant 0 : i32
    %dma_wait3A_528 = tpu.memref_slice %arg19[%dma_wait3A_526, %dma_wait3A_527] : memref<52x128xf32, #tpu.memory_space<vmem>> -> memref<1x128xf32, #tpu.memory_space<vmem>>
    %dma_wait3A_529 = tpu.memref_squeeze %dma_wait3A_528 : memref<1x128xf32, #tpu.memory_space<vmem>> -> memref<128xf32, #tpu.memory_space<vmem>>
    %dma_wait3A_530 = arith.constant 0 : i32
    %dma_wait3A_531 = tpu.memref_slice %arg19[%dma_wait3A_526, %dma_wait3A_530] : memref<52x128xf32, #tpu.memory_space<vmem>> -> memref<1x128xf32, #tpu.memory_space<vmem>>
    %dma_wait3A_532 = tpu.memref_squeeze %dma_wait3A_531 : memref<1x128xf32, #tpu.memory_space<vmem>> -> memref<128xf32, #tpu.memory_space<vmem>>
    tpu.wait_dma2 semaphore(%arg21 : memref<!tpu.dma_semaphore, #tpu.memory_space<semaphore_mem>>) src(%arg3 : memref<128xf32, #tpu.memory_space<hbm>>) dst(%dma_wait3A_532 : memref<128xf32, #tpu.memory_space<vmem>>)
    %dma_wait3A_533 = arith.constant 8 : i32
    %dma_wait3A_534 = arith.constant 0 : i32
    %dma_wait3A_535 = tpu.memref_slice %arg19[%dma_wait3A_533, %dma_wait3A_534] : memref<52x128xf32, #tpu.memory_space<vmem>> -> memref<1x128xf32, #tpu.memory_space<vmem>>
    %dma_wait3A_536 = tpu.memref_squeeze %dma_wait3A_535 : memref<1x128xf32, #tpu.memory_space<vmem>> -> memref<128xf32, #tpu.memory_space<vmem>>
    %dma_wait3A_537 = arith.constant 0 : i32
    %dma_wait3A_538 = tpu.memref_slice %arg19[%dma_wait3A_533, %dma_wait3A_537] : memref<52x128xf32, #tpu.memory_space<vmem>> -> memref<1x128xf32, #tpu.memory_space<vmem>>
    %dma_wait3A_539 = tpu.memref_squeeze %dma_wait3A_538 : memref<1x128xf32, #tpu.memory_space<vmem>> -> memref<128xf32, #tpu.memory_space<vmem>>
    tpu.wait_dma2 semaphore(%arg21 : memref<!tpu.dma_semaphore, #tpu.memory_space<semaphore_mem>>) src(%arg3 : memref<128xf32, #tpu.memory_space<hbm>>) dst(%dma_wait3A_539 : memref<128xf32, #tpu.memory_space<vmem>>)
    %dma_wait3A_540 = arith.constant 12 : i32
    %dma_wait3A_541 = arith.constant 0 : i32
    %dma_wait3A_542 = tpu.memref_slice %arg19[%dma_wait3A_540, %dma_wait3A_541] : memref<52x128xf32, #tpu.memory_space<vmem>> -> memref<1x128xf32, #tpu.memory_space<vmem>>
    %dma_wait3A_543 = tpu.memref_squeeze %dma_wait3A_542 : memref<1x128xf32, #tpu.memory_space<vmem>> -> memref<128xf32, #tpu.memory_space<vmem>>
    %dma_wait3A_544 = arith.constant 0 : i32
    %dma_wait3A_545 = tpu.memref_slice %arg19[%dma_wait3A_540, %dma_wait3A_544] : memref<52x128xf32, #tpu.memory_space<vmem>> -> memref<1x128xf32, #tpu.memory_space<vmem>>
    %dma_wait3A_546 = tpu.memref_squeeze %dma_wait3A_545 : memref<1x128xf32, #tpu.memory_space<vmem>> -> memref<128xf32, #tpu.memory_space<vmem>>
    tpu.wait_dma2 semaphore(%arg21 : memref<!tpu.dma_semaphore, #tpu.memory_space<semaphore_mem>>) src(%arg3 : memref<128xf32, #tpu.memory_space<hbm>>) dst(%dma_wait3A_546 : memref<128xf32, #tpu.memory_space<vmem>>)
    %dma_wait3A_547 = arith.constant 16 : i32
    %dma_wait3A_548 = arith.constant 0 : i32
    %dma_wait3A_549 = tpu.memref_slice %arg19[%dma_wait3A_547, %dma_wait3A_548] : memref<52x128xf32, #tpu.memory_space<vmem>> -> memref<1x128xf32, #tpu.memory_space<vmem>>
    %dma_wait3A_550 = tpu.memref_squeeze %dma_wait3A_549 : memref<1x128xf32, #tpu.memory_space<vmem>> -> memref<128xf32, #tpu.memory_space<vmem>>
    %dma_wait3A_551 = arith.constant 0 : i32
    %dma_wait3A_552 = tpu.memref_slice %arg19[%dma_wait3A_547, %dma_wait3A_551] : memref<52x128xf32, #tpu.memory_space<vmem>> -> memref<1x128xf32, #tpu.memory_space<vmem>>
    %dma_wait3A_553 = tpu.memref_squeeze %dma_wait3A_552 : memref<1x128xf32, #tpu.memory_space<vmem>> -> memref<128xf32, #tpu.memory_space<vmem>>
    tpu.wait_dma2 semaphore(%arg21 : memref<!tpu.dma_semaphore, #tpu.memory_space<semaphore_mem>>) src(%arg3 : memref<128xf32, #tpu.memory_space<hbm>>) dst(%dma_wait3A_553 : memref<128xf32, #tpu.memory_space<vmem>>)
    %dma_wait3A_554 = arith.constant 20 : i32
    %dma_wait3A_555 = arith.constant 0 : i32
    %dma_wait3A_556 = tpu.memref_slice %arg19[%dma_wait3A_554, %dma_wait3A_555] : memref<52x128xf32, #tpu.memory_space<vmem>> -> memref<1x128xf32, #tpu.memory_space<vmem>>
    %dma_wait3A_557 = tpu.memref_squeeze %dma_wait3A_556 : memref<1x128xf32, #tpu.memory_space<vmem>> -> memref<128xf32, #tpu.memory_space<vmem>>
    %dma_wait3A_558 = arith.constant 0 : i32
    %dma_wait3A_559 = tpu.memref_slice %arg19[%dma_wait3A_554, %dma_wait3A_558] : memref<52x128xf32, #tpu.memory_space<vmem>> -> memref<1x128xf32, #tpu.memory_space<vmem>>
    %dma_wait3A_560 = tpu.memref_squeeze %dma_wait3A_559 : memref<1x128xf32, #tpu.memory_space<vmem>> -> memref<128xf32, #tpu.memory_space<vmem>>
    tpu.wait_dma2 semaphore(%arg21 : memref<!tpu.dma_semaphore, #tpu.memory_space<semaphore_mem>>) src(%arg3 : memref<128xf32, #tpu.memory_space<hbm>>) dst(%dma_wait3A_560 : memref<128xf32, #tpu.memory_space<vmem>>)
    %dma_wait3A_561 = arith.constant 24 : i32
    %dma_wait3A_562 = arith.constant 0 : i32
    %dma_wait3A_563 = tpu.memref_slice %arg19[%dma_wait3A_561, %dma_wait3A_562] : memref<52x128xf32, #tpu.memory_space<vmem>> -> memref<1x128xf32, #tpu.memory_space<vmem>>
    %dma_wait3A_564 = tpu.memref_squeeze %dma_wait3A_563 : memref<1x128xf32, #tpu.memory_space<vmem>> -> memref<128xf32, #tpu.memory_space<vmem>>
    %dma_wait3A_565 = arith.constant 0 : i32
    %dma_wait3A_566 = tpu.memref_slice %arg19[%dma_wait3A_561, %dma_wait3A_565] : memref<52x128xf32, #tpu.memory_space<vmem>> -> memref<1x128xf32, #tpu.memory_space<vmem>>
    %dma_wait3A_567 = tpu.memref_squeeze %dma_wait3A_566 : memref<1x128xf32, #tpu.memory_space<vmem>> -> memref<128xf32, #tpu.memory_space<vmem>>
    tpu.wait_dma2 semaphore(%arg21 : memref<!tpu.dma_semaphore, #tpu.memory_space<semaphore_mem>>) src(%arg3 : memref<128xf32, #tpu.memory_space<hbm>>) dst(%dma_wait3A_567 : memref<128xf32, #tpu.memory_space<vmem>>)
    %dma_wait3A_568 = arith.constant 28 : i32
    %dma_wait3A_569 = arith.constant 0 : i32
    %dma_wait3A_570 = tpu.memref_slice %arg19[%dma_wait3A_568, %dma_wait3A_569] : memref<52x128xf32, #tpu.memory_space<vmem>> -> memref<1x128xf32, #tpu.memory_space<vmem>>
    %dma_wait3A_571 = tpu.memref_squeeze %dma_wait3A_570 : memref<1x128xf32, #tpu.memory_space<vmem>> -> memref<128xf32, #tpu.memory_space<vmem>>
    %dma_wait3A_572 = arith.constant 0 : i32
    %dma_wait3A_573 = tpu.memref_slice %arg19[%dma_wait3A_568, %dma_wait3A_572] : memref<52x128xf32, #tpu.memory_space<vmem>> -> memref<1x128xf32, #tpu.memory_space<vmem>>
    %dma_wait3A_574 = tpu.memref_squeeze %dma_wait3A_573 : memref<1x128xf32, #tpu.memory_space<vmem>> -> memref<128xf32, #tpu.memory_space<vmem>>
    tpu.wait_dma2 semaphore(%arg21 : memref<!tpu.dma_semaphore, #tpu.memory_space<semaphore_mem>>) src(%arg3 : memref<128xf32, #tpu.memory_space<hbm>>) dst(%dma_wait3A_574 : memref<128xf32, #tpu.memory_space<vmem>>)
    %dma_wait3A_575 = arith.constant 32 : i32
    %dma_wait3A_576 = arith.constant 0 : i32
    %dma_wait3A_577 = tpu.memref_slice %arg19[%dma_wait3A_575, %dma_wait3A_576] : memref<52x128xf32, #tpu.memory_space<vmem>> -> memref<1x128xf32, #tpu.memory_space<vmem>>
    %dma_wait3A_578 = tpu.memref_squeeze %dma_wait3A_577 : memref<1x128xf32, #tpu.memory_space<vmem>> -> memref<128xf32, #tpu.memory_space<vmem>>
    %dma_wait3A_579 = arith.constant 0 : i32
    %dma_wait3A_580 = tpu.memref_slice %arg19[%dma_wait3A_575, %dma_wait3A_579] : memref<52x128xf32, #tpu.memory_space<vmem>> -> memref<1x128xf32, #tpu.memory_space<vmem>>
    %dma_wait3A_581 = tpu.memref_squeeze %dma_wait3A_580 : memref<1x128xf32, #tpu.memory_space<vmem>> -> memref<128xf32, #tpu.memory_space<vmem>>
    tpu.wait_dma2 semaphore(%arg21 : memref<!tpu.dma_semaphore, #tpu.memory_space<semaphore_mem>>) src(%arg3 : memref<128xf32, #tpu.memory_space<hbm>>) dst(%dma_wait3A_581 : memref<128xf32, #tpu.memory_space<vmem>>)
    %dma_wait3A_582 = arith.constant 36 : i32
    %dma_wait3A_583 = arith.constant 0 : i32
    %dma_wait3A_584 = tpu.memref_slice %arg19[%dma_wait3A_582, %dma_wait3A_583] : memref<52x128xf32, #tpu.memory_space<vmem>> -> memref<1x128xf32, #tpu.memory_space<vmem>>
    %dma_wait3A_585 = tpu.memref_squeeze %dma_wait3A_584 : memref<1x128xf32, #tpu.memory_space<vmem>> -> memref<128xf32, #tpu.memory_space<vmem>>
    %dma_wait3A_586 = arith.constant 0 : i32
    %dma_wait3A_587 = tpu.memref_slice %arg19[%dma_wait3A_582, %dma_wait3A_586] : memref<52x128xf32, #tpu.memory_space<vmem>> -> memref<1x128xf32, #tpu.memory_space<vmem>>
    %dma_wait3A_588 = tpu.memref_squeeze %dma_wait3A_587 : memref<1x128xf32, #tpu.memory_space<vmem>> -> memref<128xf32, #tpu.memory_space<vmem>>
    tpu.wait_dma2 semaphore(%arg21 : memref<!tpu.dma_semaphore, #tpu.memory_space<semaphore_mem>>) src(%arg3 : memref<128xf32, #tpu.memory_space<hbm>>) dst(%dma_wait3A_588 : memref<128xf32, #tpu.memory_space<vmem>>)
    %dma_wait3A_589 = arith.constant 40 : i32
    %dma_wait3A_590 = arith.constant 0 : i32
    %dma_wait3A_591 = tpu.memref_slice %arg19[%dma_wait3A_589, %dma_wait3A_590] : memref<52x128xf32, #tpu.memory_space<vmem>> -> memref<1x128xf32, #tpu.memory_space<vmem>>
    %dma_wait3A_592 = tpu.memref_squeeze %dma_wait3A_591 : memref<1x128xf32, #tpu.memory_space<vmem>> -> memref<128xf32, #tpu.memory_space<vmem>>
    %dma_wait3A_593 = arith.constant 0 : i32
    %dma_wait3A_594 = tpu.memref_slice %arg19[%dma_wait3A_589, %dma_wait3A_593] : memref<52x128xf32, #tpu.memory_space<vmem>> -> memref<1x128xf32, #tpu.memory_space<vmem>>
    %dma_wait3A_595 = tpu.memref_squeeze %dma_wait3A_594 : memref<1x128xf32, #tpu.memory_space<vmem>> -> memref<128xf32, #tpu.memory_space<vmem>>
    tpu.wait_dma2 semaphore(%arg21 : memref<!tpu.dma_semaphore, #tpu.memory_space<semaphore_mem>>) src(%arg3 : memref<128xf32, #tpu.memory_space<hbm>>) dst(%dma_wait3A_595 : memref<128xf32, #tpu.memory_space<vmem>>)
    %dma_wait3A_596 = arith.constant 44 : i32
    %dma_wait3A_597 = arith.constant 0 : i32
    %dma_wait3A_598 = tpu.memref_slice %arg19[%dma_wait3A_596, %dma_wait3A_597] : memref<52x128xf32, #tpu.memory_space<vmem>> -> memref<1x128xf32, #tpu.memory_space<vmem>>
    %dma_wait3A_599 = tpu.memref_squeeze %dma_wait3A_598 : memref<1x128xf32, #tpu.memory_space<vmem>> -> memref<128xf32, #tpu.memory_space<vmem>>
    %dma_wait3A_600 = arith.constant 0 : i32
    %dma_wait3A_601 = tpu.memref_slice %arg19[%dma_wait3A_596, %dma_wait3A_600] : memref<52x128xf32, #tpu.memory_space<vmem>> -> memref<1x128xf32, #tpu.memory_space<vmem>>
    %dma_wait3A_602 = tpu.memref_squeeze %dma_wait3A_601 : memref<1x128xf32, #tpu.memory_space<vmem>> -> memref<128xf32, #tpu.memory_space<vmem>>
    tpu.wait_dma2 semaphore(%arg21 : memref<!tpu.dma_semaphore, #tpu.memory_space<semaphore_mem>>) src(%arg3 : memref<128xf32, #tpu.memory_space<hbm>>) dst(%dma_wait3A_602 : memref<128xf32, #tpu.memory_space<vmem>>)
    %dma_wait3A_603 = arith.constant 48 : i32
    %dma_wait3A_604 = arith.constant 0 : i32
    %dma_wait3A_605 = tpu.memref_slice %arg19[%dma_wait3A_603, %dma_wait3A_604] : memref<52x128xf32, #tpu.memory_space<vmem>> -> memref<1x128xf32, #tpu.memory_space<vmem>>
    %dma_wait3A_606 = tpu.memref_squeeze %dma_wait3A_605 : memref<1x128xf32, #tpu.memory_space<vmem>> -> memref<128xf32, #tpu.memory_space<vmem>>
    %dma_wait3A_607 = arith.constant 0 : i32
    %dma_wait3A_608 = tpu.memref_slice %arg19[%dma_wait3A_603, %dma_wait3A_607] : memref<52x128xf32, #tpu.memory_space<vmem>> -> memref<1x128xf32, #tpu.memory_space<vmem>>
    %dma_wait3A_609 = tpu.memref_squeeze %dma_wait3A_608 : memref<1x128xf32, #tpu.memory_space<vmem>> -> memref<128xf32, #tpu.memory_space<vmem>>
    tpu.wait_dma2 semaphore(%arg21 : memref<!tpu.dma_semaphore, #tpu.memory_space<semaphore_mem>>) src(%arg3 : memref<128xf32, #tpu.memory_space<hbm>>) dst(%dma_wait3A_609 : memref<128xf32, #tpu.memory_space<vmem>>)
    %scan3A = arith.constant 0 : i32
    %scan3A_610 = arith.constant 0 : i32
    %scan3A_611 = arith.constant 8 : i32
    %scan3A_612 = arith.addi %scan3A_610, %scan3A_611 : i32
    %scan3A_613 = arith.constant 1 : i32
    scf.for %scan3A_908 = %scan3A_610 to %scan3A_612 step %scan3A_613  : i32 {
      %mul3A_909 = arith.constant 16 : i32
      %mul3A_910 = arith.muli %scan3A_908, %mul3A_909 : i32
      %get3A = arith.constant 0 : i32
      %get3A_911 = arith.index_cast %get3A : i32 to index
      %get3A_912 = arith.index_cast %mul3A_910 : i32 to index
      %get3A_913 = tpu.vector_load %arg19[%get3A_911, %get3A_912] {strides = array<i32>} : memref<52x128xf32, #tpu.memory_space<vmem>>, vector<1x16xf32>,
      %get3A_914 = vector.shape_cast %get3A_913 : vector<1x16xf32> to vector<16xf32>
      %get3A_915 = arith.constant 4 : i32
      %get3A_916 = arith.index_cast %get3A_915 : i32 to index
      %get3A_917 = arith.index_cast %mul3A_910 : i32 to index
      %get3A_918 = tpu.vector_load %arg19[%get3A_916, %get3A_917] {strides = array<i32>} : memref<52x128xf32, #tpu.memory_space<vmem>>, vector<1x16xf32>,
      %get3A_919 = vector.shape_cast %get3A_918 : vector<1x16xf32> to vector<16xf32>
      %add3A_920 = arith.addf %get3A_914, %get3A_919 : vector<16xf32>
      %get3A_921 = arith.constant 8 : i32
      %get3A_922 = arith.index_cast %get3A_921 : i32 to index
      %get3A_923 = arith.index_cast %mul3A_910 : i32 to index
      %get3A_924 = tpu.vector_load %arg19[%get3A_922, %get3A_923] {strides = array<i32>} : memref<52x128xf32, #tpu.memory_space<vmem>>, vector<1x16xf32>,
      %get3A_925 = vector.shape_cast %get3A_924 : vector<1x16xf32> to vector<16xf32>
      %add3A_926 = arith.addf %add3A_920, %get3A_925 : vector<16xf32>
      %get3A_927 = arith.constant 12 : i32
      %get3A_928 = arith.index_cast %get3A_927 : i32 to index
      %get3A_929 = arith.index_cast %mul3A_910 : i32 to index
      %get3A_930 = tpu.vector_load %arg19[%get3A_928, %get3A_929] {strides = array<i32>} : memref<52x128xf32, #tpu.memory_space<vmem>>, vector<1x16xf32>,
      %get3A_931 = vector.shape_cast %get3A_930 : vector<1x16xf32> to vector<16xf32>
      %add3A_932 = arith.addf %add3A_926, %get3A_931 : vector<16xf32>
      %get3A_933 = arith.constant 16 : i32
      %get3A_934 = arith.index_cast %get3A_933 : i32 to index
      %get3A_935 = arith.index_cast %mul3A_910 : i32 to index
      %get3A_936 = tpu.vector_load %arg19[%get3A_934, %get3A_935] {strides = array<i32>} : memref<52x128xf32, #tpu.memory_space<vmem>>, vector<1x16xf32>,
      %get3A_937 = vector.shape_cast %get3A_936 : vector<1x16xf32> to vector<16xf32>
      %add3A_938 = arith.addf %add3A_932, %get3A_937 : vector<16xf32>
      %get3A_939 = arith.constant 20 : i32
      %get3A_940 = arith.index_cast %get3A_939 : i32 to index
      %get3A_941 = arith.index_cast %mul3A_910 : i32 to index
      %get3A_942 = tpu.vector_load %arg19[%get3A_940, %get3A_941] {strides = array<i32>} : memref<52x128xf32, #tpu.memory_space<vmem>>, vector<1x16xf32>,
      %get3A_943 = vector.shape_cast %get3A_942 : vector<1x16xf32> to vector<16xf32>
      %add3A_944 = arith.addf %add3A_938, %get3A_943 : vector<16xf32>
      %get3A_945 = arith.constant 24 : i32
      %get3A_946 = arith.index_cast %get3A_945 : i32 to index
      %get3A_947 = arith.index_cast %mul3A_910 : i32 to index
      %get3A_948 = tpu.vector_load %arg19[%get3A_946, %get3A_947] {strides = array<i32>} : memref<52x128xf32, #tpu.memory_space<vmem>>, vector<1x16xf32>,
      %get3A_949 = vector.shape_cast %get3A_948 : vector<1x16xf32> to vector<16xf32>
      %add3A_950 = arith.addf %add3A_944, %get3A_949 : vector<16xf32>
      %get3A_951 = arith.constant 28 : i32
      %get3A_952 = arith.index_cast %get3A_951 : i32 to index
      %get3A_953 = arith.index_cast %mul3A_910 : i32 to index
      %get3A_954 = tpu.vector_load %arg19[%get3A_952, %get3A_953] {strides = array<i32>} : memref<52x128xf32, #tpu.memory_space<vmem>>, vector<1x16xf32>,
      %get3A_955 = vector.shape_cast %get3A_954 : vector<1x16xf32> to vector<16xf32>
      %add3A_956 = arith.addf %add3A_950, %get3A_955 : vector<16xf32>
      %get3A_957 = arith.constant 32 : i32
      %get3A_958 = arith.index_cast %get3A_957 : i32 to index
      %get3A_959 = arith.index_cast %mul3A_910 : i32 to index
      %get3A_960 = tpu.vector_load %arg19[%get3A_958, %get3A_959] {strides = array<i32>} : memref<52x128xf32, #tpu.memory_space<vmem>>, vector<1x16xf32>,
      %get3A_961 = vector.shape_cast %get3A_960 : vector<1x16xf32> to vector<16xf32>
      %add3A_962 = arith.addf %add3A_956, %get3A_961 : vector<16xf32>
      %get3A_963 = arith.constant 36 : i32
      %get3A_964 = arith.index_cast %get3A_963 : i32 to index
      %get3A_965 = arith.index_cast %mul3A_910 : i32 to index
      %get3A_966 = tpu.vector_load %arg19[%get3A_964, %get3A_965] {strides = array<i32>} : memref<52x128xf32, #tpu.memory_space<vmem>>, vector<1x16xf32>,
      %get3A_967 = vector.shape_cast %get3A_966 : vector<1x16xf32> to vector<16xf32>
      %add3A_968 = arith.addf %add3A_962, %get3A_967 : vector<16xf32>
      %get3A_969 = arith.constant 40 : i32
      %get3A_970 = arith.index_cast %get3A_969 : i32 to index
      %get3A_971 = arith.index_cast %mul3A_910 : i32 to index
      %get3A_972 = tpu.vector_load %arg19[%get3A_970, %get3A_971] {strides = array<i32>} : memref<52x128xf32, #tpu.memory_space<vmem>>, vector<1x16xf32>,
      %get3A_973 = vector.shape_cast %get3A_972 : vector<1x16xf32> to vector<16xf32>
      %add3A_974 = arith.addf %add3A_968, %get3A_973 : vector<16xf32>
      %get3A_975 = arith.constant 44 : i32
      %get3A_976 = arith.index_cast %get3A_975 : i32 to index
      %get3A_977 = arith.index_cast %mul3A_910 : i32 to index
      %get3A_978 = tpu.vector_load %arg19[%get3A_976, %get3A_977] {strides = array<i32>} : memref<52x128xf32, #tpu.memory_space<vmem>>, vector<1x16xf32>,
      %get3A_979 = vector.shape_cast %get3A_978 : vector<1x16xf32> to vector<16xf32>
      %add3A_980 = arith.addf %add3A_974, %get3A_979 : vector<16xf32>
      %get3A_981 = arith.constant 48 : i32
      %get3A_982 = arith.index_cast %get3A_981 : i32 to index
      %get3A_983 = arith.index_cast %mul3A_910 : i32 to index
      %get3A_984 = tpu.vector_load %arg19[%get3A_982, %get3A_983] {strides = array<i32>} : memref<52x128xf32, #tpu.memory_space<vmem>>, vector<1x16xf32>,
      %get3A_985 = vector.shape_cast %get3A_984 : vector<1x16xf32> to vector<16xf32>
      %add3A_986 = arith.addf %add3A_980, %get3A_985 : vector<16xf32>
      %mul3A_987 = arith.constant 16 : i32
      %mul3A_988 = arith.muli %scan3A_908, %mul3A_987 : i32
      %add3A_989 = arith.constant 0 : i32
      %add3A_990 = arith.addi %add3A_989, %mul3A_988 : i32
      %swap3A = arith.index_cast %add3A_990 : i32 to index
      %swap3A_991 = tpu.vector_load %arg20[%swap3A] {strides = array<i32>} : memref<512xf32, #tpu.memory_space<vmem>>, vector<16xf32>,
      %swap3A_992 = vector.shape_cast %swap3A_991 : vector<16xf32> to vector<16xf32>
      %swap3A_993 = vector.shape_cast %add3A_986 : vector<16xf32> to vector<16xf32>
      tpu.vector_store %arg20[%swap3A], %swap3A_993 {strides = array<i32>} : memref<512xf32, #tpu.memory_space<vmem>>, vector<16xf32>,
    }
    %scan3A_614 = arith.constant 8 : i32
    %dma_wait3A_615 = arith.constant 1 : i32
    %dma_wait3A_616 = arith.constant 0 : i32
    %dma_wait3A_617 = tpu.memref_slice %arg19[%dma_wait3A_615, %dma_wait3A_616] : memref<52x128xf32, #tpu.memory_space<vmem>> -> memref<1x128xf32, #tpu.memory_space<vmem>>
    %dma_wait3A_618 = tpu.memref_squeeze %dma_wait3A_617 : memref<1x128xf32, #tpu.memory_space<vmem>> -> memref<128xf32, #tpu.memory_space<vmem>>
    %dma_wait3A_619 = arith.constant 0 : i32
    %dma_wait3A_620 = tpu.memref_slice %arg19[%dma_wait3A_615, %dma_wait3A_619] : memref<52x128xf32, #tpu.memory_space<vmem>> -> memref<1x128xf32, #tpu.memory_space<vmem>>
    %dma_wait3A_621 = tpu.memref_squeeze %dma_wait3A_620 : memref<1x128xf32, #tpu.memory_space<vmem>> -> memref<128xf32, #tpu.memory_space<vmem>>
    tpu.wait_dma2 semaphore(%arg22 : memref<!tpu.dma_semaphore, #tpu.memory_space<semaphore_mem>>) src(%arg3 : memref<128xf32, #tpu.memory_space<hbm>>) dst(%dma_wait3A_621 : memref<128xf32, #tpu.memory_space<vmem>>)
    %dma_wait3A_622 = arith.constant 5 : i32
    %dma_wait3A_623 = arith.constant 0 : i32
    %dma_wait3A_624 = tpu.memref_slice %arg19[%dma_wait3A_622, %dma_wait3A_623] : memref<52x128xf32, #tpu.memory_space<vmem>> -> memref<1x128xf32, #tpu.memory_space<vmem>>
    %dma_wait3A_625 = tpu.memref_squeeze %dma_wait3A_624 : memref<1x128xf32, #tpu.memory_space<vmem>> -> memref<128xf32, #tpu.memory_space<vmem>>
    %dma_wait3A_626 = arith.constant 0 : i32
    %dma_wait3A_627 = tpu.memref_slice %arg19[%dma_wait3A_622, %dma_wait3A_626] : memref<52x128xf32, #tpu.memory_space<vmem>> -> memref<1x128xf32, #tpu.memory_space<vmem>>
    %dma_wait3A_628 = tpu.memref_squeeze %dma_wait3A_627 : memref<1x128xf32, #tpu.memory_space<vmem>> -> memref<128xf32, #tpu.memory_space<vmem>>
    tpu.wait_dma2 semaphore(%arg22 : memref<!tpu.dma_semaphore, #tpu.memory_space<semaphore_mem>>) src(%arg3 : memref<128xf32, #tpu.memory_space<hbm>>) dst(%dma_wait3A_628 : memref<128xf32, #tpu.memory_space<vmem>>)
    %dma_wait3A_629 = arith.constant 9 : i32
    %dma_wait3A_630 = arith.constant 0 : i32
    %dma_wait3A_631 = tpu.memref_slice %arg19[%dma_wait3A_629, %dma_wait3A_630] : memref<52x128xf32, #tpu.memory_space<vmem>> -> memref<1x128xf32, #tpu.memory_space<vmem>>
    %dma_wait3A_632 = tpu.memref_squeeze %dma_wait3A_631 : memref<1x128xf32, #tpu.memory_space<vmem>> -> memref<128xf32, #tpu.memory_space<vmem>>
    %dma_wait3A_633 = arith.constant 0 : i32
    %dma_wait3A_634 = tpu.memref_slice %arg19[%dma_wait3A_629, %dma_wait3A_633] : memref<52x128xf32, #tpu.memory_space<vmem>> -> memref<1x128xf32, #tpu.memory_space<vmem>>
    %dma_wait3A_635 = tpu.memref_squeeze %dma_wait3A_634 : memref<1x128xf32, #tpu.memory_space<vmem>> -> memref<128xf32, #tpu.memory_space<vmem>>
    tpu.wait_dma2 semaphore(%arg22 : memref<!tpu.dma_semaphore, #tpu.memory_space<semaphore_mem>>) src(%arg3 : memref<128xf32, #tpu.memory_space<hbm>>) dst(%dma_wait3A_635 : memref<128xf32, #tpu.memory_space<vmem>>)
    %dma_wait3A_636 = arith.constant 13 : i32
    %dma_wait3A_637 = arith.constant 0 : i32
    %dma_wait3A_638 = tpu.memref_slice %arg19[%dma_wait3A_636, %dma_wait3A_637] : memref<52x128xf32, #tpu.memory_space<vmem>> -> memref<1x128xf32, #tpu.memory_space<vmem>>
    %dma_wait3A_639 = tpu.memref_squeeze %dma_wait3A_638 : memref<1x128xf32, #tpu.memory_space<vmem>> -> memref<128xf32, #tpu.memory_space<vmem>>
    %dma_wait3A_640 = arith.constant 0 : i32
    %dma_wait3A_641 = tpu.memref_slice %arg19[%dma_wait3A_636, %dma_wait3A_640] : memref<52x128xf32, #tpu.memory_space<vmem>> -> memref<1x128xf32, #tpu.memory_space<vmem>>
    %dma_wait3A_642 = tpu.memref_squeeze %dma_wait3A_641 : memref<1x128xf32, #tpu.memory_space<vmem>> -> memref<128xf32, #tpu.memory_space<vmem>>
    tpu.wait_dma2 semaphore(%arg22 : memref<!tpu.dma_semaphore, #tpu.memory_space<semaphore_mem>>) src(%arg3 : memref<128xf32, #tpu.memory_space<hbm>>) dst(%dma_wait3A_642 : memref<128xf32, #tpu.memory_space<vmem>>)
    %dma_wait3A_643 = arith.constant 17 : i32
    %dma_wait3A_644 = arith.constant 0 : i32
    %dma_wait3A_645 = tpu.memref_slice %arg19[%dma_wait3A_643, %dma_wait3A_644] : memref<52x128xf32, #tpu.memory_space<vmem>> -> memref<1x128xf32, #tpu.memory_space<vmem>>
    %dma_wait3A_646 = tpu.memref_squeeze %dma_wait3A_645 : memref<1x128xf32, #tpu.memory_space<vmem>> -> memref<128xf32, #tpu.memory_space<vmem>>
    %dma_wait3A_647 = arith.constant 0 : i32
    %dma_wait3A_648 = tpu.memref_slice %arg19[%dma_wait3A_643, %dma_wait3A_647] : memref<52x128xf32, #tpu.memory_space<vmem>> -> memref<1x128xf32, #tpu.memory_space<vmem>>
    %dma_wait3A_649 = tpu.memref_squeeze %dma_wait3A_648 : memref<1x128xf32, #tpu.memory_space<vmem>> -> memref<128xf32, #tpu.memory_space<vmem>>
    tpu.wait_dma2 semaphore(%arg22 : memref<!tpu.dma_semaphore, #tpu.memory_space<semaphore_mem>>) src(%arg3 : memref<128xf32, #tpu.memory_space<hbm>>) dst(%dma_wait3A_649 : memref<128xf32, #tpu.memory_space<vmem>>)
    %dma_wait3A_650 = arith.constant 21 : i32
    %dma_wait3A_651 = arith.constant 0 : i32
    %dma_wait3A_652 = tpu.memref_slice %arg19[%dma_wait3A_650, %dma_wait3A_651] : memref<52x128xf32, #tpu.memory_space<vmem>> -> memref<1x128xf32, #tpu.memory_space<vmem>>
    %dma_wait3A_653 = tpu.memref_squeeze %dma_wait3A_652 : memref<1x128xf32, #tpu.memory_space<vmem>> -> memref<128xf32, #tpu.memory_space<vmem>>
    %dma_wait3A_654 = arith.constant 0 : i32
    %dma_wait3A_655 = tpu.memref_slice %arg19[%dma_wait3A_650, %dma_wait3A_654] : memref<52x128xf32, #tpu.memory_space<vmem>> -> memref<1x128xf32, #tpu.memory_space<vmem>>
    %dma_wait3A_656 = tpu.memref_squeeze %dma_wait3A_655 : memref<1x128xf32, #tpu.memory_space<vmem>> -> memref<128xf32, #tpu.memory_space<vmem>>
    tpu.wait_dma2 semaphore(%arg22 : memref<!tpu.dma_semaphore, #tpu.memory_space<semaphore_mem>>) src(%arg3 : memref<128xf32, #tpu.memory_space<hbm>>) dst(%dma_wait3A_656 : memref<128xf32, #tpu.memory_space<vmem>>)
    %dma_wait3A_657 = arith.constant 25 : i32
    %dma_wait3A_658 = arith.constant 0 : i32
    %dma_wait3A_659 = tpu.memref_slice %arg19[%dma_wait3A_657, %dma_wait3A_658] : memref<52x128xf32, #tpu.memory_space<vmem>> -> memref<1x128xf32, #tpu.memory_space<vmem>>
    %dma_wait3A_660 = tpu.memref_squeeze %dma_wait3A_659 : memref<1x128xf32, #tpu.memory_space<vmem>> -> memref<128xf32, #tpu.memory_space<vmem>>
    %dma_wait3A_661 = arith.constant 0 : i32
    %dma_wait3A_662 = tpu.memref_slice %arg19[%dma_wait3A_657, %dma_wait3A_661] : memref<52x128xf32, #tpu.memory_space<vmem>> -> memref<1x128xf32, #tpu.memory_space<vmem>>
    %dma_wait3A_663 = tpu.memref_squeeze %dma_wait3A_662 : memref<1x128xf32, #tpu.memory_space<vmem>> -> memref<128xf32, #tpu.memory_space<vmem>>
    tpu.wait_dma2 semaphore(%arg22 : memref<!tpu.dma_semaphore, #tpu.memory_space<semaphore_mem>>) src(%arg3 : memref<128xf32, #tpu.memory_space<hbm>>) dst(%dma_wait3A_663 : memref<128xf32, #tpu.memory_space<vmem>>)
    %dma_wait3A_664 = arith.constant 29 : i32
    %dma_wait3A_665 = arith.constant 0 : i32
    %dma_wait3A_666 = tpu.memref_slice %arg19[%dma_wait3A_664, %dma_wait3A_665] : memref<52x128xf32, #tpu.memory_space<vmem>> -> memref<1x128xf32, #tpu.memory_space<vmem>>
    %dma_wait3A_667 = tpu.memref_squeeze %dma_wait3A_666 : memref<1x128xf32, #tpu.memory_space<vmem>> -> memref<128xf32, #tpu.memory_space<vmem>>
    %dma_wait3A_668 = arith.constant 0 : i32
    %dma_wait3A_669 = tpu.memref_slice %arg19[%dma_wait3A_664, %dma_wait3A_668] : memref<52x128xf32, #tpu.memory_space<vmem>> -> memref<1x128xf32, #tpu.memory_space<vmem>>
    %dma_wait3A_670 = tpu.memref_squeeze %dma_wait3A_669 : memref<1x128xf32, #tpu.memory_space<vmem>> -> memref<128xf32, #tpu.memory_space<vmem>>
    tpu.wait_dma2 semaphore(%arg22 : memref<!tpu.dma_semaphore, #tpu.memory_space<semaphore_mem>>) src(%arg3 : memref<128xf32, #tpu.memory_space<hbm>>) dst(%dma_wait3A_670 : memref<128xf32, #tpu.memory_space<vmem>>)
    %dma_wait3A_671 = arith.constant 33 : i32
    %dma_wait3A_672 = arith.constant 0 : i32
    %dma_wait3A_673 = tpu.memref_slice %arg19[%dma_wait3A_671, %dma_wait3A_672] : memref<52x128xf32, #tpu.memory_space<vmem>> -> memref<1x128xf32, #tpu.memory_space<vmem>>
    %dma_wait3A_674 = tpu.memref_squeeze %dma_wait3A_673 : memref<1x128xf32, #tpu.memory_space<vmem>> -> memref<128xf32, #tpu.memory_space<vmem>>
    %dma_wait3A_675 = arith.constant 0 : i32
    %dma_wait3A_676 = tpu.memref_slice %arg19[%dma_wait3A_671, %dma_wait3A_675] : memref<52x128xf32, #tpu.memory_space<vmem>> -> memref<1x128xf32, #tpu.memory_space<vmem>>
    %dma_wait3A_677 = tpu.memref_squeeze %dma_wait3A_676 : memref<1x128xf32, #tpu.memory_space<vmem>> -> memref<128xf32, #tpu.memory_space<vmem>>
    tpu.wait_dma2 semaphore(%arg22 : memref<!tpu.dma_semaphore, #tpu.memory_space<semaphore_mem>>) src(%arg3 : memref<128xf32, #tpu.memory_space<hbm>>) dst(%dma_wait3A_677 : memref<128xf32, #tpu.memory_space<vmem>>)
    %dma_wait3A_678 = arith.constant 37 : i32
    %dma_wait3A_679 = arith.constant 0 : i32
    %dma_wait3A_680 = tpu.memref_slice %arg19[%dma_wait3A_678, %dma_wait3A_679] : memref<52x128xf32, #tpu.memory_space<vmem>> -> memref<1x128xf32, #tpu.memory_space<vmem>>
    %dma_wait3A_681 = tpu.memref_squeeze %dma_wait3A_680 : memref<1x128xf32, #tpu.memory_space<vmem>> -> memref<128xf32, #tpu.memory_space<vmem>>
    %dma_wait3A_682 = arith.constant 0 : i32
    %dma_wait3A_683 = tpu.memref_slice %arg19[%dma_wait3A_678, %dma_wait3A_682] : memref<52x128xf32, #tpu.memory_space<vmem>> -> memref<1x128xf32, #tpu.memory_space<vmem>>
    %dma_wait3A_684 = tpu.memref_squeeze %dma_wait3A_683 : memref<1x128xf32, #tpu.memory_space<vmem>> -> memref<128xf32, #tpu.memory_space<vmem>>
    tpu.wait_dma2 semaphore(%arg22 : memref<!tpu.dma_semaphore, #tpu.memory_space<semaphore_mem>>) src(%arg3 : memref<128xf32, #tpu.memory_space<hbm>>) dst(%dma_wait3A_684 : memref<128xf32, #tpu.memory_space<vmem>>)
    %dma_wait3A_685 = arith.constant 41 : i32
    %dma_wait3A_686 = arith.constant 0 : i32
    %dma_wait3A_687 = tpu.memref_slice %arg19[%dma_wait3A_685, %dma_wait3A_686] : memref<52x128xf32, #tpu.memory_space<vmem>> -> memref<1x128xf32, #tpu.memory_space<vmem>>
    %dma_wait3A_688 = tpu.memref_squeeze %dma_wait3A_687 : memref<1x128xf32, #tpu.memory_space<vmem>> -> memref<128xf32, #tpu.memory_space<vmem>>
    %dma_wait3A_689 = arith.constant 0 : i32
    %dma_wait3A_690 = tpu.memref_slice %arg19[%dma_wait3A_685, %dma_wait3A_689] : memref<52x128xf32, #tpu.memory_space<vmem>> -> memref<1x128xf32, #tpu.memory_space<vmem>>
    %dma_wait3A_691 = tpu.memref_squeeze %dma_wait3A_690 : memref<1x128xf32, #tpu.memory_space<vmem>> -> memref<128xf32, #tpu.memory_space<vmem>>
    tpu.wait_dma2 semaphore(%arg22 : memref<!tpu.dma_semaphore, #tpu.memory_space<semaphore_mem>>) src(%arg3 : memref<128xf32, #tpu.memory_space<hbm>>) dst(%dma_wait3A_691 : memref<128xf32, #tpu.memory_space<vmem>>)
    %dma_wait3A_692 = arith.constant 45 : i32
    %dma_wait3A_693 = arith.constant 0 : i32
    %dma_wait3A_694 = tpu.memref_slice %arg19[%dma_wait3A_692, %dma_wait3A_693] : memref<52x128xf32, #tpu.memory_space<vmem>> -> memref<1x128xf32, #tpu.memory_space<vmem>>
    %dma_wait3A_695 = tpu.memref_squeeze %dma_wait3A_694 : memref<1x128xf32, #tpu.memory_space<vmem>> -> memref<128xf32, #tpu.memory_space<vmem>>
    %dma_wait3A_696 = arith.constant 0 : i32
    %dma_wait3A_697 = tpu.memref_slice %arg19[%dma_wait3A_692, %dma_wait3A_696] : memref<52x128xf32, #tpu.memory_space<vmem>> -> memref<1x128xf32, #tpu.memory_space<vmem>>
    %dma_wait3A_698 = tpu.memref_squeeze %dma_wait3A_697 : memref<1x128xf32, #tpu.memory_space<vmem>> -> memref<128xf32, #tpu.memory_space<vmem>>
    tpu.wait_dma2 semaphore(%arg22 : memref<!tpu.dma_semaphore, #tpu.memory_space<semaphore_mem>>) src(%arg3 : memref<128xf32, #tpu.memory_space<hbm>>) dst(%dma_wait3A_698 : memref<128xf32, #tpu.memory_space<vmem>>)
    %dma_wait3A_699 = arith.constant 49 : i32
    %dma_wait3A_700 = arith.constant 0 : i32
    %dma_wait3A_701 = tpu.memref_slice %arg19[%dma_wait3A_699, %dma_wait3A_700] : memref<52x128xf32, #tpu.memory_space<vmem>> -> memref<1x128xf32, #tpu.memory_space<vmem>>
    %dma_wait3A_702 = tpu.memref_squeeze %dma_wait3A_701 : memref<1x128xf32, #tpu.memory_space<vmem>> -> memref<128xf32, #tpu.memory_space<vmem>>
    %dma_wait3A_703 = arith.constant 0 : i32
    %dma_wait3A_704 = tpu.memref_slice %arg19[%dma_wait3A_699, %dma_wait3A_703] : memref<52x128xf32, #tpu.memory_space<vmem>> -> memref<1x128xf32, #tpu.memory_space<vmem>>
    %dma_wait3A_705 = tpu.memref_squeeze %dma_wait3A_704 : memref<1x128xf32, #tpu.memory_space<vmem>> -> memref<128xf32, #tpu.memory_space<vmem>>
    tpu.wait_dma2 semaphore(%arg22 : memref<!tpu.dma_semaphore, #tpu.memory_space<semaphore_mem>>) src(%arg3 : memref<128xf32, #tpu.memory_space<hbm>>) dst(%dma_wait3A_705 : memref<128xf32, #tpu.memory_space<vmem>>)
    %scan3A_706 = arith.constant 0 : i32
    %scan3A_707 = arith.constant 0 : i32
    %scan3A_708 = arith.constant 8 : i32
    %scan3A_709 = arith.addi %scan3A_707, %scan3A_708 : i32
    %scan3A_710 = arith.constant 1 : i32
    scf.for %scan3A_908 = %scan3A_707 to %scan3A_709 step %scan3A_710  : i32 {
      %mul3A_909 = arith.constant 16 : i32
      %mul3A_910 = arith.muli %scan3A_908, %mul3A_909 : i32
      %get3A = arith.constant 1 : i32
      %get3A_911 = arith.index_cast %get3A : i32 to index
      %get3A_912 = arith.index_cast %mul3A_910 : i32 to index
      %get3A_913 = tpu.vector_load %arg19[%get3A_911, %get3A_912] {strides = array<i32>} : memref<52x128xf32, #tpu.memory_space<vmem>>, vector<1x16xf32>,
      %get3A_914 = vector.shape_cast %get3A_913 : vector<1x16xf32> to vector<16xf32>
      %get3A_915 = arith.constant 5 : i32
      %get3A_916 = arith.index_cast %get3A_915 : i32 to index
      %get3A_917 = arith.index_cast %mul3A_910 : i32 to index
      %get3A_918 = tpu.vector_load %arg19[%get3A_916, %get3A_917] {strides = array<i32>} : memref<52x128xf32, #tpu.memory_space<vmem>>, vector<1x16xf32>,
      %get3A_919 = vector.shape_cast %get3A_918 : vector<1x16xf32> to vector<16xf32>
      %add3A_920 = arith.addf %get3A_914, %get3A_919 : vector<16xf32>
      %get3A_921 = arith.constant 9 : i32
      %get3A_922 = arith.index_cast %get3A_921 : i32 to index
      %get3A_923 = arith.index_cast %mul3A_910 : i32 to index
      %get3A_924 = tpu.vector_load %arg19[%get3A_922, %get3A_923] {strides = array<i32>} : memref<52x128xf32, #tpu.memory_space<vmem>>, vector<1x16xf32>,
      %get3A_925 = vector.shape_cast %get3A_924 : vector<1x16xf32> to vector<16xf32>
      %add3A_926 = arith.addf %add3A_920, %get3A_925 : vector<16xf32>
      %get3A_927 = arith.constant 13 : i32
      %get3A_928 = arith.index_cast %get3A_927 : i32 to index
      %get3A_929 = arith.index_cast %mul3A_910 : i32 to index
      %get3A_930 = tpu.vector_load %arg19[%get3A_928, %get3A_929] {strides = array<i32>} : memref<52x128xf32, #tpu.memory_space<vmem>>, vector<1x16xf32>,
      %get3A_931 = vector.shape_cast %get3A_930 : vector<1x16xf32> to vector<16xf32>
      %add3A_932 = arith.addf %add3A_926, %get3A_931 : vector<16xf32>
      %get3A_933 = arith.constant 17 : i32
      %get3A_934 = arith.index_cast %get3A_933 : i32 to index
      %get3A_935 = arith.index_cast %mul3A_910 : i32 to index
      %get3A_936 = tpu.vector_load %arg19[%get3A_934, %get3A_935] {strides = array<i32>} : memref<52x128xf32, #tpu.memory_space<vmem>>, vector<1x16xf32>,
      %get3A_937 = vector.shape_cast %get3A_936 : vector<1x16xf32> to vector<16xf32>
      %add3A_938 = arith.addf %add3A_932, %get3A_937 : vector<16xf32>
      %get3A_939 = arith.constant 21 : i32
      %get3A_940 = arith.index_cast %get3A_939 : i32 to index
      %get3A_941 = arith.index_cast %mul3A_910 : i32 to index
      %get3A_942 = tpu.vector_load %arg19[%get3A_940, %get3A_941] {strides = array<i32>} : memref<52x128xf32, #tpu.memory_space<vmem>>, vector<1x16xf32>,
      %get3A_943 = vector.shape_cast %get3A_942 : vector<1x16xf32> to vector<16xf32>
      %add3A_944 = arith.addf %add3A_938, %get3A_943 : vector<16xf32>
      %get3A_945 = arith.constant 25 : i32
      %get3A_946 = arith.index_cast %get3A_945 : i32 to index
      %get3A_947 = arith.index_cast %mul3A_910 : i32 to index
      %get3A_948 = tpu.vector_load %arg19[%get3A_946, %get3A_947] {strides = array<i32>} : memref<52x128xf32, #tpu.memory_space<vmem>>, vector<1x16xf32>,
      %get3A_949 = vector.shape_cast %get3A_948 : vector<1x16xf32> to vector<16xf32>
      %add3A_950 = arith.addf %add3A_944, %get3A_949 : vector<16xf32>
      %get3A_951 = arith.constant 29 : i32
      %get3A_952 = arith.index_cast %get3A_951 : i32 to index
      %get3A_953 = arith.index_cast %mul3A_910 : i32 to index
      %get3A_954 = tpu.vector_load %arg19[%get3A_952, %get3A_953] {strides = array<i32>} : memref<52x128xf32, #tpu.memory_space<vmem>>, vector<1x16xf32>,
      %get3A_955 = vector.shape_cast %get3A_954 : vector<1x16xf32> to vector<16xf32>
      %add3A_956 = arith.addf %add3A_950, %get3A_955 : vector<16xf32>
      %get3A_957 = arith.constant 33 : i32
      %get3A_958 = arith.index_cast %get3A_957 : i32 to index
      %get3A_959 = arith.index_cast %mul3A_910 : i32 to index
      %get3A_960 = tpu.vector_load %arg19[%get3A_958, %get3A_959] {strides = array<i32>} : memref<52x128xf32, #tpu.memory_space<vmem>>, vector<1x16xf32>,
      %get3A_961 = vector.shape_cast %get3A_960 : vector<1x16xf32> to vector<16xf32>
      %add3A_962 = arith.addf %add3A_956, %get3A_961 : vector<16xf32>
      %get3A_963 = arith.constant 37 : i32
      %get3A_964 = arith.index_cast %get3A_963 : i32 to index
      %get3A_965 = arith.index_cast %mul3A_910 : i32 to index
      %get3A_966 = tpu.vector_load %arg19[%get3A_964, %get3A_965] {strides = array<i32>} : memref<52x128xf32, #tpu.memory_space<vmem>>, vector<1x16xf32>,
      %get3A_967 = vector.shape_cast %get3A_966 : vector<1x16xf32> to vector<16xf32>
      %add3A_968 = arith.addf %add3A_962, %get3A_967 : vector<16xf32>
      %get3A_969 = arith.constant 41 : i32
      %get3A_970 = arith.index_cast %get3A_969 : i32 to index
      %get3A_971 = arith.index_cast %mul3A_910 : i32 to index
      %get3A_972 = tpu.vector_load %arg19[%get3A_970, %get3A_971] {strides = array<i32>} : memref<52x128xf32, #tpu.memory_space<vmem>>, vector<1x16xf32>,
      %get3A_973 = vector.shape_cast %get3A_972 : vector<1x16xf32> to vector<16xf32>
      %add3A_974 = arith.addf %add3A_968, %get3A_973 : vector<16xf32>
      %get3A_975 = arith.constant 45 : i32
      %get3A_976 = arith.index_cast %get3A_975 : i32 to index
      %get3A_977 = arith.index_cast %mul3A_910 : i32 to index
      %get3A_978 = tpu.vector_load %arg19[%get3A_976, %get3A_977] {strides = array<i32>} : memref<52x128xf32, #tpu.memory_space<vmem>>, vector<1x16xf32>,
      %get3A_979 = vector.shape_cast %get3A_978 : vector<1x16xf32> to vector<16xf32>
      %add3A_980 = arith.addf %add3A_974, %get3A_979 : vector<16xf32>
      %get3A_981 = arith.constant 49 : i32
      %get3A_982 = arith.index_cast %get3A_981 : i32 to index
      %get3A_983 = arith.index_cast %mul3A_910 : i32 to index
      %get3A_984 = tpu.vector_load %arg19[%get3A_982, %get3A_983] {strides = array<i32>} : memref<52x128xf32, #tpu.memory_space<vmem>>, vector<1x16xf32>,
      %get3A_985 = vector.shape_cast %get3A_984 : vector<1x16xf32> to vector<16xf32>
      %add3A_986 = arith.addf %add3A_980, %get3A_985 : vector<16xf32>
      %mul3A_987 = arith.constant 16 : i32
      %mul3A_988 = arith.muli %scan3A_908, %mul3A_987 : i32
      %add3A_989 = arith.constant 128 : i32
      %add3A_990 = arith.addi %add3A_989, %mul3A_988 : i32
      %swap3A = arith.index_cast %add3A_990 : i32 to index
      %swap3A_991 = tpu.vector_load %arg20[%swap3A] {strides = array<i32>} : memref<512xf32, #tpu.memory_space<vmem>>, vector<16xf32>,
      %swap3A_992 = vector.shape_cast %swap3A_991 : vector<16xf32> to vector<16xf32>
      %swap3A_993 = vector.shape_cast %add3A_986 : vector<16xf32> to vector<16xf32>
      tpu.vector_store %arg20[%swap3A], %swap3A_993 {strides = array<i32>} : memref<512xf32, #tpu.memory_space<vmem>>, vector<16xf32>,
    }
    %scan3A_711 = arith.constant 8 : i32
    %dma_wait3A_712 = arith.constant 2 : i32
    %dma_wait3A_713 = arith.constant 0 : i32
    %dma_wait3A_714 = tpu.memref_slice %arg19[%dma_wait3A_712, %dma_wait3A_713] : memref<52x128xf32, #tpu.memory_space<vmem>> -> memref<1x128xf32, #tpu.memory_space<vmem>>
    %dma_wait3A_715 = tpu.memref_squeeze %dma_wait3A_714 : memref<1x128xf32, #tpu.memory_space<vmem>> -> memref<128xf32, #tpu.memory_space<vmem>>
    %dma_wait3A_716 = arith.constant 0 : i32
    %dma_wait3A_717 = tpu.memref_slice %arg19[%dma_wait3A_712, %dma_wait3A_716] : memref<52x128xf32, #tpu.memory_space<vmem>> -> memref<1x128xf32, #tpu.memory_space<vmem>>
    %dma_wait3A_718 = tpu.memref_squeeze %dma_wait3A_717 : memref<1x128xf32, #tpu.memory_space<vmem>> -> memref<128xf32, #tpu.memory_space<vmem>>
    tpu.wait_dma2 semaphore(%arg23 : memref<!tpu.dma_semaphore, #tpu.memory_space<semaphore_mem>>) src(%arg3 : memref<128xf32, #tpu.memory_space<hbm>>) dst(%dma_wait3A_718 : memref<128xf32, #tpu.memory_space<vmem>>)
    %dma_wait3A_719 = arith.constant 6 : i32
    %dma_wait3A_720 = arith.constant 0 : i32
    %dma_wait3A_721 = tpu.memref_slice %arg19[%dma_wait3A_719, %dma_wait3A_720] : memref<52x128xf32, #tpu.memory_space<vmem>> -> memref<1x128xf32, #tpu.memory_space<vmem>>
    %dma_wait3A_722 = tpu.memref_squeeze %dma_wait3A_721 : memref<1x128xf32, #tpu.memory_space<vmem>> -> memref<128xf32, #tpu.memory_space<vmem>>
    %dma_wait3A_723 = arith.constant 0 : i32
    %dma_wait3A_724 = tpu.memref_slice %arg19[%dma_wait3A_719, %dma_wait3A_723] : memref<52x128xf32, #tpu.memory_space<vmem>> -> memref<1x128xf32, #tpu.memory_space<vmem>>
    %dma_wait3A_725 = tpu.memref_squeeze %dma_wait3A_724 : memref<1x128xf32, #tpu.memory_space<vmem>> -> memref<128xf32, #tpu.memory_space<vmem>>
    tpu.wait_dma2 semaphore(%arg23 : memref<!tpu.dma_semaphore, #tpu.memory_space<semaphore_mem>>) src(%arg3 : memref<128xf32, #tpu.memory_space<hbm>>) dst(%dma_wait3A_725 : memref<128xf32, #tpu.memory_space<vmem>>)
    %dma_wait3A_726 = arith.constant 10 : i32
    %dma_wait3A_727 = arith.constant 0 : i32
    %dma_wait3A_728 = tpu.memref_slice %arg19[%dma_wait3A_726, %dma_wait3A_727] : memref<52x128xf32, #tpu.memory_space<vmem>> -> memref<1x128xf32, #tpu.memory_space<vmem>>
    %dma_wait3A_729 = tpu.memref_squeeze %dma_wait3A_728 : memref<1x128xf32, #tpu.memory_space<vmem>> -> memref<128xf32, #tpu.memory_space<vmem>>
    %dma_wait3A_730 = arith.constant 0 : i32
    %dma_wait3A_731 = tpu.memref_slice %arg19[%dma_wait3A_726, %dma_wait3A_730] : memref<52x128xf32, #tpu.memory_space<vmem>> -> memref<1x128xf32, #tpu.memory_space<vmem>>
    %dma_wait3A_732 = tpu.memref_squeeze %dma_wait3A_731 : memref<1x128xf32, #tpu.memory_space<vmem>> -> memref<128xf32, #tpu.memory_space<vmem>>
    tpu.wait_dma2 semaphore(%arg23 : memref<!tpu.dma_semaphore, #tpu.memory_space<semaphore_mem>>) src(%arg3 : memref<128xf32, #tpu.memory_space<hbm>>) dst(%dma_wait3A_732 : memref<128xf32, #tpu.memory_space<vmem>>)
    %dma_wait3A_733 = arith.constant 14 : i32
    %dma_wait3A_734 = arith.constant 0 : i32
    %dma_wait3A_735 = tpu.memref_slice %arg19[%dma_wait3A_733, %dma_wait3A_734] : memref<52x128xf32, #tpu.memory_space<vmem>> -> memref<1x128xf32, #tpu.memory_space<vmem>>
    %dma_wait3A_736 = tpu.memref_squeeze %dma_wait3A_735 : memref<1x128xf32, #tpu.memory_space<vmem>> -> memref<128xf32, #tpu.memory_space<vmem>>
    %dma_wait3A_737 = arith.constant 0 : i32
    %dma_wait3A_738 = tpu.memref_slice %arg19[%dma_wait3A_733, %dma_wait3A_737] : memref<52x128xf32, #tpu.memory_space<vmem>> -> memref<1x128xf32, #tpu.memory_space<vmem>>
    %dma_wait3A_739 = tpu.memref_squeeze %dma_wait3A_738 : memref<1x128xf32, #tpu.memory_space<vmem>> -> memref<128xf32, #tpu.memory_space<vmem>>
    tpu.wait_dma2 semaphore(%arg23 : memref<!tpu.dma_semaphore, #tpu.memory_space<semaphore_mem>>) src(%arg3 : memref<128xf32, #tpu.memory_space<hbm>>) dst(%dma_wait3A_739 : memref<128xf32, #tpu.memory_space<vmem>>)
    %dma_wait3A_740 = arith.constant 18 : i32
    %dma_wait3A_741 = arith.constant 0 : i32
    %dma_wait3A_742 = tpu.memref_slice %arg19[%dma_wait3A_740, %dma_wait3A_741] : memref<52x128xf32, #tpu.memory_space<vmem>> -> memref<1x128xf32, #tpu.memory_space<vmem>>
    %dma_wait3A_743 = tpu.memref_squeeze %dma_wait3A_742 : memref<1x128xf32, #tpu.memory_space<vmem>> -> memref<128xf32, #tpu.memory_space<vmem>>
    %dma_wait3A_744 = arith.constant 0 : i32
    %dma_wait3A_745 = tpu.memref_slice %arg19[%dma_wait3A_740, %dma_wait3A_744] : memref<52x128xf32, #tpu.memory_space<vmem>> -> memref<1x128xf32, #tpu.memory_space<vmem>>
    %dma_wait3A_746 = tpu.memref_squeeze %dma_wait3A_745 : memref<1x128xf32, #tpu.memory_space<vmem>> -> memref<128xf32, #tpu.memory_space<vmem>>
    tpu.wait_dma2 semaphore(%arg23 : memref<!tpu.dma_semaphore, #tpu.memory_space<semaphore_mem>>) src(%arg3 : memref<128xf32, #tpu.memory_space<hbm>>) dst(%dma_wait3A_746 : memref<128xf32, #tpu.memory_space<vmem>>)
    %dma_wait3A_747 = arith.constant 22 : i32
    %dma_wait3A_748 = arith.constant 0 : i32
    %dma_wait3A_749 = tpu.memref_slice %arg19[%dma_wait3A_747, %dma_wait3A_748] : memref<52x128xf32, #tpu.memory_space<vmem>> -> memref<1x128xf32, #tpu.memory_space<vmem>>
    %dma_wait3A_750 = tpu.memref_squeeze %dma_wait3A_749 : memref<1x128xf32, #tpu.memory_space<vmem>> -> memref<128xf32, #tpu.memory_space<vmem>>
    %dma_wait3A_751 = arith.constant 0 : i32
    %dma_wait3A_752 = tpu.memref_slice %arg19[%dma_wait3A_747, %dma_wait3A_751] : memref<52x128xf32, #tpu.memory_space<vmem>> -> memref<1x128xf32, #tpu.memory_space<vmem>>
    %dma_wait3A_753 = tpu.memref_squeeze %dma_wait3A_752 : memref<1x128xf32, #tpu.memory_space<vmem>> -> memref<128xf32, #tpu.memory_space<vmem>>
    tpu.wait_dma2 semaphore(%arg23 : memref<!tpu.dma_semaphore, #tpu.memory_space<semaphore_mem>>) src(%arg3 : memref<128xf32, #tpu.memory_space<hbm>>) dst(%dma_wait3A_753 : memref<128xf32, #tpu.memory_space<vmem>>)
    %dma_wait3A_754 = arith.constant 26 : i32
    %dma_wait3A_755 = arith.constant 0 : i32
    %dma_wait3A_756 = tpu.memref_slice %arg19[%dma_wait3A_754, %dma_wait3A_755] : memref<52x128xf32, #tpu.memory_space<vmem>> -> memref<1x128xf32, #tpu.memory_space<vmem>>
    %dma_wait3A_757 = tpu.memref_squeeze %dma_wait3A_756 : memref<1x128xf32, #tpu.memory_space<vmem>> -> memref<128xf32, #tpu.memory_space<vmem>>
    %dma_wait3A_758 = arith.constant 0 : i32
    %dma_wait3A_759 = tpu.memref_slice %arg19[%dma_wait3A_754, %dma_wait3A_758] : memref<52x128xf32, #tpu.memory_space<vmem>> -> memref<1x128xf32, #tpu.memory_space<vmem>>
    %dma_wait3A_760 = tpu.memref_squeeze %dma_wait3A_759 : memref<1x128xf32, #tpu.memory_space<vmem>> -> memref<128xf32, #tpu.memory_space<vmem>>
    tpu.wait_dma2 semaphore(%arg23 : memref<!tpu.dma_semaphore, #tpu.memory_space<semaphore_mem>>) src(%arg3 : memref<128xf32, #tpu.memory_space<hbm>>) dst(%dma_wait3A_760 : memref<128xf32, #tpu.memory_space<vmem>>)
    %dma_wait3A_761 = arith.constant 30 : i32
    %dma_wait3A_762 = arith.constant 0 : i32
    %dma_wait3A_763 = tpu.memref_slice %arg19[%dma_wait3A_761, %dma_wait3A_762] : memref<52x128xf32, #tpu.memory_space<vmem>> -> memref<1x128xf32, #tpu.memory_space<vmem>>
    %dma_wait3A_764 = tpu.memref_squeeze %dma_wait3A_763 : memref<1x128xf32, #tpu.memory_space<vmem>> -> memref<128xf32, #tpu.memory_space<vmem>>
    %dma_wait3A_765 = arith.constant 0 : i32
    %dma_wait3A_766 = tpu.memref_slice %arg19[%dma_wait3A_761, %dma_wait3A_765] : memref<52x128xf32, #tpu.memory_space<vmem>> -> memref<1x128xf32, #tpu.memory_space<vmem>>
    %dma_wait3A_767 = tpu.memref_squeeze %dma_wait3A_766 : memref<1x128xf32, #tpu.memory_space<vmem>> -> memref<128xf32, #tpu.memory_space<vmem>>
    tpu.wait_dma2 semaphore(%arg23 : memref<!tpu.dma_semaphore, #tpu.memory_space<semaphore_mem>>) src(%arg3 : memref<128xf32, #tpu.memory_space<hbm>>) dst(%dma_wait3A_767 : memref<128xf32, #tpu.memory_space<vmem>>)
    %dma_wait3A_768 = arith.constant 34 : i32
    %dma_wait3A_769 = arith.constant 0 : i32
    %dma_wait3A_770 = tpu.memref_slice %arg19[%dma_wait3A_768, %dma_wait3A_769] : memref<52x128xf32, #tpu.memory_space<vmem>> -> memref<1x128xf32, #tpu.memory_space<vmem>>
    %dma_wait3A_771 = tpu.memref_squeeze %dma_wait3A_770 : memref<1x128xf32, #tpu.memory_space<vmem>> -> memref<128xf32, #tpu.memory_space<vmem>>
    %dma_wait3A_772 = arith.constant 0 : i32
    %dma_wait3A_773 = tpu.memref_slice %arg19[%dma_wait3A_768, %dma_wait3A_772] : memref<52x128xf32, #tpu.memory_space<vmem>> -> memref<1x128xf32, #tpu.memory_space<vmem>>
    %dma_wait3A_774 = tpu.memref_squeeze %dma_wait3A_773 : memref<1x128xf32, #tpu.memory_space<vmem>> -> memref<128xf32, #tpu.memory_space<vmem>>
    tpu.wait_dma2 semaphore(%arg23 : memref<!tpu.dma_semaphore, #tpu.memory_space<semaphore_mem>>) src(%arg3 : memref<128xf32, #tpu.memory_space<hbm>>) dst(%dma_wait3A_774 : memref<128xf32, #tpu.memory_space<vmem>>)
    %dma_wait3A_775 = arith.constant 38 : i32
    %dma_wait3A_776 = arith.constant 0 : i32
    %dma_wait3A_777 = tpu.memref_slice %arg19[%dma_wait3A_775, %dma_wait3A_776] : memref<52x128xf32, #tpu.memory_space<vmem>> -> memref<1x128xf32, #tpu.memory_space<vmem>>
    %dma_wait3A_778 = tpu.memref_squeeze %dma_wait3A_777 : memref<1x128xf32, #tpu.memory_space<vmem>> -> memref<128xf32, #tpu.memory_space<vmem>>
    %dma_wait3A_779 = arith.constant 0 : i32
    %dma_wait3A_780 = tpu.memref_slice %arg19[%dma_wait3A_775, %dma_wait3A_779] : memref<52x128xf32, #tpu.memory_space<vmem>> -> memref<1x128xf32, #tpu.memory_space<vmem>>
    %dma_wait3A_781 = tpu.memref_squeeze %dma_wait3A_780 : memref<1x128xf32, #tpu.memory_space<vmem>> -> memref<128xf32, #tpu.memory_space<vmem>>
    tpu.wait_dma2 semaphore(%arg23 : memref<!tpu.dma_semaphore, #tpu.memory_space<semaphore_mem>>) src(%arg3 : memref<128xf32, #tpu.memory_space<hbm>>) dst(%dma_wait3A_781 : memref<128xf32, #tpu.memory_space<vmem>>)
    %dma_wait3A_782 = arith.constant 42 : i32
    %dma_wait3A_783 = arith.constant 0 : i32
    %dma_wait3A_784 = tpu.memref_slice %arg19[%dma_wait3A_782, %dma_wait3A_783] : memref<52x128xf32, #tpu.memory_space<vmem>> -> memref<1x128xf32, #tpu.memory_space<vmem>>
    %dma_wait3A_785 = tpu.memref_squeeze %dma_wait3A_784 : memref<1x128xf32, #tpu.memory_space<vmem>> -> memref<128xf32, #tpu.memory_space<vmem>>
    %dma_wait3A_786 = arith.constant 0 : i32
    %dma_wait3A_787 = tpu.memref_slice %arg19[%dma_wait3A_782, %dma_wait3A_786] : memref<52x128xf32, #tpu.memory_space<vmem>> -> memref<1x128xf32, #tpu.memory_space<vmem>>
    %dma_wait3A_788 = tpu.memref_squeeze %dma_wait3A_787 : memref<1x128xf32, #tpu.memory_space<vmem>> -> memref<128xf32, #tpu.memory_space<vmem>>
    tpu.wait_dma2 semaphore(%arg23 : memref<!tpu.dma_semaphore, #tpu.memory_space<semaphore_mem>>) src(%arg3 : memref<128xf32, #tpu.memory_space<hbm>>) dst(%dma_wait3A_788 : memref<128xf32, #tpu.memory_space<vmem>>)
    %dma_wait3A_789 = arith.constant 46 : i32
    %dma_wait3A_790 = arith.constant 0 : i32
    %dma_wait3A_791 = tpu.memref_slice %arg19[%dma_wait3A_789, %dma_wait3A_790] : memref<52x128xf32, #tpu.memory_space<vmem>> -> memref<1x128xf32, #tpu.memory_space<vmem>>
    %dma_wait3A_792 = tpu.memref_squeeze %dma_wait3A_791 : memref<1x128xf32, #tpu.memory_space<vmem>> -> memref<128xf32, #tpu.memory_space<vmem>>
    %dma_wait3A_793 = arith.constant 0 : i32
    %dma_wait3A_794 = tpu.memref_slice %arg19[%dma_wait3A_789, %dma_wait3A_793] : memref<52x128xf32, #tpu.memory_space<vmem>> -> memref<1x128xf32, #tpu.memory_space<vmem>>
    %dma_wait3A_795 = tpu.memref_squeeze %dma_wait3A_794 : memref<1x128xf32, #tpu.memory_space<vmem>> -> memref<128xf32, #tpu.memory_space<vmem>>
    tpu.wait_dma2 semaphore(%arg23 : memref<!tpu.dma_semaphore, #tpu.memory_space<semaphore_mem>>) src(%arg3 : memref<128xf32, #tpu.memory_space<hbm>>) dst(%dma_wait3A_795 : memref<128xf32, #tpu.memory_space<vmem>>)
    %dma_wait3A_796 = arith.constant 50 : i32
    %dma_wait3A_797 = arith.constant 0 : i32
    %dma_wait3A_798 = tpu.memref_slice %arg19[%dma_wait3A_796, %dma_wait3A_797] : memref<52x128xf32, #tpu.memory_space<vmem>> -> memref<1x128xf32, #tpu.memory_space<vmem>>
    %dma_wait3A_799 = tpu.memref_squeeze %dma_wait3A_798 : memref<1x128xf32, #tpu.memory_space<vmem>> -> memref<128xf32, #tpu.memory_space<vmem>>
    %dma_wait3A_800 = arith.constant 0 : i32
    %dma_wait3A_801 = tpu.memref_slice %arg19[%dma_wait3A_796, %dma_wait3A_800] : memref<52x128xf32, #tpu.memory_space<vmem>> -> memref<1x128xf32, #tpu.memory_space<vmem>>
    %dma_wait3A_802 = tpu.memref_squeeze %dma_wait3A_801 : memref<1x128xf32, #tpu.memory_space<vmem>> -> memref<128xf32, #tpu.memory_space<vmem>>
    tpu.wait_dma2 semaphore(%arg23 : memref<!tpu.dma_semaphore, #tpu.memory_space<semaphore_mem>>) src(%arg3 : memref<128xf32, #tpu.memory_space<hbm>>) dst(%dma_wait3A_802 : memref<128xf32, #tpu.memory_space<vmem>>)
    %scan3A_803 = arith.constant 0 : i32
    %scan3A_804 = arith.constant 0 : i32
    %scan3A_805 = arith.constant 8 : i32
    %scan3A_806 = arith.addi %scan3A_804, %scan3A_805 : i32
    %scan3A_807 = arith.constant 1 : i32
    scf.for %scan3A_908 = %scan3A_804 to %scan3A_806 step %scan3A_807  : i32 {
      %mul3A_909 = arith.constant 16 : i32
      %mul3A_910 = arith.muli %scan3A_908, %mul3A_909 : i32
      %get3A = arith.constant 2 : i32
      %get3A_911 = arith.index_cast %get3A : i32 to index
      %get3A_912 = arith.index_cast %mul3A_910 : i32 to index
      %get3A_913 = tpu.vector_load %arg19[%get3A_911, %get3A_912] {strides = array<i32>} : memref<52x128xf32, #tpu.memory_space<vmem>>, vector<1x16xf32>,
      %get3A_914 = vector.shape_cast %get3A_913 : vector<1x16xf32> to vector<16xf32>
      %get3A_915 = arith.constant 6 : i32
      %get3A_916 = arith.index_cast %get3A_915 : i32 to index
      %get3A_917 = arith.index_cast %mul3A_910 : i32 to index
      %get3A_918 = tpu.vector_load %arg19[%get3A_916, %get3A_917] {strides = array<i32>} : memref<52x128xf32, #tpu.memory_space<vmem>>, vector<1x16xf32>,
      %get3A_919 = vector.shape_cast %get3A_918 : vector<1x16xf32> to vector<16xf32>
      %add3A_920 = arith.addf %get3A_914, %get3A_919 : vector<16xf32>
      %get3A_921 = arith.constant 10 : i32
      %get3A_922 = arith.index_cast %get3A_921 : i32 to index
      %get3A_923 = arith.index_cast %mul3A_910 : i32 to index
      %get3A_924 = tpu.vector_load %arg19[%get3A_922, %get3A_923] {strides = array<i32>} : memref<52x128xf32, #tpu.memory_space<vmem>>, vector<1x16xf32>,
      %get3A_925 = vector.shape_cast %get3A_924 : vector<1x16xf32> to vector<16xf32>
      %add3A_926 = arith.addf %add3A_920, %get3A_925 : vector<16xf32>
      %get3A_927 = arith.constant 14 : i32
      %get3A_928 = arith.index_cast %get3A_927 : i32 to index
      %get3A_929 = arith.index_cast %mul3A_910 : i32 to index
      %get3A_930 = tpu.vector_load %arg19[%get3A_928, %get3A_929] {strides = array<i32>} : memref<52x128xf32, #tpu.memory_space<vmem>>, vector<1x16xf32>,
      %get3A_931 = vector.shape_cast %get3A_930 : vector<1x16xf32> to vector<16xf32>
      %add3A_932 = arith.addf %add3A_926, %get3A_931 : vector<16xf32>
      %get3A_933 = arith.constant 18 : i32
      %get3A_934 = arith.index_cast %get3A_933 : i32 to index
      %get3A_935 = arith.index_cast %mul3A_910 : i32 to index
      %get3A_936 = tpu.vector_load %arg19[%get3A_934, %get3A_935] {strides = array<i32>} : memref<52x128xf32, #tpu.memory_space<vmem>>, vector<1x16xf32>,
      %get3A_937 = vector.shape_cast %get3A_936 : vector<1x16xf32> to vector<16xf32>
      %add3A_938 = arith.addf %add3A_932, %get3A_937 : vector<16xf32>
      %get3A_939 = arith.constant 22 : i32
      %get3A_940 = arith.index_cast %get3A_939 : i32 to index
      %get3A_941 = arith.index_cast %mul3A_910 : i32 to index
      %get3A_942 = tpu.vector_load %arg19[%get3A_940, %get3A_941] {strides = array<i32>} : memref<52x128xf32, #tpu.memory_space<vmem>>, vector<1x16xf32>,
      %get3A_943 = vector.shape_cast %get3A_942 : vector<1x16xf32> to vector<16xf32>
      %add3A_944 = arith.addf %add3A_938, %get3A_943 : vector<16xf32>
      %get3A_945 = arith.constant 26 : i32
      %get3A_946 = arith.index_cast %get3A_945 : i32 to index
      %get3A_947 = arith.index_cast %mul3A_910 : i32 to index
      %get3A_948 = tpu.vector_load %arg19[%get3A_946, %get3A_947] {strides = array<i32>} : memref<52x128xf32, #tpu.memory_space<vmem>>, vector<1x16xf32>,
      %get3A_949 = vector.shape_cast %get3A_948 : vector<1x16xf32> to vector<16xf32>
      %add3A_950 = arith.addf %add3A_944, %get3A_949 : vector<16xf32>
      %get3A_951 = arith.constant 30 : i32
      %get3A_952 = arith.index_cast %get3A_951 : i32 to index
      %get3A_953 = arith.index_cast %mul3A_910 : i32 to index
      %get3A_954 = tpu.vector_load %arg19[%get3A_952, %get3A_953] {strides = array<i32>} : memref<52x128xf32, #tpu.memory_space<vmem>>, vector<1x16xf32>,
      %get3A_955 = vector.shape_cast %get3A_954 : vector<1x16xf32> to vector<16xf32>
      %add3A_956 = arith.addf %add3A_950, %get3A_955 : vector<16xf32>
      %get3A_957 = arith.constant 34 : i32
      %get3A_958 = arith.index_cast %get3A_957 : i32 to index
      %get3A_959 = arith.index_cast %mul3A_910 : i32 to index
      %get3A_960 = tpu.vector_load %arg19[%get3A_958, %get3A_959] {strides = array<i32>} : memref<52x128xf32, #tpu.memory_space<vmem>>, vector<1x16xf32>,
      %get3A_961 = vector.shape_cast %get3A_960 : vector<1x16xf32> to vector<16xf32>
      %add3A_962 = arith.addf %add3A_956, %get3A_961 : vector<16xf32>
      %get3A_963 = arith.constant 38 : i32
      %get3A_964 = arith.index_cast %get3A_963 : i32 to index
      %get3A_965 = arith.index_cast %mul3A_910 : i32 to index
      %get3A_966 = tpu.vector_load %arg19[%get3A_964, %get3A_965] {strides = array<i32>} : memref<52x128xf32, #tpu.memory_space<vmem>>, vector<1x16xf32>,
      %get3A_967 = vector.shape_cast %get3A_966 : vector<1x16xf32> to vector<16xf32>
      %add3A_968 = arith.addf %add3A_962, %get3A_967 : vector<16xf32>
      %get3A_969 = arith.constant 42 : i32
      %get3A_970 = arith.index_cast %get3A_969 : i32 to index
      %get3A_971 = arith.index_cast %mul3A_910 : i32 to index
      %get3A_972 = tpu.vector_load %arg19[%get3A_970, %get3A_971] {strides = array<i32>} : memref<52x128xf32, #tpu.memory_space<vmem>>, vector<1x16xf32>,
      %get3A_973 = vector.shape_cast %get3A_972 : vector<1x16xf32> to vector<16xf32>
      %add3A_974 = arith.addf %add3A_968, %get3A_973 : vector<16xf32>
      %get3A_975 = arith.constant 46 : i32
      %get3A_976 = arith.index_cast %get3A_975 : i32 to index
      %get3A_977 = arith.index_cast %mul3A_910 : i32 to index
      %get3A_978 = tpu.vector_load %arg19[%get3A_976, %get3A_977] {strides = array<i32>} : memref<52x128xf32, #tpu.memory_space<vmem>>, vector<1x16xf32>,
      %get3A_979 = vector.shape_cast %get3A_978 : vector<1x16xf32> to vector<16xf32>
      %add3A_980 = arith.addf %add3A_974, %get3A_979 : vector<16xf32>
      %get3A_981 = arith.constant 50 : i32
      %get3A_982 = arith.index_cast %get3A_981 : i32 to index
      %get3A_983 = arith.index_cast %mul3A_910 : i32 to index
      %get3A_984 = tpu.vector_load %arg19[%get3A_982, %get3A_983] {strides = array<i32>} : memref<52x128xf32, #tpu.memory_space<vmem>>, vector<1x16xf32>,
      %get3A_985 = vector.shape_cast %get3A_984 : vector<1x16xf32> to vector<16xf32>
      %add3A_986 = arith.addf %add3A_980, %get3A_985 : vector<16xf32>
      %mul3A_987 = arith.constant 16 : i32
      %mul3A_988 = arith.muli %scan3A_908, %mul3A_987 : i32
      %add3A_989 = arith.constant 256 : i32
      %add3A_990 = arith.addi %add3A_989, %mul3A_988 : i32
      %swap3A = arith.index_cast %add3A_990 : i32 to index
      %swap3A_991 = tpu.vector_load %arg20[%swap3A] {strides = array<i32>} : memref<512xf32, #tpu.memory_space<vmem>>, vector<16xf32>,
      %swap3A_992 = vector.shape_cast %swap3A_991 : vector<16xf32> to vector<16xf32>
      %swap3A_993 = vector.shape_cast %add3A_986 : vector<16xf32> to vector<16xf32>
      tpu.vector_store %arg20[%swap3A], %swap3A_993 {strides = array<i32>} : memref<512xf32, #tpu.memory_space<vmem>>, vector<16xf32>,
    }
    %scan3A_808 = arith.constant 8 : i32
    %dma_wait3A_809 = arith.constant 3 : i32
    %dma_wait3A_810 = arith.constant 0 : i32
    %dma_wait3A_811 = tpu.memref_slice %arg19[%dma_wait3A_809, %dma_wait3A_810] : memref<52x128xf32, #tpu.memory_space<vmem>> -> memref<1x128xf32, #tpu.memory_space<vmem>>
    %dma_wait3A_812 = tpu.memref_squeeze %dma_wait3A_811 : memref<1x128xf32, #tpu.memory_space<vmem>> -> memref<128xf32, #tpu.memory_space<vmem>>
    %dma_wait3A_813 = arith.constant 0 : i32
    %dma_wait3A_814 = tpu.memref_slice %arg19[%dma_wait3A_809, %dma_wait3A_813] : memref<52x128xf32, #tpu.memory_space<vmem>> -> memref<1x128xf32, #tpu.memory_space<vmem>>
    %dma_wait3A_815 = tpu.memref_squeeze %dma_wait3A_814 : memref<1x128xf32, #tpu.memory_space<vmem>> -> memref<128xf32, #tpu.memory_space<vmem>>
    tpu.wait_dma2 semaphore(%arg24 : memref<!tpu.dma_semaphore, #tpu.memory_space<semaphore_mem>>) src(%arg3 : memref<128xf32, #tpu.memory_space<hbm>>) dst(%dma_wait3A_815 : memref<128xf32, #tpu.memory_space<vmem>>)
    %dma_wait3A_816 = arith.constant 7 : i32
    %dma_wait3A_817 = arith.constant 0 : i32
    %dma_wait3A_818 = tpu.memref_slice %arg19[%dma_wait3A_816, %dma_wait3A_817] : memref<52x128xf32, #tpu.memory_space<vmem>> -> memref<1x128xf32, #tpu.memory_space<vmem>>
    %dma_wait3A_819 = tpu.memref_squeeze %dma_wait3A_818 : memref<1x128xf32, #tpu.memory_space<vmem>> -> memref<128xf32, #tpu.memory_space<vmem>>
    %dma_wait3A_820 = arith.constant 0 : i32
    %dma_wait3A_821 = tpu.memref_slice %arg19[%dma_wait3A_816, %dma_wait3A_820] : memref<52x128xf32, #tpu.memory_space<vmem>> -> memref<1x128xf32, #tpu.memory_space<vmem>>
    %dma_wait3A_822 = tpu.memref_squeeze %dma_wait3A_821 : memref<1x128xf32, #tpu.memory_space<vmem>> -> memref<128xf32, #tpu.memory_space<vmem>>
    tpu.wait_dma2 semaphore(%arg24 : memref<!tpu.dma_semaphore, #tpu.memory_space<semaphore_mem>>) src(%arg3 : memref<128xf32, #tpu.memory_space<hbm>>) dst(%dma_wait3A_822 : memref<128xf32, #tpu.memory_space<vmem>>)
    %dma_wait3A_823 = arith.constant 11 : i32
    %dma_wait3A_824 = arith.constant 0 : i32
    %dma_wait3A_825 = tpu.memref_slice %arg19[%dma_wait3A_823, %dma_wait3A_824] : memref<52x128xf32, #tpu.memory_space<vmem>> -> memref<1x128xf32, #tpu.memory_space<vmem>>
    %dma_wait3A_826 = tpu.memref_squeeze %dma_wait3A_825 : memref<1x128xf32, #tpu.memory_space<vmem>> -> memref<128xf32, #tpu.memory_space<vmem>>
    %dma_wait3A_827 = arith.constant 0 : i32
    %dma_wait3A_828 = tpu.memref_slice %arg19[%dma_wait3A_823, %dma_wait3A_827] : memref<52x128xf32, #tpu.memory_space<vmem>> -> memref<1x128xf32, #tpu.memory_space<vmem>>
    %dma_wait3A_829 = tpu.memref_squeeze %dma_wait3A_828 : memref<1x128xf32, #tpu.memory_space<vmem>> -> memref<128xf32, #tpu.memory_space<vmem>>
    tpu.wait_dma2 semaphore(%arg24 : memref<!tpu.dma_semaphore, #tpu.memory_space<semaphore_mem>>) src(%arg3 : memref<128xf32, #tpu.memory_space<hbm>>) dst(%dma_wait3A_829 : memref<128xf32, #tpu.memory_space<vmem>>)
    %dma_wait3A_830 = arith.constant 15 : i32
    %dma_wait3A_831 = arith.constant 0 : i32
    %dma_wait3A_832 = tpu.memref_slice %arg19[%dma_wait3A_830, %dma_wait3A_831] : memref<52x128xf32, #tpu.memory_space<vmem>> -> memref<1x128xf32, #tpu.memory_space<vmem>>
    %dma_wait3A_833 = tpu.memref_squeeze %dma_wait3A_832 : memref<1x128xf32, #tpu.memory_space<vmem>> -> memref<128xf32, #tpu.memory_space<vmem>>
    %dma_wait3A_834 = arith.constant 0 : i32
    %dma_wait3A_835 = tpu.memref_slice %arg19[%dma_wait3A_830, %dma_wait3A_834] : memref<52x128xf32, #tpu.memory_space<vmem>> -> memref<1x128xf32, #tpu.memory_space<vmem>>
    %dma_wait3A_836 = tpu.memref_squeeze %dma_wait3A_835 : memref<1x128xf32, #tpu.memory_space<vmem>> -> memref<128xf32, #tpu.memory_space<vmem>>
    tpu.wait_dma2 semaphore(%arg24 : memref<!tpu.dma_semaphore, #tpu.memory_space<semaphore_mem>>) src(%arg3 : memref<128xf32, #tpu.memory_space<hbm>>) dst(%dma_wait3A_836 : memref<128xf32, #tpu.memory_space<vmem>>)
    %dma_wait3A_837 = arith.constant 19 : i32
    %dma_wait3A_838 = arith.constant 0 : i32
    %dma_wait3A_839 = tpu.memref_slice %arg19[%dma_wait3A_837, %dma_wait3A_838] : memref<52x128xf32, #tpu.memory_space<vmem>> -> memref<1x128xf32, #tpu.memory_space<vmem>>
    %dma_wait3A_840 = tpu.memref_squeeze %dma_wait3A_839 : memref<1x128xf32, #tpu.memory_space<vmem>> -> memref<128xf32, #tpu.memory_space<vmem>>
    %dma_wait3A_841 = arith.constant 0 : i32
    %dma_wait3A_842 = tpu.memref_slice %arg19[%dma_wait3A_837, %dma_wait3A_841] : memref<52x128xf32, #tpu.memory_space<vmem>> -> memref<1x128xf32, #tpu.memory_space<vmem>>
    %dma_wait3A_843 = tpu.memref_squeeze %dma_wait3A_842 : memref<1x128xf32, #tpu.memory_space<vmem>> -> memref<128xf32, #tpu.memory_space<vmem>>
    tpu.wait_dma2 semaphore(%arg24 : memref<!tpu.dma_semaphore, #tpu.memory_space<semaphore_mem>>) src(%arg3 : memref<128xf32, #tpu.memory_space<hbm>>) dst(%dma_wait3A_843 : memref<128xf32, #tpu.memory_space<vmem>>)
    %dma_wait3A_844 = arith.constant 23 : i32
    %dma_wait3A_845 = arith.constant 0 : i32
    %dma_wait3A_846 = tpu.memref_slice %arg19[%dma_wait3A_844, %dma_wait3A_845] : memref<52x128xf32, #tpu.memory_space<vmem>> -> memref<1x128xf32, #tpu.memory_space<vmem>>
    %dma_wait3A_847 = tpu.memref_squeeze %dma_wait3A_846 : memref<1x128xf32, #tpu.memory_space<vmem>> -> memref<128xf32, #tpu.memory_space<vmem>>
    %dma_wait3A_848 = arith.constant 0 : i32
    %dma_wait3A_849 = tpu.memref_slice %arg19[%dma_wait3A_844, %dma_wait3A_848] : memref<52x128xf32, #tpu.memory_space<vmem>> -> memref<1x128xf32, #tpu.memory_space<vmem>>
    %dma_wait3A_850 = tpu.memref_squeeze %dma_wait3A_849 : memref<1x128xf32, #tpu.memory_space<vmem>> -> memref<128xf32, #tpu.memory_space<vmem>>
    tpu.wait_dma2 semaphore(%arg24 : memref<!tpu.dma_semaphore, #tpu.memory_space<semaphore_mem>>) src(%arg3 : memref<128xf32, #tpu.memory_space<hbm>>) dst(%dma_wait3A_850 : memref<128xf32, #tpu.memory_space<vmem>>)
    %dma_wait3A_851 = arith.constant 27 : i32
    %dma_wait3A_852 = arith.constant 0 : i32
    %dma_wait3A_853 = tpu.memref_slice %arg19[%dma_wait3A_851, %dma_wait3A_852] : memref<52x128xf32, #tpu.memory_space<vmem>> -> memref<1x128xf32, #tpu.memory_space<vmem>>
    %dma_wait3A_854 = tpu.memref_squeeze %dma_wait3A_853 : memref<1x128xf32, #tpu.memory_space<vmem>> -> memref<128xf32, #tpu.memory_space<vmem>>
    %dma_wait3A_855 = arith.constant 0 : i32
    %dma_wait3A_856 = tpu.memref_slice %arg19[%dma_wait3A_851, %dma_wait3A_855] : memref<52x128xf32, #tpu.memory_space<vmem>> -> memref<1x128xf32, #tpu.memory_space<vmem>>
    %dma_wait3A_857 = tpu.memref_squeeze %dma_wait3A_856 : memref<1x128xf32, #tpu.memory_space<vmem>> -> memref<128xf32, #tpu.memory_space<vmem>>
    tpu.wait_dma2 semaphore(%arg24 : memref<!tpu.dma_semaphore, #tpu.memory_space<semaphore_mem>>) src(%arg3 : memref<128xf32, #tpu.memory_space<hbm>>) dst(%dma_wait3A_857 : memref<128xf32, #tpu.memory_space<vmem>>)
    %dma_wait3A_858 = arith.constant 31 : i32
    %dma_wait3A_859 = arith.constant 0 : i32
    %dma_wait3A_860 = tpu.memref_slice %arg19[%dma_wait3A_858, %dma_wait3A_859] : memref<52x128xf32, #tpu.memory_space<vmem>> -> memref<1x128xf32, #tpu.memory_space<vmem>>
    %dma_wait3A_861 = tpu.memref_squeeze %dma_wait3A_860 : memref<1x128xf32, #tpu.memory_space<vmem>> -> memref<128xf32, #tpu.memory_space<vmem>>
    %dma_wait3A_862 = arith.constant 0 : i32
    %dma_wait3A_863 = tpu.memref_slice %arg19[%dma_wait3A_858, %dma_wait3A_862] : memref<52x128xf32, #tpu.memory_space<vmem>> -> memref<1x128xf32, #tpu.memory_space<vmem>>
    %dma_wait3A_864 = tpu.memref_squeeze %dma_wait3A_863 : memref<1x128xf32, #tpu.memory_space<vmem>> -> memref<128xf32, #tpu.memory_space<vmem>>
    tpu.wait_dma2 semaphore(%arg24 : memref<!tpu.dma_semaphore, #tpu.memory_space<semaphore_mem>>) src(%arg3 : memref<128xf32, #tpu.memory_space<hbm>>) dst(%dma_wait3A_864 : memref<128xf32, #tpu.memory_space<vmem>>)
    %dma_wait3A_865 = arith.constant 35 : i32
    %dma_wait3A_866 = arith.constant 0 : i32
    %dma_wait3A_867 = tpu.memref_slice %arg19[%dma_wait3A_865, %dma_wait3A_866] : memref<52x128xf32, #tpu.memory_space<vmem>> -> memref<1x128xf32, #tpu.memory_space<vmem>>
    %dma_wait3A_868 = tpu.memref_squeeze %dma_wait3A_867 : memref<1x128xf32, #tpu.memory_space<vmem>> -> memref<128xf32, #tpu.memory_space<vmem>>
    %dma_wait3A_869 = arith.constant 0 : i32
    %dma_wait3A_870 = tpu.memref_slice %arg19[%dma_wait3A_865, %dma_wait3A_869] : memref<52x128xf32, #tpu.memory_space<vmem>> -> memref<1x128xf32, #tpu.memory_space<vmem>>
    %dma_wait3A_871 = tpu.memref_squeeze %dma_wait3A_870 : memref<1x128xf32, #tpu.memory_space<vmem>> -> memref<128xf32, #tpu.memory_space<vmem>>
    tpu.wait_dma2 semaphore(%arg24 : memref<!tpu.dma_semaphore, #tpu.memory_space<semaphore_mem>>) src(%arg3 : memref<128xf32, #tpu.memory_space<hbm>>) dst(%dma_wait3A_871 : memref<128xf32, #tpu.memory_space<vmem>>)
    %dma_wait3A_872 = arith.constant 39 : i32
    %dma_wait3A_873 = arith.constant 0 : i32
    %dma_wait3A_874 = tpu.memref_slice %arg19[%dma_wait3A_872, %dma_wait3A_873] : memref<52x128xf32, #tpu.memory_space<vmem>> -> memref<1x128xf32, #tpu.memory_space<vmem>>
    %dma_wait3A_875 = tpu.memref_squeeze %dma_wait3A_874 : memref<1x128xf32, #tpu.memory_space<vmem>> -> memref<128xf32, #tpu.memory_space<vmem>>
    %dma_wait3A_876 = arith.constant 0 : i32
    %dma_wait3A_877 = tpu.memref_slice %arg19[%dma_wait3A_872, %dma_wait3A_876] : memref<52x128xf32, #tpu.memory_space<vmem>> -> memref<1x128xf32, #tpu.memory_space<vmem>>
    %dma_wait3A_878 = tpu.memref_squeeze %dma_wait3A_877 : memref<1x128xf32, #tpu.memory_space<vmem>> -> memref<128xf32, #tpu.memory_space<vmem>>
    tpu.wait_dma2 semaphore(%arg24 : memref<!tpu.dma_semaphore, #tpu.memory_space<semaphore_mem>>) src(%arg3 : memref<128xf32, #tpu.memory_space<hbm>>) dst(%dma_wait3A_878 : memref<128xf32, #tpu.memory_space<vmem>>)
    %dma_wait3A_879 = arith.constant 43 : i32
    %dma_wait3A_880 = arith.constant 0 : i32
    %dma_wait3A_881 = tpu.memref_slice %arg19[%dma_wait3A_879, %dma_wait3A_880] : memref<52x128xf32, #tpu.memory_space<vmem>> -> memref<1x128xf32, #tpu.memory_space<vmem>>
    %dma_wait3A_882 = tpu.memref_squeeze %dma_wait3A_881 : memref<1x128xf32, #tpu.memory_space<vmem>> -> memref<128xf32, #tpu.memory_space<vmem>>
    %dma_wait3A_883 = arith.constant 0 : i32
    %dma_wait3A_884 = tpu.memref_slice %arg19[%dma_wait3A_879, %dma_wait3A_883] : memref<52x128xf32, #tpu.memory_space<vmem>> -> memref<1x128xf32, #tpu.memory_space<vmem>>
    %dma_wait3A_885 = tpu.memref_squeeze %dma_wait3A_884 : memref<1x128xf32, #tpu.memory_space<vmem>> -> memref<128xf32, #tpu.memory_space<vmem>>
    tpu.wait_dma2 semaphore(%arg24 : memref<!tpu.dma_semaphore, #tpu.memory_space<semaphore_mem>>) src(%arg3 : memref<128xf32, #tpu.memory_space<hbm>>) dst(%dma_wait3A_885 : memref<128xf32, #tpu.memory_space<vmem>>)
    %dma_wait3A_886 = arith.constant 47 : i32
    %dma_wait3A_887 = arith.constant 0 : i32
    %dma_wait3A_888 = tpu.memref_slice %arg19[%dma_wait3A_886, %dma_wait3A_887] : memref<52x128xf32, #tpu.memory_space<vmem>> -> memref<1x128xf32, #tpu.memory_space<vmem>>
    %dma_wait3A_889 = tpu.memref_squeeze %dma_wait3A_888 : memref<1x128xf32, #tpu.memory_space<vmem>> -> memref<128xf32, #tpu.memory_space<vmem>>
    %dma_wait3A_890 = arith.constant 0 : i32
    %dma_wait3A_891 = tpu.memref_slice %arg19[%dma_wait3A_886, %dma_wait3A_890] : memref<52x128xf32, #tpu.memory_space<vmem>> -> memref<1x128xf32, #tpu.memory_space<vmem>>
    %dma_wait3A_892 = tpu.memref_squeeze %dma_wait3A_891 : memref<1x128xf32, #tpu.memory_space<vmem>> -> memref<128xf32, #tpu.memory_space<vmem>>
    tpu.wait_dma2 semaphore(%arg24 : memref<!tpu.dma_semaphore, #tpu.memory_space<semaphore_mem>>) src(%arg3 : memref<128xf32, #tpu.memory_space<hbm>>) dst(%dma_wait3A_892 : memref<128xf32, #tpu.memory_space<vmem>>)
    %dma_wait3A_893 = arith.constant 51 : i32
    %dma_wait3A_894 = arith.constant 0 : i32
    %dma_wait3A_895 = tpu.memref_slice %arg19[%dma_wait3A_893, %dma_wait3A_894] : memref<52x128xf32, #tpu.memory_space<vmem>> -> memref<1x128xf32, #tpu.memory_space<vmem>>
    %dma_wait3A_896 = tpu.memref_squeeze %dma_wait3A_895 : memref<1x128xf32, #tpu.memory_space<vmem>> -> memref<128xf32, #tpu.memory_space<vmem>>
    %dma_wait3A_897 = arith.constant 0 : i32
    %dma_wait3A_898 = tpu.memref_slice %arg19[%dma_wait3A_893, %dma_wait3A_897] : memref<52x128xf32, #tpu.memory_space<vmem>> -> memref<1x128xf32, #tpu.memory_space<vmem>>
    %dma_wait3A_899 = tpu.memref_squeeze %dma_wait3A_898 : memref<1x128xf32, #tpu.memory_space<vmem>> -> memref<128xf32, #tpu.memory_space<vmem>>
    tpu.wait_dma2 semaphore(%arg24 : memref<!tpu.dma_semaphore, #tpu.memory_space<semaphore_mem>>) src(%arg3 : memref<128xf32, #tpu.memory_space<hbm>>) dst(%dma_wait3A_899 : memref<128xf32, #tpu.memory_space<vmem>>)
    %scan3A_900 = arith.constant 0 : i32
    %scan3A_901 = arith.constant 0 : i32
    %scan3A_902 = arith.constant 8 : i32
    %scan3A_903 = arith.addi %scan3A_901, %scan3A_902 : i32
    %scan3A_904 = arith.constant 1 : i32
    scf.for %scan3A_908 = %scan3A_901 to %scan3A_903 step %scan3A_904  : i32 {
      %mul3A_909 = arith.constant 16 : i32
      %mul3A_910 = arith.muli %scan3A_908, %mul3A_909 : i32
      %get3A = arith.constant 3 : i32
      %get3A_911 = arith.index_cast %get3A : i32 to index
      %get3A_912 = arith.index_cast %mul3A_910 : i32 to index
      %get3A_913 = tpu.vector_load %arg19[%get3A_911, %get3A_912] {strides = array<i32>} : memref<52x128xf32, #tpu.memory_space<vmem>>, vector<1x16xf32>,
      %get3A_914 = vector.shape_cast %get3A_913 : vector<1x16xf32> to vector<16xf32>
      %get3A_915 = arith.constant 7 : i32
      %get3A_916 = arith.index_cast %get3A_915 : i32 to index
      %get3A_917 = arith.index_cast %mul3A_910 : i32 to index
      %get3A_918 = tpu.vector_load %arg19[%get3A_916, %get3A_917] {strides = array<i32>} : memref<52x128xf32, #tpu.memory_space<vmem>>, vector<1x16xf32>,
      %get3A_919 = vector.shape_cast %get3A_918 : vector<1x16xf32> to vector<16xf32>
      %add3A_920 = arith.addf %get3A_914, %get3A_919 : vector<16xf32>
      %get3A_921 = arith.constant 11 : i32
      %get3A_922 = arith.index_cast %get3A_921 : i32 to index
      %get3A_923 = arith.index_cast %mul3A_910 : i32 to index
      %get3A_924 = tpu.vector_load %arg19[%get3A_922, %get3A_923] {strides = array<i32>} : memref<52x128xf32, #tpu.memory_space<vmem>>, vector<1x16xf32>,
      %get3A_925 = vector.shape_cast %get3A_924 : vector<1x16xf32> to vector<16xf32>
      %add3A_926 = arith.addf %add3A_920, %get3A_925 : vector<16xf32>
      %get3A_927 = arith.constant 15 : i32
      %get3A_928 = arith.index_cast %get3A_927 : i32 to index
      %get3A_929 = arith.index_cast %mul3A_910 : i32 to index
      %get3A_930 = tpu.vector_load %arg19[%get3A_928, %get3A_929] {strides = array<i32>} : memref<52x128xf32, #tpu.memory_space<vmem>>, vector<1x16xf32>,
      %get3A_931 = vector.shape_cast %get3A_930 : vector<1x16xf32> to vector<16xf32>
      %add3A_932 = arith.addf %add3A_926, %get3A_931 : vector<16xf32>
      %get3A_933 = arith.constant 19 : i32
      %get3A_934 = arith.index_cast %get3A_933 : i32 to index
      %get3A_935 = arith.index_cast %mul3A_910 : i32 to index
      %get3A_936 = tpu.vector_load %arg19[%get3A_934, %get3A_935] {strides = array<i32>} : memref<52x128xf32, #tpu.memory_space<vmem>>, vector<1x16xf32>,
      %get3A_937 = vector.shape_cast %get3A_936 : vector<1x16xf32> to vector<16xf32>
      %add3A_938 = arith.addf %add3A_932, %get3A_937 : vector<16xf32>
      %get3A_939 = arith.constant 23 : i32
      %get3A_940 = arith.index_cast %get3A_939 : i32 to index
      %get3A_941 = arith.index_cast %mul3A_910 : i32 to index
      %get3A_942 = tpu.vector_load %arg19[%get3A_940, %get3A_941] {strides = array<i32>} : memref<52x128xf32, #tpu.memory_space<vmem>>, vector<1x16xf32>,
      %get3A_943 = vector.shape_cast %get3A_942 : vector<1x16xf32> to vector<16xf32>
      %add3A_944 = arith.addf %add3A_938, %get3A_943 : vector<16xf32>
      %get3A_945 = arith.constant 27 : i32
      %get3A_946 = arith.index_cast %get3A_945 : i32 to index
      %get3A_947 = arith.index_cast %mul3A_910 : i32 to index
      %get3A_948 = tpu.vector_load %arg19[%get3A_946, %get3A_947] {strides = array<i32>} : memref<52x128xf32, #tpu.memory_space<vmem>>, vector<1x16xf32>,
      %get3A_949 = vector.shape_cast %get3A_948 : vector<1x16xf32> to vector<16xf32>
      %add3A_950 = arith.addf %add3A_944, %get3A_949 : vector<16xf32>
      %get3A_951 = arith.constant 31 : i32
      %get3A_952 = arith.index_cast %get3A_951 : i32 to index
      %get3A_953 = arith.index_cast %mul3A_910 : i32 to index
      %get3A_954 = tpu.vector_load %arg19[%get3A_952, %get3A_953] {strides = array<i32>} : memref<52x128xf32, #tpu.memory_space<vmem>>, vector<1x16xf32>,
      %get3A_955 = vector.shape_cast %get3A_954 : vector<1x16xf32> to vector<16xf32>
      %add3A_956 = arith.addf %add3A_950, %get3A_955 : vector<16xf32>
      %get3A_957 = arith.constant 35 : i32
      %get3A_958 = arith.index_cast %get3A_957 : i32 to index
      %get3A_959 = arith.index_cast %mul3A_910 : i32 to index
      %get3A_960 = tpu.vector_load %arg19[%get3A_958, %get3A_959] {strides = array<i32>} : memref<52x128xf32, #tpu.memory_space<vmem>>, vector<1x16xf32>,
      %get3A_961 = vector.shape_cast %get3A_960 : vector<1x16xf32> to vector<16xf32>
      %add3A_962 = arith.addf %add3A_956, %get3A_961 : vector<16xf32>
      %get3A_963 = arith.constant 39 : i32
      %get3A_964 = arith.index_cast %get3A_963 : i32 to index
      %get3A_965 = arith.index_cast %mul3A_910 : i32 to index
      %get3A_966 = tpu.vector_load %arg19[%get3A_964, %get3A_965] {strides = array<i32>} : memref<52x128xf32, #tpu.memory_space<vmem>>, vector<1x16xf32>,
      %get3A_967 = vector.shape_cast %get3A_966 : vector<1x16xf32> to vector<16xf32>
      %add3A_968 = arith.addf %add3A_962, %get3A_967 : vector<16xf32>
      %get3A_969 = arith.constant 43 : i32
      %get3A_970 = arith.index_cast %get3A_969 : i32 to index
      %get3A_971 = arith.index_cast %mul3A_910 : i32 to index
      %get3A_972 = tpu.vector_load %arg19[%get3A_970, %get3A_971] {strides = array<i32>} : memref<52x128xf32, #tpu.memory_space<vmem>>, vector<1x16xf32>,
      %get3A_973 = vector.shape_cast %get3A_972 : vector<1x16xf32> to vector<16xf32>
      %add3A_974 = arith.addf %add3A_968, %get3A_973 : vector<16xf32>
      %get3A_975 = arith.constant 47 : i32
      %get3A_976 = arith.index_cast %get3A_975 : i32 to index
      %get3A_977 = arith.index_cast %mul3A_910 : i32 to index
      %get3A_978 = tpu.vector_load %arg19[%get3A_976, %get3A_977] {strides = array<i32>} : memref<52x128xf32, #tpu.memory_space<vmem>>, vector<1x16xf32>,
      %get3A_979 = vector.shape_cast %get3A_978 : vector<1x16xf32> to vector<16xf32>
      %add3A_980 = arith.addf %add3A_974, %get3A_979 : vector<16xf32>
      %get3A_981 = arith.constant 51 : i32
      %get3A_982 = arith.index_cast %get3A_981 : i32 to index
      %get3A_983 = arith.index_cast %mul3A_910 : i32 to index
      %get3A_984 = tpu.vector_load %arg19[%get3A_982, %get3A_983] {strides = array<i32>} : memref<52x128xf32, #tpu.memory_space<vmem>>, vector<1x16xf32>,
      %get3A_985 = vector.shape_cast %get3A_984 : vector<1x16xf32> to vector<16xf32>
      %add3A_986 = arith.addf %add3A_980, %get3A_985 : vector<16xf32>
      %mul3A_987 = arith.constant 16 : i32
      %mul3A_988 = arith.muli %scan3A_908, %mul3A_987 : i32
      %add3A_989 = arith.constant 384 : i32
      %add3A_990 = arith.addi %add3A_989, %mul3A_988 : i32
      %swap3A = arith.index_cast %add3A_990 : i32 to index
      %swap3A_991 = tpu.vector_load %arg20[%swap3A] {strides = array<i32>} : memref<512xf32, #tpu.memory_space<vmem>>, vector<16xf32>,
      %swap3A_992 = vector.shape_cast %swap3A_991 : vector<16xf32> to vector<16xf32>
      %swap3A_993 = vector.shape_cast %add3A_986 : vector<16xf32> to vector<16xf32>
      tpu.vector_store %arg20[%swap3A], %swap3A_993 {strides = array<i32>} : memref<512xf32, #tpu.memory_space<vmem>>, vector<16xf32>,
    }
    %scan3A_905 = arith.constant 8 : i32
    %mul3A_906 = arith.constant 512 : i32
    %mul3A_907 = arith.muli %add3A, %mul3A_906 : i32
    "tpu.region"() ({
      %run_scoped3A = tpu.sem_alloc : memref<!tpu.dma_semaphore, #tpu.memory_space<semaphore_mem>>
      %dma_start3A_908 = tpu.memref_slice %arg17[%mul3A_907] : memref<16384xf32, #tpu.memory_space<hbm>> -> memref<512xf32, #tpu.memory_space<hbm>>
      %dma_start3A_909 = tpu.memref_slice %arg17[%mul3A_907] : memref<16384xf32, #tpu.memory_space<hbm>> -> memref<512xf32, #tpu.memory_space<hbm>>
      tpu.enqueue_dma source(%arg20 : memref<512xf32, #tpu.memory_space<vmem>>) target(%dma_start3A_909 : memref<512xf32, #tpu.memory_space<hbm>>) target_semaphore(%run_scoped3A : memref<!tpu.dma_semaphore, #tpu.memory_space<semaphore_mem>>)
      %dma_wait3A_910 = tpu.memref_slice %arg17[%mul3A_907] : memref<16384xf32, #tpu.memory_space<hbm>> -> memref<512xf32, #tpu.memory_space<hbm>>
      %dma_wait3A_911 = tpu.memref_slice %arg17[%mul3A_907] : memref<16384xf32, #tpu.memory_space<hbm>> -> memref<512xf32, #tpu.memory_space<hbm>>
      tpu.wait_dma2 semaphore(%run_scoped3A : memref<!tpu.dma_semaphore, #tpu.memory_space<semaphore_mem>>) src(%arg20 : memref<512xf32, #tpu.memory_space<vmem>>) dst(%dma_wait3A_911 : memref<512xf32, #tpu.memory_space<hbm>>)
      tpu.yield
    }) : () -> ()
    return
  }
}

module attributes {stable_mosaic.version = 14 : i64} {
  func.func @_combine_body(%arg0: memref<1xf32, #tpu.memory_space<smem>>, %arg1: memref<16384xf32, #tpu.memory_space<vmem>>, %arg2: memref<16384xf32, #tpu.memory_space<vmem>>, %arg3: memref<16384xf32, #tpu.memory_space<vmem>>) attributes {dimension_semantics = [], scalar_prefetch = 0 : i64, scratch_operands = 0 : i64, tpu.core_type = #tpu.core_type<tc>} {
    %get3A = arith.constant 0 : index
    %get3A_0 = vector.load %arg1[%get3A] : memref<16384xf32, #tpu.memory_space<vmem>>, vector<16384xf32>
    %get3A_1 = arith.constant 0 : index
    %get3A_2 = vector.load %arg2[%get3A_1] : memref<16384xf32, #tpu.memory_space<vmem>>, vector<16384xf32>
    %add3A = arith.addf %get3A_0, %get3A_2 : vector<16384xf32>
    %get3A_3 = arith.constant 0 : index
    %get3A_4 = memref.load %arg0[%get3A_3] : memref<1xf32, #tpu.memory_space<smem>>
    %add3A_5 = vector.broadcast %get3A_4 : f32 to vector<16384xf32>
    %add3A_6 = arith.addf %add3A, %add3A_5 : vector<16384xf32>
    %neg3A = arith.constant 0.000000e+00 : f32
    %neg3A_7 = vector.broadcast %neg3A : f32 to vector<16384xf32>
    %neg3A_8 = arith.subf %neg3A_7, %add3A_6 : vector<16384xf32>
    %exp3A = math.exp %neg3A_8 : vector<16384xf32>
    %add3A_9 = arith.constant 1.000000e+00 : f32
    %add3A_10 = vector.broadcast %add3A_9 : f32 to vector<16384xf32>
    %add3A_11 = arith.addf %add3A_10, %exp3A : vector<16384xf32>
    %div3A = arith.constant 1.000000e+00 : f32
    %div3A_12 = vector.broadcast %div3A : f32 to vector<16384xf32>
    %div3A_13 = arith.divf %div3A_12, %add3A_11 : vector<16384xf32>
    %swap3A = arith.constant 0 : index
    %swap3A_14 = vector.load %arg3[%swap3A] : memref<16384xf32, #tpu.memory_space<vmem>>, vector<16384xf32>
    tpu.vector_store %arg3[%swap3A], %div3A_13 {strides = array<i32>} : memref<16384xf32, #tpu.memory_space<vmem>>, vector<16384xf32>,
    return
  }
}

</mosaic_0001>

<sc_bundles>
// kernel: kernel.5.cloned.1.call-start
scs
__scs_entry_jumppad:
0x0: {  	(pc) =	sbr.rel $0x88, $3  }
0x1: {  	(tag) =	ssettag $0x0;
	lr =	simm.s32 $0x1  }
0x2: {  	[smem:$0x3F9E] =	sst lr;
	_ =	strace $0xD0000000  }
0x3: {  	_ = 	snop  }
0x4: {  	_ = 	snop  }
0x5: {  	_ = 	snop  }
0x6: {  	_ = 	snop  }
0x7: {  	_ = 	snop  }
__scs_overlays_trampoline_lowered:
0x8: {  	[smem:$0x3FAD] =	sst s0  }
0x9: {  	[smem:$0x3FAE] =	sst s1  }
0xa: {  	[smem:$0x3FAF] =	sst s2  }
0xb: {  	[smem:$0x3FB0] =	sst s3  }
0xc: {  	[smem:$0x3FB1] =	sst s4  }
0xd: {  	[smem:$0x3FB2] =	sst s5  }
0xe: {  	[smem:$0x3FB3] =	sst s6  }
0xf: {  	[smem:$0x3FB4] =	sst s7  }
0x10: {  	[smem:$0x3FB5] =	sst s8  }
0x11: {  	[smem:$0x3FB6] =	sst s9;
	s0 =	simm.s32 @!p0 $0x0  }
0x12: {  	s1 =	sld [smem:$0x3F9C];
	s0 =	simm.s32 @p0 $0x1  }
0x13: {  	[smem:$0x3FB7] =	sst s0;
	s0 =	simm.s32 @!p1 $0x0  }
0x14: {  	s2 =	sld [smem:$0x3F9B];
	s0 =	simm.s32 @p1 $0x1  }
0x15: {  	[smem:$0x3FB8] =	sst s0;
	s0 =	simm.s32 @!p2 $0x0  }
0x16: {  	s3 =	sld [smem:$0x3FDB];
	s0 =	simm.s32 @p2 $0x1  }
0x17: {  	s4 =	simm.s32 $0x1BF5;
	[smem:$0x3FBA] =	sst s0  }
0x18: {  	s0 =	sld [smem:$0x3F9D];
	_ =	swait.ge [sflag:s4], $0x0  }
0x19: {  	s7 =	sld [smem:$0x3F9E]  }
0x1a: {  	s8 =	sadd.s32 $0xFFFFE003, lr  }
0x1b: {  	s9 =	sadd.s32 $0xFFFFFEF7, lr;
	s5 =	simm.s32 $0xFFFFFFFF;
	p2 =	slt.u32 s8, $0xFFFFF086  }
0x1c: {  	p1 =	slt.u32 s9, $0xF7A;
	s5 =	simm.s32 @!p2 $0x0  }
0x1d: {  	s5 =	simm.s32 @p1 $0x1;
	p0 =	seq.s32 s7, s2  }
0x1e: {  	s7 =	smul.u32 @!p0 $0xF7A, s2;
	p2 =	seq.s32 @!p0 s5, $0x0  }
0x1f: {  	s9 =	smul.u32 $0xF7A, s1;
	s8 =	simm.s32 @!p0 $0x1BF5;
	p2 =	por !p2, p0  }
0x20: {  	[sflag:s8] =	ssyncset.s32 @!p0 $0xFFFFF086;
	s6 =	sadd.s32 @!p0 s3, s7;
	s7 =	simm.s32 @!p0 $0x108  }
0x21: {  	s3 =	sadd.s32 s3, s9;
	s6 =	sadd.s32 @!p0 $0x88, s6;
	s7 =	simm.s32 @p2 $0x1082  }
0x22: {  	[simem:s7], [sflag:s8] =	dma.local @!p0 [hbm:s6], $0xF7A  }
0x23: {  	s9 =	sor.u32 $0xD0000000, s2;
	s6 =	simm.s32 $0x108;
	_ =	swait.ge @!p0 [sflag:s8], $0x0  }
0x24: {  	s3 =	sadd.s32 $0x88, s3;
	s6 =	simm.s32 @!p1 $0x1082;
	[sflag:s4] =	ssyncset.s32 $0xFFFFF086  }
0x25: {  	[simem:s6], [sflag:s4] =	dma.local [hbm:s3], $0xF7A  }
0x26: {  	[smem:$0x3F9E] =	sst s1;
	(tag) =	ssettag s2;
	_ =	strace s9  }
0x27: {  	s1 =	sld [smem:$0x3FAE]  }
0x28: {  	s2 =	sld [smem:$0x3FAF]  }
0x29: {  	s4 =	sld [smem:$0x3FB1]  }
0x2a: {  	p0 =	seq.s32 s5, $0x0;
	s5 =	sld [smem:$0x3FB2]  }
0x2b: {  	s6 =	sld [smem:$0x3FB3]  }
0x2c: {  	s7 =	sld [smem:$0x3FB4]  }
0x2d: {  	s3 =	simm.s32 $0x108;
	s8 =	sld [smem:$0x3FB5]  }
0x2e: {  	s3 =	simm.s32 @!p0 $0x1082;
	s9 =	sld [smem:$0x3FB6]  }
0x2f: {  	lr =	sadd.s32 s0, s3;
	s0 =	sld [smem:$0x3FAD]  }
0x30: {  	s3 =	sld [smem:$0x3FB0]  }
0x31: {  	[smem:$0x3FB9] =	sst s10  }
0x32: {  	s10 =	sld [smem:$0x3FB7];
	_ =	sdelay $0x3  }
0x33: {  	p0 =	seq.s32 s10, $0x1;
	s10 =	sld [smem:$0x3FB9];
	_ =	sdelay $0x3  }
0x34: {  	[smem:$0x3FB9] =	sst s10  }
0x35: {  	s10 =	sld [smem:$0x3FB8];
	_ =	sdelay $0x3  }
0x36: {  	p1 =	seq.s32 s10, $0x1;
	s10 =	sld [smem:$0x3FB9];
	_ =	sdelay $0x3  }
0x37: {  	[smem:$0x3FB9] =	sst s10  }
0x38: {  	s10 =	sld [smem:$0x3FBA]  }
0x39: {  	_ = 	snop;
	(pc) =	sbr.ind lr, $3  }
0x3a: {  	_ = 	snop  }
0x3b: {  	_ = 	snop  }
0x3c: {  	p2 =	seq.s32 s10, $0x1;
	s10 =	sld [smem:$0x3FB9]  }
0x3d: {  	_ =	shalt  }
0x3e: {  	_ =	shalt  }
0x3f: {  	_ =	shalt  }
0x40: {  	_ =	shalt  }
0x41: {  	_ =	shalt  }
0x42: {  	_ =	shalt  }
0x43: {  	_ =	shalt  }
0x44: {  	_ =	shalt  }
0x45: {  	_ =	shalt  }
0x46: {  	_ =	shalt  }
0x47: {  	_ =	shalt  }
0x48: {  	_ =	shalt  }
0x49: {  	_ =	shalt  }
0x4a: {  	_ =	shalt  }
0x4b: {  	_ =	shalt  }
0x4c: {  	_ =	shalt  }
0x4d: {  	_ =	shalt  }
0x4e: {  	_ =	shalt  }
0x4f: {  	_ =	shalt  }
0x50: {  	_ =	shalt  }
0x51: {  	_ =	shalt  }
0x52: {  	_ =	shalt  }
0x53: {  	_ =	shalt  }
0x54: {  	_ =	shalt  }
0x55: {  	_ =	shalt  }
0x56: {  	_ =	shalt  }
0x57: {  	_ =	shalt  }
0x58: {  	_ =	shalt  }
0x59: {  	_ =	shalt  }
0x5a: {  	_ =	shalt  }
0x5b: {  	_ =	shalt  }
0x5c: {  	_ =	shalt  }
0x5d: {  	_ =	shalt  }
0x5e: {  	_ =	shalt  }
0x5f: {  	_ =	shalt  }
0x60: {  	_ =	shalt  }
0x61: {  	_ =	shalt  }
0x62: {  	_ =	shalt  }
0x63: {  	_ =	shalt  }
0x64: {  	_ =	shalt  }
0x65: {  	_ =	shalt  }
0x66: {  	_ =	shalt  }
0x67: {  	_ =	shalt  }
0x68: {  	_ =	shalt  }
0x69: {  	_ =	shalt  }
0x6a: {  	_ =	shalt  }
0x6b: {  	_ =	shalt  }
0x6c: {  	_ =	shalt  }
0x6d: {  	_ =	shalt  }
0x6e: {  	_ =	shalt  }
0x6f: {  	_ =	shalt  }
0x70: {  	_ =	shalt  }
0x71: {  	_ =	shalt  }
0x72: {  	_ =	shalt  }
0x73: {  	_ =	shalt  }
0x74: {  	_ =	shalt  }
0x75: {  	_ =	shalt  }
0x76: {  	_ =	shalt  }
0x77: {  	_ =	shalt  }
0x78: {  	_ =	shalt  }
0x79: {  	_ =	shalt  }
0x7a: {  	_ =	shalt  }
0x7b: {  	_ =	shalt  }
0x7c: {  	_ =	shalt  }
0x7d: {  	_ =	shalt  }
0x7e: {  	_ =	shalt  }
0x7f: {  	_ =	shalt  }
0x80: {  	_ =	shalt  }
0x81: {  	_ =	shalt  }
0x82: {  	_ =	shalt  }
0x83: {  	_ =	shalt  }
0x84: {  	_ =	shalt  }
0x85: {  	_ =	shalt  }
0x86: {  	_ =	shalt  }
0x87: {  	_ =	shalt  }
.Lfunc_end0:
.L_simem_size_0:
called_computation_lowered:
.L_overlay_start_0:
0x88: {  	s2 =	sld [smem:$0x3FD9]  }
0x89: {  	s3 =	sld [smem:$0x3FFE];
	_ =	sdelay $0x1  }
0x8a: {  	s1 =	srdreg.scid  }
0x8b: {  	s0 =	sand.u32 $0x1, s1  }
0x8c: {  	s17 =	sshll.u32 s0, $0xA;
	s2 =	sadd.s32 s3, s2  }
0x8d: {  	s2 =	sadd.s32 s2, s17  }
0x8e: {  	[smem:$0x3FC5] =	sst s2  }
0x8f: {  	_ = 	snop  }
0x90: {  	s18 =	sld [smem:$0x3FD0];
	(tm) =	ssettm $0x1  }
0x91: {  	s19 =	sld [smem:$0x3FFB];
	_ =	sdelay $0x3  }
0x92: {  	_ =	strace s19  }
0x93: {  	s2 =	sld [smem:$0x3FFC];
	_ =	sdelay $0x3  }
0x94: {  	_ =	strace s2  }
0x95: {  	s2 =	sld [smem:$0x3FFD];
	_ =	sdelay $0x3  }
0x96: {  	_ =	strace s2  }
0x97: {  	_ =	strace $0x8FFFFFFF  }
0x98: {  	s20 =	sld [smem:$0x3FDB];
	_ =	sdelay $0x1  }
0x99: {  	s4 =	simm.s32 $_scs_section_size  }
0x9a: {  	s5 =	simm.s32 $_size__tile_overlayer_lowered;
	s6 =	simm.s32 $_tile_overlayer_lowered  }
0x9b: {  	s7 =	simm.s32 $0x1BFF;
	s21 =	sshll.u32 s6, $0x1;
	s4 =	sadd.s32 s4, s20  }
0x9c: {  	s22 =	simm.s32 $0x0;
	s5 =	sshll.u32 s5, $0x1;
	s6 =	sadd.s32 s21, s4  }
0x9d: {  	[timem:s22], [sflag:s7] =	dma.local [hbm:s6], s5  }
0x9e: {  	_ =	swait.ge [sflag:s7], s5  }
0x9f: {  	s5 =	ssub.s32 $0x0, s5;
	[sflag:s7] =	ssyncset.done $0x0  }
0xa0: {  	[sflag:s7] =	ssyncadd.s32 s5;
	_ =	sdelay $0x1  }
0xa1: {  	s23 =	simm.s32 $0x1B8B  }
0xa2: {  	_ =	swait.ge [sflag:s23], $0x1  }
0xa3: {  	[sflag:s23] =	ssyncset.done $0x0  }
0xa4: {  	[sflag:s23] =	ssyncadd.s32 $0xFFFFFFFF  }
0xa5: {  	s5 =	sld [smem:$0x0]  }
0xa6: {  	s6 =	sand.u32 $0xFFFFFFFE, s1  }
0xa7: {  	p0 =	sne.s32 s1, s6  }
0xa8: {  	s6 =	sshll.u32 @p0 s6, $0xE  }
0xa9: {  	s6 =	sadd.s32 @p0 $0x11B8D, s6;
	s7 =	sshll.u32 @p0 s5, $0x11  }
0xaa: {  	s6 =	sor.u32 @p0 s7, s6  }
0xab: {  	[sflag:s6] =	ssyncadd.remote.s32 @p0 $0x1;
	_ =	sdelay $0x1  }
0xac: {  	s6 =	simm.s32 @p0 $0x1B8D  }
0xad: {  	_ =	swait.eq @p0 [sflag:s6], $0x1  }
0xae: {  	[sflag:s6] =	ssyncadd.s32 @p0 $0xFFFFFFFF  }
0xaf: {  	s7 =	sshll.u32 @!p0 s1, $0xE  }
0xb0: {  	s7 =	sor.u32 @!p0 $0x4000, s7;
	s6 =	simm.s32 @!p0 $0x1B8D  }
0xb1: {  	s5 =	sshll.u32 @!p0 s5, $0x11;
	s7 =	sadd.s32 @!p0 $0x11B8D, s7;
	_ =	swait.eq @!p0 [sflag:s6], $0x1  }
0xb2: {  	s5 =	sor.u32 @!p0 s5, s7;
	[sflag:s6] =	ssyncadd.s32 @!p0 $0xFFFFFFFF  }
0xb3: {  	s25 =	simm.s32 $0x1B8E;
	s24 =	sld [smem:$0x3FFE];
	[sflag:s5] =	ssyncadd.remote.s32 @!p0 $0x1  }
0xb4: {  	s26 =	simm.s32 $execute0_lowered;
	[smem:$0x3FD2] =	sst s25  }
0xb5: {  	s6 =	sshll.u32 s26, $0x1;
	_ =	strace $0x80000049;
	[dreg:$0x1] =	wrdreg $0xFFFFFFFF  }
0xb6: {  	s28 =	simm.s32 $_size_execute0_lowered;
	s4 =	sadd.s32 s4, s6;
	[dreg:$0x0] =	wrdreg $0x0  }
0xb7: {  	s6 =	sshll.u32 s28, $0x1;
	[dreg:$0x2] =	wrdreg s4  }
0xb8: {  	[dreg:$0x3] =	wrdreg s6  }
0xb9: {  	[dreg:$0x4] =	wrdreg $0xC0  }
0xba: {  	_ =	task [dreg:s22], $0x5FFFF  }
0xbb: {  	[dreg:$0x1] =	wrdreg $0xFFFFFFFF  }
0xbc: {  	[dreg:$0x0] =	wrdreg $0x60  }
0xbd: {  	[dreg:$0x2] =	wrdreg s24  }
0xbe: {  	[dreg:$0x3] =	wrdreg s18  }
0xbf: {  	[dreg:$0x4] =	wrdreg $0x9  }
0xc0: {  	_ =	task.clear_ibuf [dreg:s22], $0x5FFFF;
	_ =	strace $0x90000049  }
0xc1: {  	s29 =	simm.s32 $0x9;
	_ =	strace $0x8000004B  }
0xc2: {  	_ =	swait.ge [sflag:s29], $0x1  }
0xc3: {  	[sflag:s29] =	ssyncadd.s32 $0xFFFFFFFF  }
0xc4: {  	_ =	strace $0x9000004B  }
0xc5: {  	_ =	sfence  }
0xc6: {  	s30 =	sld [smem:$0x0];
	_ =	sdelay $0x2  }
0xc7: {  	s31 =	sshll.u32 s1, $0xD;
	s1 =	sshrl.u32 s1, $0x2  }
0xc8: {  	s4 =	sand.u32 $0x4000, s31;
	s1 =	sadd.s32 s1, s30  }
0xc9: {  	s0 =	sor.u32 s4, s0;
	s1 =	sshll.u32 s1, $0x11  }
0xca: {  	s0 =	sor.u32 s1, s0  }
0xcb: {  	s0 =	sadd.s32 $0x8F2B, s0  }
0xcc: {  	[sflag:s0] =	ssyncadd.remote.s32 $0x1  }
0xcd: {  	_ =	sfence.sel $0xFFFF  }
0xce: {  	[dreg:$0x0] =	wrdreg $0xFFFFFFFF;
	(pc) =	sbr.abs _section_cstart, $3  }
0xcf: {  	[dreg:$0x1] =	wrdreg $0xFFFFFFFF  }
0xd0: {  	_ =	task.clear_ibuf [dreg:s22], $0x2FFFF;
	_ =	strace $0x9FFFFFFF  }
0xd1: {  	(tm) =	ssettm $0x7FFFFFFF  }
tec
execute0_lowered:
.L_overlay_start_1:
0x0: {  	(tag) =	ssettag $0x1  }
0x1: {  	s1 =	srdreg.scid;
	s0 =	stileid.u32  }
0x2: {  	s15 =	rddreg [dreg:$0x0];
	s1 =	sand.u32 $0x1, s1;
	s2 =	sshll.u32 s0, $0x1  }
0x3: {  	s4 =	rddreg [dreg:$0x1];
	s3 =	sor.u32 s1, s2;
	s2 =	simm.s32 $0x0  }
0x4: {  	s11 =	simm.s32 $0x1C00;
	[smem:$0x7FF] =	sst s2  }
0x5: {  	s12 =	simm.s32 $0x200;
	_ =	strace $0x8000004A;
	[dreg:$0x5] =	wrdreg s11  }
0x6: {  	s13 =	simm.s32 $0x1E00;
	[dreg:$0x6] =	wrdreg s12  }
0x7: {  	s14 =	simm.s32 $0x400;
	[dreg:$0x7] =	wrdreg s13  }
0x8: {  	s16 =	simm.s32 $0x2000;
	[dreg:$0x8] =	wrdreg s14  }
0x9: {  	s17 =	simm.s32 $0x600;
	[dreg:$0x9] =	wrdreg s16  }
0xa: {  	s18 =	simm.s32 $0x2200;
	[dreg:$0xa] =	wrdreg s17  }
0xb: {  	s19 =	simm.s32 $0x800;
	[dreg:$0xb] =	wrdreg s18  }
0xc: {  	s20 =	simm.s32 $0x2400;
	[dreg:$0xc] =	wrdreg s19  }
0xd: {  	s21 =	simm.s32 $0xA00;
	[dreg:$0xd] =	wrdreg s20  }
0xe: {  	s22 =	simm.s32 $0x2600;
	[dreg:$0xe] =	wrdreg s21  }
0xf: {  	s23 =	simm.s32 $0xC00;
	[dreg:$0xf] =	wrdreg s22  }
0x10: {  	s24 =	simm.s32 $0x2800;
	[dreg:$0x10] =	wrdreg s23  }
0x11: {  	s25 =	simm.s32 $0xE00;
	[dreg:$0x11] =	wrdreg s24  }
0x12: {  	s26 =	simm.s32 $0x2A00;
	[dreg:$0x12] =	wrdreg s25  }
0x13: {  	s0 =	simm.s32 $0x1000;
	[dreg:$0x13] =	wrdreg s26  }
0x14: {  	s6 =	simm.s32 $0x2E00;
	[dreg:$0x14] =	wrdreg s0  }
0x15: {  	s7 =	simm.s32 $0x1400;
	[dreg:$0x17] =	wrdreg s6  }
0x16: {  	s8 =	simm.s32 $0x3000;
	[dreg:$0x18] =	wrdreg s7  }
0x17: {  	s9 =	simm.s32 $0x1600;
	s10 =	simm.s32 $0x3200;
	[dreg:$0x19] =	wrdreg s8  }
0x18: {  	s5 =	smul.u32 $0x380, s3;
	s3 =	sshll.u32 s3, $0x6;
	[dreg:$0x1a] =	wrdreg s9  }
0x19: {  	s3 =	sadd.s32 s4, s3;
	[dreg:$0x1b] =	wrdreg s10  }
0x1a: {  	s4 =	simm.s32 $0x2C00;
	[dreg:$0x4] =	wrdreg s3  }
0x1b: {  	s11 =	simm.s32 $0x1800;
	[dreg:$0x15] =	wrdreg s4  }
0x1c: {  	s12 =	simm.s32 $0x3400;
	[dreg:$0x1c] =	wrdreg s11  }
0x1d: {  	s13 =	simm.s32 $0x1C80;
	[dreg:$0x1d] =	wrdreg s12  }
0x1e: {  	s14 =	simm.s32 $0x280;
	[dreg:$0x1e] =	wrdreg s13  }
0x1f: {  	s16 =	simm.s32 $0x1E80;
	[dreg:$0x1f] =	wrdreg s14  }
0x20: {  	s17 =	simm.s32 $0x480;
	[smem:$0x7BB] =	sst s16  }
0x21: {  	s18 =	simm.s32 $0x2080;
	[smem:$0x7BC] =	sst s17  }
0x22: {  	s19 =	simm.s32 $0x680;
	[smem:$0x7BD] =	sst s18  }
0x23: {  	s20 =	simm.s32 $0x2280;
	[smem:$0x7BE] =	sst s19  }
0x24: {  	s21 =	simm.s32 $0x880;
	[smem:$0x7BF] =	sst s20  }
0x25: {  	s22 =	simm.s32 $0x2480;
	[smem:$0x7C0] =	sst s21  }
0x26: {  	s23 =	simm.s32 $0xA80;
	[smem:$0x7C1] =	sst s22  }
0x27: {  	s24 =	simm.s32 $0x2680;
	[smem:$0x7C2] =	sst s23  }
0x28: {  	s25 =	simm.s32 $0xC80;
	[smem:$0x7C3] =	sst s24  }
0x29: {  	s26 =	simm.s32 $0x2880;
	[smem:$0x7C4] =	sst s25  }
0x2a: {  	s0 =	simm.s32 $0xE80;
	[smem:$0x7C5] =	sst s26  }
0x2b: {  	s6 =	simm.s32 $0x2C80;
	[smem:$0x7C6] =	sst s0  }
0x2c: {  	s7 =	simm.s32 $0x1280;
	[smem:$0x7C9] =	sst s6  }
0x2d: {  	s8 =	simm.s32 $0x2E80;
	[smem:$0x7CA] =	sst s7  }
0x2e: {  	s9 =	simm.s32 $0x1480;
	[smem:$0x7CB] =	sst s8  }
0x2f: {  	s10 =	simm.s32 $0x3080;
	[smem:$0x7CC] =	sst s9  }
0x30: {  	s4 =	simm.s32 $0x2A80;
	[smem:$0x7CD] =	sst s10  }
0x31: {  	s11 =	simm.s32 $0x1680;
	[smem:$0x7C7] =	sst s4  }
0x32: {  	s12 =	simm.s32 $0x3280;
	[smem:$0x7CE] =	sst s11  }
0x33: {  	s13 =	simm.s32 $0x1880;
	[smem:$0x7CF] =	sst s12  }
0x34: {  	s14 =	simm.s32 $0x3480;
	[smem:$0x7D0] =	sst s13  }
0x35: {  	s16 =	simm.s32 $0x100;
	[smem:$0x7D1] =	sst s14  }
0x36: {  	s17 =	simm.s32 $0x1D00;
	[smem:$0x7D2] =	sst s16  }
0x37: {  	s18 =	simm.s32 $0x300;
	[smem:$0x7D3] =	sst s17  }
0x38: {  	s19 =	simm.s32 $0x1F00;
	[smem:$0x7D4] =	sst s18  }
0x39: {  	s20 =	simm.s32 $0x500;
	[smem:$0x7D5] =	sst s19  }
0x3a: {  	s21 =	simm.s32 $0x2100;
	[smem:$0x7D6] =	sst s20  }
0x3b: {  	s22 =	simm.s32 $0x700;
	[smem:$0x7D7] =	sst s21  }
0x3c: {  	s23 =	simm.s32 $0x2300;
	[smem:$0x7D8] =	sst s22  }
0x3d: {  	s24 =	simm.s32 $0x900;
	[smem:$0x7D9] =	sst s23  }
0x3e: {  	s25 =	simm.s32 $0x2500;
	[smem:$0x7DA] =	sst s24  }
0x3f: {  	s26 =	simm.s32 $0xB00;
	[smem:$0x7DB] =	sst s25  }
0x40: {  	s0 =	simm.s32 $0x2700;
	[smem:$0x7DC] =	sst s26  }
0x41: {  	s6 =	simm.s32 $0xF00;
	[smem:$0x7DD] =	sst s0  }
0x42: {  	s7 =	simm.s32 $0x2B00;
	[smem:$0x7E0] =	sst s6  }
0x43: {  	s8 =	simm.s32 $0x1100;
	[smem:$0x7E1] =	sst s7  }
0x44: {  	s9 =	simm.s32 $0x2D00;
	[smem:$0x7E2] =	sst s8  }
0x45: {  	s5 =	sadd.s32 s5, s15;
	s10 =	simm.s32 $0x1300;
	[smem:$0x7E3] =	sst s9  }
0x46: {  	s5 =	sadd.s32 $0x1F600, s5;
	[smem:$0x7E4] =	sst s10  }
0x47: {  	s4 =	simm.s32 $0xD00;
	[dreg:$0x3] =	wrdreg s5  }
0x48: {  	s11 =	simm.s32 $0x2F00;
	[smem:$0x7DE] =	sst s4  }
0x49: {  	s12 =	simm.s32 $0x1500;
	[smem:$0x7E5] =	sst s11  }
0x4a: {  	s13 =	simm.s32 $0x3100;
	[smem:$0x7E6] =	sst s12  }
0x4b: {  	s14 =	simm.s32 $0x1700;
	[smem:$0x7E7] =	sst s13  }
0x4c: {  	s28 =	simm.s32 $0x1;
	s16 =	simm.s32 $0x3300;
	[smem:$0x7E8] =	sst s14  }
0x4d: {  	s29 =	simm.s32 $0x2;
	s17 =	simm.s32 $0x1900;
	[smem:$0x7E9] =	sst s16  }
0x4e: {  	s30 =	simm.s32 $0x3;
	s18 =	simm.s32 $0x3500;
	[smem:$0x7EA] =	sst s17  }
0x4f: {  	s31 =	simm.s32 $0x4;
	s19 =	simm.s32 $0x180;
	[smem:$0x7EB] =	sst s18  }
0x50: {  	s1 =	ssub.s32 $0x2, s1;
	s6 =	simm.s32 $0x1D80;
	[smem:$0x7EC] =	sst s19  }
0x51: {  	s3 =	sadd.s32 $0x2DE00, s15;
	s7 =	simm.s32 $0x380;
	[smem:$0x7ED] =	sst s6  }
0x52: {  	s8 =	simm.s32 $0x1F80;
	s9 =	simm.s32 $0x580;
	[smem:$0x7EE] =	sst s7  }
0x53: {  	s10 =	simm.s32 $0x2180;
	s20 =	simm.s32 $0x2780;
	[smem:$0x7EF] =	sst s8  }
0x54: {  	s21 =	simm.s32 $0xD80;
	s22 =	simm.s32 $0x2980;
	[smem:$0x7F0] =	sst s9  }
0x55: {  	s23 =	simm.s32 $0xF80;
	s24 =	simm.s32 $0x2B80;
	[smem:$0x7F1] =	sst s10  }
0x56: {  	s25 =	simm.s32 $0x1180;
	s26 =	simm.s32 $0x2D80;
	[smem:$0x7F7] =	sst s20  }
0x57: {  	s5 =	simm.s32 $0x1200;
	s4 =	sadd.s32 $0x2CA00, s15;
	[smem:$0x7F8] =	sst s21  }
0x58: {  	s6 =	sadd.s32 $0x2A200, s15;
	s7 =	sadd.s32 $0x28E00, s15;
	[smem:$0x7F9] =	sst s22  }
0x59: {  	s8 =	sadd.s32 $0x27A00, s15;
	s9 =	sadd.s32 $0x26600, s15;
	[smem:$0x7FA] =	sst s23  }
0x5a: {  	s11 =	simm.s32 $0x780;
	s10 =	sadd.s32 $0x1D800, s15;
	[smem:$0x7FB] =	sst s24  }
0x5b: {  	s12 =	simm.s32 $0x2380;
	s13 =	simm.s32 $0x980;
	[smem:$0x7FC] =	sst s25  }
0x5c: {  	s14 =	simm.s32 $0x2580;
	s16 =	simm.s32 $0xB80;
	[smem:$0x7FD] =	sst s26  }
0x5d: {  	s17 =	sshrl.u32 s1, $0x1;
	s18 =	simm.s32 $0x80;
	[dreg:$0x16] =	wrdreg s5  }
0x5e: {  	s22 =	simm.s32 $0x3180;
	s23 =	simm.s32 $0x1780;
	[smem:$0x7F2] =	sst s11  }
0x5f: {  	s24 =	simm.s32 $0x3380;
	s25 =	simm.s32 $0x1980;
	[smem:$0x7F3] =	sst s12  }
0x60: {  	s26 =	simm.s32 $0x3580;
	s5 =	simm.s32 $0x1080;
	[smem:$0x7F4] =	sst s13  }
0x61: {  	s11 =	sadd.s32 $0x1C400, s15;
	s12 =	sadd.s32 $0x1B000, s15;
	[smem:$0x7F5] =	sst s14  }
0x62: {  	s13 =	sadd.s32 $0x19C00, s15;
	s14 =	sadd.s32 $0x18800, s15;
	[smem:$0x7F6] =	sst s16  }
0x63: {  	s1 =	ssub.s32 s1, s17;
	s17 =	simm.s32 $0x5;
	[smem:$0x7C8] =	sst s5  }
0x64: {  	s5 =	simm.s32 $0x2900;
	s16 =	smax.u32 s1, $0x1;
	s1 =	simm.s32 $0x3800  }
0x65: {  	[smem:$0x7DF] =	sst s5;
	s5 =	sadd.s32 $0x2B600, s15;
	s15 =	sadd.s32 $0x17400, s15  }
.LBB2_1:
0x66: {  	s0 =	rddreg [dreg:$0x3]  }
0x67: {  	[tilespmem:s2], [sflag:$0x5] =	stream.linear.gather [hbm4b:s0+s2], $0x1A00, $0x38;
	[tilespmem:$0x3A00] =	vst v63  }
0x68: {  	_ =	swait.ge [sflag:s17], $0x1A00  }
0x69: {  	s21 =	rddreg [dreg:$0x5]  }
0x6a: {  	s0 =	rddreg [dreg:$0x6]  }
0x6b: {  	[sflag:s17] =	ssyncset.done $0x0;
	s19 =	rddreg [dreg:$0x7]  }
0x6c: {  	s20 =	rddreg [dreg:$0x8];
	[sflag:s17] =	ssyncadd.s32 $0xFFFFE600  }
0x6d: {  	[tilespmem:s21], [sflag:$0x1] =	stream.indirect.gather [hbm4b:s3+s18], $0x1, s2, s18, $0xb8;
	[tilespmem:$0x3A00] =	vst v63  }
0x6e: {  	s21 =	rddreg [dreg:$0x9]  }
0x6f: {  	[tilespmem:s19], [sflag:$0x1] =	stream.indirect.gather [hbm4b:s4+s18], $0x1, s0, s18, $0xb8;
	[tilespmem:$0x3A00] =	vst v63  }
0x70: {  	s0 =	rddreg [dreg:$0xa]  }
0x71: {  	s19 =	rddreg [dreg:$0xb]  }
0x72: {  	[tilespmem:s21], [sflag:$0x1] =	stream.indirect.gather [hbm4b:s5+s18], $0x1, s20, s18, $0xb8;
	[tilespmem:$0x3A00] =	vst v63  }
0x73: {  	s20 =	rddreg [dreg:$0xc]  }
0x74: {  	s21 =	rddreg [dreg:$0xd]  }
0x75: {  	[tilespmem:s19], [sflag:$0x1] =	stream.indirect.gather [hbm4b:s6+s18], $0x1, s0, s18, $0xb8;
	[tilespmem:$0x3A00] =	vst v63  }
0x76: {  	s0 =	rddreg [dreg:$0xe]  }
0x77: {  	s19 =	rddreg [dreg:$0xf]  }
0x78: {  	[tilespmem:s21], [sflag:$0x1] =	stream.indirect.gather [hbm4b:s7+s18], $0x1, s20, s18, $0xb8;
	[tilespmem:$0x3A00] =	vst v63  }
0x79: {  	s20 =	rddreg [dreg:$0x10]  }
0x7a: {  	s21 =	rddreg [dreg:$0x11]  }
0x7b: {  	[tilespmem:s19], [sflag:$0x1] =	stream.indirect.gather [hbm4b:s8+s18], $0x1, s0, s18, $0xb8;
	[tilespmem:$0x3A00] =	vst v63  }
0x7c: {  	s0 =	rddreg [dreg:$0x12]  }
0x7d: {  	s19 =	rddreg [dreg:$0x13]  }
0x7e: {  	[tilespmem:s21], [sflag:$0x1] =	stream.indirect.gather [hbm4b:s9+s18], $0x1, s20, s18, $0xb8;
	[tilespmem:$0x3A00] =	vst v63  }
0x7f: {  	s20 =	rddreg [dreg:$0x14]  }
0x80: {  	s21 =	rddreg [dreg:$0x15]  }
0x81: {  	[tilespmem:s19], [sflag:$0x1] =	stream.indirect.gather [hbm4b:s10+s18], $0x1, s0, s18, $0xb8;
	[tilespmem:$0x3A00] =	vst v63  }
0x82: {  	s0 =	rddreg [dreg:$0x16]  }
0x83: {  	s19 =	rddreg [dreg:$0x17]  }
0x84: {  	[tilespmem:s21], [sflag:$0x1] =	stream.indirect.gather [hbm4b:s11+s18], $0x1, s20, s18, $0xb8;
	[tilespmem:$0x3A00] =	vst v63  }
0x85: {  	s20 =	rddreg [dreg:$0x18]  }
0x86: {  	s21 =	rddreg [dreg:$0x19]  }
0x87: {  	[tilespmem:s19], [sflag:$0x1] =	stream.indirect.gather [hbm4b:s12+s18], $0x1, s0, s18, $0xb8;
	[tilespmem:$0x3A00] =	vst v63  }
0x88: {  	s0 =	rddreg [dreg:$0x1a]  }
0x89: {  	s19 =	rddreg [dreg:$0x1b]  }
0x8a: {  	[tilespmem:s21], [sflag:$0x1] =	stream.indirect.gather [hbm4b:s13+s18], $0x1, s20, s18, $0xb8;
	[tilespmem:$0x3A00] =	vst v63  }
0x8b: {  	s20 =	rddreg [dreg:$0x1c]  }
0x8c: {  	s21 =	rddreg [dreg:$0x1d]  }
0x8d: {  	[tilespmem:s19], [sflag:$0x1] =	stream.indirect.gather [hbm4b:s14+s18], $0x1, s0, s18, $0xb8;
	[tilespmem:$0x3A00] =	vst v63  }
0x8e: {  	s19 =	rddreg [dreg:$0x1e]  }
0x8f: {  	[tilespmem:s21], [sflag:$0x1] =	stream.indirect.gather [hbm4b:s15+s18], $0x1, s20, s18, $0xb8;
	[tilespmem:$0x3A00] =	vst v63  }
0x90: {  	s0 =	rddreg [dreg:$0x1f]  }
0x91: {  	[tilespmem:s19], [sflag:$0x2] =	stream.indirect.gather [hbm4b:s3+s18], $0x1, s18, s18, $0xb8;
	[tilespmem:$0x3A00] =	vst v63  }
0x92: {  	s19 =	sld [smem:$0x7BB]  }
0x93: {  	s20 =	sld [smem:$0x7BC]  }
0x94: {  	s21 =	sld [smem:$0x7BD]  }
0x95: {  	[tilespmem:s19], [sflag:$0x2] =	stream.indirect.gather [hbm4b:s4+s18], $0x1, s0, s18, $0xb8;
	[tilespmem:$0x3A00] =	vst v63  }
0x96: {  	s0 =	sld [smem:$0x7BE]  }
0x97: {  	s19 =	sld [smem:$0x7BF]  }
0x98: {  	[tilespmem:s21], [sflag:$0x2] =	stream.indirect.gather [hbm4b:s5+s18], $0x1, s20, s18, $0xb8;
	[tilespmem:$0x3A00] =	vst v63  }
0x99: {  	s20 =	sld [smem:$0x7C0]  }
0x9a: {  	s21 =	sld [smem:$0x7C1]  }
0x9b: {  	[tilespmem:s19], [sflag:$0x2] =	stream.indirect.gather [hbm4b:s6+s18], $0x1, s0, s18, $0xb8;
	[tilespmem:$0x3A00] =	vst v63  }
0x9c: {  	s0 =	sld [smem:$0x7C2]  }
0x9d: {  	s19 =	sld [smem:$0x7C3]  }
0x9e: {  	[tilespmem:s21], [sflag:$0x2] =	stream.indirect.gather [hbm4b:s7+s18], $0x1, s20, s18, $0xb8;
	[tilespmem:$0x3A00] =	vst v63  }
0x9f: {  	s20 =	sld [smem:$0x7C4]  }
0xa0: {  	s21 =	sld [smem:$0x7C5]  }
0xa1: {  	[tilespmem:s19], [sflag:$0x2] =	stream.indirect.gather [hbm4b:s8+s18], $0x1, s0, s18, $0xb8;
	[tilespmem:$0x3A00] =	vst v63  }
0xa2: {  	s0 =	sld [smem:$0x7C6]  }
0xa3: {  	s19 =	sld [smem:$0x7C7]  }
0xa4: {  	[tilespmem:s21], [sflag:$0x2] =	stream.indirect.gather [hbm4b:s9+s18], $0x1, s20, s18, $0xb8;
	[tilespmem:$0x3A00] =	vst v63  }
0xa5: {  	s20 =	sld [smem:$0x7C8]  }
0xa6: {  	s21 =	sld [smem:$0x7C9]  }
0xa7: {  	[tilespmem:s19], [sflag:$0x2] =	stream.indirect.gather [hbm4b:s10+s18], $0x1, s0, s18, $0xb8;
	[tilespmem:$0x3A00] =	vst v63  }
0xa8: {  	s0 =	sld [smem:$0x7CA]  }
0xa9: {  	s19 =	sld [smem:$0x7CB]  }
0xaa: {  	[tilespmem:s21], [sflag:$0x2] =	stream.indirect.gather [hbm4b:s11+s18], $0x1, s20, s18, $0xb8;
	[tilespmem:$0x3A00] =	vst v63  }
0xab: {  	s20 =	sld [smem:$0x7CC]  }
0xac: {  	s21 =	sld [smem:$0x7CD]  }
0xad: {  	[tilespmem:s19], [sflag:$0x2] =	stream.indirect.gather [hbm4b:s12+s18], $0x1, s0, s18, $0xb8;
	[tilespmem:$0x3A00] =	vst v63  }
0xae: {  	s0 =	sld [smem:$0x7CE]  }
0xaf: {  	s19 =	sld [smem:$0x7CF]  }
0xb0: {  	[tilespmem:s21], [sflag:$0x2] =	stream.indirect.gather [hbm4b:s13+s18], $0x1, s20, s18, $0xb8;
	[tilespmem:$0x3A00] =	vst v63  }
0xb1: {  	s20 =	sld [smem:$0x7D0]  }
0xb2: {  	s21 =	sld [smem:$0x7D1]  }
0xb3: {  	[tilespmem:s19], [sflag:$0x2] =	stream.indirect.gather [hbm4b:s14+s18], $0x1, s0, s18, $0xb8;
	[tilespmem:$0x3A00] =	vst v63  }
0xb4: {  	s0 =	sld [smem:$0x7D2]  }
0xb5: {  	s19 =	sld [smem:$0x7D3]  }
0xb6: {  	[tilespmem:s21], [sflag:$0x2] =	stream.indirect.gather [hbm4b:s15+s18], $0x1, s20, s18, $0xb8;
	[tilespmem:$0x3A00] =	vst v63  }
0xb7: {  	s20 =	sld [smem:$0x7D4]  }
0xb8: {  	s21 =	sld [smem:$0x7D5]  }
0xb9: {  	[tilespmem:s19], [sflag:$0x3] =	stream.indirect.gather [hbm4b:s3+s18], $0x1, s0, s18, $0xb8;
	[tilespmem:$0x3A00] =	vst v63  }
0xba: {  	s0 =	sld [smem:$0x7D6]  }
0xbb: {  	s19 =	sld [smem:$0x7D7]  }
0xbc: {  	[tilespmem:s21], [sflag:$0x3] =	stream.indirect.gather [hbm4b:s4+s18], $0x1, s20, s18, $0xb8;
	[tilespmem:$0x3A00] =	vst v63  }
0xbd: {  	s20 =	sld [smem:$0x7D8]  }
0xbe: {  	s21 =	sld [smem:$0x7D9]  }
0xbf: {  	[tilespmem:s19], [sflag:$0x3] =	stream.indirect.gather [hbm4b:s5+s18], $0x1, s0, s18, $0xb8;
	[tilespmem:$0x3A00] =	vst v63  }
0xc0: {  	s0 =	sld [smem:$0x7DA]  }
0xc1: {  	s19 =	sld [smem:$0x7DB]  }
0xc2: {  	[tilespmem:s21], [sflag:$0x3] =	stream.indirect.gather [hbm4b:s6+s18], $0x1, s20, s18, $0xb8;
	[tilespmem:$0x3A00] =	vst v63  }
0xc3: {  	s20 =	sld [smem:$0x7DC]  }
0xc4: {  	s21 =	sld [smem:$0x7DD]  }
0xc5: {  	[tilespmem:s19], [sflag:$0x3] =	stream.indirect.gather [hbm4b:s7+s18], $0x1, s0, s18, $0xb8;
	[tilespmem:$0x3A00] =	vst v63  }
0xc6: {  	s0 =	sld [smem:$0x7DE]  }
0xc7: {  	s19 =	sld [smem:$0x7DF]  }
0xc8: {  	[tilespmem:s21], [sflag:$0x3] =	stream.indirect.gather [hbm4b:s8+s18], $0x1, s20, s18, $0xb8;
	[tilespmem:$0x3A00] =	vst v63  }
0xc9: {  	s20 =	sld [smem:$0x7E0]  }
0xca: {  	s21 =	sld [smem:$0x7E1]  }
0xcb: {  	[tilespmem:s19], [sflag:$0x3] =	stream.indirect.gather [hbm4b:s9+s18], $0x1, s0, s18, $0xb8;
	[tilespmem:$0x3A00] =	vst v63  }
0xcc: {  	s0 =	sld [smem:$0x7E2]  }
0xcd: {  	s19 =	sld [smem:$0x7E3]  }
0xce: {  	[tilespmem:s21], [sflag:$0x3] =	stream.indirect.gather [hbm4b:s10+s18], $0x1, s20, s18, $0xb8;
	[tilespmem:$0x3A00] =	vst v63  }
0xcf: {  	s20 =	sld [smem:$0x7E4]  }
0xd0: {  	s21 =	sld [smem:$0x7E5]  }
0xd1: {  	[tilespmem:s19], [sflag:$0x3] =	stream.indirect.gather [hbm4b:s11+s18], $0x1, s0, s18, $0xb8;
	[tilespmem:$0x3A00] =	vst v63  }
0xd2: {  	s0 =	sld [smem:$0x7E6]  }
0xd3: {  	s19 =	sld [smem:$0x7E7]  }
0xd4: {  	[tilespmem:s21], [sflag:$0x3] =	stream.indirect.gather [hbm4b:s12+s18], $0x1, s20, s18, $0xb8;
	[tilespmem:$0x3A00] =	vst v63  }
0xd5: {  	s20 =	sld [smem:$0x7E8]  }
0xd6: {  	s21 =	sld [smem:$0x7E9]  }
0xd7: {  	[tilespmem:s19], [sflag:$0x3] =	stream.indirect.gather [hbm4b:s13+s18], $0x1, s0, s18, $0xb8;
	[tilespmem:$0x3A00] =	vst v63  }
0xd8: {  	s0 =	sld [smem:$0x7EA]  }
0xd9: {  	s19 =	sld [smem:$0x7EB]  }
0xda: {  	[tilespmem:s21], [sflag:$0x3] =	stream.indirect.gather [hbm4b:s14+s18], $0x1, s20, s18, $0xb8;
	[tilespmem:$0x3A00] =	vst v63  }
0xdb: {  	s20 =	sld [smem:$0x7EC]  }
0xdc: {  	s21 =	sld [smem:$0x7ED]  }
0xdd: {  	[tilespmem:s19], [sflag:$0x3] =	stream.indirect.gather [hbm4b:s15+s18], $0x1, s0, s18, $0xb8;
	[tilespmem:$0x3A00] =	vst v63  }
0xde: {  	s0 =	sld [smem:$0x7EE]  }
0xdf: {  	s19 =	sld [smem:$0x7EF]  }
0xe0: {  	[tilespmem:s21], [sflag:$0x4] =	stream.indirect.gather [hbm4b:s3+s18], $0x1, s20, s18, $0xb8;
	[tilespmem:$0x3A00] =	vst v63  }
0xe1: {  	s20 =	sld [smem:$0x7F0]  }
0xe2: {  	s21 =	sld [smem:$0x7F1]  }
0xe3: {  	[tilespmem:s19], [sflag:$0x4] =	stream.indirect.gather [hbm4b:s4+s18], $0x1, s0, s18, $0xb8;
	[tilespmem:$0x3A00] =	vst v63  }
0xe4: {  	s0 =	sld [smem:$0x7F2]  }
0xe5: {  	s19 =	sld [smem:$0x7F3]  }
0xe6: {  	[tilespmem:s21], [sflag:$0x4] =	stream.indirect.gather [hbm4b:s5+s18], $0x1, s20, s18, $0xb8;
	[tilespmem:$0x3A00] =	vst v63  }
0xe7: {  	s20 =	sld [smem:$0x7F4]  }
0xe8: {  	s21 =	sld [smem:$0x7F5]  }
0xe9: {  	[tilespmem:s19], [sflag:$0x4] =	stream.indirect.gather [hbm4b:s6+s18], $0x1, s0, s18, $0xb8;
	[tilespmem:$0x3A00] =	vst v63  }
0xea: {  	s0 =	sld [smem:$0x7F6]  }
0xeb: {  	s19 =	sld [smem:$0x7F7]  }
0xec: {  	[tilespmem:s21], [sflag:$0x4] =	stream.indirect.gather [hbm4b:s7+s18], $0x1, s20, s18, $0xb8;
	[tilespmem:$0x3A00] =	vst v63  }
0xed: {  	s20 =	sld [smem:$0x7F8]  }
0xee: {  	s21 =	sld [smem:$0x7F9]  }
0xef: {  	[tilespmem:s19], [sflag:$0x4] =	stream.indirect.gather [hbm4b:s8+s18], $0x1, s0, s18, $0xb8;
	[tilespmem:$0x3A00] =	vst v63  }
0xf0: {  	s0 =	sld [smem:$0x7FA]  }
0xf1: {  	s19 =	sld [smem:$0x7FB]  }
0xf2: {  	[tilespmem:s21], [sflag:$0x4] =	stream.indirect.gather [hbm4b:s9+s18], $0x1, s20, s18, $0xb8;
	[tilespmem:$0x3A00] =	vst v63  }
0xf3: {  	s20 =	sld [smem:$0x7FC]  }
0xf4: {  	s21 =	sld [smem:$0x7FD]  }
0xf5: {  	[tilespmem:s19], [sflag:$0x4] =	stream.indirect.gather [hbm4b:s10+s18], $0x1, s0, s18, $0xb8;
	[tilespmem:$0x3A00] =	vst v63  }
0xf6: {  	_ = 	snop  }
0xf7: {  	[tilespmem:s21], [sflag:$0x4] =	stream.indirect.gather [hbm4b:s11+s18], $0x1, s20, s18, $0xb8;
	[tilespmem:$0x3A00] =	vst v63  }
0xf8: {  	s20 =	simm.s32 $0x1380;
	s21 =	simm.s32 $0x2F80  }
0xf9: {  	[tilespmem:s21], [sflag:$0x4] =	stream.indirect.gather [hbm4b:s12+s18], $0x1, s20, s18, $0xb8;
	[tilespmem:$0x3A00] =	vst v63  }
0xfa: {  	s20 =	simm.s32 $0x1580  }
0xfb: {  	[tilespmem:s22], [sflag:$0x4] =	stream.indirect.gather [hbm4b:s13+s18], $0x1, s20, s18, $0xb8;
	[tilespmem:$0x3A00] =	vst v63  }
0xfc: {  	_ = 	snop  }
0xfd: {  	[tilespmem:s24], [sflag:$0x4] =	stream.indirect.gather [hbm4b:s14+s18], $0x1, s23, s18, $0xb8;
	[tilespmem:$0x3A00] =	vst v63  }
0xfe: {  	_ = 	snop  }
0xff: {  	[tilespmem:s26], [sflag:$0x4] =	stream.indirect.gather [hbm4b:s15+s18], $0x1, s25, s18, $0xb8;
	[tilespmem:$0x3A00] =	vst v63  }
0x100: {  	_ =	swait.ge [sflag:s28], $0x80  }
0x101: {  	[sflag:s28] =	ssyncset.done $0x0  }
0x102: {  	[sflag:s28] =	ssyncadd.s32 $0xFFFFFF80  }
0x103: {  	_ =	swait.ge [sflag:s28], $0x80  }
0x104: {  	[sflag:s28] =	ssyncset.done $0x0  }
0x105: {  	[sflag:s28] =	ssyncadd.s32 $0xFFFFFF80  }
0x106: {  	_ =	swait.ge [sflag:s28], $0x80  }
0x107: {  	[sflag:s28] =	ssyncset.done $0x0  }
0x108: {  	[sflag:s28] =	ssyncadd.s32 $0xFFFFFF80  }
0x109: {  	_ =	swait.ge [sflag:s28], $0x80  }
0x10a: {  	[sflag:s28] =	ssyncset.done $0x0  }
0x10b: {  	[sflag:s28] =	ssyncadd.s32 $0xFFFFFF80  }
0x10c: {  	_ =	swait.ge [sflag:s28], $0x80  }
0x10d: {  	[sflag:s28] =	ssyncset.done $0x0  }
0x10e: {  	[sflag:s28] =	ssyncadd.s32 $0xFFFFFF80  }
0x10f: {  	_ =	swait.ge [sflag:s28], $0x80  }
0x110: {  	[sflag:s28] =	ssyncset.done $0x0  }
0x111: {  	[sflag:s28] =	ssyncadd.s32 $0xFFFFFF80  }
0x112: {  	_ =	swait.ge [sflag:s28], $0x80  }
0x113: {  	[sflag:s28] =	ssyncset.done $0x0  }
0x114: {  	[sflag:s28] =	ssyncadd.s32 $0xFFFFFF80  }
0x115: {  	_ =	swait.ge [sflag:s28], $0x80  }
0x116: {  	[sflag:s28] =	ssyncset.done $0x0  }
0x117: {  	[sflag:s28] =	ssyncadd.s32 $0xFFFFFF80  }
0x118: {  	_ =	swait.ge [sflag:s28], $0x80  }
0x119: {  	[sflag:s28] =	ssyncset.done $0x0  }
0x11a: {  	[sflag:s28] =	ssyncadd.s32 $0xFFFFFF80  }
0x11b: {  	_ =	swait.ge [sflag:s28], $0x80  }
0x11c: {  	[sflag:s28] =	ssyncset.done $0x0  }
0x11d: {  	[sflag:s28] =	ssyncadd.s32 $0xFFFFFF80  }
0x11e: {  	_ =	swait.ge [sflag:s28], $0x80  }
0x11f: {  	[sflag:s28] =	ssyncset.done $0x0  }
0x120: {  	[sflag:s28] =	ssyncadd.s32 $0xFFFFFF80  }
0x121: {  	_ =	swait.ge [sflag:s28], $0x80  }
0x122: {  	[sflag:s28] =	ssyncset.done $0x0  }
0x123: {  	[sflag:s28] =	ssyncadd.s32 $0xFFFFFF80  }
0x124: {  	_ =	swait.ge [sflag:s28], $0x80  }
0x125: {  	[sflag:s28] =	ssyncset.done $0x0  }
0x126: {  	[sflag:s28] =	ssyncadd.s32 $0xFFFFFF80  }
0x127: {  	v0 =	vld [tilespmem:$0x1C00]  }
0x128: {  	v1 =	vld [tilespmem:$0x1E00]  }
0x129: {  	v2 =	vld [tilespmem:$0x1C10]  }
0x12a: {  	v3 =	vld [tilespmem:$0x1E10]  }
0x12b: {  	v4 =	vld [tilespmem:$0x2000]  }
0x12c: {  	v5 =	vld [tilespmem:$0x2010]  }
0x12d: {  	v6 =	vld [tilespmem:$0x2200]  }
0x12e: {  	v19 =	vld [tilespmem:$0x2210];
	v0 =	vadd.f32 v1, v0  }
0x12f: {  	v7 =	vld [tilespmem:$0x2400];
	v2 =	vadd.f32 v3, v2  }
0x130: {  	v20 =	vld [tilespmem:$0x2410];
	v0 =	vadd.f32 v4, v0  }
0x131: {  	v21 =	vld [tilespmem:$0x2600];
	v2 =	vadd.f32 v5, v2  }
0x132: {  	v22 =	vld [tilespmem:$0x2610];
	v0 =	vadd.f32 v6, v0  }
0x133: {  	v23 =	vld [tilespmem:$0x2800];
	v1 =	vadd.f32 v19, v2  }
0x134: {  	v24 =	vld [tilespmem:$0x2810];
	v0 =	vadd.f32 v7, v0  }
0x135: {  	v25 =	vld [tilespmem:$0x2A00];
	v1 =	vadd.f32 v20, v1  }
0x136: {  	v26 =	vld [tilespmem:$0x2A10];
	v0 =	vadd.f32 v21, v0  }
0x137: {  	v27 =	vld [tilespmem:$0x2C00];
	v1 =	vadd.f32 v22, v1  }
0x138: {  	v28 =	vld [tilespmem:$0x2C10];
	v0 =	vadd.f32 v23, v0  }
0x139: {  	v29 =	vld [tilespmem:$0x2E00];
	v1 =	vadd.f32 v24, v1  }
0x13a: {  	v30 =	vld [tilespmem:$0x2E10];
	v0 =	vadd.f32 v25, v0  }
0x13b: {  	v31 =	vld [tilespmem:$0x3000];
	v1 =	vadd.f32 v26, v1  }
0x13c: {  	v32 =	vld [tilespmem:$0x3010];
	v0 =	vadd.f32 v27, v0  }
0x13d: {  	v33 =	vld [tilespmem:$0x3200];
	v1 =	vadd.f32 v28, v1  }
0x13e: {  	v34 =	vld [tilespmem:$0x3210];
	v0 =	vadd.f32 v29, v0  }
0x13f: {  	v35 =	vld [tilespmem:$0x3400];
	v1 =	vadd.f32 v30, v1  }
0x140: {  	v36 =	vld [tilespmem:$0x3410];
	v0 =	vadd.f32 v31, v0  }
0x141: {  	v1 =	vadd.f32 v32, v1  }
0x142: {  	v0 =	vadd.f32 v33, v0  }
0x143: {  	v1 =	vadd.f32 v34, v1  }
0x144: {  	v0 =	vadd.f32 v35, v0  }
0x145: {  	v1 =	vadd.f32 v36, v1  }
0x146: {  	v37 =	vld [tilespmem:$0x1C20];
	[tilespmem:$0x3800] =	vst v0  }
0x147: {  	v38 =	vld [tilespmem:$0x1E20];
	[tilespmem:$0x3810] =	vst v1  }
0x148: {  	v39 =	vld [tilespmem:$0x2020]  }
0x149: {  	v40 =	vld [tilespmem:$0x2220]  }
0x14a: {  	v41 =	vld [tilespmem:$0x2420]  }
0x14b: {  	v42 =	vld [tilespmem:$0x2620]  }
0x14c: {  	v43 =	vld [tilespmem:$0x2820]  }
0x14d: {  	v44 =	vld [tilespmem:$0x2A20]  }
0x14e: {  	v8 =	vld [tilespmem:$0x2C20]  }
0x14f: {  	v9 =	vld [tilespmem:$0x2E20]  }
0x150: {  	v10 =	vld [tilespmem:$0x3020]  }
0x151: {  	v11 =	vld [tilespmem:$0x3220]  }
0x152: {  	v12 =	vld [tilespmem:$0x3420]  }
0x153: {  	v13 =	vld [tilespmem:$0x1C30]  }
0x154: {  	v14 =	vld [tilespmem:$0x1E30]  }
0x155: {  	v15 =	vld [tilespmem:$0x2030]  }
0x156: {  	v16 =	vld [tilespmem:$0x2230]  }
0x157: {  	v17 =	vld [tilespmem:$0x2430]  }
0x158: {  	v18 =	vld [tilespmem:$0x2630]  }
0x159: {  	v19 =	vld [tilespmem:$0x2830]  }
0x15a: {  	v20 =	vld [tilespmem:$0x2A30]  }
0x15b: {  	v21 =	vld [tilespmem:$0x2C30]  }
0x15c: {  	v22 =	vld [tilespmem:$0x2E30]  }
0x15d: {  	v23 =	vld [tilespmem:$0x3030]  }
0x15e: {  	v24 =	vld [tilespmem:$0x3230]  }
0x15f: {  	v25 =	vld [tilespmem:$0x3430]  }
0x160: {  	v26 =	vld [tilespmem:$0x1C40]  }
0x161: {  	v27 =	vld [tilespmem:$0x1E40]  }
0x162: {  	v28 =	vld [tilespmem:$0x2040]  }
0x163: {  	v29 =	vld [tilespmem:$0x2240]  }
0x164: {  	v30 =	vld [tilespmem:$0x2440]  }
0x165: {  	v31 =	vld [tilespmem:$0x2640]  }
0x166: {  	v32 =	vld [tilespmem:$0x2840]  }
0x167: {  	v33 =	vld [tilespmem:$0x2A40]  }
0x168: {  	v34 =	vld [tilespmem:$0x2C40]  }
0x169: {  	v1 =	vld [tilespmem:$0x2E40]  }
0x16a: {  	v2 =	vld [tilespmem:$0x3240]  }
0x16b: {  	v45 =	vld [tilespmem:$0x1C50]  }
0x16c: {  	v46 =	vld [tilespmem:$0x1E50]  }
0x16d: {  	v0 =	vadd.f32 v38, v37;
	v47 =	vld [tilespmem:$0x2050]  }
0x16e: {  	v48 =	vld [tilespmem:$0x2250]  }
0x16f: {  	v49 =	vld [tilespmem:$0x2450];
	v0 =	vadd.f32 v39, v0  }
0x170: {  	v50 =	vld [tilespmem:$0x2650]  }
0x171: {  	v51 =	vld [tilespmem:$0x2850];
	v0 =	vadd.f32 v40, v0  }
0x172: {  	v52 =	vld [tilespmem:$0x2A50]  }
0x173: {  	v53 =	vld [tilespmem:$0x2C50];
	v13 =	vadd.f32 v14, v13;
	v0 =	vadd.f32 v41, v0  }
0x174: {  	v54 =	vld [tilespmem:$0x2E50];
	v3 =	vadd.f32 v46, v45  }
0x175: {  	v55 =	vld [tilespmem:$0x3050];
	v13 =	vadd.f32 v15, v13;
	v0 =	vadd.f32 v42, v0  }
0x176: {  	v56 =	vld [tilespmem:$0x3250];
	v3 =	vadd.f32 v47, v3  }
0x177: {  	v57 =	vld [tilespmem:$0x1C60];
	v13 =	vadd.f32 v16, v13;
	v0 =	vadd.f32 v43, v0  }
0x178: {  	v58 =	vld [tilespmem:$0x1E60];
	v3 =	vadd.f32 v48, v3  }
0x179: {  	v59 =	vld [tilespmem:$0x1C70];
	v13 =	vadd.f32 v17, v13;
	v0 =	vadd.f32 v44, v0  }
0x17a: {  	v60 =	vld [tilespmem:$0x1E70];
	v3 =	vadd.f32 v49, v3  }
0x17b: {  	v61 =	vld [tilespmem:$0x2060];
	v13 =	vadd.f32 v18, v13;
	v0 =	vadd.f32 v8, v0  }
0x17c: {  	v63 =	vld [tilespmem:$0x2070];
	v3 =	vadd.f32 v50, v3  }
0x17d: {  	v35 =	vld [tilespmem:$0x2270];
	v13 =	vadd.f32 v19, v13;
	v0 =	vadd.f32 v9, v0  }
0x17e: {  	v36 =	vld [tilespmem:$0x2460];
	v62 =	vadd.f32 v27, v26;
	v3 =	vadd.f32 v51, v3  }
0x17f: {  	v27 =	vld [tilespmem:$0x2260];
	v13 =	vadd.f32 v20, v13;
	v0 =	vadd.f32 v10, v0  }
0x180: {  	v37 =	vld [tilespmem:$0x2470];
	v3 =	vadd.f32 v52, v3;
	v10 =	vadd.f32 v58, v57  }
0x181: {  	v38 =	vld [tilespmem:$0x2660];
	v13 =	vadd.f32 v21, v13;
	v0 =	vadd.f32 v11, v0  }
0x182: {  	v14 =	vld [tilespmem:$0x3040];
	v11 =	vadd.f32 v60, v59;
	v10 =	vadd.f32 v61, v10  }
0x183: {  	v39 =	vld [tilespmem:$0x2670];
	v0 =	vadd.f32 v12, v0;
	v12 =	vadd.f32 v28, v62  }
0x184: {  	v45 =	vld [tilespmem:$0x2C70];
	v11 =	vadd.f32 v63, v11;
	v10 =	vadd.f32 v27, v10  }
0x185: {  	v40 =	vld [tilespmem:$0x2860];
	v3 =	vadd.f32 v53, v3;
	v12 =	vadd.f32 v29, v12  }
0x186: {  	v41 =	vld [tilespmem:$0x2870];
	v11 =	vadd.f32 v35, v11;
	v4 =	vadd.f32 v36, v10  }
0x187: {  	v42 =	vld [tilespmem:$0x2A60];
	v13 =	vadd.f32 v22, v13;
	v12 =	vadd.f32 v30, v12  }
0x188: {  	v43 =	vld [tilespmem:$0x2A70];
	v11 =	vadd.f32 v37, v11;
	v4 =	vadd.f32 v38, v4  }
0x189: {  	v44 =	vld [tilespmem:$0x2C60];
	v3 =	vadd.f32 v54, v3;
	v12 =	vadd.f32 v31, v12  }
0x18a: {  	v46 =	vld [tilespmem:$0x2E60];
	v11 =	vadd.f32 v39, v11;
	v4 =	vadd.f32 v40, v4  }
0x18b: {  	v48 =	vld [tilespmem:$0x2E70];
	v13 =	vadd.f32 v23, v13;
	v12 =	vadd.f32 v32, v12  }
0x18c: {  	v49 =	vld [tilespmem:$0x3060];
	v10 =	vadd.f32 v41, v11;
	v4 =	vadd.f32 v42, v4  }
0x18d: {  	v50 =	vld [tilespmem:$0x3070];
	v3 =	vadd.f32 v55, v3;
	v12 =	vadd.f32 v33, v12  }
0x18e: {  	v51 =	vld [tilespmem:$0x3260];
	v10 =	vadd.f32 v43, v10;
	v4 =	vadd.f32 v44, v4  }
0x18f: {  	v52 =	vld [tilespmem:$0x3270];
	v13 =	vadd.f32 v24, v13;
	v47 =	vadd.f32 v34, v12  }
0x190: {  	v9 =	vld [tilespmem:$0x3450];
	v5 =	vadd.f32 v45, v10;
	v4 =	vadd.f32 v46, v4  }
0x191: {  	v53 =	vld [tilespmem:$0x3460];
	v3 =	vadd.f32 v56, v3;
	v1 =	vadd.f32 v1, v47  }
0x192: {  	v15 =	vld [tilespmem:$0x3440];
	v5 =	vadd.f32 v48, v5;
	v54 =	vadd.f32 v49, v4  }
0x193: {  	v55 =	vld [tilespmem:$0x3470];
	v13 =	vadd.f32 v25, v13;
	v1 =	vadd.f32 v14, v1  }
0x194: {  	v5 =	vadd.f32 v50, v5;
	v57 =	vadd.f32 v51, v54  }
0x195: {  	[tilespmem:$0x3820] =	vst v0;
	v58 =	vadd.f32 v9, v3;
	v1 =	vadd.f32 v2, v1  }
0x196: {  	[tilespmem:$0x3830] =	vst v13;
	v59 =	vadd.f32 v52, v5;
	v60 =	vadd.f32 v53, v57  }
0x197: {  	[tilespmem:$0x3850] =	vst v58;
	v56 =	vadd.f32 v15, v1  }
0x198: {  	v61 =	vadd.f32 v55, v59;
	[tilespmem:$0x3860] =	vst v60  }
0x199: {  	[tilespmem:$0x3840] =	vst v56  }
0x19a: {  	[tilespmem:$0x3870] =	vst v61  }
0x19b: {  	_ =	swait.ge [sflag:s29], $0x80  }
0x19c: {  	[sflag:s29] =	ssyncset.done $0x0  }
0x19d: {  	[sflag:s29] =	ssyncadd.s32 $0xFFFFFF80  }
0x19e: {  	_ =	swait.ge [sflag:s29], $0x80  }
0x19f: {  	[sflag:s29] =	ssyncset.done $0x0  }
0x1a0: {  	[sflag:s29] =	ssyncadd.s32 $0xFFFFFF80  }
0x1a1: {  	_ =	swait.ge [sflag:s29], $0x80  }
0x1a2: {  	[sflag:s29] =	ssyncset.done $0x0  }
0x1a3: {  	[sflag:s29] =	ssyncadd.s32 $0xFFFFFF80  }
0x1a4: {  	_ =	swait.ge [sflag:s29], $0x80  }
0x1a5: {  	[sflag:s29] =	ssyncset.done $0x0  }
0x1a6: {  	[sflag:s29] =	ssyncadd.s32 $0xFFFFFF80  }
0x1a7: {  	_ =	swait.ge [sflag:s29], $0x80  }
0x1a8: {  	[sflag:s29] =	ssyncset.done $0x0  }
0x1a9: {  	[sflag:s29] =	ssyncadd.s32 $0xFFFFFF80  }
0x1aa: {  	_ =	swait.ge [sflag:s29], $0x80  }
0x1ab: {  	[sflag:s29] =	ssyncset.done $0x0  }
0x1ac: {  	[sflag:s29] =	ssyncadd.s32 $0xFFFFFF80  }
0x1ad: {  	_ =	swait.ge [sflag:s29], $0x80  }
0x1ae: {  	[sflag:s29] =	ssyncset.done $0x0  }
0x1af: {  	[sflag:s29] =	ssyncadd.s32 $0xFFFFFF80  }
0x1b0: {  	_ =	swait.ge [sflag:s29], $0x80  }
0x1b1: {  	[sflag:s29] =	ssyncset.done $0x0  }
0x1b2: {  	[sflag:s29] =	ssyncadd.s32 $0xFFFFFF80  }
0x1b3: {  	_ =	swait.ge [sflag:s29], $0x80  }
0x1b4: {  	[sflag:s29] =	ssyncset.done $0x0  }
0x1b5: {  	[sflag:s29] =	ssyncadd.s32 $0xFFFFFF80  }
0x1b6: {  	_ =	swait.ge [sflag:s29], $0x80  }
0x1b7: {  	[sflag:s29] =	ssyncset.done $0x0  }
0x1b8: {  	[sflag:s29] =	ssyncadd.s32 $0xFFFFFF80  }
0x1b9: {  	_ =	swait.ge [sflag:s29], $0x80  }
0x1ba: {  	[sflag:s29] =	ssyncset.done $0x0  }
0x1bb: {  	[sflag:s29] =	ssyncadd.s32 $0xFFFFFF80  }
0x1bc: {  	_ =	swait.ge [sflag:s29], $0x80  }
0x1bd: {  	[sflag:s29] =	ssyncset.done $0x0  }
0x1be: {  	[sflag:s29] =	ssyncadd.s32 $0xFFFFFF80  }
0x1bf: {  	_ =	swait.ge [sflag:s29], $0x80  }
0x1c0: {  	[sflag:s29] =	ssyncset.done $0x0  }
0x1c1: {  	[sflag:s29] =	ssyncadd.s32 $0xFFFFFF80  }
0x1c2: {  	v0 =	vld [tilespmem:$0x1C80]  }
0x1c3: {  	v1 =	vld [tilespmem:$0x1E80]  }
0x1c4: {  	v2 =	vld [tilespmem:$0x2080]  }
0x1c5: {  	v3 =	vld [tilespmem:$0x2280]  }
0x1c6: {  	v4 =	vld [tilespmem:$0x2480]  }
0x1c7: {  	v5 =	vld [tilespmem:$0x2680]  }
0x1c8: {  	v6 =	vld [tilespmem:$0x2880]  }
0x1c9: {  	v7 =	vld [tilespmem:$0x2A80]  }
0x1ca: {  	v8 =	vld [tilespmem:$0x2C80]  }
0x1cb: {  	v9 =	vld [tilespmem:$0x2E80]  }
0x1cc: {  	v10 =	vld [tilespmem:$0x3080]  }
0x1cd: {  	v11 =	vld [tilespmem:$0x3280]  }
0x1ce: {  	v12 =	vld [tilespmem:$0x3480]  }
0x1cf: {  	v13 =	vld [tilespmem:$0x1C90]  }
0x1d0: {  	v14 =	vld [tilespmem:$0x1E90]  }
0x1d1: {  	v15 =	vld [tilespmem:$0x2090]  }
0x1d2: {  	v16 =	vld [tilespmem:$0x2290]  }
0x1d3: {  	v17 =	vld [tilespmem:$0x2490]  }
0x1d4: {  	v18 =	vld [tilespmem:$0x2690]  }
0x1d5: {  	v19 =	vld [tilespmem:$0x2890]  }
0x1d6: {  	v20 =	vld [tilespmem:$0x2A90]  }
0x1d7: {  	v21 =	vld [tilespmem:$0x2C90]  }
0x1d8: {  	v22 =	vld [tilespmem:$0x2E90]  }
0x1d9: {  	v23 =	vld [tilespmem:$0x3090]  }
0x1da: {  	v24 =	vld [tilespmem:$0x3290]  }
0x1db: {  	v25 =	vld [tilespmem:$0x3490]  }
0x1dc: {  	v62 =	vld [tilespmem:$0x1CA0]  }
0x1dd: {  	v63 =	vld [tilespmem:$0x1EA0]  }
0x1de: {  	v28 =	vld [tilespmem:$0x20A0]  }
0x1df: {  	v29 =	vld [tilespmem:$0x22A0]  }
0x1e0: {  	v30 =	vld [tilespmem:$0x24A0]  }
0x1e1: {  	v31 =	vld [tilespmem:$0x26A0]  }
0x1e2: {  	v32 =	vld [tilespmem:$0x28A0]  }
0x1e3: {  	v60 =	vld [tilespmem:$0x2AA0]  }
0x1e4: {  	v61 =	vld [tilespmem:$0x2CA0]  }
0x1e5: {  	v35 =	vld [tilespmem:$0x2EA0]  }
0x1e6: {  	v36 =	vld [tilespmem:$0x30A0]  }
0x1e7: {  	v37 =	vld [tilespmem:$0x32A0]  }
0x1e8: {  	v38 =	vld [tilespmem:$0x34A0]  }
0x1e9: {  	v39 =	vld [tilespmem:$0x1CB0]  }
0x1ea: {  	v40 =	vld [tilespmem:$0x1EB0]  }
0x1eb: {  	v41 =	vld [tilespmem:$0x20B0]  }
0x1ec: {  	v42 =	vld [tilespmem:$0x22B0]  }
0x1ed: {  	v43 =	vld [tilespmem:$0x24B0]  }
0x1ee: {  	v44 =	vld [tilespmem:$0x26B0]  }
0x1ef: {  	v45 =	vld [tilespmem:$0x28B0]  }
0x1f0: {  	v46 =	vld [tilespmem:$0x2AB0]  }
0x1f1: {  	v47 =	vld [tilespmem:$0x2CB0]  }
0x1f2: {  	v48 =	vld [tilespmem:$0x2EB0]  }
0x1f3: {  	v49 =	vld [tilespmem:$0x30B0]  }
0x1f4: {  	v50 =	vld [tilespmem:$0x32B0]  }
0x1f5: {  	v51 =	vld [tilespmem:$0x34B0]  }
0x1f6: {  	v52 =	vld [tilespmem:$0x1CC0]  }
0x1f7: {  	v53 =	vld [tilespmem:$0x1EC0]  }
0x1f8: {  	v54 =	vld [tilespmem:$0x20C0]  }
0x1f9: {  	v55 =	vld [tilespmem:$0x22C0]  }
0x1fa: {  	v56 =	vld [tilespmem:$0x24C0]  }
0x1fb: {  	v57 =	vld [tilespmem:$0x26C0]  }
0x1fc: {  	v58 =	vld [tilespmem:$0x28C0]  }
0x1fd: {  	v26 =	vld [tilespmem:$0x2EC0]  }
0x1fe: {  	v27 =	vld [tilespmem:$0x30C0];
	v0 =	vadd.f32 v1, v0;
	v13 =	vadd.f32 v14, v13  }
0x1ff: {  	v59 =	vld [tilespmem:$0x1EE0];
	v62 =	vadd.f32 v63, v62;
	v63 =	vadd.f32 v40, v39  }
0x200: {  	v33 =	vld [tilespmem:$0x22E0];
	v0 =	vadd.f32 v2, v0;
	v13 =	vadd.f32 v15, v13  }
0x201: {  	v39 =	vld [tilespmem:$0x1CD0];
	v2 =	vadd.f32 v28, v62;
	v15 =	vadd.f32 v41, v63  }
0x202: {  	v40 =	vld [tilespmem:$0x1ED0];
	v63 =	vadd.f32 v53, v52;
	v0 =	vadd.f32 v3, v0  }
0x203: {  	v34 =	vld [tilespmem:$0x22F0];
	v13 =	vadd.f32 v16, v13;
	v2 =	vadd.f32 v29, v2  }
0x204: {  	v41 =	vld [tilespmem:$0x20D0];
	v15 =	vadd.f32 v42, v15;
	v28 =	vadd.f32 v54, v63  }
0x205: {  	v1 =	vld [tilespmem:$0x2AC0];
	v0 =	vadd.f32 v4, v0;
	v13 =	vadd.f32 v17, v13  }
0x206: {  	v14 =	vld [tilespmem:$0x2CC0];
	v2 =	vadd.f32 v30, v2;
	v15 =	vadd.f32 v43, v15  }
0x207: {  	v42 =	vld [tilespmem:$0x22D0];
	v4 =	vadd.f32 v40, v39;
	v0 =	vadd.f32 v5, v0  }
0x208: {  	v62 =	vld [tilespmem:$0x20E0];
	v13 =	vadd.f32 v18, v13;
	v2 =	vadd.f32 v31, v2  }
0x209: {  	v43 =	vld [tilespmem:$0x24D0];
	v15 =	vadd.f32 v44, v15;
	v4 =	vadd.f32 v41, v4  }
0x20a: {  	v52 =	vld [tilespmem:$0x32F0];
	v0 =	vadd.f32 v6, v0;
	v13 =	vadd.f32 v19, v13  }
0x20b: {  	v3 =	vld [tilespmem:$0x32C0];
	v2 =	vadd.f32 v32, v2;
	v15 =	vadd.f32 v45, v15  }
0x20c: {  	v44 =	vld [tilespmem:$0x26D0];
	v4 =	vadd.f32 v42, v4;
	v0 =	vadd.f32 v7, v0  }
0x20d: {  	v39 =	vld [tilespmem:$0x26F0];
	v13 =	vadd.f32 v20, v13;
	v2 =	vadd.f32 v60, v2  }
0x20e: {  	v7 =	vld [tilespmem:$0x28D0];
	v15 =	vadd.f32 v46, v15;
	v4 =	vadd.f32 v43, v4  }
0x20f: {  	v40 =	vld [tilespmem:$0x28E0];
	v0 =	vadd.f32 v8, v0;
	v13 =	vadd.f32 v21, v13  }
0x210: {  	v32 =	vld [tilespmem:$0x20F0];
	v2 =	vadd.f32 v61, v2;
	v15 =	vadd.f32 v47, v15  }
0x211: {  	v60 =	vld [tilespmem:$0x1CF0];
	v4 =	vadd.f32 v44, v4;
	v0 =	vadd.f32 v9, v0  }
0x212: {  	v13 =	vadd.f32 v22, v13;
	v15 =	vadd.f32 v48, v15;
	v48 =	vld [tilespmem:$0x1CE0]  }
0x213: {  	v61 =	vld [tilespmem:$0x1EF0];
	v2 =	vadd.f32 v35, v2;
	v4 =	vadd.f32 v7, v4  }
0x214: {  	v20 =	vld [tilespmem:$0x2AD0];
	v0 =	vadd.f32 v10, v0;
	v13 =	vadd.f32 v23, v13  }
0x215: {  	v42 =	vld [tilespmem:$0x28F0];
	v2 =	vadd.f32 v36, v2;
	v15 =	vadd.f32 v49, v15  }
0x216: {  	v45 =	vld [tilespmem:$0x2CE0];
	v36 =	vadd.f32 v55, v28;
	v0 =	vadd.f32 v11, v0  }
0x217: {  	v8 =	vld [tilespmem:$0x2CD0];
	v2 =	vadd.f32 v37, v2;
	v11 =	vadd.f32 v59, v48  }
0x218: {  	v35 =	vld [tilespmem:$0x24E0];
	v0 =	vadd.f32 v12, v0;
	v12 =	vadd.f32 v61, v60  }
0x219: {  	v4 =	vadd.f32 v20, v4;
	v37 =	vld [tilespmem:$0x24F0];
	v11 =	vadd.f32 v62, v11  }
0x21a: {  	v2 =	vadd.f32 v38, v2;
	v38 =	vld [tilespmem:$0x26E0];
	v12 =	vadd.f32 v32, v12  }
0x21b: {  	v43 =	vld [tilespmem:$0x2AE0];
	v13 =	vadd.f32 v24, v13;
	v11 =	vadd.f32 v33, v11  }
0x21c: {  	v46 =	vld [tilespmem:$0x2CF0];
	v24 =	vadd.f32 v56, v36;
	v12 =	vadd.f32 v34, v12  }
0x21d: {  	v21 =	vld [tilespmem:$0x2ED0];
	v15 =	vadd.f32 v50, v15;
	v5 =	vadd.f32 v35, v11  }
0x21e: {  	v44 =	vld [tilespmem:$0x2AF0];
	v41 =	vadd.f32 v57, v24;
	v12 =	vadd.f32 v37, v12  }
0x21f: {  	v47 =	vld [tilespmem:$0x2EE0];
	v4 =	vadd.f32 v8, v4;
	v5 =	vadd.f32 v38, v5  }
0x220: {  	v9 =	vld [tilespmem:$0x30D0];
	v23 =	vadd.f32 v58, v41;
	v12 =	vadd.f32 v39, v12  }
0x221: {  	v22 =	vld [tilespmem:$0x32D0];
	v13 =	vadd.f32 v25, v13;
	v5 =	vadd.f32 v40, v5  }
0x222: {  	v10 =	vld [tilespmem:$0x34D0];
	v1 =	vadd.f32 v1, v23;
	v11 =	vadd.f32 v42, v12  }
0x223: {  	v48 =	vld [tilespmem:$0x2EF0];
	v15 =	vadd.f32 v51, v15;
	v5 =	vadd.f32 v43, v5  }
0x224: {  	v49 =	vld [tilespmem:$0x30E0];
	v1 =	vadd.f32 v14, v1;
	v11 =	vadd.f32 v44, v11  }
0x225: {  	v50 =	vld [tilespmem:$0x30F0];
	v4 =	vadd.f32 v21, v4;
	v5 =	vadd.f32 v45, v5  }
0x226: {  	v51 =	vld [tilespmem:$0x32E0];
	v1 =	vadd.f32 v26, v1;
	v6 =	vadd.f32 v46, v11  }
0x227: {  	v16 =	vld [tilespmem:$0x34C0];
	v4 =	vadd.f32 v9, v4;
	v5 =	vadd.f32 v47, v5  }
0x228: {  	v53 =	vld [tilespmem:$0x34E0];
	v1 =	vadd.f32 v27, v1;
	v6 =	vadd.f32 v48, v6  }
0x229: {  	v56 =	vld [tilespmem:$0x34F0];
	[tilespmem:$0x3880] =	vst v0;
	v4 =	vadd.f32 v22, v4;
	v55 =	vadd.f32 v49, v5  }
0x22a: {  	[tilespmem:$0x3890] =	vst v13;
	v54 =	vadd.f32 v3, v1;
	v57 =	vadd.f32 v50, v6  }
0x22b: {  	[tilespmem:$0x38A0] =	vst v2;
	v58 =	vadd.f32 v10, v4;
	v1 =	vadd.f32 v51, v55  }
0x22c: {  	[tilespmem:$0x38B0] =	vst v15;
	v0 =	vadd.f32 v16, v54;
	v59 =	vadd.f32 v52, v57  }
0x22d: {  	[tilespmem:$0x38D0] =	vst v58;
	v60 =	vadd.f32 v53, v1  }
0x22e: {  	[tilespmem:$0x38C0] =	vst v0;
	v61 =	vadd.f32 v56, v59  }
0x22f: {  	[tilespmem:$0x38E0] =	vst v60  }
0x230: {  	[tilespmem:$0x38F0] =	vst v61  }
0x231: {  	_ =	swait.ge [sflag:s30], $0x80  }
0x232: {  	[sflag:s30] =	ssyncset.done $0x0  }
0x233: {  	[sflag:s30] =	ssyncadd.s32 $0xFFFFFF80  }
0x234: {  	_ =	swait.ge [sflag:s30], $0x80  }
0x235: {  	[sflag:s30] =	ssyncset.done $0x0  }
0x236: {  	[sflag:s30] =	ssyncadd.s32 $0xFFFFFF80  }
0x237: {  	_ =	swait.ge [sflag:s30], $0x80  }
0x238: {  	[sflag:s30] =	ssyncset.done $0x0  }
0x239: {  	[sflag:s30] =	ssyncadd.s32 $0xFFFFFF80  }
0x23a: {  	_ =	swait.ge [sflag:s30], $0x80  }
0x23b: {  	[sflag:s30] =	ssyncset.done $0x0  }
0x23c: {  	[sflag:s30] =	ssyncadd.s32 $0xFFFFFF80  }
0x23d: {  	_ =	swait.ge [sflag:s30], $0x80  }
0x23e: {  	[sflag:s30] =	ssyncset.done $0x0  }
0x23f: {  	[sflag:s30] =	ssyncadd.s32 $0xFFFFFF80  }
0x240: {  	_ =	swait.ge [sflag:s30], $0x80  }
0x241: {  	[sflag:s30] =	ssyncset.done $0x0  }
0x242: {  	[sflag:s30] =	ssyncadd.s32 $0xFFFFFF80  }
0x243: {  	_ =	swait.ge [sflag:s30], $0x80  }
0x244: {  	[sflag:s30] =	ssyncset.done $0x0  }
0x245: {  	[sflag:s30] =	ssyncadd.s32 $0xFFFFFF80  }
0x246: {  	_ =	swait.ge [sflag:s30], $0x80  }
0x247: {  	[sflag:s30] =	ssyncset.done $0x0  }
0x248: {  	[sflag:s30] =	ssyncadd.s32 $0xFFFFFF80  }
0x249: {  	_ =	swait.ge [sflag:s30], $0x80  }
0x24a: {  	[sflag:s30] =	ssyncset.done $0x0  }
0x24b: {  	[sflag:s30] =	ssyncadd.s32 $0xFFFFFF80  }
0x24c: {  	_ =	swait.ge [sflag:s30], $0x80  }
0x24d: {  	[sflag:s30] =	ssyncset.done $0x0  }
0x24e: {  	[sflag:s30] =	ssyncadd.s32 $0xFFFFFF80  }
0x24f: {  	_ =	swait.ge [sflag:s30], $0x80  }
0x250: {  	[sflag:s30] =	ssyncset.done $0x0  }
0x251: {  	[sflag:s30] =	ssyncadd.s32 $0xFFFFFF80  }
0x252: {  	_ =	swait.ge [sflag:s30], $0x80  }
0x253: {  	[sflag:s30] =	ssyncset.done $0x0  }
0x254: {  	[sflag:s30] =	ssyncadd.s32 $0xFFFFFF80  }
0x255: {  	_ =	swait.ge [sflag:s30], $0x80  }
0x256: {  	[sflag:s30] =	ssyncset.done $0x0  }
0x257: {  	[sflag:s30] =	ssyncadd.s32 $0xFFFFFF80  }
0x258: {  	v0 =	vld [tilespmem:$0x1D00]  }
0x259: {  	v1 =	vld [tilespmem:$0x1F00]  }
0x25a: {  	v2 =	vld [tilespmem:$0x2100]  }
0x25b: {  	v3 =	vld [tilespmem:$0x2300]  }
0x25c: {  	v4 =	vld [tilespmem:$0x2500]  }
0x25d: {  	v5 =	vld [tilespmem:$0x2700]  }
0x25e: {  	v6 =	vld [tilespmem:$0x2900]  }
0x25f: {  	v7 =	vld [tilespmem:$0x2B00]  }
0x260: {  	v8 =	vld [tilespmem:$0x2D00]  }
0x261: {  	v9 =	vld [tilespmem:$0x2F00]  }
0x262: {  	v10 =	vld [tilespmem:$0x3100]  }
0x263: {  	v11 =	vld [tilespmem:$0x3300]  }
0x264: {  	v12 =	vld [tilespmem:$0x3500]  }
0x265: {  	v13 =	vld [tilespmem:$0x1D10]  }
0x266: {  	v14 =	vld [tilespmem:$0x1F10]  }
0x267: {  	v15 =	vld [tilespmem:$0x2110]  }
0x268: {  	v16 =	vld [tilespmem:$0x2310]  }
0x269: {  	v17 =	vld [tilespmem:$0x2510]  }
0x26a: {  	v18 =	vld [tilespmem:$0x2710]  }
0x26b: {  	v19 =	vld [tilespmem:$0x2910]  }
0x26c: {  	v20 =	vld [tilespmem:$0x2B10]  }
0x26d: {  	v21 =	vld [tilespmem:$0x2D10]  }
0x26e: {  	v22 =	vld [tilespmem:$0x2F10]  }
0x26f: {  	v23 =	vld [tilespmem:$0x3110]  }
0x270: {  	v24 =	vld [tilespmem:$0x3310]  }
0x271: {  	v25 =	vld [tilespmem:$0x3510]  }
0x272: {  	v26 =	vld [tilespmem:$0x1D20]  }
0x273: {  	v62 =	vld [tilespmem:$0x1F20]  }
0x274: {  	v28 =	vld [tilespmem:$0x2120]  }
0x275: {  	v29 =	vld [tilespmem:$0x2320]  }
0x276: {  	v30 =	vld [tilespmem:$0x2520]  }
0x277: {  	v31 =	vld [tilespmem:$0x2720]  }
0x278: {  	v32 =	vld [tilespmem:$0x2920]  }
0x279: {  	v33 =	vld [tilespmem:$0x2B20]  }
0x27a: {  	v34 =	vld [tilespmem:$0x2D20]  }
0x27b: {  	v35 =	vld [tilespmem:$0x2F20]  }
0x27c: {  	v36 =	vld [tilespmem:$0x3120]  }
0x27d: {  	v37 =	vld [tilespmem:$0x3320]  }
0x27e: {  	v38 =	vld [tilespmem:$0x3520]  }
0x27f: {  	v39 =	vld [tilespmem:$0x1D30]  }
0x280: {  	v63 =	vld [tilespmem:$0x1F30]  }
0x281: {  	v41 =	vld [tilespmem:$0x2130]  }
0x282: {  	v42 =	vld [tilespmem:$0x2330]  }
0x283: {  	v43 =	vld [tilespmem:$0x2530]  }
0x284: {  	v44 =	vld [tilespmem:$0x2730]  }
0x285: {  	v45 =	vld [tilespmem:$0x2930]  }
0x286: {  	v46 =	vld [tilespmem:$0x2B30]  }
0x287: {  	v47 =	vld [tilespmem:$0x2D30]  }
0x288: {  	v60 =	vld [tilespmem:$0x2F30]  }
0x289: {  	v61 =	vld [tilespmem:$0x3130]  }
0x28a: {  	v50 =	vld [tilespmem:$0x3330]  }
0x28b: {  	v51 =	vld [tilespmem:$0x3530]  }
0x28c: {  	v52 =	vld [tilespmem:$0x1D40]  }
0x28d: {  	v53 =	vld [tilespmem:$0x1F40]  }
0x28e: {  	v54 =	vld [tilespmem:$0x2140]  }
0x28f: {  	v55 =	vld [tilespmem:$0x2340]  }
0x290: {  	v56 =	vld [tilespmem:$0x2540]  }
0x291: {  	v57 =	vld [tilespmem:$0x2740]  }
0x292: {  	v58 =	vld [tilespmem:$0x2940]  }
0x293: {  	v27 =	vld [tilespmem:$0x3140]  }
0x294: {  	v40 =	vld [tilespmem:$0x1F50];
	v0 =	vadd.f32 v1, v0;
	v13 =	vadd.f32 v14, v13  }
0x295: {  	v48 =	vld [tilespmem:$0x1D60];
	v62 =	vadd.f32 v62, v26;
	v63 =	vadd.f32 v63, v39  }
0x296: {  	v59 =	vld [tilespmem:$0x1F60];
	v0 =	vadd.f32 v2, v0;
	v13 =	vadd.f32 v15, v13  }
0x297: {  	v49 =	vld [tilespmem:$0x3160];
	v2 =	vadd.f32 v28, v62;
	v15 =	vadd.f32 v41, v63  }
0x298: {  	v39 =	vld [tilespmem:$0x1D50];
	v63 =	vadd.f32 v53, v52;
	v0 =	vadd.f32 v3, v0  }
0x299: {  	v1 =	vld [tilespmem:$0x2B40];
	v13 =	vadd.f32 v16, v13;
	v2 =	vadd.f32 v29, v2  }
0x29a: {  	v41 =	vld [tilespmem:$0x2150];
	v15 =	vadd.f32 v42, v15;
	v28 =	vadd.f32 v54, v63  }
0x29b: {  	v14 =	vld [tilespmem:$0x2D40];
	v0 =	vadd.f32 v4, v0;
	v13 =	vadd.f32 v17, v13  }
0x29c: {  	v26 =	vld [tilespmem:$0x2F40];
	v2 =	vadd.f32 v30, v2;
	v15 =	vadd.f32 v43, v15  }
0x29d: {  	v42 =	vld [tilespmem:$0x2350];
	v4 =	vadd.f32 v40, v39;
	v0 =	vadd.f32 v5, v0  }
0x29e: {  	v62 =	vld [tilespmem:$0x2160];
	v13 =	vadd.f32 v18, v13;
	v2 =	vadd.f32 v31, v2  }
0x29f: {  	v43 =	vld [tilespmem:$0x2550];
	v15 =	vadd.f32 v44, v15;
	v4 =	vadd.f32 v41, v4  }
0x2a0: {  	v52 =	vld [tilespmem:$0x3370];
	v0 =	vadd.f32 v6, v0;
	v13 =	vadd.f32 v19, v13  }
0x2a1: {  	v3 =	vld [tilespmem:$0x3340];
	v2 =	vadd.f32 v32, v2;
	v15 =	vadd.f32 v45, v15  }
0x2a2: {  	v44 =	vld [tilespmem:$0x2750];
	v4 =	vadd.f32 v42, v4;
	v0 =	vadd.f32 v7, v0  }
0x2a3: {  	v39 =	vld [tilespmem:$0x2770];
	v13 =	vadd.f32 v20, v13;
	v15 =	vadd.f32 v46, v15  }
0x2a4: {  	v40 =	vld [tilespmem:$0x2960];
	v2 =	vadd.f32 v33, v2;
	v4 =	vadd.f32 v43, v4  }
0x2a5: {  	v7 =	vld [tilespmem:$0x2950];
	v0 =	vadd.f32 v8, v0;
	v15 =	vadd.f32 v47, v15  }
0x2a6: {  	v32 =	vld [tilespmem:$0x2170];
	v13 =	vadd.f32 v21, v13;
	v2 =	vadd.f32 v34, v2  }
0x2a7: {  	v42 =	vld [tilespmem:$0x2970];
	v4 =	vadd.f32 v44, v4;
	v15 =	vadd.f32 v60, v15  }
0x2a8: {  	v0 =	vadd.f32 v9, v0;
	v13 =	vadd.f32 v22, v13;
	v60 =	vld [tilespmem:$0x1D70]  }
0x2a9: {  	v2 =	vadd.f32 v35, v2;
	v15 =	vadd.f32 v61, v15;
	v61 =	vld [tilespmem:$0x1F70]  }
0x2aa: {  	v20 =	vld [tilespmem:$0x2B50];
	v4 =	vadd.f32 v7, v4;
	v0 =	vadd.f32 v10, v0  }
0x2ab: {  	v33 =	vld [tilespmem:$0x2360];
	v13 =	vadd.f32 v23, v13;
	v2 =	vadd.f32 v36, v2  }
0x2ac: {  	v8 =	vld [tilespmem:$0x2D50];
	v36 =	vadd.f32 v55, v28;
	v0 =	vadd.f32 v11, v0  }
0x2ad: {  	v34 =	vld [tilespmem:$0x2370];
	v2 =	vadd.f32 v37, v2;
	v11 =	vadd.f32 v59, v48  }
0x2ae: {  	v35 =	vld [tilespmem:$0x2560];
	v0 =	vadd.f32 v12, v0;
	v12 =	vadd.f32 v61, v60  }
0x2af: {  	v4 =	vadd.f32 v20, v4;
	v37 =	vld [tilespmem:$0x2570];
	v11 =	vadd.f32 v62, v11  }
0x2b0: {  	v2 =	vadd.f32 v38, v2;
	v38 =	vld [tilespmem:$0x2760];
	v12 =	vadd.f32 v32, v12  }
0x2b1: {  	v45 =	vld [tilespmem:$0x2D60];
	v13 =	vadd.f32 v24, v13;
	v11 =	vadd.f32 v33, v11  }
0x2b2: {  	v43 =	vld [tilespmem:$0x2B60];
	v24 =	vadd.f32 v56, v36;
	v12 =	vadd.f32 v34, v12  }
0x2b3: {  	v46 =	vld [tilespmem:$0x2D70];
	v15 =	vadd.f32 v50, v15;
	v5 =	vadd.f32 v35, v11  }
0x2b4: {  	v21 =	vld [tilespmem:$0x2F50];
	v41 =	vadd.f32 v57, v24;
	v12 =	vadd.f32 v37, v12  }
0x2b5: {  	v44 =	vld [tilespmem:$0x2B70];
	v4 =	vadd.f32 v8, v4;
	v5 =	vadd.f32 v38, v5  }
0x2b6: {  	v47 =	vld [tilespmem:$0x2F60];
	v23 =	vadd.f32 v58, v41;
	v12 =	vadd.f32 v39, v12  }
0x2b7: {  	v9 =	vld [tilespmem:$0x3150];
	v13 =	vadd.f32 v25, v13;
	v5 =	vadd.f32 v40, v5  }
0x2b8: {  	v22 =	vld [tilespmem:$0x3350];
	v1 =	vadd.f32 v1, v23;
	v11 =	vadd.f32 v42, v12  }
0x2b9: {  	v48 =	vld [tilespmem:$0x2F70];
	v15 =	vadd.f32 v51, v15;
	v5 =	vadd.f32 v43, v5  }
0x2ba: {  	v10 =	vld [tilespmem:$0x3550];
	v1 =	vadd.f32 v14, v1;
	v11 =	vadd.f32 v44, v11  }
0x2bb: {  	v50 =	vld [tilespmem:$0x3170];
	v4 =	vadd.f32 v21, v4;
	v5 =	vadd.f32 v45, v5  }
0x2bc: {  	v51 =	vld [tilespmem:$0x3360];
	v1 =	vadd.f32 v26, v1;
	v6 =	vadd.f32 v46, v11  }
0x2bd: {  	v16 =	vld [tilespmem:$0x3540];
	v4 =	vadd.f32 v9, v4;
	v5 =	vadd.f32 v47, v5  }
0x2be: {  	v53 =	vld [tilespmem:$0x3560];
	v1 =	vadd.f32 v27, v1;
	v6 =	vadd.f32 v48, v6  }
0x2bf: {  	v56 =	vld [tilespmem:$0x3570];
	[tilespmem:$0x3900] =	vst v0;
	v4 =	vadd.f32 v22, v4;
	v55 =	vadd.f32 v49, v5  }
0x2c0: {  	[tilespmem:$0x3910] =	vst v13;
	v54 =	vadd.f32 v3, v1;
	v57 =	vadd.f32 v50, v6  }
0x2c1: {  	[tilespmem:$0x3920] =	vst v2;
	v58 =	vadd.f32 v10, v4;
	v1 =	vadd.f32 v51, v55  }
0x2c2: {  	[tilespmem:$0x3930] =	vst v15;
	v0 =	vadd.f32 v16, v54;
	v59 =	vadd.f32 v52, v57  }
0x2c3: {  	[tilespmem:$0x3950] =	vst v58;
	v60 =	vadd.f32 v53, v1  }
0x2c4: {  	[tilespmem:$0x3940] =	vst v0;
	v61 =	vadd.f32 v56, v59  }
0x2c5: {  	[tilespmem:$0x3960] =	vst v60  }
0x2c6: {  	[tilespmem:$0x3970] =	vst v61  }
0x2c7: {  	_ =	swait.ge [sflag:s31], $0x80  }
0x2c8: {  	[sflag:s31] =	ssyncset.done $0x0  }
0x2c9: {  	[sflag:s31] =	ssyncadd.s32 $0xFFFFFF80  }
0x2ca: {  	_ =	swait.ge [sflag:s31], $0x80  }
0x2cb: {  	[sflag:s31] =	ssyncset.done $0x0  }
0x2cc: {  	[sflag:s31] =	ssyncadd.s32 $0xFFFFFF80  }
0x2cd: {  	_ =	swait.ge [sflag:s31], $0x80  }
0x2ce: {  	[sflag:s31] =	ssyncset.done $0x0  }
0x2cf: {  	[sflag:s31] =	ssyncadd.s32 $0xFFFFFF80  }
0x2d0: {  	_ =	swait.ge [sflag:s31], $0x80  }
0x2d1: {  	[sflag:s31] =	ssyncset.done $0x0  }
0x2d2: {  	[sflag:s31] =	ssyncadd.s32 $0xFFFFFF80  }
0x2d3: {  	_ =	swait.ge [sflag:s31], $0x80  }
0x2d4: {  	[sflag:s31] =	ssyncset.done $0x0  }
0x2d5: {  	[sflag:s31] =	ssyncadd.s32 $0xFFFFFF80  }
0x2d6: {  	_ =	swait.ge [sflag:s31], $0x80  }
0x2d7: {  	[sflag:s31] =	ssyncset.done $0x0  }
0x2d8: {  	[sflag:s31] =	ssyncadd.s32 $0xFFFFFF80  }
0x2d9: {  	_ =	swait.ge [sflag:s31], $0x80  }
0x2da: {  	[sflag:s31] =	ssyncset.done $0x0  }
0x2db: {  	[sflag:s31] =	ssyncadd.s32 $0xFFFFFF80  }
0x2dc: {  	_ =	swait.ge [sflag:s31], $0x80  }
0x2dd: {  	[sflag:s31] =	ssyncset.done $0x0  }
0x2de: {  	[sflag:s31] =	ssyncadd.s32 $0xFFFFFF80  }
0x2df: {  	_ =	swait.ge [sflag:s31], $0x80  }
0x2e0: {  	[sflag:s31] =	ssyncset.done $0x0  }
0x2e1: {  	[sflag:s31] =	ssyncadd.s32 $0xFFFFFF80  }
0x2e2: {  	_ =	swait.ge [sflag:s31], $0x80  }
0x2e3: {  	[sflag:s31] =	ssyncset.done $0x0  }
0x2e4: {  	[sflag:s31] =	ssyncadd.s32 $0xFFFFFF80  }
0x2e5: {  	_ =	swait.ge [sflag:s31], $0x80  }
0x2e6: {  	[sflag:s31] =	ssyncset.done $0x0  }
0x2e7: {  	[sflag:s31] =	ssyncadd.s32 $0xFFFFFF80  }
0x2e8: {  	_ =	swait.ge [sflag:s31], $0x80  }
0x2e9: {  	[sflag:s31] =	ssyncset.done $0x0  }
0x2ea: {  	[sflag:s31] =	ssyncadd.s32 $0xFFFFFF80  }
0x2eb: {  	_ =	swait.ge [sflag:s31], $0x80  }
0x2ec: {  	[sflag:s31] =	ssyncset.done $0x0  }
0x2ed: {  	[sflag:s31] =	ssyncadd.s32 $0xFFFFFF80  }
0x2ee: {  	v0 =	vld [tilespmem:$0x1D80]  }
0x2ef: {  	v1 =	vld [tilespmem:$0x1F80]  }
0x2f0: {  	v2 =	vld [tilespmem:$0x2180]  }
0x2f1: {  	v3 =	vld [tilespmem:$0x2380]  }
0x2f2: {  	v4 =	vld [tilespmem:$0x2580]  }
0x2f3: {  	v5 =	vld [tilespmem:$0x2780]  }
0x2f4: {  	v6 =	vld [tilespmem:$0x2980]  }
0x2f5: {  	v7 =	vld [tilespmem:$0x2B80]  }
0x2f6: {  	v8 =	vld [tilespmem:$0x2D80]  }
0x2f7: {  	v9 =	vld [tilespmem:$0x2F80]  }
0x2f8: {  	v10 =	vld [tilespmem:$0x3180]  }
0x2f9: {  	v11 =	vld [tilespmem:$0x3380]  }
0x2fa: {  	v12 =	vld [tilespmem:$0x3580]  }
0x2fb: {  	v13 =	vld [tilespmem:$0x1D90]  }
0x2fc: {  	v14 =	vld [tilespmem:$0x1F90]  }
0x2fd: {  	v15 =	vld [tilespmem:$0x2190]  }
0x2fe: {  	v16 =	vld [tilespmem:$0x2390]  }
0x2ff: {  	v17 =	vld [tilespmem:$0x2590]  }
0x300: {  	v18 =	vld [tilespmem:$0x2790]  }
0x301: {  	v19 =	vld [tilespmem:$0x2990]  }
0x302: {  	v20 =	vld [tilespmem:$0x2B90]  }
0x303: {  	v21 =	vld [tilespmem:$0x2D90]  }
0x304: {  	v22 =	vld [tilespmem:$0x2F90]  }
0x305: {  	v23 =	vld [tilespmem:$0x3190]  }
0x306: {  	v24 =	vld [tilespmem:$0x3390]  }
0x307: {  	v25 =	vld [tilespmem:$0x3590]  }
0x308: {  	v26 =	vld [tilespmem:$0x1DA0]  }
0x309: {  	v62 =	vld [tilespmem:$0x1FA0]  }
0x30a: {  	v28 =	vld [tilespmem:$0x21A0]  }
0x30b: {  	v29 =	vld [tilespmem:$0x23A0]  }
0x30c: {  	v30 =	vld [tilespmem:$0x25A0]  }
0x30d: {  	v31 =	vld [tilespmem:$0x27A0]  }
0x30e: {  	v32 =	vld [tilespmem:$0x29A0]  }
0x30f: {  	v33 =	vld [tilespmem:$0x2BA0]  }
0x310: {  	v34 =	vld [tilespmem:$0x2DA0]  }
0x311: {  	v35 =	vld [tilespmem:$0x2FA0]  }
0x312: {  	v36 =	vld [tilespmem:$0x31A0]  }
0x313: {  	v37 =	vld [tilespmem:$0x33A0]  }
0x314: {  	v38 =	vld [tilespmem:$0x35A0]  }
0x315: {  	v39 =	vld [tilespmem:$0x1DB0]  }
0x316: {  	v63 =	vld [tilespmem:$0x1FB0]  }
0x317: {  	v41 =	vld [tilespmem:$0x21B0]  }
0x318: {  	v42 =	vld [tilespmem:$0x23B0]  }
0x319: {  	v43 =	vld [tilespmem:$0x25B0]  }
0x31a: {  	v44 =	vld [tilespmem:$0x27B0]  }
0x31b: {  	v45 =	vld [tilespmem:$0x29B0]  }
0x31c: {  	v46 =	vld [tilespmem:$0x2BB0]  }
0x31d: {  	v60 =	vld [tilespmem:$0x2DB0]  }
0x31e: {  	v61 =	vld [tilespmem:$0x2FB0]  }
0x31f: {  	v49 =	vld [tilespmem:$0x31B0]  }
0x320: {  	v50 =	vld [tilespmem:$0x33B0]  }
0x321: {  	v51 =	vld [tilespmem:$0x35B0]  }
0x322: {  	v52 =	vld [tilespmem:$0x1DC0]  }
0x323: {  	v53 =	vld [tilespmem:$0x1FC0]  }
0x324: {  	v54 =	vld [tilespmem:$0x21C0]  }
0x325: {  	v55 =	vld [tilespmem:$0x23C0]  }
0x326: {  	v56 =	vld [tilespmem:$0x25C0]  }
0x327: {  	v57 =	vld [tilespmem:$0x27C0]  }
0x328: {  	v58 =	vld [tilespmem:$0x29C0]  }
0x329: {  	v27 =	vld [tilespmem:$0x31C0]  }
0x32a: {  	v40 =	vld [tilespmem:$0x1FD0];
	v0 =	vadd.f32 v1, v0;
	v13 =	vadd.f32 v14, v13  }
0x32b: {  	v59 =	vld [tilespmem:$0x31D0];
	v62 =	vadd.f32 v62, v26;
	v63 =	vadd.f32 v63, v39  }
0x32c: {  	v47 =	vld [tilespmem:$0x2BF0];
	v0 =	vadd.f32 v2, v0;
	v13 =	vadd.f32 v15, v13  }
0x32d: {  	v39 =	vld [tilespmem:$0x1DD0];
	v2 =	vadd.f32 v28, v62;
	v15 =	vadd.f32 v41, v63  }
0x32e: {  	v48 =	vld [tilespmem:$0x2DE0];
	v0 =	vadd.f32 v3, v0;
	v13 =	vadd.f32 v16, v13  }
0x32f: {  	v41 =	vld [tilespmem:$0x21D0];
	v2 =	vadd.f32 v29, v2;
	v15 =	vadd.f32 v42, v15  }
0x330: {  	v1 =	vld [tilespmem:$0x2BC0];
	v0 =	vadd.f32 v4, v0;
	v13 =	vadd.f32 v17, v13  }
0x331: {  	v14 =	vld [tilespmem:$0x2DC0];
	v2 =	vadd.f32 v30, v2;
	v15 =	vadd.f32 v43, v15  }
0x332: {  	v42 =	vld [tilespmem:$0x23D0];
	v4 =	vadd.f32 v40, v39;
	v0 =	vadd.f32 v5, v0  }
0x333: {  	v26 =	vld [tilespmem:$0x2FC0];
	v13 =	vadd.f32 v18, v13;
	v2 =	vadd.f32 v31, v2  }
0x334: {  	v62 =	vld [tilespmem:$0x1DF0];
	v15 =	vadd.f32 v44, v15;
	v4 =	vadd.f32 v41, v4  }
0x335: {  	v43 =	vld [tilespmem:$0x25D0];
	v0 =	vadd.f32 v6, v0;
	v13 =	vadd.f32 v19, v13  }
0x336: {  	v63 =	vld [tilespmem:$0x1FF0];
	v2 =	vadd.f32 v32, v2;
	v15 =	vadd.f32 v45, v15  }
0x337: {  	v3 =	vld [tilespmem:$0x33C0];
	v4 =	vadd.f32 v42, v4;
	v0 =	vadd.f32 v7, v0  }
0x338: {  	v19 =	vld [tilespmem:$0x27D0];
	v13 =	vadd.f32 v20, v13;
	v2 =	vadd.f32 v33, v2  }
0x339: {  	v16 =	vld [tilespmem:$0x35C0];
	v15 =	vadd.f32 v46, v15;
	v33 =	vadd.f32 v53, v52  }
0x33a: {  	v40 =	vld [tilespmem:$0x25F0];
	v4 =	vadd.f32 v43, v4;
	v0 =	vadd.f32 v8, v0  }
0x33b: {  	v7 =	vld [tilespmem:$0x29D0];
	v13 =	vadd.f32 v21, v13;
	v2 =	vadd.f32 v34, v2  }
0x33c: {  	v41 =	vld [tilespmem:$0x27E0];
	v15 =	vadd.f32 v60, v15;
	v28 =	vadd.f32 v54, v33  }
0x33d: {  	v20 =	vld [tilespmem:$0x2BD0];
	v4 =	vadd.f32 v19, v4;
	v0 =	vadd.f32 v9, v0  }
0x33e: {  	v60 =	vld [tilespmem:$0x1DE0];
	v13 =	vadd.f32 v22, v13;
	v2 =	vadd.f32 v35, v2  }
0x33f: {  	v15 =	vadd.f32 v61, v15;
	v61 =	vld [tilespmem:$0x1FE0];
	v39 =	vadd.f32 v55, v28  }
0x340: {  	v34 =	vld [tilespmem:$0x21F0];
	v4 =	vadd.f32 v7, v4;
	v0 =	vadd.f32 v10, v0  }
0x341: {  	v32 =	vld [tilespmem:$0x21E0];
	v13 =	vadd.f32 v23, v13;
	v2 =	vadd.f32 v36, v2  }
0x342: {  	v15 =	vadd.f32 v49, v15;
	v36 =	vld [tilespmem:$0x23F0];
	v4 =	vadd.f32 v20, v4  }
0x343: {  	v35 =	vld [tilespmem:$0x23E0];
	v2 =	vadd.f32 v37, v2;
	v37 =	vadd.f32 v63, v62  }
0x344: {  	v8 =	vld [tilespmem:$0x2DD0];
	v0 =	vadd.f32 v11, v0;
	v11 =	vadd.f32 v61, v60  }
0x345: {  	v2 =	vadd.f32 v38, v2;
	v38 =	vld [tilespmem:$0x25E0];
	v5 =	vadd.f32 v34, v37  }
0x346: {  	v42 =	vld [tilespmem:$0x27F0];
	v13 =	vadd.f32 v24, v13;
	v11 =	vadd.f32 v32, v11  }
0x347: {  	v45 =	vld [tilespmem:$0x29F0];
	v15 =	vadd.f32 v50, v15;
	v5 =	vadd.f32 v36, v5  }
0x348: {  	v43 =	vld [tilespmem:$0x29E0];
	v24 =	vadd.f32 v56, v39;
	v11 =	vadd.f32 v35, v11  }
0x349: {  	v46 =	vld [tilespmem:$0x2BE0];
	v4 =	vadd.f32 v8, v4;
	v5 =	vadd.f32 v40, v5  }
0x34a: {  	v52 =	vld [tilespmem:$0x31E0];
	v44 =	vadd.f32 v57, v24;
	v11 =	vadd.f32 v38, v11  }
0x34b: {  	v21 =	vld [tilespmem:$0x2FD0];
	v0 =	vadd.f32 v12, v0;
	v5 =	vadd.f32 v42, v5  }
0x34c: {  	v49 =	vld [tilespmem:$0x2DF0];
	v23 =	vadd.f32 v58, v44;
	v11 =	vadd.f32 v41, v11  }
0x34d: {  	v53 =	vld [tilespmem:$0x31F0];
	v15 =	vadd.f32 v51, v15;
	v5 =	vadd.f32 v45, v5  }
0x34e: {  	v51 =	vld [tilespmem:$0x2FF0];
	v1 =	vadd.f32 v1, v23;
	v6 =	vadd.f32 v43, v11  }
0x34f: {  	v50 =	vld [tilespmem:$0x2FE0];
	v13 =	vadd.f32 v25, v13;
	v5 =	vadd.f32 v47, v5  }
0x350: {  	v22 =	vld [tilespmem:$0x33D0];
	v1 =	vadd.f32 v14, v1;
	v6 =	vadd.f32 v46, v6  }
0x351: {  	v55 =	vld [tilespmem:$0x33F0];
	v4 =	vadd.f32 v21, v4;
	v5 =	vadd.f32 v49, v5  }
0x352: {  	v10 =	vld [tilespmem:$0x35D0];
	v1 =	vadd.f32 v26, v1;
	v6 =	vadd.f32 v48, v6  }
0x353: {  	v54 =	vld [tilespmem:$0x33E0];
	v4 =	vadd.f32 v59, v4;
	v5 =	vadd.f32 v51, v5  }
0x354: {  	v59 =	vld [tilespmem:$0x35F0];
	v1 =	vadd.f32 v27, v1;
	v6 =	vadd.f32 v50, v6  }
0x355: {  	v56 =	vld [tilespmem:$0x35E0];
	[tilespmem:$0x3980] =	vst v0;
	v4 =	vadd.f32 v22, v4;
	v5 =	vadd.f32 v53, v5  }
0x356: {  	[tilespmem:$0x3990] =	vst v13;
	v57 =	vadd.f32 v3, v1;
	v58 =	vadd.f32 v52, v6  }
0x357: {  	[tilespmem:$0x39A0] =	vst v2;
	v60 =	vadd.f32 v10, v4;
	v61 =	vadd.f32 v55, v5  }
0x358: {  	[tilespmem:$0x39B0] =	vst v15;
	v0 =	vadd.f32 v16, v57;
	v1 =	vadd.f32 v54, v58  }
0x359: {  	[tilespmem:$0x39D0] =	vst v60;
	v63 =	vadd.f32 v59, v61  }
0x35a: {  	[tilespmem:$0x39C0] =	vst v0;
	v62 =	vadd.f32 v56, v1  }
0x35b: {  	p0 =	sne.s32 s16, $0x1;
	[tilespmem:$0x39F0] =	vst v63  }
.Ltmp0:
0x35c: {  	s21 =	rddreg [dreg:$0x4];
	[tilespmem:$0x39E0] =	vst v62;
	(pc) =	sbr.rel @p0 .LBB2_1-.Ltmp0, $4  }
0x35d: {  	[hbm4b:s21+s2] =	stream.linear.scatter [tilespmem:s1], [sflag:$0x5], $0x200, $0x38;
	[tilespmem:$0x3A00] =	vst v63  }
0x35e: {  	_ =	swait.ge [sflag:s17], $0x200  }
0x35f: {  	[sflag:s17] =	ssyncset.done $0x0  }
0x360: {  	s16 =	sadd.s32 $0xFFFFFFFF, s16;
	[sflag:s17] =	ssyncadd.s32 $0xFFFFFE00  }
0x361: {  	_ =	sfence.sel $0x180000  }
0x362: {  	[bflag:$0x0] =	sbarrier.arrive $0xFFFF  }
0x363: {  	_ =	strace $0x9000004A  }
0x364: {  	s0 =	stileid.u32;
	[bflag:$0x2] =	sbarrier.arrive $0xFFFF  }
0x365: {  	p0 =	sne.s32 s0, $0x0;
	s0 =	rddreg [dreg:$0x2]  }
0x366: {  	s0 =	sadd.s32 @!p0 $0x100000, s0  }
0x367: {  	[sflag:s0] =	ssyncadd.tile.s32 @!p0 $0x1;
	_ =	shalt  }
.Lfunc_end2:
_tile_overlayer_lowered:
.L_overlay_start_2:
0x368: {  	(tag) =	ssettag $0x2  }
0x369: {  	s0 =	rddreg [dreg:$0x0];
	s2 =	stileid.u32  }
0x36a: {  	s1 =	rddreg [dreg:$0x1];
	p0 =	sne.s32 s2, $0x0  }
0x36b: {  	s3 =	rddreg [dreg:$0x2];
	[bflag:$0x3] =	sbarrier.arrive $0xFFFF;
	s2 =	simm.s32 @!p0 $0x1C05  }
0x36c: {  	[timem:s3], [sflag:s2] =	dma.local @!p0 [hbm:s0], s1  }
0x36d: {  	s0 =	simm.s32 @!p0 $0x5  }
0x36e: {  	_ =	swait.ge @!p0 [sflag:s0], s1  }
0x36f: {  	s1 =	ssub.s32 @!p0 $0x0, s1;
	[sflag:s0] =	ssyncset.done @!p0 $0x0  }
0x370: {  	[sflag:s0] =	ssyncadd.s32 @!p0 s1  }
0x371: {  	[bflag:$0x3] =	sbarrier.arrive $0xFFFF  }
0x372: {  	_ =	shalt  }

// kernel: kernel.8.cloned.1.call-start
scs
__scs_entry_jumppad:
0x0: {  	(pc) =	sbr.rel $0x88, $3  }
0x1: {  	(tag) =	ssettag $0x0;
	lr =	simm.s32 $0x1  }
0x2: {  	[smem:$0x3F9E] =	sst lr;
	_ =	strace $0xD0000000  }
0x3: {  	_ = 	snop  }
0x4: {  	_ = 	snop  }
0x5: {  	_ = 	snop  }
0x6: {  	_ = 	snop  }
0x7: {  	_ = 	snop  }
__scs_overlays_trampoline_lowered:
0x8: {  	[smem:$0x3FAD] =	sst s0  }
0x9: {  	[smem:$0x3FAE] =	sst s1  }
0xa: {  	[smem:$0x3FAF] =	sst s2  }
0xb: {  	[smem:$0x3FB0] =	sst s3  }
0xc: {  	[smem:$0x3FB1] =	sst s4  }
0xd: {  	[smem:$0x3FB2] =	sst s5  }
0xe: {  	[smem:$0x3FB3] =	sst s6  }
0xf: {  	[smem:$0x3FB4] =	sst s7  }
0x10: {  	[smem:$0x3FB5] =	sst s8  }
0x11: {  	[smem:$0x3FB6] =	sst s9;
	s0 =	simm.s32 @!p0 $0x0  }
0x12: {  	s1 =	sld [smem:$0x3F9C];
	s0 =	simm.s32 @p0 $0x1  }
0x13: {  	[smem:$0x3FB7] =	sst s0;
	s0 =	simm.s32 @!p1 $0x0  }
0x14: {  	s2 =	sld [smem:$0x3F9B];
	s0 =	simm.s32 @p1 $0x1  }
0x15: {  	[smem:$0x3FB8] =	sst s0;
	s0 =	simm.s32 @!p2 $0x0  }
0x16: {  	s3 =	sld [smem:$0x3FDB];
	s0 =	simm.s32 @p2 $0x1  }
0x17: {  	s4 =	simm.s32 $0x1BF5;
	[smem:$0x3FBA] =	sst s0  }
0x18: {  	s0 =	sld [smem:$0x3F9D];
	_ =	swait.ge [sflag:s4], $0x0  }
0x19: {  	s7 =	sld [smem:$0x3F9E]  }
0x1a: {  	s8 =	sadd.s32 $0xFFFFE003, lr  }
0x1b: {  	s9 =	sadd.s32 $0xFFFFFEF7, lr;
	s5 =	simm.s32 $0xFFFFFFFF;
	p2 =	slt.u32 s8, $0xFFFFF086  }
0x1c: {  	p1 =	slt.u32 s9, $0xF7A;
	s5 =	simm.s32 @!p2 $0x0  }
0x1d: {  	s5 =	simm.s32 @p1 $0x1;
	p0 =	seq.s32 s7, s2  }
0x1e: {  	s7 =	smul.u32 @!p0 $0xF7A, s2;
	p2 =	seq.s32 @!p0 s5, $0x0  }
0x1f: {  	s9 =	smul.u32 $0xF7A, s1;
	s8 =	simm.s32 @!p0 $0x1BF5;
	p2 =	por !p2, p0  }
0x20: {  	[sflag:s8] =	ssyncset.s32 @!p0 $0xFFFFF086;
	s6 =	sadd.s32 @!p0 s3, s7;
	s7 =	simm.s32 @!p0 $0x108  }
0x21: {  	s3 =	sadd.s32 s3, s9;
	s6 =	sadd.s32 @!p0 $0x88, s6;
	s7 =	simm.s32 @p2 $0x1082  }
0x22: {  	[simem:s7], [sflag:s8] =	dma.local @!p0 [hbm:s6], $0xF7A  }
0x23: {  	s9 =	sor.u32 $0xD0000000, s2;
	s6 =	simm.s32 $0x108;
	_ =	swait.ge @!p0 [sflag:s8], $0x0  }
0x24: {  	s3 =	sadd.s32 $0x88, s3;
	s6 =	simm.s32 @!p1 $0x1082;
	[sflag:s4] =	ssyncset.s32 $0xFFFFF086  }
0x25: {  	[simem:s6], [sflag:s4] =	dma.local [hbm:s3], $0xF7A  }
0x26: {  	[smem:$0x3F9E] =	sst s1;
	(tag) =	ssettag s2;
	_ =	strace s9  }
0x27: {  	s1 =	sld [smem:$0x3FAE]  }
0x28: {  	s2 =	sld [smem:$0x3FAF]  }
0x29: {  	s4 =	sld [smem:$0x3FB1]  }
0x2a: {  	p0 =	seq.s32 s5, $0x0;
	s5 =	sld [smem:$0x3FB2]  }
0x2b: {  	s6 =	sld [smem:$0x3FB3]  }
0x2c: {  	s7 =	sld [smem:$0x3FB4]  }
0x2d: {  	s3 =	simm.s32 $0x108;
	s8 =	sld [smem:$0x3FB5]  }
0x2e: {  	s3 =	simm.s32 @!p0 $0x1082;
	s9 =	sld [smem:$0x3FB6]  }
0x2f: {  	lr =	sadd.s32 s0, s3;
	s0 =	sld [smem:$0x3FAD]  }
0x30: {  	s3 =	sld [smem:$0x3FB0]  }
0x31: {  	[smem:$0x3FB9] =	sst s10  }
0x32: {  	s10 =	sld [smem:$0x3FB7];
	_ =	sdelay $0x3  }
0x33: {  	p0 =	seq.s32 s10, $0x1;
	s10 =	sld [smem:$0x3FB9];
	_ =	sdelay $0x3  }
0x34: {  	[smem:$0x3FB9] =	sst s10  }
0x35: {  	s10 =	sld [smem:$0x3FB8];
	_ =	sdelay $0x3  }
0x36: {  	p1 =	seq.s32 s10, $0x1;
	s10 =	sld [smem:$0x3FB9];
	_ =	sdelay $0x3  }
0x37: {  	[smem:$0x3FB9] =	sst s10  }
0x38: {  	s10 =	sld [smem:$0x3FBA]  }
0x39: {  	_ = 	snop;
	(pc) =	sbr.ind lr, $3  }
0x3a: {  	_ = 	snop  }
0x3b: {  	_ = 	snop  }
0x3c: {  	p2 =	seq.s32 s10, $0x1;
	s10 =	sld [smem:$0x3FB9]  }
0x3d: {  	_ =	shalt  }
0x3e: {  	_ =	shalt  }
0x3f: {  	_ =	shalt  }
0x40: {  	_ =	shalt  }
0x41: {  	_ =	shalt  }
0x42: {  	_ =	shalt  }
0x43: {  	_ =	shalt  }
0x44: {  	_ =	shalt  }
0x45: {  	_ =	shalt  }
0x46: {  	_ =	shalt  }
0x47: {  	_ =	shalt  }
0x48: {  	_ =	shalt  }
0x49: {  	_ =	shalt  }
0x4a: {  	_ =	shalt  }
0x4b: {  	_ =	shalt  }
0x4c: {  	_ =	shalt  }
0x4d: {  	_ =	shalt  }
0x4e: {  	_ =	shalt  }
0x4f: {  	_ =	shalt  }
0x50: {  	_ =	shalt  }
0x51: {  	_ =	shalt  }
0x52: {  	_ =	shalt  }
0x53: {  	_ =	shalt  }
0x54: {  	_ =	shalt  }
0x55: {  	_ =	shalt  }
0x56: {  	_ =	shalt  }
0x57: {  	_ =	shalt  }
0x58: {  	_ =	shalt  }
0x59: {  	_ =	shalt  }
0x5a: {  	_ =	shalt  }
0x5b: {  	_ =	shalt  }
0x5c: {  	_ =	shalt  }
0x5d: {  	_ =	shalt  }
0x5e: {  	_ =	shalt  }
0x5f: {  	_ =	shalt  }
0x60: {  	_ =	shalt  }
0x61: {  	_ =	shalt  }
0x62: {  	_ =	shalt  }
0x63: {  	_ =	shalt  }
0x64: {  	_ =	shalt  }
0x65: {  	_ =	shalt  }
0x66: {  	_ =	shalt  }
0x67: {  	_ =	shalt  }
0x68: {  	_ =	shalt  }
0x69: {  	_ =	shalt  }
0x6a: {  	_ =	shalt  }
0x6b: {  	_ =	shalt  }
0x6c: {  	_ =	shalt  }
0x6d: {  	_ =	shalt  }
0x6e: {  	_ =	shalt  }
0x6f: {  	_ =	shalt  }
0x70: {  	_ =	shalt  }
0x71: {  	_ =	shalt  }
0x72: {  	_ =	shalt  }
0x73: {  	_ =	shalt  }
0x74: {  	_ =	shalt  }
0x75: {  	_ =	shalt  }
0x76: {  	_ =	shalt  }
0x77: {  	_ =	shalt  }
0x78: {  	_ =	shalt  }
0x79: {  	_ =	shalt  }
0x7a: {  	_ =	shalt  }
0x7b: {  	_ =	shalt  }
0x7c: {  	_ =	shalt  }
0x7d: {  	_ =	shalt  }
0x7e: {  	_ =	shalt  }
0x7f: {  	_ =	shalt  }
0x80: {  	_ =	shalt  }
0x81: {  	_ =	shalt  }
0x82: {  	_ =	shalt  }
0x83: {  	_ =	shalt  }
0x84: {  	_ =	shalt  }
0x85: {  	_ =	shalt  }
0x86: {  	_ =	shalt  }
0x87: {  	_ =	shalt  }
.Lfunc_end0:
.L_simem_size_0:
called_computation.1_lowered:
.L_overlay_start_0:
0x88: {  	s2 =	sld [smem:$0x3FD9]  }
0x89: {  	s3 =	sld [smem:$0x3FFE];
	_ =	sdelay $0x1  }
0x8a: {  	s1 =	srdreg.scid  }
0x8b: {  	s0 =	sand.u32 $0x1, s1  }
0x8c: {  	s16 =	sshll.u32 s0, $0xA;
	s2 =	sadd.s32 s3, s2  }
0x8d: {  	s2 =	sadd.s32 s2, s16  }
0x8e: {  	[smem:$0x3FC5] =	sst s2  }
0x8f: {  	_ = 	snop  }
0x90: {  	(tm) =	ssettm $0x1  }
0x91: {  	s17 =	sld [smem:$0x3FFB];
	_ =	sdelay $0x3  }
0x92: {  	_ =	strace s17  }
0x93: {  	s2 =	sld [smem:$0x3FFC];
	_ =	sdelay $0x3  }
0x94: {  	_ =	strace s2  }
0x95: {  	s2 =	sld [smem:$0x3FFD];
	_ =	sdelay $0x3  }
0x96: {  	_ =	strace s2  }
0x97: {  	_ =	strace $0x8FFFFFFF  }
0x98: {  	s18 =	sld [smem:$0x3FDB];
	_ =	sdelay $0x1  }
0x99: {  	s19 =	simm.s32 $_scs_section_size  }
0x9a: {  	s4 =	simm.s32 $_size__tile_overlayer_lowered;
	s5 =	simm.s32 $_tile_overlayer_lowered  }
0x9b: {  	s22 =	simm.s32 $0x1BFF;
	s21 =	sshll.u32 s5, $0x1;
	s2 =	sadd.s32 s19, s18  }
0x9c: {  	s6 =	simm.s32 $0x0;
	s20 =	sshll.u32 s4, $0x1;
	s4 =	sadd.s32 s21, s2  }
0x9d: {  	[timem:s6], [sflag:s22] =	dma.local [hbm:s4], s20  }
0x9e: {  	_ =	swait.ge [sflag:s22], s20  }
0x9f: {  	s3 =	ssub.s32 $0x0, s20;
	[sflag:s22] =	ssyncset.done $0x0  }
0xa0: {  	[sflag:s22] =	ssyncadd.s32 s3;
	_ =	sdelay $0x1  }
0xa1: {  	s23 =	simm.s32 $0x1B8B  }
0xa2: {  	_ =	swait.ge [sflag:s23], $0x1  }
0xa3: {  	[sflag:s23] =	ssyncset.done $0x0  }
0xa4: {  	s25 =	simm.s32 $0x1B8E;
	s24 =	sld [smem:$0x3FFE];
	[sflag:s23] =	ssyncadd.s32 $0xFFFFFFFF  }
0xa5: {  	s26 =	simm.s32 $execute0_lowered;
	[smem:$0x3FD2] =	sst s25  }
0xa6: {  	s4 =	sshll.u32 s26, $0x1;
	_ =	strace $0x80000046;
	[dreg:$0x1] =	wrdreg $0xFFFFFFFF  }
0xa7: {  	s28 =	simm.s32 $_size_execute0_lowered;
	s2 =	sadd.s32 s2, s4;
	[dreg:$0x0] =	wrdreg $0x0  }
0xa8: {  	s4 =	sshll.u32 s28, $0x1;
	[dreg:$0x2] =	wrdreg s2  }
0xa9: {  	[dreg:$0x3] =	wrdreg s4  }
0xaa: {  	[dreg:$0x4] =	wrdreg $0xC0  }
0xab: {  	_ =	task [dreg:s6], $0x5FFFF  }
0xac: {  	[dreg:$0x1] =	wrdreg $0xFFFFFFFF  }
0xad: {  	[dreg:$0x0] =	wrdreg $0x60  }
0xae: {  	[dreg:$0x2] =	wrdreg s24  }
0xaf: {  	[dreg:$0x3] =	wrdreg $0xA  }
0xb0: {  	_ =	task.clear_ibuf [dreg:s6], $0x4FFFF;
	_ =	strace $0x90000046  }
0xb1: {  	s29 =	simm.s32 $0xA;
	_ =	strace $0x80000048  }
0xb2: {  	_ =	swait.ge [sflag:s29], $0x1  }
0xb3: {  	[sflag:s29] =	ssyncadd.s32 $0xFFFFFFFF  }
0xb4: {  	_ =	strace $0x90000048  }
0xb5: {  	_ =	sfence  }
0xb6: {  	s30 =	sld [smem:$0x0];
	_ =	sdelay $0x2  }
0xb7: {  	s31 =	sshll.u32 s1, $0xD;
	s1 =	sshrl.u32 s1, $0x2  }
0xb8: {  	s3 =	sand.u32 $0x4000, s31;
	s1 =	sadd.s32 s1, s30  }
0xb9: {  	s0 =	sor.u32 s3, s0;
	s1 =	sshll.u32 s1, $0x11  }
0xba: {  	s0 =	sor.u32 s1, s0  }
0xbb: {  	s0 =	sadd.s32 $0x8F2B, s0  }
0xbc: {  	[sflag:s0] =	ssyncadd.remote.s32 $0x1  }
0xbd: {  	_ =	sfence.sel $0xFFFF  }
0xbe: {  	[dreg:$0x0] =	wrdreg $0xFFFFFFFF;
	(pc) =	sbr.abs _section_cstart, $3  }
0xbf: {  	[dreg:$0x1] =	wrdreg $0xFFFFFFFF  }
0xc0: {  	_ =	task.clear_ibuf [dreg:s6], $0x2FFFF;
	_ =	strace $0x9FFFFFFF  }
0xc1: {  	(tm) =	ssettm $0x7FFFFFFF  }
tec
execute0_lowered:
.L_overlay_start_1:
0x0: {  	(tag) =	ssettag $0x1  }
0x1: {  	s1 =	srdreg.scid;
	s0 =	stileid.u32  }
0x2: {  	s1 =	sand.u32 $0x1, s1;
	s2 =	sshll.u32 s0, $0x1  }
0x3: {  	s15 =	rddreg [dreg:$0x0];
	s3 =	sor.u32 s1, s2;
	s2 =	simm.s32 $0x0  }
0x4: {  	s12 =	simm.s32 $0x1C00;
	[smem:$0x7FF] =	sst s2  }
0x5: {  	s13 =	simm.s32 $0x200;
	_ =	strace $0x80000047;
	[dreg:$0x4] =	wrdreg s12  }
0x6: {  	s14 =	simm.s32 $0x1E00;
	[dreg:$0x5] =	wrdreg s13  }
0x7: {  	s16 =	simm.s32 $0x400;
	[dreg:$0x6] =	wrdreg s14  }
0x8: {  	s17 =	simm.s32 $0x2000;
	[dreg:$0x7] =	wrdreg s16  }
0x9: {  	s18 =	simm.s32 $0x600;
	[dreg:$0x8] =	wrdreg s17  }
0xa: {  	s19 =	simm.s32 $0x2200;
	[dreg:$0x9] =	wrdreg s18  }
0xb: {  	s20 =	simm.s32 $0x800;
	[dreg:$0xa] =	wrdreg s19  }
0xc: {  	s21 =	simm.s32 $0x2400;
	[dreg:$0xb] =	wrdreg s20  }
0xd: {  	s22 =	simm.s32 $0xA00;
	[dreg:$0xc] =	wrdreg s21  }
0xe: {  	s23 =	simm.s32 $0x2600;
	[dreg:$0xd] =	wrdreg s22  }
0xf: {  	s24 =	simm.s32 $0xC00;
	[dreg:$0xe] =	wrdreg s23  }
0x10: {  	s25 =	simm.s32 $0x2800;
	[dreg:$0xf] =	wrdreg s24  }
0x11: {  	s26 =	simm.s32 $0xE00;
	[dreg:$0x10] =	wrdreg s25  }
0x12: {  	s0 =	simm.s32 $0x2A00;
	[dreg:$0x11] =	wrdreg s26  }
0x13: {  	s5 =	simm.s32 $0x2C00;
	[dreg:$0x12] =	wrdreg s0  }
0x14: {  	s6 =	simm.s32 $0x1200;
	[dreg:$0x14] =	wrdreg s5  }
0x15: {  	s7 =	simm.s32 $0x2E00;
	[dreg:$0x15] =	wrdreg s6  }
0x16: {  	s8 =	simm.s32 $0x1400;
	[dreg:$0x16] =	wrdreg s7  }
0x17: {  	s9 =	simm.s32 $0x3000;
	[dreg:$0x17] =	wrdreg s8  }
0x18: {  	s10 =	simm.s32 $0x1600;
	[dreg:$0x18] =	wrdreg s9  }
0x19: {  	s11 =	simm.s32 $0x3200;
	[dreg:$0x19] =	wrdreg s10  }
0x1a: {  	[dreg:$0x1a] =	wrdreg s11;
	s12 =	simm.s32 $0x1800  }
0x1b: {  	s13 =	simm.s32 $0x3400;
	[dreg:$0x1b] =	wrdreg s12  }
0x1c: {  	s14 =	simm.s32 $0x1C80;
	[dreg:$0x1c] =	wrdreg s13  }
0x1d: {  	s16 =	simm.s32 $0x280;
	[dreg:$0x1d] =	wrdreg s14  }
0x1e: {  	s17 =	simm.s32 $0x1E80;
	[dreg:$0x1e] =	wrdreg s16  }
0x1f: {  	s18 =	simm.s32 $0x480;
	[dreg:$0x1f] =	wrdreg s17  }
0x20: {  	s19 =	simm.s32 $0x2080;
	[smem:$0x7BC] =	sst s18  }
0x21: {  	s20 =	simm.s32 $0x680;
	[smem:$0x7BD] =	sst s19  }
0x22: {  	s21 =	simm.s32 $0x2280;
	[smem:$0x7BE] =	sst s20  }
0x23: {  	s22 =	simm.s32 $0x880;
	[smem:$0x7BF] =	sst s21  }
0x24: {  	s23 =	simm.s32 $0x2480;
	[smem:$0x7C0] =	sst s22  }
0x25: {  	s24 =	simm.s32 $0xA80;
	[smem:$0x7C1] =	sst s23  }
0x26: {  	s25 =	simm.s32 $0x2680;
	[smem:$0x7C2] =	sst s24  }
0x27: {  	s26 =	simm.s32 $0xC80;
	[smem:$0x7C3] =	sst s25  }
0x28: {  	s0 =	simm.s32 $0x2880;
	[smem:$0x7C4] =	sst s26  }
0x29: {  	s5 =	simm.s32 $0x2A80;
	[smem:$0x7C5] =	sst s0  }
0x2a: {  	s6 =	simm.s32 $0x1080;
	[smem:$0x7C7] =	sst s5  }
0x2b: {  	s7 =	simm.s32 $0x2C80;
	[smem:$0x7C8] =	sst s6  }
0x2c: {  	s8 =	simm.s32 $0x1280;
	[smem:$0x7C9] =	sst s7  }
0x2d: {  	s9 =	simm.s32 $0x2E80;
	[smem:$0x7CA] =	sst s8  }
0x2e: {  	s4 =	smul.u32 $0x380, s3;
	s10 =	simm.s32 $0x1480;
	[smem:$0x7CB] =	sst s9  }
0x2f: {  	s3 =	sshll.u32 s3, $0x6;
	s11 =	simm.s32 $0x3080;
	[smem:$0x7CC] =	sst s10  }
0x30: {  	s3 =	sadd.s32 s3, s15;
	s4 =	sadd.s32 s15, s4;
	[smem:$0x7CD] =	sst s11  }
0x31: {  	s3 =	sadd.s32 $0x1EE00, s3;
	[dreg:$0x2] =	wrdreg s4  }
0x32: {  	s12 =	simm.s32 $0x1680;
	[dreg:$0x3] =	wrdreg s3  }
0x33: {  	s13 =	simm.s32 $0x3280;
	[smem:$0x7CE] =	sst s12  }
0x34: {  	s14 =	simm.s32 $0x1880;
	[smem:$0x7CF] =	sst s13  }
0x35: {  	s16 =	simm.s32 $0x3480;
	[smem:$0x7D0] =	sst s14  }
0x36: {  	s17 =	simm.s32 $0x100;
	[smem:$0x7D1] =	sst s16  }
0x37: {  	s18 =	simm.s32 $0x1D00;
	[smem:$0x7D2] =	sst s17  }
0x38: {  	s19 =	simm.s32 $0x300;
	[smem:$0x7D3] =	sst s18  }
0x39: {  	s20 =	simm.s32 $0x1F00;
	[smem:$0x7D4] =	sst s19  }
0x3a: {  	s21 =	simm.s32 $0x500;
	[smem:$0x7D5] =	sst s20  }
0x3b: {  	s22 =	simm.s32 $0x2100;
	[smem:$0x7D6] =	sst s21  }
0x3c: {  	s23 =	simm.s32 $0x700;
	[smem:$0x7D7] =	sst s22  }
0x3d: {  	s24 =	simm.s32 $0x2300;
	[smem:$0x7D8] =	sst s23  }
0x3e: {  	s25 =	simm.s32 $0x900;
	[smem:$0x7D9] =	sst s24  }
0x3f: {  	s26 =	simm.s32 $0x2500;
	[smem:$0x7DA] =	sst s25  }
0x40: {  	s0 =	simm.s32 $0xB00;
	[smem:$0x7DB] =	sst s26  }
0x41: {  	s5 =	simm.s32 $0xD00;
	[smem:$0x7DC] =	sst s0  }
0x42: {  	s6 =	simm.s32 $0x2900;
	[smem:$0x7DE] =	sst s5  }
0x43: {  	s7 =	simm.s32 $0xF00;
	[smem:$0x7DF] =	sst s6  }
0x44: {  	s8 =	simm.s32 $0x2B00;
	[smem:$0x7E0] =	sst s7  }
0x45: {  	s9 =	simm.s32 $0x1100;
	[smem:$0x7E1] =	sst s8  }
0x46: {  	s10 =	simm.s32 $0x2D00;
	[smem:$0x7E2] =	sst s9  }
0x47: {  	s11 =	simm.s32 $0x1300;
	[smem:$0x7E3] =	sst s10  }
0x48: {  	s4 =	simm.s32 $0x1000;
	[smem:$0x7E4] =	sst s11  }
0x49: {  	s12 =	simm.s32 $0x2F00;
	[dreg:$0x13] =	wrdreg s4  }
0x4a: {  	s13 =	simm.s32 $0x1500;
	[smem:$0x7E5] =	sst s12  }
0x4b: {  	s14 =	simm.s32 $0x3100;
	[smem:$0x7E6] =	sst s13  }
0x4c: {  	s28 =	simm.s32 $0x1;
	s16 =	simm.s32 $0x1700;
	[smem:$0x7E7] =	sst s14  }
0x4d: {  	s29 =	simm.s32 $0x2;
	s17 =	simm.s32 $0x3300;
	[smem:$0x7E8] =	sst s16  }
0x4e: {  	s30 =	simm.s32 $0x3;
	s18 =	simm.s32 $0x1900;
	[smem:$0x7E9] =	sst s17  }
0x4f: {  	s31 =	simm.s32 $0x4;
	s19 =	simm.s32 $0x3500;
	[smem:$0x7EA] =	sst s18  }
0x50: {  	s1 =	ssub.s32 $0x2, s1;
	s5 =	simm.s32 $0x180;
	[smem:$0x7EB] =	sst s19  }
0x51: {  	s3 =	sadd.s32 $0x16000, s15;
	s6 =	simm.s32 $0x1D80;
	[smem:$0x7EC] =	sst s5  }
0x52: {  	s7 =	simm.s32 $0x380;
	s8 =	simm.s32 $0x1F80;
	[smem:$0x7ED] =	sst s6  }
0x53: {  	s9 =	simm.s32 $0x580;
	s10 =	simm.s32 $0x2180;
	[smem:$0x7EE] =	sst s7  }
0x54: {  	s11 =	simm.s32 $0x780;
	s20 =	simm.s32 $0x2780;
	[smem:$0x7EF] =	sst s8  }
0x55: {  	s21 =	simm.s32 $0xD80;
	s22 =	simm.s32 $0x2980;
	[smem:$0x7F0] =	sst s9  }
0x56: {  	s23 =	simm.s32 $0xF80;
	s24 =	simm.s32 $0x2B80;
	[smem:$0x7F1] =	sst s10  }
0x57: {  	s25 =	simm.s32 $0x1180;
	s26 =	simm.s32 $0x2D80;
	[smem:$0x7F2] =	sst s11  }
0x58: {  	s4 =	simm.s32 $0xE80;
	s5 =	sadd.s32 $0x13800, s15;
	[smem:$0x7F7] =	sst s20  }
0x59: {  	s6 =	sadd.s32 $0x12400, s15;
	s7 =	sadd.s32 $0x11000, s15;
	[smem:$0x7F8] =	sst s21  }
0x5a: {  	s8 =	sadd.s32 $0xFC00, s15;
	s9 =	sadd.s32 $0xE800, s15;
	[smem:$0x7F9] =	sst s22  }
0x5b: {  	s10 =	sadd.s32 $0xD400, s15;
	s12 =	simm.s32 $0x2380;
	[smem:$0x7FA] =	sst s23  }
0x5c: {  	s11 =	sadd.s32 $0xC000, s15;
	s13 =	simm.s32 $0x980;
	[smem:$0x7FB] =	sst s24  }
0x5d: {  	s14 =	simm.s32 $0x2580;
	s16 =	simm.s32 $0xB80;
	[smem:$0x7FC] =	sst s25  }
0x5e: {  	s17 =	sshrl.u32 s1, $0x1;
	s18 =	simm.s32 $0x80;
	[smem:$0x7FD] =	sst s26  }
0x5f: {  	s22 =	simm.s32 $0x3180;
	s23 =	simm.s32 $0x1780;
	[smem:$0x7C6] =	sst s4  }
0x60: {  	s24 =	simm.s32 $0x3380;
	s25 =	simm.s32 $0x1980;
	[smem:$0x7F3] =	sst s12  }
0x61: {  	s26 =	simm.s32 $0x3580;
	s4 =	simm.s32 $0x2700;
	[smem:$0x7F4] =	sst s13  }
0x62: {  	s12 =	sadd.s32 $0xAC00, s15;
	s13 =	sadd.s32 $0x9800, s15;
	[smem:$0x7F5] =	sst s14  }
0x63: {  	s14 =	sadd.s32 $0x8400, s15;
	[smem:$0x7F6] =	sst s16;
	s1 =	ssub.s32 s1, s17  }
0x64: {  	s17 =	simm.s32 $0x5;
	[smem:$0x7DD] =	sst s4;
	s4 =	sadd.s32 $0x14C00, s15  }
0x65: {  	s15 =	sadd.s32 $0x7000, s15;
	s16 =	smax.u32 s1, $0x1;
	s1 =	simm.s32 $0x3800  }
.LBB2_1:
0x66: {  	s0 =	rddreg [dreg:$0x2]  }
0x67: {  	[tilespmem:s2], [sflag:$0x5] =	stream.linear.gather [hbm4b:s0+s2], $0x1A00, $0x38;
	[tilespmem:$0x3A00] =	vst v63  }
0x68: {  	_ =	swait.ge [sflag:s17], $0x1A00  }
0x69: {  	s21 =	rddreg [dreg:$0x4]  }
0x6a: {  	s0 =	rddreg [dreg:$0x5]  }
0x6b: {  	[sflag:s17] =	ssyncset.done $0x0;
	s19 =	rddreg [dreg:$0x6]  }
0x6c: {  	s20 =	rddreg [dreg:$0x7];
	[sflag:s17] =	ssyncadd.s32 $0xFFFFE600  }
0x6d: {  	[tilespmem:s21], [sflag:$0x1] =	stream.indirect.gather [hbm4b:s3+s18], $0x1, s2, s18, $0xb8;
	[tilespmem:$0x3A00] =	vst v63  }
0x6e: {  	s21 =	rddreg [dreg:$0x8]  }
0x6f: {  	[tilespmem:s19], [sflag:$0x1] =	stream.indirect.gather [hbm4b:s4+s18], $0x1, s0, s18, $0xb8;
	[tilespmem:$0x3A00] =	vst v63  }
0x70: {  	s0 =	rddreg [dreg:$0x9]  }
0x71: {  	s19 =	rddreg [dreg:$0xa]  }
0x72: {  	[tilespmem:s21], [sflag:$0x1] =	stream.indirect.gather [hbm4b:s5+s18], $0x1, s20, s18, $0xb8;
	[tilespmem:$0x3A00] =	vst v63  }
0x73: {  	s20 =	rddreg [dreg:$0xb]  }
0x74: {  	s21 =	rddreg [dreg:$0xc]  }
0x75: {  	[tilespmem:s19], [sflag:$0x1] =	stream.indirect.gather [hbm4b:s6+s18], $0x1, s0, s18, $0xb8;
	[tilespmem:$0x3A00] =	vst v63  }
0x76: {  	s0 =	rddreg [dreg:$0xd]  }
0x77: {  	s19 =	rddreg [dreg:$0xe]  }
0x78: {  	[tilespmem:s21], [sflag:$0x1] =	stream.indirect.gather [hbm4b:s7+s18], $0x1, s20, s18, $0xb8;
	[tilespmem:$0x3A00] =	vst v63  }
0x79: {  	s20 =	rddreg [dreg:$0xf]  }
0x7a: {  	s21 =	rddreg [dreg:$0x10]  }
0x7b: {  	[tilespmem:s19], [sflag:$0x1] =	stream.indirect.gather [hbm4b:s8+s18], $0x1, s0, s18, $0xb8;
	[tilespmem:$0x3A00] =	vst v63  }
0x7c: {  	s0 =	rddreg [dreg:$0x11]  }
0x7d: {  	s19 =	rddreg [dreg:$0x12]  }
0x7e: {  	[tilespmem:s21], [sflag:$0x1] =	stream.indirect.gather [hbm4b:s9+s18], $0x1, s20, s18, $0xb8;
	[tilespmem:$0x3A00] =	vst v63  }
0x7f: {  	s20 =	rddreg [dreg:$0x13]  }
0x80: {  	s21 =	rddreg [dreg:$0x14]  }
0x81: {  	[tilespmem:s19], [sflag:$0x1] =	stream.indirect.gather [hbm4b:s10+s18], $0x1, s0, s18, $0xb8;
	[tilespmem:$0x3A00] =	vst v63  }
0x82: {  	s0 =	rddreg [dreg:$0x15]  }
0x83: {  	s19 =	rddreg [dreg:$0x16]  }
0x84: {  	[tilespmem:s21], [sflag:$0x1] =	stream.indirect.gather [hbm4b:s11+s18], $0x1, s20, s18, $0xb8;
	[tilespmem:$0x3A00] =	vst v63  }
0x85: {  	s20 =	rddreg [dreg:$0x17]  }
0x86: {  	s21 =	rddreg [dreg:$0x18]  }
0x87: {  	[tilespmem:s19], [sflag:$0x1] =	stream.indirect.gather [hbm4b:s12+s18], $0x1, s0, s18, $0xb8;
	[tilespmem:$0x3A00] =	vst v63  }
0x88: {  	s0 =	rddreg [dreg:$0x19]  }
0x89: {  	s19 =	rddreg [dreg:$0x1a]  }
0x8a: {  	[tilespmem:s21], [sflag:$0x1] =	stream.indirect.gather [hbm4b:s13+s18], $0x1, s20, s18, $0xb8;
	[tilespmem:$0x3A00] =	vst v63  }
0x8b: {  	s20 =	rddreg [dreg:$0x1b]  }
0x8c: {  	s21 =	rddreg [dreg:$0x1c]  }
0x8d: {  	[tilespmem:s19], [sflag:$0x1] =	stream.indirect.gather [hbm4b:s14+s18], $0x1, s0, s18, $0xb8;
	[tilespmem:$0x3A00] =	vst v63  }
0x8e: {  	s19 =	rddreg [dreg:$0x1d]  }
0x8f: {  	s0 =	rddreg [dreg:$0x1e]  }
0x90: {  	[tilespmem:s21], [sflag:$0x1] =	stream.indirect.gather [hbm4b:s15+s18], $0x1, s20, s18, $0xb8;
	[tilespmem:$0x3A00] =	vst v63  }
0x91: {  	s20 =	sld [smem:$0x7BC]  }
0x92: {  	s21 =	sld [smem:$0x7BD]  }
0x93: {  	[tilespmem:s19], [sflag:$0x2] =	stream.indirect.gather [hbm4b:s3+s18], $0x1, s18, s18, $0xb8;
	[tilespmem:$0x3A00] =	vst v63  }
0x94: {  	s19 =	rddreg [dreg:$0x1f]  }
0x95: {  	[tilespmem:s19], [sflag:$0x2] =	stream.indirect.gather [hbm4b:s4+s18], $0x1, s0, s18, $0xb8;
	[tilespmem:$0x3A00] =	vst v63  }
0x96: {  	s0 =	sld [smem:$0x7BE]  }
0x97: {  	s19 =	sld [smem:$0x7BF]  }
0x98: {  	[tilespmem:s21], [sflag:$0x2] =	stream.indirect.gather [hbm4b:s5+s18], $0x1, s20, s18, $0xb8;
	[tilespmem:$0x3A00] =	vst v63  }
0x99: {  	s20 =	sld [smem:$0x7C0]  }
0x9a: {  	s21 =	sld [smem:$0x7C1]  }
0x9b: {  	[tilespmem:s19], [sflag:$0x2] =	stream.indirect.gather [hbm4b:s6+s18], $0x1, s0, s18, $0xb8;
	[tilespmem:$0x3A00] =	vst v63  }
0x9c: {  	s0 =	sld [smem:$0x7C2]  }
0x9d: {  	s19 =	sld [smem:$0x7C3]  }
0x9e: {  	[tilespmem:s21], [sflag:$0x2] =	stream.indirect.gather [hbm4b:s7+s18], $0x1, s20, s18, $0xb8;
	[tilespmem:$0x3A00] =	vst v63  }
0x9f: {  	s20 =	sld [smem:$0x7C4]  }
0xa0: {  	s21 =	sld [smem:$0x7C5]  }
0xa1: {  	[tilespmem:s19], [sflag:$0x2] =	stream.indirect.gather [hbm4b:s8+s18], $0x1, s0, s18, $0xb8;
	[tilespmem:$0x3A00] =	vst v63  }
0xa2: {  	s0 =	sld [smem:$0x7C6]  }
0xa3: {  	s19 =	sld [smem:$0x7C7]  }
0xa4: {  	[tilespmem:s21], [sflag:$0x2] =	stream.indirect.gather [hbm4b:s9+s18], $0x1, s20, s18, $0xb8;
	[tilespmem:$0x3A00] =	vst v63  }
0xa5: {  	s20 =	sld [smem:$0x7C8]  }
0xa6: {  	s21 =	sld [smem:$0x7C9]  }
0xa7: {  	[tilespmem:s19], [sflag:$0x2] =	stream.indirect.gather [hbm4b:s10+s18], $0x1, s0, s18, $0xb8;
	[tilespmem:$0x3A00] =	vst v63  }
0xa8: {  	s0 =	sld [smem:$0x7CA]  }
0xa9: {  	s19 =	sld [smem:$0x7CB]  }
0xaa: {  	[tilespmem:s21], [sflag:$0x2] =	stream.indirect.gather [hbm4b:s11+s18], $0x1, s20, s18, $0xb8;
	[tilespmem:$0x3A00] =	vst v63  }
0xab: {  	s20 =	sld [smem:$0x7CC]  }
0xac: {  	s21 =	sld [smem:$0x7CD]  }
0xad: {  	[tilespmem:s19], [sflag:$0x2] =	stream.indirect.gather [hbm4b:s12+s18], $0x1, s0, s18, $0xb8;
	[tilespmem:$0x3A00] =	vst v63  }
0xae: {  	s0 =	sld [smem:$0x7CE]  }
0xaf: {  	s19 =	sld [smem:$0x7CF]  }
0xb0: {  	[tilespmem:s21], [sflag:$0x2] =	stream.indirect.gather [hbm4b:s13+s18], $0x1, s20, s18, $0xb8;
	[tilespmem:$0x3A00] =	vst v63  }
0xb1: {  	s20 =	sld [smem:$0x7D0]  }
0xb2: {  	s21 =	sld [smem:$0x7D1]  }
0xb3: {  	[tilespmem:s19], [sflag:$0x2] =	stream.indirect.gather [hbm4b:s14+s18], $0x1, s0, s18, $0xb8;
	[tilespmem:$0x3A00] =	vst v63  }
0xb4: {  	s0 =	sld [smem:$0x7D2]  }
0xb5: {  	s19 =	sld [smem:$0x7D3]  }
0xb6: {  	[tilespmem:s21], [sflag:$0x2] =	stream.indirect.gather [hbm4b:s15+s18], $0x1, s20, s18, $0xb8;
	[tilespmem:$0x3A00] =	vst v63  }
0xb7: {  	s20 =	sld [smem:$0x7D4]  }
0xb8: {  	s21 =	sld [smem:$0x7D5]  }
0xb9: {  	[tilespmem:s19], [sflag:$0x3] =	stream.indirect.gather [hbm4b:s3+s18], $0x1, s0, s18, $0xb8;
	[tilespmem:$0x3A00] =	vst v63  }
0xba: {  	s0 =	sld [smem:$0x7D6]  }
0xbb: {  	s19 =	sld [smem:$0x7D7]  }
0xbc: {  	[tilespmem:s21], [sflag:$0x3] =	stream.indirect.gather [hbm4b:s4+s18], $0x1, s20, s18, $0xb8;
	[tilespmem:$0x3A00] =	vst v63  }
0xbd: {  	s20 =	sld [smem:$0x7D8]  }
0xbe: {  	s21 =	sld [smem:$0x7D9]  }
0xbf: {  	[tilespmem:s19], [sflag:$0x3] =	stream.indirect.gather [hbm4b:s5+s18], $0x1, s0, s18, $0xb8;
	[tilespmem:$0x3A00] =	vst v63  }
0xc0: {  	s0 =	sld [smem:$0x7DA]  }
0xc1: {  	s19 =	sld [smem:$0x7DB]  }
0xc2: {  	[tilespmem:s21], [sflag:$0x3] =	stream.indirect.gather [hbm4b:s6+s18], $0x1, s20, s18, $0xb8;
	[tilespmem:$0x3A00] =	vst v63  }
0xc3: {  	s20 =	sld [smem:$0x7DC]  }
0xc4: {  	s21 =	sld [smem:$0x7DD]  }
0xc5: {  	[tilespmem:s19], [sflag:$0x3] =	stream.indirect.gather [hbm4b:s7+s18], $0x1, s0, s18, $0xb8;
	[tilespmem:$0x3A00] =	vst v63  }
0xc6: {  	s0 =	sld [smem:$0x7DE]  }
0xc7: {  	s19 =	sld [smem:$0x7DF]  }
0xc8: {  	[tilespmem:s21], [sflag:$0x3] =	stream.indirect.gather [hbm4b:s8+s18], $0x1, s20, s18, $0xb8;
	[tilespmem:$0x3A00] =	vst v63  }
0xc9: {  	s20 =	sld [smem:$0x7E0]  }
0xca: {  	s21 =	sld [smem:$0x7E1]  }
0xcb: {  	[tilespmem:s19], [sflag:$0x3] =	stream.indirect.gather [hbm4b:s9+s18], $0x1, s0, s18, $0xb8;
	[tilespmem:$0x3A00] =	vst v63  }
0xcc: {  	s0 =	sld [smem:$0x7E2]  }
0xcd: {  	s19 =	sld [smem:$0x7E3]  }
0xce: {  	[tilespmem:s21], [sflag:$0x3] =	stream.indirect.gather [hbm4b:s10+s18], $0x1, s20, s18, $0xb8;
	[tilespmem:$0x3A00] =	vst v63  }
0xcf: {  	s20 =	sld [smem:$0x7E4]  }
0xd0: {  	s21 =	sld [smem:$0x7E5]  }
0xd1: {  	[tilespmem:s19], [sflag:$0x3] =	stream.indirect.gather [hbm4b:s11+s18], $0x1, s0, s18, $0xb8;
	[tilespmem:$0x3A00] =	vst v63  }
0xd2: {  	s0 =	sld [smem:$0x7E6]  }
0xd3: {  	s19 =	sld [smem:$0x7E7]  }
0xd4: {  	[tilespmem:s21], [sflag:$0x3] =	stream.indirect.gather [hbm4b:s12+s18], $0x1, s20, s18, $0xb8;
	[tilespmem:$0x3A00] =	vst v63  }
0xd5: {  	s20 =	sld [smem:$0x7E8]  }
0xd6: {  	s21 =	sld [smem:$0x7E9]  }
0xd7: {  	[tilespmem:s19], [sflag:$0x3] =	stream.indirect.gather [hbm4b:s13+s18], $0x1, s0, s18, $0xb8;
	[tilespmem:$0x3A00] =	vst v63  }
0xd8: {  	s0 =	sld [smem:$0x7EA]  }
0xd9: {  	s19 =	sld [smem:$0x7EB]  }
0xda: {  	[tilespmem:s21], [sflag:$0x3] =	stream.indirect.gather [hbm4b:s14+s18], $0x1, s20, s18, $0xb8;
	[tilespmem:$0x3A00] =	vst v63  }
0xdb: {  	s20 =	sld [smem:$0x7EC]  }
0xdc: {  	s21 =	sld [smem:$0x7ED]  }
0xdd: {  	[tilespmem:s19], [sflag:$0x3] =	stream.indirect.gather [hbm4b:s15+s18], $0x1, s0, s18, $0xb8;
	[tilespmem:$0x3A00] =	vst v63  }
0xde: {  	s0 =	sld [smem:$0x7EE]  }
0xdf: {  	s19 =	sld [smem:$0x7EF]  }
0xe0: {  	[tilespmem:s21], [sflag:$0x4] =	stream.indirect.gather [hbm4b:s3+s18], $0x1, s20, s18, $0xb8;
	[tilespmem:$0x3A00] =	vst v63  }
0xe1: {  	s20 =	sld [smem:$0x7F0]  }
0xe2: {  	s21 =	sld [smem:$0x7F1]  }
0xe3: {  	[tilespmem:s19], [sflag:$0x4] =	stream.indirect.gather [hbm4b:s4+s18], $0x1, s0, s18, $0xb8;
	[tilespmem:$0x3A00] =	vst v63  }
0xe4: {  	s0 =	sld [smem:$0x7F2]  }
0xe5: {  	s19 =	sld [smem:$0x7F3]  }
0xe6: {  	[tilespmem:s21], [sflag:$0x4] =	stream.indirect.gather [hbm4b:s5+s18], $0x1, s20, s18, $0xb8;
	[tilespmem:$0x3A00] =	vst v63  }
0xe7: {  	s20 =	sld [smem:$0x7F4]  }
0xe8: {  	s21 =	sld [smem:$0x7F5]  }
0xe9: {  	[tilespmem:s19], [sflag:$0x4] =	stream.indirect.gather [hbm4b:s6+s18], $0x1, s0, s18, $0xb8;
	[tilespmem:$0x3A00] =	vst v63  }
0xea: {  	s0 =	sld [smem:$0x7F6]  }
0xeb: {  	s19 =	sld [smem:$0x7F7]  }
0xec: {  	[tilespmem:s21], [sflag:$0x4] =	stream.indirect.gather [hbm4b:s7+s18], $0x1, s20, s18, $0xb8;
	[tilespmem:$0x3A00] =	vst v63  }
0xed: {  	s20 =	sld [smem:$0x7F8]  }
0xee: {  	s21 =	sld [smem:$0x7F9]  }
0xef: {  	[tilespmem:s19], [sflag:$0x4] =	stream.indirect.gather [hbm4b:s8+s18], $0x1, s0, s18, $0xb8;
	[tilespmem:$0x3A00] =	vst v63  }
0xf0: {  	s0 =	sld [smem:$0x7FA]  }
0xf1: {  	s19 =	sld [smem:$0x7FB]  }
0xf2: {  	[tilespmem:s21], [sflag:$0x4] =	stream.indirect.gather [hbm4b:s9+s18], $0x1, s20, s18, $0xb8;
	[tilespmem:$0x3A00] =	vst v63  }
0xf3: {  	s20 =	sld [smem:$0x7FC]  }
0xf4: {  	s21 =	sld [smem:$0x7FD]  }
0xf5: {  	[tilespmem:s19], [sflag:$0x4] =	stream.indirect.gather [hbm4b:s10+s18], $0x1, s0, s18, $0xb8;
	[tilespmem:$0x3A00] =	vst v63  }
0xf6: {  	_ = 	snop  }
0xf7: {  	[tilespmem:s21], [sflag:$0x4] =	stream.indirect.gather [hbm4b:s11+s18], $0x1, s20, s18, $0xb8;
	[tilespmem:$0x3A00] =	vst v63  }
0xf8: {  	s20 =	simm.s32 $0x1380;
	s21 =	simm.s32 $0x2F80  }
0xf9: {  	[tilespmem:s21], [sflag:$0x4] =	stream.indirect.gather [hbm4b:s12+s18], $0x1, s20, s18, $0xb8;
	[tilespmem:$0x3A00] =	vst v63  }
0xfa: {  	s20 =	simm.s32 $0x1580  }
0xfb: {  	[tilespmem:s22], [sflag:$0x4] =	stream.indirect.gather [hbm4b:s13+s18], $0x1, s20, s18, $0xb8;
	[tilespmem:$0x3A00] =	vst v63  }
0xfc: {  	_ = 	snop  }
0xfd: {  	[tilespmem:s24], [sflag:$0x4] =	stream.indirect.gather [hbm4b:s14+s18], $0x1, s23, s18, $0xb8;
	[tilespmem:$0x3A00] =	vst v63  }
0xfe: {  	_ = 	snop  }
0xff: {  	[tilespmem:s26], [sflag:$0x4] =	stream.indirect.gather [hbm4b:s15+s18], $0x1, s25, s18, $0xb8;
	[tilespmem:$0x3A00] =	vst v63  }
0x100: {  	_ =	swait.ge [sflag:s28], $0x80  }
0x101: {  	[sflag:s28] =	ssyncset.done $0x0  }
0x102: {  	[sflag:s28] =	ssyncadd.s32 $0xFFFFFF80  }
0x103: {  	_ =	swait.ge [sflag:s28], $0x80  }
0x104: {  	[sflag:s28] =	ssyncset.done $0x0  }
0x105: {  	[sflag:s28] =	ssyncadd.s32 $0xFFFFFF80  }
0x106: {  	_ =	swait.ge [sflag:s28], $0x80  }
0x107: {  	[sflag:s28] =	ssyncset.done $0x0  }
0x108: {  	[sflag:s28] =	ssyncadd.s32 $0xFFFFFF80  }
0x109: {  	_ =	swait.ge [sflag:s28], $0x80  }
0x10a: {  	[sflag:s28] =	ssyncset.done $0x0  }
0x10b: {  	[sflag:s28] =	ssyncadd.s32 $0xFFFFFF80  }
0x10c: {  	_ =	swait.ge [sflag:s28], $0x80  }
0x10d: {  	[sflag:s28] =	ssyncset.done $0x0  }
0x10e: {  	[sflag:s28] =	ssyncadd.s32 $0xFFFFFF80  }
0x10f: {  	_ =	swait.ge [sflag:s28], $0x80  }
0x110: {  	[sflag:s28] =	ssyncset.done $0x0  }
0x111: {  	[sflag:s28] =	ssyncadd.s32 $0xFFFFFF80  }
0x112: {  	_ =	swait.ge [sflag:s28], $0x80  }
0x113: {  	[sflag:s28] =	ssyncset.done $0x0  }
0x114: {  	[sflag:s28] =	ssyncadd.s32 $0xFFFFFF80  }
0x115: {  	_ =	swait.ge [sflag:s28], $0x80  }
0x116: {  	[sflag:s28] =	ssyncset.done $0x0  }
0x117: {  	[sflag:s28] =	ssyncadd.s32 $0xFFFFFF80  }
0x118: {  	_ =	swait.ge [sflag:s28], $0x80  }
0x119: {  	[sflag:s28] =	ssyncset.done $0x0  }
0x11a: {  	[sflag:s28] =	ssyncadd.s32 $0xFFFFFF80  }
0x11b: {  	_ =	swait.ge [sflag:s28], $0x80  }
0x11c: {  	[sflag:s28] =	ssyncset.done $0x0  }
0x11d: {  	[sflag:s28] =	ssyncadd.s32 $0xFFFFFF80  }
0x11e: {  	_ =	swait.ge [sflag:s28], $0x80  }
0x11f: {  	[sflag:s28] =	ssyncset.done $0x0  }
0x120: {  	[sflag:s28] =	ssyncadd.s32 $0xFFFFFF80  }
0x121: {  	_ =	swait.ge [sflag:s28], $0x80  }
0x122: {  	[sflag:s28] =	ssyncset.done $0x0  }
0x123: {  	[sflag:s28] =	ssyncadd.s32 $0xFFFFFF80  }
0x124: {  	_ =	swait.ge [sflag:s28], $0x80  }
0x125: {  	[sflag:s28] =	ssyncset.done $0x0  }
0x126: {  	[sflag:s28] =	ssyncadd.s32 $0xFFFFFF80  }
0x127: {  	v0 =	vld [tilespmem:$0x1C00]  }
0x128: {  	v1 =	vld [tilespmem:$0x1E00]  }
0x129: {  	v2 =	vld [tilespmem:$0x1C10]  }
0x12a: {  	v3 =	vld [tilespmem:$0x1E10]  }
0x12b: {  	v4 =	vld [tilespmem:$0x2000]  }
0x12c: {  	v5 =	vld [tilespmem:$0x2010]  }
0x12d: {  	v6 =	vld [tilespmem:$0x2200]  }
0x12e: {  	v19 =	vld [tilespmem:$0x2210];
	v0 =	vadd.f32 v1, v0  }
0x12f: {  	v7 =	vld [tilespmem:$0x2400];
	v2 =	vadd.f32 v3, v2  }
0x130: {  	v20 =	vld [tilespmem:$0x2410];
	v0 =	vadd.f32 v4, v0  }
0x131: {  	v21 =	vld [tilespmem:$0x2600];
	v2 =	vadd.f32 v5, v2  }
0x132: {  	v22 =	vld [tilespmem:$0x2610];
	v0 =	vadd.f32 v6, v0  }
0x133: {  	v23 =	vld [tilespmem:$0x2800];
	v1 =	vadd.f32 v19, v2  }
0x134: {  	v24 =	vld [tilespmem:$0x2810];
	v0 =	vadd.f32 v7, v0  }
0x135: {  	v25 =	vld [tilespmem:$0x2A00];
	v1 =	vadd.f32 v20, v1  }
0x136: {  	v26 =	vld [tilespmem:$0x2A10];
	v0 =	vadd.f32 v21, v0  }
0x137: {  	v27 =	vld [tilespmem:$0x2C00];
	v1 =	vadd.f32 v22, v1  }
0x138: {  	v28 =	vld [tilespmem:$0x2C10];
	v0 =	vadd.f32 v23, v0  }
0x139: {  	v29 =	vld [tilespmem:$0x2E00];
	v1 =	vadd.f32 v24, v1  }
0x13a: {  	v30 =	vld [tilespmem:$0x2E10];
	v0 =	vadd.f32 v25, v0  }
0x13b: {  	v31 =	vld [tilespmem:$0x3000];
	v1 =	vadd.f32 v26, v1  }
0x13c: {  	v32 =	vld [tilespmem:$0x3010];
	v0 =	vadd.f32 v27, v0  }
0x13d: {  	v33 =	vld [tilespmem:$0x3200];
	v1 =	vadd.f32 v28, v1  }
0x13e: {  	v34 =	vld [tilespmem:$0x3210];
	v0 =	vadd.f32 v29, v0  }
0x13f: {  	v35 =	vld [tilespmem:$0x3400];
	v1 =	vadd.f32 v30, v1  }
0x140: {  	v36 =	vld [tilespmem:$0x3410];
	v0 =	vadd.f32 v31, v0  }
0x141: {  	v1 =	vadd.f32 v32, v1  }
0x142: {  	v0 =	vadd.f32 v33, v0  }
0x143: {  	v1 =	vadd.f32 v34, v1  }
0x144: {  	v0 =	vadd.f32 v35, v0  }
0x145: {  	v1 =	vadd.f32 v36, v1  }
0x146: {  	v37 =	vld [tilespmem:$0x1C20];
	[tilespmem:$0x3800] =	vst v0  }
0x147: {  	v38 =	vld [tilespmem:$0x1E20];
	[tilespmem:$0x3810] =	vst v1  }
0x148: {  	v39 =	vld [tilespmem:$0x2020]  }
0x149: {  	v40 =	vld [tilespmem:$0x2220]  }
0x14a: {  	v41 =	vld [tilespmem:$0x2420]  }
0x14b: {  	v42 =	vld [tilespmem:$0x2620]  }
0x14c: {  	v43 =	vld [tilespmem:$0x2820]  }
0x14d: {  	v44 =	vld [tilespmem:$0x2A20]  }
0x14e: {  	v8 =	vld [tilespmem:$0x2C20]  }
0x14f: {  	v9 =	vld [tilespmem:$0x2E20]  }
0x150: {  	v10 =	vld [tilespmem:$0x3020]  }
0x151: {  	v11 =	vld [tilespmem:$0x3220]  }
0x152: {  	v12 =	vld [tilespmem:$0x3420]  }
0x153: {  	v13 =	vld [tilespmem:$0x1C30]  }
0x154: {  	v14 =	vld [tilespmem:$0x1E30]  }
0x155: {  	v15 =	vld [tilespmem:$0x2030]  }
0x156: {  	v16 =	vld [tilespmem:$0x2230]  }
0x157: {  	v17 =	vld [tilespmem:$0x2430]  }
0x158: {  	v18 =	vld [tilespmem:$0x2630]  }
0x159: {  	v19 =	vld [tilespmem:$0x2830]  }
0x15a: {  	v20 =	vld [tilespmem:$0x2A30]  }
0x15b: {  	v21 =	vld [tilespmem:$0x2C30]  }
0x15c: {  	v22 =	vld [tilespmem:$0x2E30]  }
0x15d: {  	v23 =	vld [tilespmem:$0x3030]  }
0x15e: {  	v24 =	vld [tilespmem:$0x3230]  }
0x15f: {  	v25 =	vld [tilespmem:$0x3430]  }
0x160: {  	v26 =	vld [tilespmem:$0x1C40]  }
0x161: {  	v27 =	vld [tilespmem:$0x1E40]  }
0x162: {  	v28 =	vld [tilespmem:$0x2040]  }
0x163: {  	v29 =	vld [tilespmem:$0x2240]  }
0x164: {  	v30 =	vld [tilespmem:$0x2440]  }
0x165: {  	v31 =	vld [tilespmem:$0x2640]  }
0x166: {  	v32 =	vld [tilespmem:$0x2840]  }
0x167: {  	v33 =	vld [tilespmem:$0x2A40]  }
0x168: {  	v34 =	vld [tilespmem:$0x2C40]  }
0x169: {  	v1 =	vld [tilespmem:$0x2E40]  }
0x16a: {  	v2 =	vld [tilespmem:$0x3240]  }
0x16b: {  	v45 =	vld [tilespmem:$0x1C50]  }
0x16c: {  	v46 =	vld [tilespmem:$0x1E50]  }
0x16d: {  	v0 =	vadd.f32 v38, v37;
	v47 =	vld [tilespmem:$0x2050]  }
0x16e: {  	v48 =	vld [tilespmem:$0x2250]  }
0x16f: {  	v49 =	vld [tilespmem:$0x2450];
	v0 =	vadd.f32 v39, v0  }
0x170: {  	v50 =	vld [tilespmem:$0x2650]  }
0x171: {  	v51 =	vld [tilespmem:$0x2850];
	v0 =	vadd.f32 v40, v0  }
0x172: {  	v52 =	vld [tilespmem:$0x2A50]  }
0x173: {  	v53 =	vld [tilespmem:$0x2C50];
	v13 =	vadd.f32 v14, v13;
	v0 =	vadd.f32 v41, v0  }
0x174: {  	v54 =	vld [tilespmem:$0x2E50];
	v3 =	vadd.f32 v46, v45  }
0x175: {  	v55 =	vld [tilespmem:$0x3050];
	v13 =	vadd.f32 v15, v13;
	v0 =	vadd.f32 v42, v0  }
0x176: {  	v56 =	vld [tilespmem:$0x3250];
	v3 =	vadd.f32 v47, v3  }
0x177: {  	v57 =	vld [tilespmem:$0x1C60];
	v13 =	vadd.f32 v16, v13;
	v0 =	vadd.f32 v43, v0  }
0x178: {  	v58 =	vld [tilespmem:$0x1E60];
	v3 =	vadd.f32 v48, v3  }
0x179: {  	v59 =	vld [tilespmem:$0x1C70];
	v13 =	vadd.f32 v17, v13;
	v0 =	vadd.f32 v44, v0  }
0x17a: {  	v60 =	vld [tilespmem:$0x1E70];
	v3 =	vadd.f32 v49, v3  }
0x17b: {  	v61 =	vld [tilespmem:$0x2060];
	v13 =	vadd.f32 v18, v13;
	v0 =	vadd.f32 v8, v0  }
0x17c: {  	v63 =	vld [tilespmem:$0x2070];
	v3 =	vadd.f32 v50, v3  }
0x17d: {  	v35 =	vld [tilespmem:$0x2270];
	v13 =	vadd.f32 v19, v13;
	v0 =	vadd.f32 v9, v0  }
0x17e: {  	v36 =	vld [tilespmem:$0x2460];
	v62 =	vadd.f32 v27, v26;
	v3 =	vadd.f32 v51, v3  }
0x17f: {  	v27 =	vld [tilespmem:$0x2260];
	v13 =	vadd.f32 v20, v13;
	v0 =	vadd.f32 v10, v0  }
0x180: {  	v37 =	vld [tilespmem:$0x2470];
	v3 =	vadd.f32 v52, v3;
	v10 =	vadd.f32 v58, v57  }
0x181: {  	v38 =	vld [tilespmem:$0x2660];
	v13 =	vadd.f32 v21, v13;
	v0 =	vadd.f32 v11, v0  }
0x182: {  	v14 =	vld [tilespmem:$0x3040];
	v11 =	vadd.f32 v60, v59;
	v10 =	vadd.f32 v61, v10  }
0x183: {  	v39 =	vld [tilespmem:$0x2670];
	v0 =	vadd.f32 v12, v0;
	v12 =	vadd.f32 v28, v62  }
0x184: {  	v45 =	vld [tilespmem:$0x2C70];
	v11 =	vadd.f32 v63, v11;
	v10 =	vadd.f32 v27, v10  }
0x185: {  	v40 =	vld [tilespmem:$0x2860];
	v3 =	vadd.f32 v53, v3;
	v12 =	vadd.f32 v29, v12  }
0x186: {  	v41 =	vld [tilespmem:$0x2870];
	v11 =	vadd.f32 v35, v11;
	v4 =	vadd.f32 v36, v10  }
0x187: {  	v42 =	vld [tilespmem:$0x2A60];
	v13 =	vadd.f32 v22, v13;
	v12 =	vadd.f32 v30, v12  }
0x188: {  	v43 =	vld [tilespmem:$0x2A70];
	v11 =	vadd.f32 v37, v11;
	v4 =	vadd.f32 v38, v4  }
0x189: {  	v44 =	vld [tilespmem:$0x2C60];
	v3 =	vadd.f32 v54, v3;
	v12 =	vadd.f32 v31, v12  }
0x18a: {  	v46 =	vld [tilespmem:$0x2E60];
	v11 =	vadd.f32 v39, v11;
	v4 =	vadd.f32 v40, v4  }
0x18b: {  	v48 =	vld [tilespmem:$0x2E70];
	v13 =	vadd.f32 v23, v13;
	v12 =	vadd.f32 v32, v12  }
0x18c: {  	v49 =	vld [tilespmem:$0x3060];
	v10 =	vadd.f32 v41, v11;
	v4 =	vadd.f32 v42, v4  }
0x18d: {  	v50 =	vld [tilespmem:$0x3070];
	v3 =	vadd.f32 v55, v3;
	v12 =	vadd.f32 v33, v12  }
0x18e: {  	v51 =	vld [tilespmem:$0x3260];
	v10 =	vadd.f32 v43, v10;
	v4 =	vadd.f32 v44, v4  }
0x18f: {  	v52 =	vld [tilespmem:$0x3270];
	v13 =	vadd.f32 v24, v13;
	v47 =	vadd.f32 v34, v12  }
0x190: {  	v9 =	vld [tilespmem:$0x3450];
	v5 =	vadd.f32 v45, v10;
	v4 =	vadd.f32 v46, v4  }
0x191: {  	v53 =	vld [tilespmem:$0x3460];
	v3 =	vadd.f32 v56, v3;
	v1 =	vadd.f32 v1, v47  }
0x192: {  	v15 =	vld [tilespmem:$0x3440];
	v5 =	vadd.f32 v48, v5;
	v54 =	vadd.f32 v49, v4  }
0x193: {  	v55 =	vld [tilespmem:$0x3470];
	v13 =	vadd.f32 v25, v13;
	v1 =	vadd.f32 v14, v1  }
0x194: {  	v5 =	vadd.f32 v50, v5;
	v57 =	vadd.f32 v51, v54  }
0x195: {  	[tilespmem:$0x3820] =	vst v0;
	v58 =	vadd.f32 v9, v3;
	v1 =	vadd.f32 v2, v1  }
0x196: {  	[tilespmem:$0x3830] =	vst v13;
	v59 =	vadd.f32 v52, v5;
	v60 =	vadd.f32 v53, v57  }
0x197: {  	[tilespmem:$0x3850] =	vst v58;
	v56 =	vadd.f32 v15, v1  }
0x198: {  	v61 =	vadd.f32 v55, v59;
	[tilespmem:$0x3860] =	vst v60  }
0x199: {  	[tilespmem:$0x3840] =	vst v56  }
0x19a: {  	[tilespmem:$0x3870] =	vst v61  }
0x19b: {  	_ =	swait.ge [sflag:s29], $0x80  }
0x19c: {  	[sflag:s29] =	ssyncset.done $0x0  }
0x19d: {  	[sflag:s29] =	ssyncadd.s32 $0xFFFFFF80  }
0x19e: {  	_ =	swait.ge [sflag:s29], $0x80  }
0x19f: {  	[sflag:s29] =	ssyncset.done $0x0  }
0x1a0: {  	[sflag:s29] =	ssyncadd.s32 $0xFFFFFF80  }
0x1a1: {  	_ =	swait.ge [sflag:s29], $0x80  }
0x1a2: {  	[sflag:s29] =	ssyncset.done $0x0  }
0x1a3: {  	[sflag:s29] =	ssyncadd.s32 $0xFFFFFF80  }
0x1a4: {  	_ =	swait.ge [sflag:s29], $0x80  }
0x1a5: {  	[sflag:s29] =	ssyncset.done $0x0  }
0x1a6: {  	[sflag:s29] =	ssyncadd.s32 $0xFFFFFF80  }
0x1a7: {  	_ =	swait.ge [sflag:s29], $0x80  }
0x1a8: {  	[sflag:s29] =	ssyncset.done $0x0  }
0x1a9: {  	[sflag:s29] =	ssyncadd.s32 $0xFFFFFF80  }
0x1aa: {  	_ =	swait.ge [sflag:s29], $0x80  }
0x1ab: {  	[sflag:s29] =	ssyncset.done $0x0  }
0x1ac: {  	[sflag:s29] =	ssyncadd.s32 $0xFFFFFF80  }
0x1ad: {  	_ =	swait.ge [sflag:s29], $0x80  }
0x1ae: {  	[sflag:s29] =	ssyncset.done $0x0  }
0x1af: {  	[sflag:s29] =	ssyncadd.s32 $0xFFFFFF80  }
0x1b0: {  	_ =	swait.ge [sflag:s29], $0x80  }
0x1b1: {  	[sflag:s29] =	ssyncset.done $0x0  }
0x1b2: {  	[sflag:s29] =	ssyncadd.s32 $0xFFFFFF80  }
0x1b3: {  	_ =	swait.ge [sflag:s29], $0x80  }
0x1b4: {  	[sflag:s29] =	ssyncset.done $0x0  }
0x1b5: {  	[sflag:s29] =	ssyncadd.s32 $0xFFFFFF80  }
0x1b6: {  	_ =	swait.ge [sflag:s29], $0x80  }
0x1b7: {  	[sflag:s29] =	ssyncset.done $0x0  }
0x1b8: {  	[sflag:s29] =	ssyncadd.s32 $0xFFFFFF80  }
0x1b9: {  	_ =	swait.ge [sflag:s29], $0x80  }
0x1ba: {  	[sflag:s29] =	ssyncset.done $0x0  }
0x1bb: {  	[sflag:s29] =	ssyncadd.s32 $0xFFFFFF80  }
0x1bc: {  	_ =	swait.ge [sflag:s29], $0x80  }
0x1bd: {  	[sflag:s29] =	ssyncset.done $0x0  }
0x1be: {  	[sflag:s29] =	ssyncadd.s32 $0xFFFFFF80  }
0x1bf: {  	_ =	swait.ge [sflag:s29], $0x80  }
0x1c0: {  	[sflag:s29] =	ssyncset.done $0x0  }
0x1c1: {  	[sflag:s29] =	ssyncadd.s32 $0xFFFFFF80  }
0x1c2: {  	v0 =	vld [tilespmem:$0x1C80]  }
0x1c3: {  	v1 =	vld [tilespmem:$0x1E80]  }
0x1c4: {  	v2 =	vld [tilespmem:$0x2080]  }
0x1c5: {  	v3 =	vld [tilespmem:$0x2280]  }
0x1c6: {  	v4 =	vld [tilespmem:$0x2480]  }
0x1c7: {  	v5 =	vld [tilespmem:$0x2680]  }
0x1c8: {  	v6 =	vld [tilespmem:$0x2880]  }
0x1c9: {  	v7 =	vld [tilespmem:$0x2A80]  }
0x1ca: {  	v8 =	vld [tilespmem:$0x2C80]  }
0x1cb: {  	v9 =	vld [tilespmem:$0x2E80]  }
0x1cc: {  	v10 =	vld [tilespmem:$0x3080]  }
0x1cd: {  	v11 =	vld [tilespmem:$0x3280]  }
0x1ce: {  	v12 =	vld [tilespmem:$0x3480]  }
0x1cf: {  	v13 =	vld [tilespmem:$0x1C90]  }
0x1d0: {  	v14 =	vld [tilespmem:$0x1E90]  }
0x1d1: {  	v15 =	vld [tilespmem:$0x2090]  }
0x1d2: {  	v16 =	vld [tilespmem:$0x2290]  }
0x1d3: {  	v17 =	vld [tilespmem:$0x2490]  }
0x1d4: {  	v18 =	vld [tilespmem:$0x2690]  }
0x1d5: {  	v19 =	vld [tilespmem:$0x2890]  }
0x1d6: {  	v20 =	vld [tilespmem:$0x2A90]  }
0x1d7: {  	v21 =	vld [tilespmem:$0x2C90]  }
0x1d8: {  	v22 =	vld [tilespmem:$0x2E90]  }
0x1d9: {  	v23 =	vld [tilespmem:$0x3090]  }
0x1da: {  	v24 =	vld [tilespmem:$0x3290]  }
0x1db: {  	v25 =	vld [tilespmem:$0x3490]  }
0x1dc: {  	v62 =	vld [tilespmem:$0x1CA0]  }
0x1dd: {  	v63 =	vld [tilespmem:$0x1EA0]  }
0x1de: {  	v28 =	vld [tilespmem:$0x20A0]  }
0x1df: {  	v29 =	vld [tilespmem:$0x22A0]  }
0x1e0: {  	v30 =	vld [tilespmem:$0x24A0]  }
0x1e1: {  	v31 =	vld [tilespmem:$0x26A0]  }
0x1e2: {  	v32 =	vld [tilespmem:$0x28A0]  }
0x1e3: {  	v60 =	vld [tilespmem:$0x2AA0]  }
0x1e4: {  	v61 =	vld [tilespmem:$0x2CA0]  }
0x1e5: {  	v35 =	vld [tilespmem:$0x2EA0]  }
0x1e6: {  	v36 =	vld [tilespmem:$0x30A0]  }
0x1e7: {  	v37 =	vld [tilespmem:$0x32A0]  }
0x1e8: {  	v38 =	vld [tilespmem:$0x34A0]  }
0x1e9: {  	v39 =	vld [tilespmem:$0x1CB0]  }
0x1ea: {  	v40 =	vld [tilespmem:$0x1EB0]  }
0x1eb: {  	v41 =	vld [tilespmem:$0x20B0]  }
0x1ec: {  	v42 =	vld [tilespmem:$0x22B0]  }
0x1ed: {  	v43 =	vld [tilespmem:$0x24B0]  }
0x1ee: {  	v44 =	vld [tilespmem:$0x26B0]  }
0x1ef: {  	v45 =	vld [tilespmem:$0x28B0]  }
0x1f0: {  	v46 =	vld [tilespmem:$0x2AB0]  }
0x1f1: {  	v47 =	vld [tilespmem:$0x2CB0]  }
0x1f2: {  	v48 =	vld [tilespmem:$0x2EB0]  }
0x1f3: {  	v49 =	vld [tilespmem:$0x30B0]  }
0x1f4: {  	v50 =	vld [tilespmem:$0x32B0]  }
0x1f5: {  	v51 =	vld [tilespmem:$0x34B0]  }
0x1f6: {  	v52 =	vld [tilespmem:$0x1CC0]  }
0x1f7: {  	v53 =	vld [tilespmem:$0x1EC0]  }
0x1f8: {  	v54 =	vld [tilespmem:$0x20C0]  }
0x1f9: {  	v55 =	vld [tilespmem:$0x22C0]  }
0x1fa: {  	v56 =	vld [tilespmem:$0x24C0]  }
0x1fb: {  	v57 =	vld [tilespmem:$0x26C0]  }
0x1fc: {  	v58 =	vld [tilespmem:$0x28C0]  }
0x1fd: {  	v26 =	vld [tilespmem:$0x2EC0]  }
0x1fe: {  	v27 =	vld [tilespmem:$0x30C0];
	v0 =	vadd.f32 v1, v0;
	v13 =	vadd.f32 v14, v13  }
0x1ff: {  	v59 =	vld [tilespmem:$0x1EE0];
	v62 =	vadd.f32 v63, v62;
	v63 =	vadd.f32 v40, v39  }
0x200: {  	v33 =	vld [tilespmem:$0x22E0];
	v0 =	vadd.f32 v2, v0;
	v13 =	vadd.f32 v15, v13  }
0x201: {  	v39 =	vld [tilespmem:$0x1CD0];
	v2 =	vadd.f32 v28, v62;
	v15 =	vadd.f32 v41, v63  }
0x202: {  	v40 =	vld [tilespmem:$0x1ED0];
	v63 =	vadd.f32 v53, v52;
	v0 =	vadd.f32 v3, v0  }
0x203: {  	v34 =	vld [tilespmem:$0x22F0];
	v13 =	vadd.f32 v16, v13;
	v2 =	vadd.f32 v29, v2  }
0x204: {  	v41 =	vld [tilespmem:$0x20D0];
	v15 =	vadd.f32 v42, v15;
	v28 =	vadd.f32 v54, v63  }
0x205: {  	v1 =	vld [tilespmem:$0x2AC0];
	v0 =	vadd.f32 v4, v0;
	v13 =	vadd.f32 v17, v13  }
0x206: {  	v14 =	vld [tilespmem:$0x2CC0];
	v2 =	vadd.f32 v30, v2;
	v15 =	vadd.f32 v43, v15  }
0x207: {  	v42 =	vld [tilespmem:$0x22D0];
	v4 =	vadd.f32 v40, v39;
	v0 =	vadd.f32 v5, v0  }
0x208: {  	v62 =	vld [tilespmem:$0x20E0];
	v13 =	vadd.f32 v18, v13;
	v2 =	vadd.f32 v31, v2  }
0x209: {  	v43 =	vld [tilespmem:$0x24D0];
	v15 =	vadd.f32 v44, v15;
	v4 =	vadd.f32 v41, v4  }
0x20a: {  	v52 =	vld [tilespmem:$0x32F0];
	v0 =	vadd.f32 v6, v0;
	v13 =	vadd.f32 v19, v13  }
0x20b: {  	v3 =	vld [tilespmem:$0x32C0];
	v2 =	vadd.f32 v32, v2;
	v15 =	vadd.f32 v45, v15  }
0x20c: {  	v44 =	vld [tilespmem:$0x26D0];
	v4 =	vadd.f32 v42, v4;
	v0 =	vadd.f32 v7, v0  }
0x20d: {  	v39 =	vld [tilespmem:$0x26F0];
	v13 =	vadd.f32 v20, v13;
	v2 =	vadd.f32 v60, v2  }
0x20e: {  	v7 =	vld [tilespmem:$0x28D0];
	v15 =	vadd.f32 v46, v15;
	v4 =	vadd.f32 v43, v4  }
0x20f: {  	v40 =	vld [tilespmem:$0x28E0];
	v0 =	vadd.f32 v8, v0;
	v13 =	vadd.f32 v21, v13  }
0x210: {  	v32 =	vld [tilespmem:$0x20F0];
	v2 =	vadd.f32 v61, v2;
	v15 =	vadd.f32 v47, v15  }
0x211: {  	v60 =	vld [tilespmem:$0x1CF0];
	v4 =	vadd.f32 v44, v4;
	v0 =	vadd.f32 v9, v0  }
0x212: {  	v13 =	vadd.f32 v22, v13;
	v15 =	vadd.f32 v48, v15;
	v48 =	vld [tilespmem:$0x1CE0]  }
0x213: {  	v61 =	vld [tilespmem:$0x1EF0];
	v2 =	vadd.f32 v35, v2;
	v4 =	vadd.f32 v7, v4  }
0x214: {  	v20 =	vld [tilespmem:$0x2AD0];
	v0 =	vadd.f32 v10, v0;
	v13 =	vadd.f32 v23, v13  }
0x215: {  	v42 =	vld [tilespmem:$0x28F0];
	v2 =	vadd.f32 v36, v2;
	v15 =	vadd.f32 v49, v15  }
0x216: {  	v45 =	vld [tilespmem:$0x2CE0];
	v36 =	vadd.f32 v55, v28;
	v0 =	vadd.f32 v11, v0  }
0x217: {  	v8 =	vld [tilespmem:$0x2CD0];
	v2 =	vadd.f32 v37, v2;
	v11 =	vadd.f32 v59, v48  }
0x218: {  	v35 =	vld [tilespmem:$0x24E0];
	v0 =	vadd.f32 v12, v0;
	v12 =	vadd.f32 v61, v60  }
0x219: {  	v4 =	vadd.f32 v20, v4;
	v37 =	vld [tilespmem:$0x24F0];
	v11 =	vadd.f32 v62, v11  }
0x21a: {  	v2 =	vadd.f32 v38, v2;
	v38 =	vld [tilespmem:$0x26E0];
	v12 =	vadd.f32 v32, v12  }
0x21b: {  	v43 =	vld [tilespmem:$0x2AE0];
	v13 =	vadd.f32 v24, v13;
	v11 =	vadd.f32 v33, v11  }
0x21c: {  	v46 =	vld [tilespmem:$0x2CF0];
	v24 =	vadd.f32 v56, v36;
	v12 =	vadd.f32 v34, v12  }
0x21d: {  	v21 =	vld [tilespmem:$0x2ED0];
	v15 =	vadd.f32 v50, v15;
	v5 =	vadd.f32 v35, v11  }
0x21e: {  	v44 =	vld [tilespmem:$0x2AF0];
	v41 =	vadd.f32 v57, v24;
	v12 =	vadd.f32 v37, v12  }
0x21f: {  	v47 =	vld [tilespmem:$0x2EE0];
	v4 =	vadd.f32 v8, v4;
	v5 =	vadd.f32 v38, v5  }
0x220: {  	v9 =	vld [tilespmem:$0x30D0];
	v23 =	vadd.f32 v58, v41;
	v12 =	vadd.f32 v39, v12  }
0x221: {  	v22 =	vld [tilespmem:$0x32D0];
	v13 =	vadd.f32 v25, v13;
	v5 =	vadd.f32 v40, v5  }
0x222: {  	v10 =	vld [tilespmem:$0x34D0];
	v1 =	vadd.f32 v1, v23;
	v11 =	vadd.f32 v42, v12  }
0x223: {  	v48 =	vld [tilespmem:$0x2EF0];
	v15 =	vadd.f32 v51, v15;
	v5 =	vadd.f32 v43, v5  }
0x224: {  	v49 =	vld [tilespmem:$0x30E0];
	v1 =	vadd.f32 v14, v1;
	v11 =	vadd.f32 v44, v11  }
0x225: {  	v50 =	vld [tilespmem:$0x30F0];
	v4 =	vadd.f32 v21, v4;
	v5 =	vadd.f32 v45, v5  }
0x226: {  	v51 =	vld [tilespmem:$0x32E0];
	v1 =	vadd.f32 v26, v1;
	v6 =	vadd.f32 v46, v11  }
0x227: {  	v16 =	vld [tilespmem:$0x34C0];
	v4 =	vadd.f32 v9, v4;
	v5 =	vadd.f32 v47, v5  }
0x228: {  	v53 =	vld [tilespmem:$0x34E0];
	v1 =	vadd.f32 v27, v1;
	v6 =	vadd.f32 v48, v6  }
0x229: {  	v56 =	vld [tilespmem:$0x34F0];
	[tilespmem:$0x3880] =	vst v0;
	v4 =	vadd.f32 v22, v4;
	v55 =	vadd.f32 v49, v5  }
0x22a: {  	[tilespmem:$0x3890] =	vst v13;
	v54 =	vadd.f32 v3, v1;
	v57 =	vadd.f32 v50, v6  }
0x22b: {  	[tilespmem:$0x38A0] =	vst v2;
	v58 =	vadd.f32 v10, v4;
	v1 =	vadd.f32 v51, v55  }
0x22c: {  	[tilespmem:$0x38B0] =	vst v15;
	v0 =	vadd.f32 v16, v54;
	v59 =	vadd.f32 v52, v57  }
0x22d: {  	[tilespmem:$0x38D0] =	vst v58;
	v60 =	vadd.f32 v53, v1  }
0x22e: {  	[tilespmem:$0x38C0] =	vst v0;
	v61 =	vadd.f32 v56, v59  }
0x22f: {  	[tilespmem:$0x38E0] =	vst v60  }
0x230: {  	[tilespmem:$0x38F0] =	vst v61  }
0x231: {  	_ =	swait.ge [sflag:s30], $0x80  }
0x232: {  	[sflag:s30] =	ssyncset.done $0x0  }
0x233: {  	[sflag:s30] =	ssyncadd.s32 $0xFFFFFF80  }
0x234: {  	_ =	swait.ge [sflag:s30], $0x80  }
0x235: {  	[sflag:s30] =	ssyncset.done $0x0  }
0x236: {  	[sflag:s30] =	ssyncadd.s32 $0xFFFFFF80  }
0x237: {  	_ =	swait.ge [sflag:s30], $0x80  }
0x238: {  	[sflag:s30] =	ssyncset.done $0x0  }
0x239: {  	[sflag:s30] =	ssyncadd.s32 $0xFFFFFF80  }
0x23a: {  	_ =	swait.ge [sflag:s30], $0x80  }
0x23b: {  	[sflag:s30] =	ssyncset.done $0x0  }
0x23c: {  	[sflag:s30] =	ssyncadd.s32 $0xFFFFFF80  }
0x23d: {  	_ =	swait.ge [sflag:s30], $0x80  }
0x23e: {  	[sflag:s30] =	ssyncset.done $0x0  }
0x23f: {  	[sflag:s30] =	ssyncadd.s32 $0xFFFFFF80  }
0x240: {  	_ =	swait.ge [sflag:s30], $0x80  }
0x241: {  	[sflag:s30] =	ssyncset.done $0x0  }
0x242: {  	[sflag:s30] =	ssyncadd.s32 $0xFFFFFF80  }
0x243: {  	_ =	swait.ge [sflag:s30], $0x80  }
0x244: {  	[sflag:s30] =	ssyncset.done $0x0  }
0x245: {  	[sflag:s30] =	ssyncadd.s32 $0xFFFFFF80  }
0x246: {  	_ =	swait.ge [sflag:s30], $0x80  }
0x247: {  	[sflag:s30] =	ssyncset.done $0x0  }
0x248: {  	[sflag:s30] =	ssyncadd.s32 $0xFFFFFF80  }
0x249: {  	_ =	swait.ge [sflag:s30], $0x80  }
0x24a: {  	[sflag:s30] =	ssyncset.done $0x0  }
0x24b: {  	[sflag:s30] =	ssyncadd.s32 $0xFFFFFF80  }
0x24c: {  	_ =	swait.ge [sflag:s30], $0x80  }
0x24d: {  	[sflag:s30] =	ssyncset.done $0x0  }
0x24e: {  	[sflag:s30] =	ssyncadd.s32 $0xFFFFFF80  }
0x24f: {  	_ =	swait.ge [sflag:s30], $0x80  }
0x250: {  	[sflag:s30] =	ssyncset.done $0x0  }
0x251: {  	[sflag:s30] =	ssyncadd.s32 $0xFFFFFF80  }
0x252: {  	_ =	swait.ge [sflag:s30], $0x80  }
0x253: {  	[sflag:s30] =	ssyncset.done $0x0  }
0x254: {  	[sflag:s30] =	ssyncadd.s32 $0xFFFFFF80  }
0x255: {  	_ =	swait.ge [sflag:s30], $0x80  }
0x256: {  	[sflag:s30] =	ssyncset.done $0x0  }
0x257: {  	[sflag:s30] =	ssyncadd.s32 $0xFFFFFF80  }
0x258: {  	v0 =	vld [tilespmem:$0x1D00]  }
0x259: {  	v1 =	vld [tilespmem:$0x1F00]  }
0x25a: {  	v2 =	vld [tilespmem:$0x2100]  }
0x25b: {  	v3 =	vld [tilespmem:$0x2300]  }
0x25c: {  	v4 =	vld [tilespmem:$0x2500]  }
0x25d: {  	v5 =	vld [tilespmem:$0x2700]  }
0x25e: {  	v6 =	vld [tilespmem:$0x2900]  }
0x25f: {  	v7 =	vld [tilespmem:$0x2B00]  }
0x260: {  	v8 =	vld [tilespmem:$0x2D00]  }
0x261: {  	v9 =	vld [tilespmem:$0x2F00]  }
0x262: {  	v10 =	vld [tilespmem:$0x3100]  }
0x263: {  	v11 =	vld [tilespmem:$0x3300]  }
0x264: {  	v12 =	vld [tilespmem:$0x3500]  }
0x265: {  	v13 =	vld [tilespmem:$0x1D10]  }
0x266: {  	v14 =	vld [tilespmem:$0x1F10]  }
0x267: {  	v15 =	vld [tilespmem:$0x2110]  }
0x268: {  	v16 =	vld [tilespmem:$0x2310]  }
0x269: {  	v17 =	vld [tilespmem:$0x2510]  }
0x26a: {  	v18 =	vld [tilespmem:$0x2710]  }
0x26b: {  	v19 =	vld [tilespmem:$0x2910]  }
0x26c: {  	v20 =	vld [tilespmem:$0x2B10]  }
0x26d: {  	v21 =	vld [tilespmem:$0x2D10]  }
0x26e: {  	v22 =	vld [tilespmem:$0x2F10]  }
0x26f: {  	v23 =	vld [tilespmem:$0x3110]  }
0x270: {  	v24 =	vld [tilespmem:$0x3310]  }
0x271: {  	v25 =	vld [tilespmem:$0x3510]  }
0x272: {  	v26 =	vld [tilespmem:$0x1D20]  }
0x273: {  	v62 =	vld [tilespmem:$0x1F20]  }
0x274: {  	v28 =	vld [tilespmem:$0x2120]  }
0x275: {  	v29 =	vld [tilespmem:$0x2320]  }
0x276: {  	v30 =	vld [tilespmem:$0x2520]  }
0x277: {  	v31 =	vld [tilespmem:$0x2720]  }
0x278: {  	v32 =	vld [tilespmem:$0x2920]  }
0x279: {  	v33 =	vld [tilespmem:$0x2B20]  }
0x27a: {  	v34 =	vld [tilespmem:$0x2D20]  }
0x27b: {  	v35 =	vld [tilespmem:$0x2F20]  }
0x27c: {  	v36 =	vld [tilespmem:$0x3120]  }
0x27d: {  	v37 =	vld [tilespmem:$0x3320]  }
0x27e: {  	v38 =	vld [tilespmem:$0x3520]  }
0x27f: {  	v39 =	vld [tilespmem:$0x1D30]  }
0x280: {  	v63 =	vld [tilespmem:$0x1F30]  }
0x281: {  	v41 =	vld [tilespmem:$0x2130]  }
0x282: {  	v42 =	vld [tilespmem:$0x2330]  }
0x283: {  	v43 =	vld [tilespmem:$0x2530]  }
0x284: {  	v44 =	vld [tilespmem:$0x2730]  }
0x285: {  	v45 =	vld [tilespmem:$0x2930]  }
0x286: {  	v46 =	vld [tilespmem:$0x2B30]  }
0x287: {  	v47 =	vld [tilespmem:$0x2D30]  }
0x288: {  	v60 =	vld [tilespmem:$0x2F30]  }
0x289: {  	v61 =	vld [tilespmem:$0x3130]  }
0x28a: {  	v50 =	vld [tilespmem:$0x3330]  }
0x28b: {  	v51 =	vld [tilespmem:$0x3530]  }
0x28c: {  	v52 =	vld [tilespmem:$0x1D40]  }
0x28d: {  	v53 =	vld [tilespmem:$0x1F40]  }
0x28e: {  	v54 =	vld [tilespmem:$0x2140]  }
0x28f: {  	v55 =	vld [tilespmem:$0x2340]  }
0x290: {  	v56 =	vld [tilespmem:$0x2540]  }
0x291: {  	v57 =	vld [tilespmem:$0x2740]  }
0x292: {  	v58 =	vld [tilespmem:$0x2940]  }
0x293: {  	v27 =	vld [tilespmem:$0x3140]  }
0x294: {  	v40 =	vld [tilespmem:$0x1F50];
	v0 =	vadd.f32 v1, v0;
	v13 =	vadd.f32 v14, v13  }
0x295: {  	v48 =	vld [tilespmem:$0x1D60];
	v62 =	vadd.f32 v62, v26;
	v63 =	vadd.f32 v63, v39  }
0x296: {  	v59 =	vld [tilespmem:$0x1F60];
	v0 =	vadd.f32 v2, v0;
	v13 =	vadd.f32 v15, v13  }
0x297: {  	v49 =	vld [tilespmem:$0x3160];
	v2 =	vadd.f32 v28, v62;
	v15 =	vadd.f32 v41, v63  }
0x298: {  	v39 =	vld [tilespmem:$0x1D50];
	v63 =	vadd.f32 v53, v52;
	v0 =	vadd.f32 v3, v0  }
0x299: {  	v1 =	vld [tilespmem:$0x2B40];
	v13 =	vadd.f32 v16, v13;
	v2 =	vadd.f32 v29, v2  }
0x29a: {  	v41 =	vld [tilespmem:$0x2150];
	v15 =	vadd.f32 v42, v15;
	v28 =	vadd.f32 v54, v63  }
0x29b: {  	v14 =	vld [tilespmem:$0x2D40];
	v0 =	vadd.f32 v4, v0;
	v13 =	vadd.f32 v17, v13  }
0x29c: {  	v26 =	vld [tilespmem:$0x2F40];
	v2 =	vadd.f32 v30, v2;
	v15 =	vadd.f32 v43, v15  }
0x29d: {  	v42 =	vld [tilespmem:$0x2350];
	v4 =	vadd.f32 v40, v39;
	v0 =	vadd.f32 v5, v0  }
0x29e: {  	v62 =	vld [tilespmem:$0x2160];
	v13 =	vadd.f32 v18, v13;
	v2 =	vadd.f32 v31, v2  }
0x29f: {  	v43 =	vld [tilespmem:$0x2550];
	v15 =	vadd.f32 v44, v15;
	v4 =	vadd.f32 v41, v4  }
0x2a0: {  	v52 =	vld [tilespmem:$0x3370];
	v0 =	vadd.f32 v6, v0;
	v13 =	vadd.f32 v19, v13  }
0x2a1: {  	v3 =	vld [tilespmem:$0x3340];
	v2 =	vadd.f32 v32, v2;
	v15 =	vadd.f32 v45, v15  }
0x2a2: {  	v44 =	vld [tilespmem:$0x2750];
	v4 =	vadd.f32 v42, v4;
	v0 =	vadd.f32 v7, v0  }
0x2a3: {  	v39 =	vld [tilespmem:$0x2770];
	v13 =	vadd.f32 v20, v13;
	v15 =	vadd.f32 v46, v15  }
0x2a4: {  	v40 =	vld [tilespmem:$0x2960];
	v2 =	vadd.f32 v33, v2;
	v4 =	vadd.f32 v43, v4  }
0x2a5: {  	v7 =	vld [tilespmem:$0x2950];
	v0 =	vadd.f32 v8, v0;
	v15 =	vadd.f32 v47, v15  }
0x2a6: {  	v32 =	vld [tilespmem:$0x2170];
	v13 =	vadd.f32 v21, v13;
	v2 =	vadd.f32 v34, v2  }
0x2a7: {  	v42 =	vld [tilespmem:$0x2970];
	v4 =	vadd.f32 v44, v4;
	v15 =	vadd.f32 v60, v15  }
0x2a8: {  	v0 =	vadd.f32 v9, v0;
	v13 =	vadd.f32 v22, v13;
	v60 =	vld [tilespmem:$0x1D70]  }
0x2a9: {  	v2 =	vadd.f32 v35, v2;
	v15 =	vadd.f32 v61, v15;
	v61 =	vld [tilespmem:$0x1F70]  }
0x2aa: {  	v20 =	vld [tilespmem:$0x2B50];
	v4 =	vadd.f32 v7, v4;
	v0 =	vadd.f32 v10, v0  }
0x2ab: {  	v33 =	vld [tilespmem:$0x2360];
	v13 =	vadd.f32 v23, v13;
	v2 =	vadd.f32 v36, v2  }
0x2ac: {  	v8 =	vld [tilespmem:$0x2D50];
	v36 =	vadd.f32 v55, v28;
	v0 =	vadd.f32 v11, v0  }
0x2ad: {  	v34 =	vld [tilespmem:$0x2370];
	v2 =	vadd.f32 v37, v2;
	v11 =	vadd.f32 v59, v48  }
0x2ae: {  	v35 =	vld [tilespmem:$0x2560];
	v0 =	vadd.f32 v12, v0;
	v12 =	vadd.f32 v61, v60  }
0x2af: {  	v4 =	vadd.f32 v20, v4;
	v37 =	vld [tilespmem:$0x2570];
	v11 =	vadd.f32 v62, v11  }
0x2b0: {  	v2 =	vadd.f32 v38, v2;
	v38 =	vld [tilespmem:$0x2760];
	v12 =	vadd.f32 v32, v12  }
0x2b1: {  	v45 =	vld [tilespmem:$0x2D60];
	v13 =	vadd.f32 v24, v13;
	v11 =	vadd.f32 v33, v11  }
0x2b2: {  	v43 =	vld [tilespmem:$0x2B60];
	v24 =	vadd.f32 v56, v36;
	v12 =	vadd.f32 v34, v12  }
0x2b3: {  	v46 =	vld [tilespmem:$0x2D70];
	v15 =	vadd.f32 v50, v15;
	v5 =	vadd.f32 v35, v11  }
0x2b4: {  	v21 =	vld [tilespmem:$0x2F50];
	v41 =	vadd.f32 v57, v24;
	v12 =	vadd.f32 v37, v12  }
0x2b5: {  	v44 =	vld [tilespmem:$0x2B70];
	v4 =	vadd.f32 v8, v4;
	v5 =	vadd.f32 v38, v5  }
0x2b6: {  	v47 =	vld [tilespmem:$0x2F60];
	v23 =	vadd.f32 v58, v41;
	v12 =	vadd.f32 v39, v12  }
0x2b7: {  	v9 =	vld [tilespmem:$0x3150];
	v13 =	vadd.f32 v25, v13;
	v5 =	vadd.f32 v40, v5  }
0x2b8: {  	v22 =	vld [tilespmem:$0x3350];
	v1 =	vadd.f32 v1, v23;
	v11 =	vadd.f32 v42, v12  }
0x2b9: {  	v48 =	vld [tilespmem:$0x2F70];
	v15 =	vadd.f32 v51, v15;
	v5 =	vadd.f32 v43, v5  }
0x2ba: {  	v10 =	vld [tilespmem:$0x3550];
	v1 =	vadd.f32 v14, v1;
	v11 =	vadd.f32 v44, v11  }
0x2bb: {  	v50 =	vld [tilespmem:$0x3170];
	v4 =	vadd.f32 v21, v4;
	v5 =	vadd.f32 v45, v5  }
0x2bc: {  	v51 =	vld [tilespmem:$0x3360];
	v1 =	vadd.f32 v26, v1;
	v6 =	vadd.f32 v46, v11  }
0x2bd: {  	v16 =	vld [tilespmem:$0x3540];
	v4 =	vadd.f32 v9, v4;
	v5 =	vadd.f32 v47, v5  }
0x2be: {  	v53 =	vld [tilespmem:$0x3560];
	v1 =	vadd.f32 v27, v1;
	v6 =	vadd.f32 v48, v6  }
0x2bf: {  	v56 =	vld [tilespmem:$0x3570];
	[tilespmem:$0x3900] =	vst v0;
	v4 =	vadd.f32 v22, v4;
	v55 =	vadd.f32 v49, v5  }
0x2c0: {  	[tilespmem:$0x3910] =	vst v13;
	v54 =	vadd.f32 v3, v1;
	v57 =	vadd.f32 v50, v6  }
0x2c1: {  	[tilespmem:$0x3920] =	vst v2;
	v58 =	vadd.f32 v10, v4;
	v1 =	vadd.f32 v51, v55  }
0x2c2: {  	[tilespmem:$0x3930] =	vst v15;
	v0 =	vadd.f32 v16, v54;
	v59 =	vadd.f32 v52, v57  }
0x2c3: {  	[tilespmem:$0x3950] =	vst v58;
	v60 =	vadd.f32 v53, v1  }
0x2c4: {  	[tilespmem:$0x3940] =	vst v0;
	v61 =	vadd.f32 v56, v59  }
0x2c5: {  	[tilespmem:$0x3960] =	vst v60  }
0x2c6: {  	[tilespmem:$0x3970] =	vst v61  }
0x2c7: {  	_ =	swait.ge [sflag:s31], $0x80  }
0x2c8: {  	[sflag:s31] =	ssyncset.done $0x0  }
0x2c9: {  	[sflag:s31] =	ssyncadd.s32 $0xFFFFFF80  }
0x2ca: {  	_ =	swait.ge [sflag:s31], $0x80  }
0x2cb: {  	[sflag:s31] =	ssyncset.done $0x0  }
0x2cc: {  	[sflag:s31] =	ssyncadd.s32 $0xFFFFFF80  }
0x2cd: {  	_ =	swait.ge [sflag:s31], $0x80  }
0x2ce: {  	[sflag:s31] =	ssyncset.done $0x0  }
0x2cf: {  	[sflag:s31] =	ssyncadd.s32 $0xFFFFFF80  }
0x2d0: {  	_ =	swait.ge [sflag:s31], $0x80  }
0x2d1: {  	[sflag:s31] =	ssyncset.done $0x0  }
0x2d2: {  	[sflag:s31] =	ssyncadd.s32 $0xFFFFFF80  }
0x2d3: {  	_ =	swait.ge [sflag:s31], $0x80  }
0x2d4: {  	[sflag:s31] =	ssyncset.done $0x0  }
0x2d5: {  	[sflag:s31] =	ssyncadd.s32 $0xFFFFFF80  }
0x2d6: {  	_ =	swait.ge [sflag:s31], $0x80  }
0x2d7: {  	[sflag:s31] =	ssyncset.done $0x0  }
0x2d8: {  	[sflag:s31] =	ssyncadd.s32 $0xFFFFFF80  }
0x2d9: {  	_ =	swait.ge [sflag:s31], $0x80  }
0x2da: {  	[sflag:s31] =	ssyncset.done $0x0  }
0x2db: {  	[sflag:s31] =	ssyncadd.s32 $0xFFFFFF80  }
0x2dc: {  	_ =	swait.ge [sflag:s31], $0x80  }
0x2dd: {  	[sflag:s31] =	ssyncset.done $0x0  }
0x2de: {  	[sflag:s31] =	ssyncadd.s32 $0xFFFFFF80  }
0x2df: {  	_ =	swait.ge [sflag:s31], $0x80  }
0x2e0: {  	[sflag:s31] =	ssyncset.done $0x0  }
0x2e1: {  	[sflag:s31] =	ssyncadd.s32 $0xFFFFFF80  }
0x2e2: {  	_ =	swait.ge [sflag:s31], $0x80  }
0x2e3: {  	[sflag:s31] =	ssyncset.done $0x0  }
0x2e4: {  	[sflag:s31] =	ssyncadd.s32 $0xFFFFFF80  }
0x2e5: {  	_ =	swait.ge [sflag:s31], $0x80  }
0x2e6: {  	[sflag:s31] =	ssyncset.done $0x0  }
0x2e7: {  	[sflag:s31] =	ssyncadd.s32 $0xFFFFFF80  }
0x2e8: {  	_ =	swait.ge [sflag:s31], $0x80  }
0x2e9: {  	[sflag:s31] =	ssyncset.done $0x0  }
0x2ea: {  	[sflag:s31] =	ssyncadd.s32 $0xFFFFFF80  }
0x2eb: {  	_ =	swait.ge [sflag:s31], $0x80  }
0x2ec: {  	[sflag:s31] =	ssyncset.done $0x0  }
0x2ed: {  	[sflag:s31] =	ssyncadd.s32 $0xFFFFFF80  }
0x2ee: {  	v0 =	vld [tilespmem:$0x1D80]  }
0x2ef: {  	v1 =	vld [tilespmem:$0x1F80]  }
0x2f0: {  	v2 =	vld [tilespmem:$0x2180]  }
0x2f1: {  	v3 =	vld [tilespmem:$0x2380]  }
0x2f2: {  	v4 =	vld [tilespmem:$0x2580]  }
0x2f3: {  	v5 =	vld [tilespmem:$0x2780]  }
0x2f4: {  	v6 =	vld [tilespmem:$0x2980]  }
0x2f5: {  	v7 =	vld [tilespmem:$0x2B80]  }
0x2f6: {  	v8 =	vld [tilespmem:$0x2D80]  }
0x2f7: {  	v9 =	vld [tilespmem:$0x2F80]  }
0x2f8: {  	v10 =	vld [tilespmem:$0x3180]  }
0x2f9: {  	v11 =	vld [tilespmem:$0x3380]  }
0x2fa: {  	v12 =	vld [tilespmem:$0x3580]  }
0x2fb: {  	v13 =	vld [tilespmem:$0x1D90]  }
0x2fc: {  	v14 =	vld [tilespmem:$0x1F90]  }
0x2fd: {  	v15 =	vld [tilespmem:$0x2190]  }
0x2fe: {  	v16 =	vld [tilespmem:$0x2390]  }
0x2ff: {  	v17 =	vld [tilespmem:$0x2590]  }
0x300: {  	v18 =	vld [tilespmem:$0x2790]  }
0x301: {  	v19 =	vld [tilespmem:$0x2990]  }
0x302: {  	v20 =	vld [tilespmem:$0x2B90]  }
0x303: {  	v21 =	vld [tilespmem:$0x2D90]  }
0x304: {  	v22 =	vld [tilespmem:$0x2F90]  }
0x305: {  	v23 =	vld [tilespmem:$0x3190]  }
0x306: {  	v24 =	vld [tilespmem:$0x3390]  }
0x307: {  	v25 =	vld [tilespmem:$0x3590]  }
0x308: {  	v26 =	vld [tilespmem:$0x1DA0]  }
0x309: {  	v62 =	vld [tilespmem:$0x1FA0]  }
0x30a: {  	v28 =	vld [tilespmem:$0x21A0]  }
0x30b: {  	v29 =	vld [tilespmem:$0x23A0]  }
0x30c: {  	v30 =	vld [tilespmem:$0x25A0]  }
0x30d: {  	v31 =	vld [tilespmem:$0x27A0]  }
0x30e: {  	v32 =	vld [tilespmem:$0x29A0]  }
0x30f: {  	v33 =	vld [tilespmem:$0x2BA0]  }
0x310: {  	v34 =	vld [tilespmem:$0x2DA0]  }
0x311: {  	v35 =	vld [tilespmem:$0x2FA0]  }
0x312: {  	v36 =	vld [tilespmem:$0x31A0]  }
0x313: {  	v37 =	vld [tilespmem:$0x33A0]  }
0x314: {  	v38 =	vld [tilespmem:$0x35A0]  }
0x315: {  	v39 =	vld [tilespmem:$0x1DB0]  }
0x316: {  	v63 =	vld [tilespmem:$0x1FB0]  }
0x317: {  	v41 =	vld [tilespmem:$0x21B0]  }
0x318: {  	v42 =	vld [tilespmem:$0x23B0]  }
0x319: {  	v43 =	vld [tilespmem:$0x25B0]  }
0x31a: {  	v44 =	vld [tilespmem:$0x27B0]  }
0x31b: {  	v45 =	vld [tilespmem:$0x29B0]  }
0x31c: {  	v46 =	vld [tilespmem:$0x2BB0]  }
0x31d: {  	v60 =	vld [tilespmem:$0x2DB0]  }
0x31e: {  	v61 =	vld [tilespmem:$0x2FB0]  }
0x31f: {  	v49 =	vld [tilespmem:$0x31B0]  }
0x320: {  	v50 =	vld [tilespmem:$0x33B0]  }
0x321: {  	v51 =	vld [tilespmem:$0x35B0]  }
0x322: {  	v52 =	vld [tilespmem:$0x1DC0]  }
0x323: {  	v53 =	vld [tilespmem:$0x1FC0]  }
0x324: {  	v54 =	vld [tilespmem:$0x21C0]  }
0x325: {  	v55 =	vld [tilespmem:$0x23C0]  }
0x326: {  	v56 =	vld [tilespmem:$0x25C0]  }
0x327: {  	v57 =	vld [tilespmem:$0x27C0]  }
0x328: {  	v58 =	vld [tilespmem:$0x29C0]  }
0x329: {  	v27 =	vld [tilespmem:$0x31C0]  }
0x32a: {  	v40 =	vld [tilespmem:$0x1FD0];
	v0 =	vadd.f32 v1, v0;
	v13 =	vadd.f32 v14, v13  }
0x32b: {  	v59 =	vld [tilespmem:$0x31D0];
	v62 =	vadd.f32 v62, v26;
	v63 =	vadd.f32 v63, v39  }
0x32c: {  	v47 =	vld [tilespmem:$0x2BF0];
	v0 =	vadd.f32 v2, v0;
	v13 =	vadd.f32 v15, v13  }
0x32d: {  	v39 =	vld [tilespmem:$0x1DD0];
	v2 =	vadd.f32 v28, v62;
	v15 =	vadd.f32 v41, v63  }
0x32e: {  	v48 =	vld [tilespmem:$0x2DE0];
	v0 =	vadd.f32 v3, v0;
	v13 =	vadd.f32 v16, v13  }
0x32f: {  	v41 =	vld [tilespmem:$0x21D0];
	v2 =	vadd.f32 v29, v2;
	v15 =	vadd.f32 v42, v15  }
0x330: {  	v1 =	vld [tilespmem:$0x2BC0];
	v0 =	vadd.f32 v4, v0;
	v13 =	vadd.f32 v17, v13  }
0x331: {  	v14 =	vld [tilespmem:$0x2DC0];
	v2 =	vadd.f32 v30, v2;
	v15 =	vadd.f32 v43, v15  }
0x332: {  	v42 =	vld [tilespmem:$0x23D0];
	v4 =	vadd.f32 v40, v39;
	v0 =	vadd.f32 v5, v0  }
0x333: {  	v26 =	vld [tilespmem:$0x2FC0];
	v13 =	vadd.f32 v18, v13;
	v2 =	vadd.f32 v31, v2  }
0x334: {  	v62 =	vld [tilespmem:$0x1DF0];
	v15 =	vadd.f32 v44, v15;
	v4 =	vadd.f32 v41, v4  }
0x335: {  	v43 =	vld [tilespmem:$0x25D0];
	v0 =	vadd.f32 v6, v0;
	v13 =	vadd.f32 v19, v13  }
0x336: {  	v63 =	vld [tilespmem:$0x1FF0];
	v2 =	vadd.f32 v32, v2;
	v15 =	vadd.f32 v45, v15  }
0x337: {  	v3 =	vld [tilespmem:$0x33C0];
	v4 =	vadd.f32 v42, v4;
	v0 =	vadd.f32 v7, v0  }
0x338: {  	v19 =	vld [tilespmem:$0x27D0];
	v13 =	vadd.f32 v20, v13;
	v2 =	vadd.f32 v33, v2  }
0x339: {  	v16 =	vld [tilespmem:$0x35C0];
	v15 =	vadd.f32 v46, v15;
	v33 =	vadd.f32 v53, v52  }
0x33a: {  	v40 =	vld [tilespmem:$0x25F0];
	v4 =	vadd.f32 v43, v4;
	v0 =	vadd.f32 v8, v0  }
0x33b: {  	v7 =	vld [tilespmem:$0x29D0];
	v13 =	vadd.f32 v21, v13;
	v2 =	vadd.f32 v34, v2  }
0x33c: {  	v41 =	vld [tilespmem:$0x27E0];
	v15 =	vadd.f32 v60, v15;
	v28 =	vadd.f32 v54, v33  }
0x33d: {  	v20 =	vld [tilespmem:$0x2BD0];
	v4 =	vadd.f32 v19, v4;
	v0 =	vadd.f32 v9, v0  }
0x33e: {  	v60 =	vld [tilespmem:$0x1DE0];
	v13 =	vadd.f32 v22, v13;
	v2 =	vadd.f32 v35, v2  }
0x33f: {  	v15 =	vadd.f32 v61, v15;
	v61 =	vld [tilespmem:$0x1FE0];
	v39 =	vadd.f32 v55, v28  }
0x340: {  	v34 =	vld [tilespmem:$0x21F0];
	v4 =	vadd.f32 v7, v4;
	v0 =	vadd.f32 v10, v0  }
0x341: {  	v32 =	vld [tilespmem:$0x21E0];
	v13 =	vadd.f32 v23, v13;
	v2 =	vadd.f32 v36, v2  }
0x342: {  	v15 =	vadd.f32 v49, v15;
	v36 =	vld [tilespmem:$0x23F0];
	v4 =	vadd.f32 v20, v4  }
0x343: {  	v35 =	vld [tilespmem:$0x23E0];
	v2 =	vadd.f32 v37, v2;
	v37 =	vadd.f32 v63, v62  }
0x344: {  	v8 =	vld [tilespmem:$0x2DD0];
	v0 =	vadd.f32 v11, v0;
	v11 =	vadd.f32 v61, v60  }
0x345: {  	v2 =	vadd.f32 v38, v2;
	v38 =	vld [tilespmem:$0x25E0];
	v5 =	vadd.f32 v34, v37  }
0x346: {  	v42 =	vld [tilespmem:$0x27F0];
	v13 =	vadd.f32 v24, v13;
	v11 =	vadd.f32 v32, v11  }
0x347: {  	v45 =	vld [tilespmem:$0x29F0];
	v15 =	vadd.f32 v50, v15;
	v5 =	vadd.f32 v36, v5  }
0x348: {  	v43 =	vld [tilespmem:$0x29E0];
	v24 =	vadd.f32 v56, v39;
	v11 =	vadd.f32 v35, v11  }
0x349: {  	v46 =	vld [tilespmem:$0x2BE0];
	v4 =	vadd.f32 v8, v4;
	v5 =	vadd.f32 v40, v5  }
0x34a: {  	v52 =	vld [tilespmem:$0x31E0];
	v44 =	vadd.f32 v57, v24;
	v11 =	vadd.f32 v38, v11  }
0x34b: {  	v21 =	vld [tilespmem:$0x2FD0];
	v0 =	vadd.f32 v12, v0;
	v5 =	vadd.f32 v42, v5  }
0x34c: {  	v49 =	vld [tilespmem:$0x2DF0];
	v23 =	vadd.f32 v58, v44;
	v11 =	vadd.f32 v41, v11  }
0x34d: {  	v53 =	vld [tilespmem:$0x31F0];
	v15 =	vadd.f32 v51, v15;
	v5 =	vadd.f32 v45, v5  }
0x34e: {  	v51 =	vld [tilespmem:$0x2FF0];
	v1 =	vadd.f32 v1, v23;
	v6 =	vadd.f32 v43, v11  }
0x34f: {  	v50 =	vld [tilespmem:$0x2FE0];
	v13 =	vadd.f32 v25, v13;
	v5 =	vadd.f32 v47, v5  }
0x350: {  	v22 =	vld [tilespmem:$0x33D0];
	v1 =	vadd.f32 v14, v1;
	v6 =	vadd.f32 v46, v6  }
0x351: {  	v55 =	vld [tilespmem:$0x33F0];
	v4 =	vadd.f32 v21, v4;
	v5 =	vadd.f32 v49, v5  }
0x352: {  	v10 =	vld [tilespmem:$0x35D0];
	v1 =	vadd.f32 v26, v1;
	v6 =	vadd.f32 v48, v6  }
0x353: {  	v54 =	vld [tilespmem:$0x33E0];
	v4 =	vadd.f32 v59, v4;
	v5 =	vadd.f32 v51, v5  }
0x354: {  	v59 =	vld [tilespmem:$0x35F0];
	v1 =	vadd.f32 v27, v1;
	v6 =	vadd.f32 v50, v6  }
0x355: {  	v56 =	vld [tilespmem:$0x35E0];
	[tilespmem:$0x3980] =	vst v0;
	v4 =	vadd.f32 v22, v4;
	v5 =	vadd.f32 v53, v5  }
0x356: {  	[tilespmem:$0x3990] =	vst v13;
	v57 =	vadd.f32 v3, v1;
	v58 =	vadd.f32 v52, v6  }
0x357: {  	[tilespmem:$0x39A0] =	vst v2;
	v60 =	vadd.f32 v10, v4;
	v61 =	vadd.f32 v55, v5  }
0x358: {  	[tilespmem:$0x39B0] =	vst v15;
	v0 =	vadd.f32 v16, v57;
	v1 =	vadd.f32 v54, v58  }
0x359: {  	[tilespmem:$0x39D0] =	vst v60;
	v63 =	vadd.f32 v59, v61  }
0x35a: {  	[tilespmem:$0x39C0] =	vst v0;
	v62 =	vadd.f32 v56, v1  }
0x35b: {  	p0 =	sne.s32 s16, $0x1;
	[tilespmem:$0x39F0] =	vst v63  }
.Ltmp0:
0x35c: {  	s21 =	rddreg [dreg:$0x3];
	[tilespmem:$0x39E0] =	vst v62;
	(pc) =	sbr.rel @p0 .LBB2_1-.Ltmp0, $4  }
0x35d: {  	[hbm4b:s21+s2] =	stream.linear.scatter [tilespmem:s1], [sflag:$0x5], $0x200, $0x38;
	[tilespmem:$0x3A00] =	vst v63  }
0x35e: {  	_ =	swait.ge [sflag:s17], $0x200  }
0x35f: {  	[sflag:s17] =	ssyncset.done $0x0  }
0x360: {  	s16 =	sadd.s32 $0xFFFFFFFF, s16;
	[sflag:s17] =	ssyncadd.s32 $0xFFFFFE00  }
0x361: {  	_ =	sfence.sel $0x180000  }
0x362: {  	[bflag:$0x0] =	sbarrier.arrive $0xFFFF  }
0x363: {  	_ =	strace $0x90000047  }
0x364: {  	s0 =	stileid.u32;
	[bflag:$0x2] =	sbarrier.arrive $0xFFFF  }
0x365: {  	p0 =	sne.s32 s0, $0x0;
	s0 =	rddreg [dreg:$0x1]  }
0x366: {  	s0 =	sadd.s32 @!p0 $0x100000, s0  }
0x367: {  	[sflag:s0] =	ssyncadd.tile.s32 @!p0 $0x1;
	_ =	shalt  }
.Lfunc_end2:
_tile_overlayer_lowered:
.L_overlay_start_2:
0x368: {  	(tag) =	ssettag $0x2  }
0x369: {  	s0 =	rddreg [dreg:$0x0];
	s2 =	stileid.u32  }
0x36a: {  	s1 =	rddreg [dreg:$0x1];
	p0 =	sne.s32 s2, $0x0  }
0x36b: {  	s3 =	rddreg [dreg:$0x2];
	[bflag:$0x3] =	sbarrier.arrive $0xFFFF;
	s2 =	simm.s32 @!p0 $0x1C05  }
0x36c: {  	[timem:s3], [sflag:s2] =	dma.local @!p0 [hbm:s0], s1  }
0x36d: {  	s0 =	simm.s32 @!p0 $0x5  }
0x36e: {  	_ =	swait.ge @!p0 [sflag:s0], s1  }
0x36f: {  	s1 =	ssub.s32 @!p0 $0x0, s1;
	[sflag:s0] =	ssyncset.done @!p0 $0x0  }
0x370: {  	[sflag:s0] =	ssyncadd.s32 @!p0 s1  }
0x371: {  	[bflag:$0x3] =	sbarrier.arrive $0xFFFF  }
0x372: {  	_ =	shalt  }

</sc_bundles>
